<compile_context>
chip_gen: v7x
topology: tpu7x:2x2x1
jax: 0.10.2.dev20260603
libtpu: 0.0.44.dev20260713+nightly
codegen_flags: <defaults>
</compile_context>

<pallas_src>
import functools

import jax
import jax.numpy as jnp
from jax import lax
from jax.experimental import pallas as pl
from jax.experimental.pallas import tpu as pltpu
from jax.experimental.pallas import tpu_sc as plsc

N = 10000
E = 320000
D = 128

NC = 2
NS = 16
NW = NC * NS
CH = 128
G = 8
KJ = -(-E // (NW * CH * G)) * G
EP = NW * KJ * CH
KT = NC * KJ
K0 = (KT * 23 // 32) // G * G
NG0 = K0 // G
NG1 = (KT - K0) // G
RPT = -(-(N + 1) // (NS * 8)) * 8
NP = RPT * NS

_mesh = plsc.VectorSubcoreMesh(core_axis_name="c", subcore_axis_name="s",
                               num_cores=NC, num_subcores=NS)

_CPS = [(o, min(CH, RPT - o)) for o in range(0, RPT, CH)]


def _sc_agg_body(h_hbm, srcr_hbm, dstr_hbm, z128_hbm, agg_out,
                 srcv, dstv, rows0, rows1, aggs, sem0, sem1):
    c = lax.axis_index("c")
    s = lax.axis_index("s")
    r0 = s * RPT
    rows = (rows0, rows1)
    sems = (sem0, sem1)
    pltpu.sync_copy(z128_hbm.at[pl.ds(0, CH)], rows0)
    for o, n in _CPS:
        pltpu.sync_copy(rows0.at[pl.ds(0, n)], aggs.at[pl.ds(r0 + o, n)])
    plsc.subcore_barrier()

    def group_at(base):
        def group(g, carry):
            off = base + g * G
            pltpu.sync_copy(srcr_hbm.at[s, pl.ds(off, G)], srcv)
            pltpu.sync_copy(dstr_hbm.at[s, pl.ds(off, G)], dstv)
            cps = [None, None]
            for j in range(G):
                cps[j % 2] = pltpu.async_copy(h_hbm.at[srcv.at[j]],
                                              rows[j % 2], sems[j % 2])
                if j > 0:
                    cps[(j - 1) % 2].wait()
                    pltpu.sync_copy(rows[(j - 1) % 2],
                                    aggs.at[dstv.at[j - 1]], add=True)
            cps[(G - 1) % 2].wait()
            pltpu.sync_copy(rows[(G - 1) % 2], aggs.at[dstv.at[G - 1]],
                            add=True)
            return carry
        return group

    @pl.when(c == 0)
    def _():
        lax.fori_loop(0, NG0, group_at(0), 0)

    @pl.when(c == 1)
    def _():
        lax.fori_loop(0, NG1, group_at(K0), 0)

    plsc.subcore_barrier()
    for o, n in _CPS:
        pltpu.sync_copy(aggs.at[pl.ds(r0 + o, n)], rows0.at[pl.ds(0, n)])
        pltpu.sync_copy(rows0.at[pl.ds(0, n)], agg_out.at[c, pl.ds(r0 + o, n)])


_sc_agg = pl.kernel(
    _sc_agg_body,
    out_type=jax.ShapeDtypeStruct((NC, NP, D), jnp.float32),
    mesh=_mesh,
    scratch_types=[
        pltpu.VMEM((G, CH), jnp.int32),
        pltpu.VMEM((G, CH), jnp.int32),
        pltpu.VMEM((CH, D), jnp.float32),
        pltpu.VMEM((CH, D), jnp.float32),
        pltpu.VMEM_SHARED((NP, D), jnp.float32),
        pltpu.SemaphoreType.DMA,
        pltpu.SemaphoreType.DMA,
    ],
)


def _sc_deg_body(dstr_hbm, z128_hbm, ones_hbm, deg_out,
                 dstv, rowsv, degs):
    c = lax.axis_index("c")
    s = lax.axis_index("s")
    r0 = s * RPT
    pltpu.sync_copy(z128_hbm.at[pl.ds(0, CH)], rowsv)
    for o, n in _CPS:
        pltpu.sync_copy(rowsv.at[pl.ds(0, n)], degs.at[pl.ds(r0 + o, n)])
    pltpu.sync_copy(ones_hbm, rowsv)
    plsc.subcore_barrier()

    def group(g, carry):
        off = c * KJ + g * G
        pltpu.sync_copy(dstr_hbm.at[s, pl.ds(off, G)], dstv)
        for j in range(G):
            pltpu.sync_copy(rowsv, degs.at[dstv.at[j]], add=True)
        return carry

    lax.fori_loop(0, KJ // G, group, 0)
    plsc.subcore_barrier()
    for o, n in _CPS:
        pltpu.sync_copy(degs.at[pl.ds(r0 + o, n)], rowsv.at[pl.ds(0, n)])
        pltpu.sync_copy(rowsv.at[pl.ds(0, n)], deg_out.at[c, pl.ds(r0 + o, n)])


_sc_deg = pl.kernel(
    _sc_deg_body,
    out_type=jax.ShapeDtypeStruct((NC, NP, D), jnp.float32),
    mesh=_mesh,
    scratch_types=[
        pltpu.VMEM((G, CH), jnp.int32),
        pltpu.VMEM((CH, D), jnp.float32),
        pltpu.VMEM_SHARED((NP, D), jnp.float32),
    ],
)


def _tc_body(relu, h_ref, a0_ref, a1_ref, d0_ref, d1_ref, ws_ref, wn_ref,
             b_ref, o_ref):
    dn = (((1,), (1,)), ((), ()))
    deg = jnp.maximum(d0_ref[...] + d1_ref[...], 1.0)
    hn = (a0_ref[...] + a1_ref[...]) / deg
    acc = lax.dot_general(h_ref[...], ws_ref[...], dn,
                          preferred_element_type=jnp.float32)
    acc = acc + lax.dot_general(hn, wn_ref[...], dn,
                                preferred_element_type=jnp.float32)
    acc = acc + b_ref[...]
    if relu:
        acc = jnp.maximum(acc, 0.0)
    o_ref[...] = acc


def _make_tc(relu, bn=1000):
    grid = N // bn
    row = lambda i: (i, 0)
    fixed = lambda i: (0, 0)
    return pl.pallas_call(
        functools.partial(_tc_body, relu),
        grid=(grid,),
        in_specs=[
            pl.BlockSpec((bn, D), row),
            pl.BlockSpec((bn, D), row),
            pl.BlockSpec((bn, D), row),
            pl.BlockSpec((bn, D), row),
            pl.BlockSpec((bn, D), row),
            pl.BlockSpec((D, D), fixed),
            pl.BlockSpec((D, D), fixed),
            pl.BlockSpec((1, D), fixed),
        ],
        out_specs=pl.BlockSpec((bn, D), row),
        out_shape=jax.ShapeDtypeStruct((N, D), jnp.float32),
    )


_tc_layer1 = _make_tc(True)
_tc_layer2 = _make_tc(False)


def kernel(x, edge_index, W_self1, W_neigh1, b1, W_self2, W_neigh2, b2):
    src = edge_index[0].astype(jnp.int32)
    dst = edge_index[1].astype(jnp.int32)
    pad = EP - E
    srcr = jnp.concatenate([src, jnp.zeros((pad,), jnp.int32)])
    trash = N + jnp.arange(pad, dtype=jnp.int32) % (NP - N)
    dstr = jnp.concatenate([dst, trash])
    srcr = srcr.reshape(NS, KT, CH)
    dstr = dstr.reshape(NS, KT, CH)
    z128 = jnp.zeros((NP, D), jnp.float32)
    ones = jnp.ones((CH, D), jnp.float32)
    b1r = b1.reshape(1, D)
    b2r = b2.reshape(1, D)

    degp = _sc_deg(dstr, z128, ones)
    d0 = degp[0, :N]
    d1 = degp[1, :N]
    agg1 = _sc_agg(x, srcr, dstr, z128)
    h1 = _tc_layer1(x, agg1[0, :N], agg1[1, :N], d0, d1,
                    W_self1, W_neigh1, b1r)
    agg2 = _sc_agg(h1, srcr, dstr, z128)
    h2 = _tc_layer2(h1, agg2[0, :N], agg2[1, :N], d0, d1,
                    W_self2, W_neigh2, b2r)
    return h2

# --- scband reference (transcript-rebuilt; emitter-appended) ---
"""Pipeline reference for scband-sage-8581344657953 (READ-ONLY COPY).

The authoritative reference and input builder live on the scoring server;
editing this copy changes nothing except your own understanding.
"""

import jax, jax.numpy as jnp
import numpy as np

N = 10000
E = 320000
D_IN = 128
D_HID = 128
D_OUT = 128


def setup_inputs(seed: int = 0) -> dict:
    key = jax.random.key(seed)
    ks = jax.random.split(key, 10)
    x = jax.random.normal(ks[0], (N, D_IN), dtype=jnp.float32)
    edge_index = jax.random.randint(ks[1], (2, E), 0, N, dtype=jnp.int64)
    s1 = 1.0 / np.sqrt(D_IN)
    s2 = 1.0 / np.sqrt(D_HID)
    W_self1 = jax.random.uniform(ks[2], (D_HID, D_IN), jnp.float32, -s1, s1)
    W_neigh1 = jax.random.uniform(ks[3], (D_HID, D_IN), jnp.float32, -s1, s1)
    b1 = jax.random.uniform(ks[4], (D_HID,), jnp.float32, -s1, s1)
    W_self2 = jax.random.uniform(ks[5], (D_OUT, D_HID), jnp.float32, -s2, s2)
    W_neigh2 = jax.random.uniform(ks[6], (D_OUT, D_HID), jnp.float32, -s2, s2)
    b2 = jax.random.uniform(ks[7], (D_OUT,), jnp.float32, -s2, s2)
    return {"x": x, "edge_index": edge_index, "W_self1": W_self1,
            "W_neigh1": W_neigh1, "b1": b1, "W_self2": W_self2,
            "W_neigh2": W_neigh2, "b2": b2}


def _sage_conv_mean(h, src, dst, W_self, W_neigh, b):
    # DGL SAGEConv 'mean': fc_self(h_dst) + fc_neigh(mean_{src->dst} h_src) + bias
    msg = jnp.take(h, src, axis=0)                       # gather [E, d]
    agg = jax.ops.segment_sum(msg, dst, num_segments=N)  # scatter-add [N, d]
    deg = jax.ops.segment_sum(jnp.ones((src.shape[0],), jnp.float32), dst, num_segments=N)
    h_neigh = agg / jnp.maximum(deg, 1.0)[:, None]
    return h @ W_self.T + h_neigh @ W_neigh.T + b


def reference(x, edge_index, W_self1, W_neigh1, b1, W_self2, W_neigh2, b2):
    src = edge_index[0]
    dst = edge_index[1]
    h = _sage_conv_mean(x, src, dst, W_self1, W_neigh1, b1)
    h = jax.nn.relu(h)
    # dropout is identity in eval/inference mode
    h = _sage_conv_mean(h, src, dst, W_self2, W_neigh2, b2)
    return h

if __name__ == "__main__":
    import jax
    _d = setup_inputs()
    print(jax.jit(kernel)(*tuple(_d.values())))

</pallas_src>

<mosaic_0001>
#map = affine_map<(d0, d1) -> (0, 0, 0)>
#map1 = affine_map<(d0, d1) -> (0, 0)>
module attributes {stable_mosaic.version = 14 : i64} {
  func.func @_sc_deg_body(%arg0: i32, %arg1: i32, %arg2: memref<16x160x128xi32, #tpu.memory_space<hbm>>, %arg3: memref<10112x128xf32, #tpu.memory_space<hbm>>, %arg4: memref<128x128xf32, #tpu.memory_space<hbm>>, %arg5: memref<2x10112x128xf32, #tpu.memory_space<hbm>>, %arg6: memref<8x128xi32, #tpu.memory_space<vmem>>, %arg7: memref<128x128xf32, #tpu.memory_space<vmem>>, %arg8: memref<10112x128xf32, #tpu.memory_space<vmem_shared>>) attributes {dimension_semantics = [#tpu.dimension_semantics<core_parallel>, #tpu.dimension_semantics<subcore_parallel>], iteration_bounds = array<i64: 2, 16>, scalar_prefetch = 0 : i64, scratch_operands = 3 : i64, tpu.core_type = #tpu.core_type<sc_vector_subcore>, window_params = [{transform_indices = #map}, {transform_indices = #map1}, {transform_indices = #map1}, {transform_indices = #map}]} {
    %mul3A = arith.constant 632 : i32
    %mul3A_0 = arith.muli %arg1, %mul3A : i32
    "tpu.region"() ({
      %run_scoped3A = tpu.sem_alloc : memref<!tpu.dma_semaphore, #tpu.memory_space<semaphore_mem>>
      %dma_start3A = arith.constant 0 : i32
      %dma_start3A_36 = arith.constant 0 : i32
      %dma_start3A_37 = tpu.memref_slice %arg3[%dma_start3A, %dma_start3A_36] : memref<10112x128xf32, #tpu.memory_space<hbm>> -> memref<128x128xf32, #tpu.memory_space<hbm>>
      %dma_start3A_38 = arith.constant 0 : i32
      %dma_start3A_39 = arith.constant 0 : i32
      %dma_start3A_40 = tpu.memref_slice %arg3[%dma_start3A_38, %dma_start3A_39] : memref<10112x128xf32, #tpu.memory_space<hbm>> -> memref<128x128xf32, #tpu.memory_space<hbm>>
      tpu.enqueue_dma source(%dma_start3A_40 : memref<128x128xf32, #tpu.memory_space<hbm>>) target(%arg7 : memref<128x128xf32, #tpu.memory_space<vmem>>) target_semaphore(%run_scoped3A : memref<!tpu.dma_semaphore, #tpu.memory_space<semaphore_mem>>)
      %dma_wait3A = arith.constant 0 : i32
      %dma_wait3A_41 = arith.constant 0 : i32
      %dma_wait3A_42 = tpu.memref_slice %arg3[%dma_wait3A, %dma_wait3A_41] : memref<10112x128xf32, #tpu.memory_space<hbm>> -> memref<128x128xf32, #tpu.memory_space<hbm>>
      %dma_wait3A_43 = arith.constant 0 : i32
      %dma_wait3A_44 = arith.constant 0 : i32
      %dma_wait3A_45 = tpu.memref_slice %arg3[%dma_wait3A_43, %dma_wait3A_44] : memref<10112x128xf32, #tpu.memory_space<hbm>> -> memref<128x128xf32, #tpu.memory_space<hbm>>
      tpu.wait_dma2 semaphore(%run_scoped3A : memref<!tpu.dma_semaphore, #tpu.memory_space<semaphore_mem>>) src(%dma_wait3A_45 : memref<128x128xf32, #tpu.memory_space<hbm>>) dst(%arg7 : memref<128x128xf32, #tpu.memory_space<vmem>>)
      tpu.yield
    }) : () -> ()
    %add3A = arith.constant 0 : i32
    %add3A_1 = arith.addi %mul3A_0, %add3A : i32
    "tpu.region"() ({
      %run_scoped3A = tpu.sem_alloc : memref<!tpu.dma_semaphore, #tpu.memory_space<semaphore_mem>>
      %dma_start3A = arith.constant 0 : i32
      %dma_start3A_36 = arith.constant 0 : i32
      %dma_start3A_37 = tpu.memref_slice %arg7[%dma_start3A, %dma_start3A_36] : memref<128x128xf32, #tpu.memory_space<vmem>> -> memref<128x128xf32, #tpu.memory_space<vmem>>
      %dma_start3A_38 = arith.constant 0 : i32
      %dma_start3A_39 = tpu.memref_slice %arg8[%add3A_1, %dma_start3A_38] : memref<10112x128xf32, #tpu.memory_space<vmem_shared>> -> memref<128x128xf32, #tpu.memory_space<vmem_shared>>
      %dma_start3A_40 = arith.constant 0 : i32
      %dma_start3A_41 = tpu.memref_slice %arg8[%add3A_1, %dma_start3A_40] : memref<10112x128xf32, #tpu.memory_space<vmem_shared>> -> memref<128x128xf32, #tpu.memory_space<vmem_shared>>
      %dma_start3A_42 = arith.constant 0 : i32
      %dma_start3A_43 = arith.constant 0 : i32
      %dma_start3A_44 = tpu.memref_slice %arg7[%dma_start3A_42, %dma_start3A_43] : memref<128x128xf32, #tpu.memory_space<vmem>> -> memref<128x128xf32, #tpu.memory_space<vmem>>
      tpu.enqueue_dma source(%dma_start3A_44 : memref<128x128xf32, #tpu.memory_space<vmem>>) target(%dma_start3A_41 : memref<128x128xf32, #tpu.memory_space<vmem_shared>>) target_semaphore(%run_scoped3A : memref<!tpu.dma_semaphore, #tpu.memory_space<semaphore_mem>>)
      %dma_wait3A = arith.constant 0 : i32
      %dma_wait3A_45 = arith.constant 0 : i32
      %dma_wait3A_46 = tpu.memref_slice %arg7[%dma_wait3A, %dma_wait3A_45] : memref<128x128xf32, #tpu.memory_space<vmem>> -> memref<128x128xf32, #tpu.memory_space<vmem>>
      %dma_wait3A_47 = arith.constant 0 : i32
      %dma_wait3A_48 = tpu.memref_slice %arg8[%add3A_1, %dma_wait3A_47] : memref<10112x128xf32, #tpu.memory_space<vmem_shared>> -> memref<128x128xf32, #tpu.memory_space<vmem_shared>>
      %dma_wait3A_49 = arith.constant 0 : i32
      %dma_wait3A_50 = tpu.memref_slice %arg8[%add3A_1, %dma_wait3A_49] : memref<10112x128xf32, #tpu.memory_space<vmem_shared>> -> memref<128x128xf32, #tpu.memory_space<vmem_shared>>
      %dma_wait3A_51 = arith.constant 0 : i32
      %dma_wait3A_52 = arith.constant 0 : i32
      %dma_wait3A_53 = tpu.memref_slice %arg7[%dma_wait3A_51, %dma_wait3A_52] : memref<128x128xf32, #tpu.memory_space<vmem>> -> memref<128x128xf32, #tpu.memory_space<vmem>>
      tpu.wait_dma2 semaphore(%run_scoped3A : memref<!tpu.dma_semaphore, #tpu.memory_space<semaphore_mem>>) src(%dma_wait3A_53 : memref<128x128xf32, #tpu.memory_space<vmem>>) dst(%dma_wait3A_50 : memref<128x128xf32, #tpu.memory_space<vmem_shared>>)
      tpu.yield
    }) : () -> ()
    %add3A_2 = arith.constant 128 : i32
    %add3A_3 = arith.addi %mul3A_0, %add3A_2 : i32
    "tpu.region"() ({
      %run_scoped3A = tpu.sem_alloc : memref<!tpu.dma_semaphore, #tpu.memory_space<semaphore_mem>>
      %dma_start3A = arith.constant 0 : i32
      %dma_start3A_36 = arith.constant 0 : i32
      %dma_start3A_37 = tpu.memref_slice %arg7[%dma_start3A, %dma_start3A_36] : memref<128x128xf32, #tpu.memory_space<vmem>> -> memref<128x128xf32, #tpu.memory_space<vmem>>
      %dma_start3A_38 = arith.constant 0 : i32
      %dma_start3A_39 = tpu.memref_slice %arg8[%add3A_3, %dma_start3A_38] : memref<10112x128xf32, #tpu.memory_space<vmem_shared>> -> memref<128x128xf32, #tpu.memory_space<vmem_shared>>
      %dma_start3A_40 = arith.constant 0 : i32
      %dma_start3A_41 = tpu.memref_slice %arg8[%add3A_3, %dma_start3A_40] : memref<10112x128xf32, #tpu.memory_space<vmem_shared>> -> memref<128x128xf32, #tpu.memory_space<vmem_shared>>
      %dma_start3A_42 = arith.constant 0 : i32
      %dma_start3A_43 = arith.constant 0 : i32
      %dma_start3A_44 = tpu.memref_slice %arg7[%dma_start3A_42, %dma_start3A_43] : memref<128x128xf32, #tpu.memory_space<vmem>> -> memref<128x128xf32, #tpu.memory_space<vmem>>
      tpu.enqueue_dma source(%dma_start3A_44 : memref<128x128xf32, #tpu.memory_space<vmem>>) target(%dma_start3A_41 : memref<128x128xf32, #tpu.memory_space<vmem_shared>>) target_semaphore(%run_scoped3A : memref<!tpu.dma_semaphore, #tpu.memory_space<semaphore_mem>>)
      %dma_wait3A = arith.constant 0 : i32
      %dma_wait3A_45 = arith.constant 0 : i32
      %dma_wait3A_46 = tpu.memref_slice %arg7[%dma_wait3A, %dma_wait3A_45] : memref<128x128xf32, #tpu.memory_space<vmem>> -> memref<128x128xf32, #tpu.memory_space<vmem>>
      %dma_wait3A_47 = arith.constant 0 : i32
      %dma_wait3A_48 = tpu.memref_slice %arg8[%add3A_3, %dma_wait3A_47] : memref<10112x128xf32, #tpu.memory_space<vmem_shared>> -> memref<128x128xf32, #tpu.memory_space<vmem_shared>>
      %dma_wait3A_49 = arith.constant 0 : i32
      %dma_wait3A_50 = tpu.memref_slice %arg8[%add3A_3, %dma_wait3A_49] : memref<10112x128xf32, #tpu.memory_space<vmem_shared>> -> memref<128x128xf32, #tpu.memory_space<vmem_shared>>
      %dma_wait3A_51 = arith.constant 0 : i32
      %dma_wait3A_52 = arith.constant 0 : i32
      %dma_wait3A_53 = tpu.memref_slice %arg7[%dma_wait3A_51, %dma_wait3A_52] : memref<128x128xf32, #tpu.memory_space<vmem>> -> memref<128x128xf32, #tpu.memory_space<vmem>>
      tpu.wait_dma2 semaphore(%run_scoped3A : memref<!tpu.dma_semaphore, #tpu.memory_space<semaphore_mem>>) src(%dma_wait3A_53 : memref<128x128xf32, #tpu.memory_space<vmem>>) dst(%dma_wait3A_50 : memref<128x128xf32, #tpu.memory_space<vmem_shared>>)
      tpu.yield
    }) : () -> ()
    %add3A_4 = arith.constant 256 : i32
    %add3A_5 = arith.addi %mul3A_0, %add3A_4 : i32
    "tpu.region"() ({
      %run_scoped3A = tpu.sem_alloc : memref<!tpu.dma_semaphore, #tpu.memory_space<semaphore_mem>>
      %dma_start3A = arith.constant 0 : i32
      %dma_start3A_36 = arith.constant 0 : i32
      %dma_start3A_37 = tpu.memref_slice %arg7[%dma_start3A, %dma_start3A_36] : memref<128x128xf32, #tpu.memory_space<vmem>> -> memref<128x128xf32, #tpu.memory_space<vmem>>
      %dma_start3A_38 = arith.constant 0 : i32
      %dma_start3A_39 = tpu.memref_slice %arg8[%add3A_5, %dma_start3A_38] : memref<10112x128xf32, #tpu.memory_space<vmem_shared>> -> memref<128x128xf32, #tpu.memory_space<vmem_shared>>
      %dma_start3A_40 = arith.constant 0 : i32
      %dma_start3A_41 = tpu.memref_slice %arg8[%add3A_5, %dma_start3A_40] : memref<10112x128xf32, #tpu.memory_space<vmem_shared>> -> memref<128x128xf32, #tpu.memory_space<vmem_shared>>
      %dma_start3A_42 = arith.constant 0 : i32
      %dma_start3A_43 = arith.constant 0 : i32
      %dma_start3A_44 = tpu.memref_slice %arg7[%dma_start3A_42, %dma_start3A_43] : memref<128x128xf32, #tpu.memory_space<vmem>> -> memref<128x128xf32, #tpu.memory_space<vmem>>
      tpu.enqueue_dma source(%dma_start3A_44 : memref<128x128xf32, #tpu.memory_space<vmem>>) target(%dma_start3A_41 : memref<128x128xf32, #tpu.memory_space<vmem_shared>>) target_semaphore(%run_scoped3A : memref<!tpu.dma_semaphore, #tpu.memory_space<semaphore_mem>>)
      %dma_wait3A = arith.constant 0 : i32
      %dma_wait3A_45 = arith.constant 0 : i32
      %dma_wait3A_46 = tpu.memref_slice %arg7[%dma_wait3A, %dma_wait3A_45] : memref<128x128xf32, #tpu.memory_space<vmem>> -> memref<128x128xf32, #tpu.memory_space<vmem>>
      %dma_wait3A_47 = arith.constant 0 : i32
      %dma_wait3A_48 = tpu.memref_slice %arg8[%add3A_5, %dma_wait3A_47] : memref<10112x128xf32, #tpu.memory_space<vmem_shared>> -> memref<128x128xf32, #tpu.memory_space<vmem_shared>>
      %dma_wait3A_49 = arith.constant 0 : i32
      %dma_wait3A_50 = tpu.memref_slice %arg8[%add3A_5, %dma_wait3A_49] : memref<10112x128xf32, #tpu.memory_space<vmem_shared>> -> memref<128x128xf32, #tpu.memory_space<vmem_shared>>
      %dma_wait3A_51 = arith.constant 0 : i32
      %dma_wait3A_52 = arith.constant 0 : i32
      %dma_wait3A_53 = tpu.memref_slice %arg7[%dma_wait3A_51, %dma_wait3A_52] : memref<128x128xf32, #tpu.memory_space<vmem>> -> memref<128x128xf32, #tpu.memory_space<vmem>>
      tpu.wait_dma2 semaphore(%run_scoped3A : memref<!tpu.dma_semaphore, #tpu.memory_space<semaphore_mem>>) src(%dma_wait3A_53 : memref<128x128xf32, #tpu.memory_space<vmem>>) dst(%dma_wait3A_50 : memref<128x128xf32, #tpu.memory_space<vmem_shared>>)
      tpu.yield
    }) : () -> ()
    %add3A_6 = arith.constant 384 : i32
    %add3A_7 = arith.addi %mul3A_0, %add3A_6 : i32
    "tpu.region"() ({
      %run_scoped3A = tpu.sem_alloc : memref<!tpu.dma_semaphore, #tpu.memory_space<semaphore_mem>>
      %dma_start3A = arith.constant 0 : i32
      %dma_start3A_36 = arith.constant 0 : i32
      %dma_start3A_37 = tpu.memref_slice %arg7[%dma_start3A, %dma_start3A_36] : memref<128x128xf32, #tpu.memory_space<vmem>> -> memref<128x128xf32, #tpu.memory_space<vmem>>
      %dma_start3A_38 = arith.constant 0 : i32
      %dma_start3A_39 = tpu.memref_slice %arg8[%add3A_7, %dma_start3A_38] : memref<10112x128xf32, #tpu.memory_space<vmem_shared>> -> memref<128x128xf32, #tpu.memory_space<vmem_shared>>
      %dma_start3A_40 = arith.constant 0 : i32
      %dma_start3A_41 = tpu.memref_slice %arg8[%add3A_7, %dma_start3A_40] : memref<10112x128xf32, #tpu.memory_space<vmem_shared>> -> memref<128x128xf32, #tpu.memory_space<vmem_shared>>
      %dma_start3A_42 = arith.constant 0 : i32
      %dma_start3A_43 = arith.constant 0 : i32
      %dma_start3A_44 = tpu.memref_slice %arg7[%dma_start3A_42, %dma_start3A_43] : memref<128x128xf32, #tpu.memory_space<vmem>> -> memref<128x128xf32, #tpu.memory_space<vmem>>
      tpu.enqueue_dma source(%dma_start3A_44 : memref<128x128xf32, #tpu.memory_space<vmem>>) target(%dma_start3A_41 : memref<128x128xf32, #tpu.memory_space<vmem_shared>>) target_semaphore(%run_scoped3A : memref<!tpu.dma_semaphore, #tpu.memory_space<semaphore_mem>>)
      %dma_wait3A = arith.constant 0 : i32
      %dma_wait3A_45 = arith.constant 0 : i32
      %dma_wait3A_46 = tpu.memref_slice %arg7[%dma_wait3A, %dma_wait3A_45] : memref<128x128xf32, #tpu.memory_space<vmem>> -> memref<128x128xf32, #tpu.memory_space<vmem>>
      %dma_wait3A_47 = arith.constant 0 : i32
      %dma_wait3A_48 = tpu.memref_slice %arg8[%add3A_7, %dma_wait3A_47] : memref<10112x128xf32, #tpu.memory_space<vmem_shared>> -> memref<128x128xf32, #tpu.memory_space<vmem_shared>>
      %dma_wait3A_49 = arith.constant 0 : i32
      %dma_wait3A_50 = tpu.memref_slice %arg8[%add3A_7, %dma_wait3A_49] : memref<10112x128xf32, #tpu.memory_space<vmem_shared>> -> memref<128x128xf32, #tpu.memory_space<vmem_shared>>
      %dma_wait3A_51 = arith.constant 0 : i32
      %dma_wait3A_52 = arith.constant 0 : i32
      %dma_wait3A_53 = tpu.memref_slice %arg7[%dma_wait3A_51, %dma_wait3A_52] : memref<128x128xf32, #tpu.memory_space<vmem>> -> memref<128x128xf32, #tpu.memory_space<vmem>>
      tpu.wait_dma2 semaphore(%run_scoped3A : memref<!tpu.dma_semaphore, #tpu.memory_space<semaphore_mem>>) src(%dma_wait3A_53 : memref<128x128xf32, #tpu.memory_space<vmem>>) dst(%dma_wait3A_50 : memref<128x128xf32, #tpu.memory_space<vmem_shared>>)
      tpu.yield
    }) : () -> ()
    %add3A_8 = arith.constant 512 : i32
    %add3A_9 = arith.addi %mul3A_0, %add3A_8 : i32
    "tpu.region"() ({
      %run_scoped3A = tpu.sem_alloc : memref<!tpu.dma_semaphore, #tpu.memory_space<semaphore_mem>>
      %dma_start3A = arith.constant 0 : i32
      %dma_start3A_36 = arith.constant 0 : i32
      %dma_start3A_37 = tpu.memref_slice %arg7[%dma_start3A, %dma_start3A_36] : memref<128x128xf32, #tpu.memory_space<vmem>> -> memref<120x128xf32, #tpu.memory_space<vmem>>
      %dma_start3A_38 = arith.constant 0 : i32
      %dma_start3A_39 = tpu.memref_slice %arg8[%add3A_9, %dma_start3A_38] : memref<10112x128xf32, #tpu.memory_space<vmem_shared>> -> memref<120x128xf32, #tpu.memory_space<vmem_shared>>
      %dma_start3A_40 = arith.constant 0 : i32
      %dma_start3A_41 = tpu.memref_slice %arg8[%add3A_9, %dma_start3A_40] : memref<10112x128xf32, #tpu.memory_space<vmem_shared>> -> memref<120x128xf32, #tpu.memory_space<vmem_shared>>
      %dma_start3A_42 = arith.constant 0 : i32
      %dma_start3A_43 = arith.constant 0 : i32
      %dma_start3A_44 = tpu.memref_slice %arg7[%dma_start3A_42, %dma_start3A_43] : memref<128x128xf32, #tpu.memory_space<vmem>> -> memref<120x128xf32, #tpu.memory_space<vmem>>
      tpu.enqueue_dma source(%dma_start3A_44 : memref<120x128xf32, #tpu.memory_space<vmem>>) target(%dma_start3A_41 : memref<120x128xf32, #tpu.memory_space<vmem_shared>>) target_semaphore(%run_scoped3A : memref<!tpu.dma_semaphore, #tpu.memory_space<semaphore_mem>>)
      %dma_wait3A = arith.constant 0 : i32
      %dma_wait3A_45 = arith.constant 0 : i32
      %dma_wait3A_46 = tpu.memref_slice %arg7[%dma_wait3A, %dma_wait3A_45] : memref<128x128xf32, #tpu.memory_space<vmem>> -> memref<120x128xf32, #tpu.memory_space<vmem>>
      %dma_wait3A_47 = arith.constant 0 : i32
      %dma_wait3A_48 = tpu.memref_slice %arg8[%add3A_9, %dma_wait3A_47] : memref<10112x128xf32, #tpu.memory_space<vmem_shared>> -> memref<120x128xf32, #tpu.memory_space<vmem_shared>>
      %dma_wait3A_49 = arith.constant 0 : i32
      %dma_wait3A_50 = tpu.memref_slice %arg8[%add3A_9, %dma_wait3A_49] : memref<10112x128xf32, #tpu.memory_space<vmem_shared>> -> memref<120x128xf32, #tpu.memory_space<vmem_shared>>
      %dma_wait3A_51 = arith.constant 0 : i32
      %dma_wait3A_52 = arith.constant 0 : i32
      %dma_wait3A_53 = tpu.memref_slice %arg7[%dma_wait3A_51, %dma_wait3A_52] : memref<128x128xf32, #tpu.memory_space<vmem>> -> memref<120x128xf32, #tpu.memory_space<vmem>>
      tpu.wait_dma2 semaphore(%run_scoped3A : memref<!tpu.dma_semaphore, #tpu.memory_space<semaphore_mem>>) src(%dma_wait3A_53 : memref<120x128xf32, #tpu.memory_space<vmem>>) dst(%dma_wait3A_50 : memref<120x128xf32, #tpu.memory_space<vmem_shared>>)
      tpu.yield
    }) : () -> ()
    "tpu.region"() ({
      %run_scoped3A = tpu.sem_alloc : memref<!tpu.dma_semaphore, #tpu.memory_space<semaphore_mem>>
      tpu.enqueue_dma source(%arg4 : memref<128x128xf32, #tpu.memory_space<hbm>>) target(%arg7 : memref<128x128xf32, #tpu.memory_space<vmem>>) target_semaphore(%run_scoped3A : memref<!tpu.dma_semaphore, #tpu.memory_space<semaphore_mem>>)
      tpu.wait_dma2 semaphore(%run_scoped3A : memref<!tpu.dma_semaphore, #tpu.memory_space<semaphore_mem>>) src(%arg4 : memref<128x128xf32, #tpu.memory_space<hbm>>) dst(%arg7 : memref<128x128xf32, #tpu.memory_space<vmem>>)
      tpu.yield
    }) : () -> ()
    %barrier3A = arith.constant 0 : index
    tpu.barrier barrier_id(%barrier3A)
    %scan3A = arith.constant 0 : i32
    %scan3A_10 = arith.constant 0 : i32
    %scan3A_11 = arith.constant 10 : i32
    %scan3A_12 = arith.addi %scan3A_10, %scan3A_11 : i32
    %scan3A_13 = arith.constant 1 : i32
    scf.for %scan3A_36 = %scan3A_10 to %scan3A_12 step %scan3A_13  : i32 {
      %mul3A_37 = arith.constant 80 : i32
      %mul3A_38 = arith.muli %arg0, %mul3A_37 : i32
      %mul3A_39 = arith.constant 8 : i32
      %mul3A_40 = arith.muli %scan3A_36, %mul3A_39 : i32
      %add3A_41 = arith.addi %mul3A_38, %mul3A_40 : i32
      "tpu.region"() ({
        %run_scoped3A_49 = tpu.sem_alloc : memref<!tpu.dma_semaphore, #tpu.memory_space<semaphore_mem>>
        %dma_start3A = arith.constant 0 : i32
        %dma_start3A_50 = tpu.memref_slice %arg2[%arg1, %add3A_41, %dma_start3A] : memref<16x160x128xi32, #tpu.memory_space<hbm>> -> memref<1x8x128xi32, #tpu.memory_space<hbm>>
        %dma_start3A_51 = tpu.memref_squeeze %dma_start3A_50 : memref<1x8x128xi32, #tpu.memory_space<hbm>> -> memref<8x128xi32, #tpu.memory_space<hbm>>
        %dma_start3A_52 = arith.constant 0 : i32
        %dma_start3A_53 = tpu.memref_slice %arg2[%arg1, %add3A_41, %dma_start3A_52] : memref<16x160x128xi32, #tpu.memory_space<hbm>> -> memref<1x8x128xi32, #tpu.memory_space<hbm>>
        %dma_start3A_54 = tpu.memref_squeeze %dma_start3A_53 : memref<1x8x128xi32, #tpu.memory_space<hbm>> -> memref<8x128xi32, #tpu.memory_space<hbm>>
        tpu.enqueue_dma source(%dma_start3A_54 : memref<8x128xi32, #tpu.memory_space<hbm>>) target(%arg6 : memref<8x128xi32, #tpu.memory_space<vmem>>) target_semaphore(%run_scoped3A_49 : memref<!tpu.dma_semaphore, #tpu.memory_space<semaphore_mem>>)
        %dma_wait3A = arith.constant 0 : i32
        %dma_wait3A_55 = tpu.memref_slice %arg2[%arg1, %add3A_41, %dma_wait3A] : memref<16x160x128xi32, #tpu.memory_space<hbm>> -> memref<1x8x128xi32, #tpu.memory_space<hbm>>
        %dma_wait3A_56 = tpu.memref_squeeze %dma_wait3A_55 : memref<1x8x128xi32, #tpu.memory_space<hbm>> -> memref<8x128xi32, #tpu.memory_space<hbm>>
        %dma_wait3A_57 = arith.constant 0 : i32
        %dma_wait3A_58 = tpu.memref_slice %arg2[%arg1, %add3A_41, %dma_wait3A_57] : memref<16x160x128xi32, #tpu.memory_space<hbm>> -> memref<1x8x128xi32, #tpu.memory_space<hbm>>
        %dma_wait3A_59 = tpu.memref_squeeze %dma_wait3A_58 : memref<1x8x128xi32, #tpu.memory_space<hbm>> -> memref<8x128xi32, #tpu.memory_space<hbm>>
        tpu.wait_dma2 semaphore(%run_scoped3A_49 : memref<!tpu.dma_semaphore, #tpu.memory_space<semaphore_mem>>) src(%dma_wait3A_59 : memref<8x128xi32, #tpu.memory_space<hbm>>) dst(%arg6 : memref<8x128xi32, #tpu.memory_space<vmem>>)
        tpu.yield
      }) : () -> ()
      %run_scoped3A = arith.constant 0 : i32
      "tpu.region"() ({
        %run_scoped3A_49 = tpu.sem_alloc : memref<!tpu.dma_semaphore, #tpu.memory_space<semaphore_mem>>
        %dma_start3A = arith.constant 0 : i32
        %dma_start3A_50 = tpu.memref_slice %arg6[%run_scoped3A, %dma_start3A] : memref<8x128xi32, #tpu.memory_space<vmem>> -> memref<1x128xi32, #tpu.memory_space<vmem>>
        %dma_start3A_51 = tpu.memref_squeeze %dma_start3A_50 : memref<1x128xi32, #tpu.memory_space<vmem>> -> memref<128xi32, #tpu.memory_space<vmem>>
        %dma_start3A_52 = arith.constant 0 : i32
        %dma_start3A_53 = arith.constant 0 : i32
        %dma_start3A_54 = tpu.memref_slice %arg8[%dma_start3A_52, %dma_start3A_53] : memref<10112x128xf32, #tpu.memory_space<vmem_shared>> -> memref<10112x128xf32, #tpu.memory_space<vmem_shared>>
        tpu.enqueue_indirect_dma source(%arg7 : memref<128x128xf32, #tpu.memory_space<vmem>>) target(%dma_start3A_54 : memref<10112x128xf32, #tpu.memory_space<vmem_shared>>) offsets(%dma_start3A_51 : memref<128xi32, #tpu.memory_space<vmem>>) semaphore(%run_scoped3A_49 : memref<!tpu.dma_semaphore, #tpu.memory_space<semaphore_mem>>) {add = true}
        %dma_wait3A = arith.constant 0 : i32
        %dma_wait3A_55 = tpu.memref_slice %arg6[%run_scoped3A, %dma_wait3A] : memref<8x128xi32, #tpu.memory_space<vmem>> -> memref<1x128xi32, #tpu.memory_space<vmem>>
        %dma_wait3A_56 = tpu.memref_squeeze %dma_wait3A_55 : memref<1x128xi32, #tpu.memory_space<vmem>> -> memref<128xi32, #tpu.memory_space<vmem>>
        %dma_wait3A_57 = arith.constant 0 : i32
        %dma_wait3A_58 = arith.constant 0 : i32
        %dma_wait3A_59 = tpu.memref_slice %arg8[%dma_wait3A_57, %dma_wait3A_58] : memref<10112x128xf32, #tpu.memory_space<vmem_shared>> -> memref<10112x128xf32, #tpu.memory_space<vmem_shared>>
        tpu.wait_indirect_dma semaphore(%run_scoped3A_49 : memref<!tpu.dma_semaphore, #tpu.memory_space<semaphore_mem>>) src(%arg7 : memref<128x128xf32, #tpu.memory_space<vmem>>) dst(%dma_wait3A_59 : memref<10112x128xf32, #tpu.memory_space<vmem_shared>>)
        tpu.yield
      }) : () -> ()
      %run_scoped3A_42 = arith.constant 1 : i32
      "tpu.region"() ({
        %run_scoped3A_49 = tpu.sem_alloc : memref<!tpu.dma_semaphore, #tpu.memory_space<semaphore_mem>>
        %dma_start3A = arith.constant 0 : i32
        %dma_start3A_50 = tpu.memref_slice %arg6[%run_scoped3A_42, %dma_start3A] : memref<8x128xi32, #tpu.memory_space<vmem>> -> memref<1x128xi32, #tpu.memory_space<vmem>>
        %dma_start3A_51 = tpu.memref_squeeze %dma_start3A_50 : memref<1x128xi32, #tpu.memory_space<vmem>> -> memref<128xi32, #tpu.memory_space<vmem>>
        %dma_start3A_52 = arith.constant 0 : i32
        %dma_start3A_53 = arith.constant 0 : i32
        %dma_start3A_54 = tpu.memref_slice %arg8[%dma_start3A_52, %dma_start3A_53] : memref<10112x128xf32, #tpu.memory_space<vmem_shared>> -> memref<10112x128xf32, #tpu.memory_space<vmem_shared>>
        tpu.enqueue_indirect_dma source(%arg7 : memref<128x128xf32, #tpu.memory_space<vmem>>) target(%dma_start3A_54 : memref<10112x128xf32, #tpu.memory_space<vmem_shared>>) offsets(%dma_start3A_51 : memref<128xi32, #tpu.memory_space<vmem>>) semaphore(%run_scoped3A_49 : memref<!tpu.dma_semaphore, #tpu.memory_space<semaphore_mem>>) {add = true}
        %dma_wait3A = arith.constant 0 : i32
        %dma_wait3A_55 = tpu.memref_slice %arg6[%run_scoped3A_42, %dma_wait3A] : memref<8x128xi32, #tpu.memory_space<vmem>> -> memref<1x128xi32, #tpu.memory_space<vmem>>
        %dma_wait3A_56 = tpu.memref_squeeze %dma_wait3A_55 : memref<1x128xi32, #tpu.memory_space<vmem>> -> memref<128xi32, #tpu.memory_space<vmem>>
        %dma_wait3A_57 = arith.constant 0 : i32
        %dma_wait3A_58 = arith.constant 0 : i32
        %dma_wait3A_59 = tpu.memref_slice %arg8[%dma_wait3A_57, %dma_wait3A_58] : memref<10112x128xf32, #tpu.memory_space<vmem_shared>> -> memref<10112x128xf32, #tpu.memory_space<vmem_shared>>
        tpu.wait_indirect_dma semaphore(%run_scoped3A_49 : memref<!tpu.dma_semaphore, #tpu.memory_space<semaphore_mem>>) src(%arg7 : memref<128x128xf32, #tpu.memory_space<vmem>>) dst(%dma_wait3A_59 : memref<10112x128xf32, #tpu.memory_space<vmem_shared>>)
        tpu.yield
      }) : () -> ()
      %run_scoped3A_43 = arith.constant 2 : i32
      "tpu.region"() ({
        %run_scoped3A_49 = tpu.sem_alloc : memref<!tpu.dma_semaphore, #tpu.memory_space<semaphore_mem>>
        %dma_start3A = arith.constant 0 : i32
        %dma_start3A_50 = tpu.memref_slice %arg6[%run_scoped3A_43, %dma_start3A] : memref<8x128xi32, #tpu.memory_space<vmem>> -> memref<1x128xi32, #tpu.memory_space<vmem>>
        %dma_start3A_51 = tpu.memref_squeeze %dma_start3A_50 : memref<1x128xi32, #tpu.memory_space<vmem>> -> memref<128xi32, #tpu.memory_space<vmem>>
        %dma_start3A_52 = arith.constant 0 : i32
        %dma_start3A_53 = arith.constant 0 : i32
        %dma_start3A_54 = tpu.memref_slice %arg8[%dma_start3A_52, %dma_start3A_53] : memref<10112x128xf32, #tpu.memory_space<vmem_shared>> -> memref<10112x128xf32, #tpu.memory_space<vmem_shared>>
        tpu.enqueue_indirect_dma source(%arg7 : memref<128x128xf32, #tpu.memory_space<vmem>>) target(%dma_start3A_54 : memref<10112x128xf32, #tpu.memory_space<vmem_shared>>) offsets(%dma_start3A_51 : memref<128xi32, #tpu.memory_space<vmem>>) semaphore(%run_scoped3A_49 : memref<!tpu.dma_semaphore, #tpu.memory_space<semaphore_mem>>) {add = true}
        %dma_wait3A = arith.constant 0 : i32
        %dma_wait3A_55 = tpu.memref_slice %arg6[%run_scoped3A_43, %dma_wait3A] : memref<8x128xi32, #tpu.memory_space<vmem>> -> memref<1x128xi32, #tpu.memory_space<vmem>>
        %dma_wait3A_56 = tpu.memref_squeeze %dma_wait3A_55 : memref<1x128xi32, #tpu.memory_space<vmem>> -> memref<128xi32, #tpu.memory_space<vmem>>
        %dma_wait3A_57 = arith.constant 0 : i32
        %dma_wait3A_58 = arith.constant 0 : i32
        %dma_wait3A_59 = tpu.memref_slice %arg8[%dma_wait3A_57, %dma_wait3A_58] : memref<10112x128xf32, #tpu.memory_space<vmem_shared>> -> memref<10112x128xf32, #tpu.memory_space<vmem_shared>>
        tpu.wait_indirect_dma semaphore(%run_scoped3A_49 : memref<!tpu.dma_semaphore, #tpu.memory_space<semaphore_mem>>) src(%arg7 : memref<128x128xf32, #tpu.memory_space<vmem>>) dst(%dma_wait3A_59 : memref<10112x128xf32, #tpu.memory_space<vmem_shared>>)
        tpu.yield
      }) : () -> ()
      %run_scoped3A_44 = arith.constant 3 : i32
      "tpu.region"() ({
        %run_scoped3A_49 = tpu.sem_alloc : memref<!tpu.dma_semaphore, #tpu.memory_space<semaphore_mem>>
        %dma_start3A = arith.constant 0 : i32
        %dma_start3A_50 = tpu.memref_slice %arg6[%run_scoped3A_44, %dma_start3A] : memref<8x128xi32, #tpu.memory_space<vmem>> -> memref<1x128xi32, #tpu.memory_space<vmem>>
        %dma_start3A_51 = tpu.memref_squeeze %dma_start3A_50 : memref<1x128xi32, #tpu.memory_space<vmem>> -> memref<128xi32, #tpu.memory_space<vmem>>
        %dma_start3A_52 = arith.constant 0 : i32
        %dma_start3A_53 = arith.constant 0 : i32
        %dma_start3A_54 = tpu.memref_slice %arg8[%dma_start3A_52, %dma_start3A_53] : memref<10112x128xf32, #tpu.memory_space<vmem_shared>> -> memref<10112x128xf32, #tpu.memory_space<vmem_shared>>
        tpu.enqueue_indirect_dma source(%arg7 : memref<128x128xf32, #tpu.memory_space<vmem>>) target(%dma_start3A_54 : memref<10112x128xf32, #tpu.memory_space<vmem_shared>>) offsets(%dma_start3A_51 : memref<128xi32, #tpu.memory_space<vmem>>) semaphore(%run_scoped3A_49 : memref<!tpu.dma_semaphore, #tpu.memory_space<semaphore_mem>>) {add = true}
        %dma_wait3A = arith.constant 0 : i32
        %dma_wait3A_55 = tpu.memref_slice %arg6[%run_scoped3A_44, %dma_wait3A] : memref<8x128xi32, #tpu.memory_space<vmem>> -> memref<1x128xi32, #tpu.memory_space<vmem>>
        %dma_wait3A_56 = tpu.memref_squeeze %dma_wait3A_55 : memref<1x128xi32, #tpu.memory_space<vmem>> -> memref<128xi32, #tpu.memory_space<vmem>>
        %dma_wait3A_57 = arith.constant 0 : i32
        %dma_wait3A_58 = arith.constant 0 : i32
        %dma_wait3A_59 = tpu.memref_slice %arg8[%dma_wait3A_57, %dma_wait3A_58] : memref<10112x128xf32, #tpu.memory_space<vmem_shared>> -> memref<10112x128xf32, #tpu.memory_space<vmem_shared>>
        tpu.wait_indirect_dma semaphore(%run_scoped3A_49 : memref<!tpu.dma_semaphore, #tpu.memory_space<semaphore_mem>>) src(%arg7 : memref<128x128xf32, #tpu.memory_space<vmem>>) dst(%dma_wait3A_59 : memref<10112x128xf32, #tpu.memory_space<vmem_shared>>)
        tpu.yield
      }) : () -> ()
      %run_scoped3A_45 = arith.constant 4 : i32
      "tpu.region"() ({
        %run_scoped3A_49 = tpu.sem_alloc : memref<!tpu.dma_semaphore, #tpu.memory_space<semaphore_mem>>
        %dma_start3A = arith.constant 0 : i32
        %dma_start3A_50 = tpu.memref_slice %arg6[%run_scoped3A_45, %dma_start3A] : memref<8x128xi32, #tpu.memory_space<vmem>> -> memref<1x128xi32, #tpu.memory_space<vmem>>
        %dma_start3A_51 = tpu.memref_squeeze %dma_start3A_50 : memref<1x128xi32, #tpu.memory_space<vmem>> -> memref<128xi32, #tpu.memory_space<vmem>>
        %dma_start3A_52 = arith.constant 0 : i32
        %dma_start3A_53 = arith.constant 0 : i32
        %dma_start3A_54 = tpu.memref_slice %arg8[%dma_start3A_52, %dma_start3A_53] : memref<10112x128xf32, #tpu.memory_space<vmem_shared>> -> memref<10112x128xf32, #tpu.memory_space<vmem_shared>>
        tpu.enqueue_indirect_dma source(%arg7 : memref<128x128xf32, #tpu.memory_space<vmem>>) target(%dma_start3A_54 : memref<10112x128xf32, #tpu.memory_space<vmem_shared>>) offsets(%dma_start3A_51 : memref<128xi32, #tpu.memory_space<vmem>>) semaphore(%run_scoped3A_49 : memref<!tpu.dma_semaphore, #tpu.memory_space<semaphore_mem>>) {add = true}
        %dma_wait3A = arith.constant 0 : i32
        %dma_wait3A_55 = tpu.memref_slice %arg6[%run_scoped3A_45, %dma_wait3A] : memref<8x128xi32, #tpu.memory_space<vmem>> -> memref<1x128xi32, #tpu.memory_space<vmem>>
        %dma_wait3A_56 = tpu.memref_squeeze %dma_wait3A_55 : memref<1x128xi32, #tpu.memory_space<vmem>> -> memref<128xi32, #tpu.memory_space<vmem>>
        %dma_wait3A_57 = arith.constant 0 : i32
        %dma_wait3A_58 = arith.constant 0 : i32
        %dma_wait3A_59 = tpu.memref_slice %arg8[%dma_wait3A_57, %dma_wait3A_58] : memref<10112x128xf32, #tpu.memory_space<vmem_shared>> -> memref<10112x128xf32, #tpu.memory_space<vmem_shared>>
        tpu.wait_indirect_dma semaphore(%run_scoped3A_49 : memref<!tpu.dma_semaphore, #tpu.memory_space<semaphore_mem>>) src(%arg7 : memref<128x128xf32, #tpu.memory_space<vmem>>) dst(%dma_wait3A_59 : memref<10112x128xf32, #tpu.memory_space<vmem_shared>>)
        tpu.yield
      }) : () -> ()
      %run_scoped3A_46 = arith.constant 5 : i32
      "tpu.region"() ({
        %run_scoped3A_49 = tpu.sem_alloc : memref<!tpu.dma_semaphore, #tpu.memory_space<semaphore_mem>>
        %dma_start3A = arith.constant 0 : i32
        %dma_start3A_50 = tpu.memref_slice %arg6[%run_scoped3A_46, %dma_start3A] : memref<8x128xi32, #tpu.memory_space<vmem>> -> memref<1x128xi32, #tpu.memory_space<vmem>>
        %dma_start3A_51 = tpu.memref_squeeze %dma_start3A_50 : memref<1x128xi32, #tpu.memory_space<vmem>> -> memref<128xi32, #tpu.memory_space<vmem>>
        %dma_start3A_52 = arith.constant 0 : i32
        %dma_start3A_53 = arith.constant 0 : i32
        %dma_start3A_54 = tpu.memref_slice %arg8[%dma_start3A_52, %dma_start3A_53] : memref<10112x128xf32, #tpu.memory_space<vmem_shared>> -> memref<10112x128xf32, #tpu.memory_space<vmem_shared>>
        tpu.enqueue_indirect_dma source(%arg7 : memref<128x128xf32, #tpu.memory_space<vmem>>) target(%dma_start3A_54 : memref<10112x128xf32, #tpu.memory_space<vmem_shared>>) offsets(%dma_start3A_51 : memref<128xi32, #tpu.memory_space<vmem>>) semaphore(%run_scoped3A_49 : memref<!tpu.dma_semaphore, #tpu.memory_space<semaphore_mem>>) {add = true}
        %dma_wait3A = arith.constant 0 : i32
        %dma_wait3A_55 = tpu.memref_slice %arg6[%run_scoped3A_46, %dma_wait3A] : memref<8x128xi32, #tpu.memory_space<vmem>> -> memref<1x128xi32, #tpu.memory_space<vmem>>
        %dma_wait3A_56 = tpu.memref_squeeze %dma_wait3A_55 : memref<1x128xi32, #tpu.memory_space<vmem>> -> memref<128xi32, #tpu.memory_space<vmem>>
        %dma_wait3A_57 = arith.constant 0 : i32
        %dma_wait3A_58 = arith.constant 0 : i32
        %dma_wait3A_59 = tpu.memref_slice %arg8[%dma_wait3A_57, %dma_wait3A_58] : memref<10112x128xf32, #tpu.memory_space<vmem_shared>> -> memref<10112x128xf32, #tpu.memory_space<vmem_shared>>
        tpu.wait_indirect_dma semaphore(%run_scoped3A_49 : memref<!tpu.dma_semaphore, #tpu.memory_space<semaphore_mem>>) src(%arg7 : memref<128x128xf32, #tpu.memory_space<vmem>>) dst(%dma_wait3A_59 : memref<10112x128xf32, #tpu.memory_space<vmem_shared>>)
        tpu.yield
      }) : () -> ()
      %run_scoped3A_47 = arith.constant 6 : i32
      "tpu.region"() ({
        %run_scoped3A_49 = tpu.sem_alloc : memref<!tpu.dma_semaphore, #tpu.memory_space<semaphore_mem>>
        %dma_start3A = arith.constant 0 : i32
        %dma_start3A_50 = tpu.memref_slice %arg6[%run_scoped3A_47, %dma_start3A] : memref<8x128xi32, #tpu.memory_space<vmem>> -> memref<1x128xi32, #tpu.memory_space<vmem>>
        %dma_start3A_51 = tpu.memref_squeeze %dma_start3A_50 : memref<1x128xi32, #tpu.memory_space<vmem>> -> memref<128xi32, #tpu.memory_space<vmem>>
        %dma_start3A_52 = arith.constant 0 : i32
        %dma_start3A_53 = arith.constant 0 : i32
        %dma_start3A_54 = tpu.memref_slice %arg8[%dma_start3A_52, %dma_start3A_53] : memref<10112x128xf32, #tpu.memory_space<vmem_shared>> -> memref<10112x128xf32, #tpu.memory_space<vmem_shared>>
        tpu.enqueue_indirect_dma source(%arg7 : memref<128x128xf32, #tpu.memory_space<vmem>>) target(%dma_start3A_54 : memref<10112x128xf32, #tpu.memory_space<vmem_shared>>) offsets(%dma_start3A_51 : memref<128xi32, #tpu.memory_space<vmem>>) semaphore(%run_scoped3A_49 : memref<!tpu.dma_semaphore, #tpu.memory_space<semaphore_mem>>) {add = true}
        %dma_wait3A = arith.constant 0 : i32
        %dma_wait3A_55 = tpu.memref_slice %arg6[%run_scoped3A_47, %dma_wait3A] : memref<8x128xi32, #tpu.memory_space<vmem>> -> memref<1x128xi32, #tpu.memory_space<vmem>>
        %dma_wait3A_56 = tpu.memref_squeeze %dma_wait3A_55 : memref<1x128xi32, #tpu.memory_space<vmem>> -> memref<128xi32, #tpu.memory_space<vmem>>
        %dma_wait3A_57 = arith.constant 0 : i32
        %dma_wait3A_58 = arith.constant 0 : i32
        %dma_wait3A_59 = tpu.memref_slice %arg8[%dma_wait3A_57, %dma_wait3A_58] : memref<10112x128xf32, #tpu.memory_space<vmem_shared>> -> memref<10112x128xf32, #tpu.memory_space<vmem_shared>>
        tpu.wait_indirect_dma semaphore(%run_scoped3A_49 : memref<!tpu.dma_semaphore, #tpu.memory_space<semaphore_mem>>) src(%arg7 : memref<128x128xf32, #tpu.memory_space<vmem>>) dst(%dma_wait3A_59 : memref<10112x128xf32, #tpu.memory_space<vmem_shared>>)
        tpu.yield
      }) : () -> ()
      %run_scoped3A_48 = arith.constant 7 : i32
      "tpu.region"() ({
        %run_scoped3A_49 = tpu.sem_alloc : memref<!tpu.dma_semaphore, #tpu.memory_space<semaphore_mem>>
        %dma_start3A = arith.constant 0 : i32
        %dma_start3A_50 = tpu.memref_slice %arg6[%run_scoped3A_48, %dma_start3A] : memref<8x128xi32, #tpu.memory_space<vmem>> -> memref<1x128xi32, #tpu.memory_space<vmem>>
        %dma_start3A_51 = tpu.memref_squeeze %dma_start3A_50 : memref<1x128xi32, #tpu.memory_space<vmem>> -> memref<128xi32, #tpu.memory_space<vmem>>
        %dma_start3A_52 = arith.constant 0 : i32
        %dma_start3A_53 = arith.constant 0 : i32
        %dma_start3A_54 = tpu.memref_slice %arg8[%dma_start3A_52, %dma_start3A_53] : memref<10112x128xf32, #tpu.memory_space<vmem_shared>> -> memref<10112x128xf32, #tpu.memory_space<vmem_shared>>
        tpu.enqueue_indirect_dma source(%arg7 : memref<128x128xf32, #tpu.memory_space<vmem>>) target(%dma_start3A_54 : memref<10112x128xf32, #tpu.memory_space<vmem_shared>>) offsets(%dma_start3A_51 : memref<128xi32, #tpu.memory_space<vmem>>) semaphore(%run_scoped3A_49 : memref<!tpu.dma_semaphore, #tpu.memory_space<semaphore_mem>>) {add = true}
        %dma_wait3A = arith.constant 0 : i32
        %dma_wait3A_55 = tpu.memref_slice %arg6[%run_scoped3A_48, %dma_wait3A] : memref<8x128xi32, #tpu.memory_space<vmem>> -> memref<1x128xi32, #tpu.memory_space<vmem>>
        %dma_wait3A_56 = tpu.memref_squeeze %dma_wait3A_55 : memref<1x128xi32, #tpu.memory_space<vmem>> -> memref<128xi32, #tpu.memory_space<vmem>>
        %dma_wait3A_57 = arith.constant 0 : i32
        %dma_wait3A_58 = arith.constant 0 : i32
        %dma_wait3A_59 = tpu.memref_slice %arg8[%dma_wait3A_57, %dma_wait3A_58] : memref<10112x128xf32, #tpu.memory_space<vmem_shared>> -> memref<10112x128xf32, #tpu.memory_space<vmem_shared>>
        tpu.wait_indirect_dma semaphore(%run_scoped3A_49 : memref<!tpu.dma_semaphore, #tpu.memory_space<semaphore_mem>>) src(%arg7 : memref<128x128xf32, #tpu.memory_space<vmem>>) dst(%dma_wait3A_59 : memref<10112x128xf32, #tpu.memory_space<vmem_shared>>)
        tpu.yield
      }) : () -> ()
    }
    %scan3A_14 = arith.constant 10 : i32
    %barrier3A_15 = arith.constant 0 : index
    tpu.barrier barrier_id(%barrier3A_15)
    %add3A_16 = arith.constant 0 : i32
    %add3A_17 = arith.addi %mul3A_0, %add3A_16 : i32
    "tpu.region"() ({
      %run_scoped3A = tpu.sem_alloc : memref<!tpu.dma_semaphore, #tpu.memory_space<semaphore_mem>>
      %dma_start3A = arith.constant 0 : i32
      %dma_start3A_36 = arith.constant 0 : i32
      %dma_start3A_37 = tpu.memref_slice %arg7[%dma_start3A, %dma_start3A_36] : memref<128x128xf32, #tpu.memory_space<vmem>> -> memref<128x128xf32, #tpu.memory_space<vmem>>
      %dma_start3A_38 = arith.constant 0 : i32
      %dma_start3A_39 = tpu.memref_slice %arg8[%add3A_17, %dma_start3A_38] : memref<10112x128xf32, #tpu.memory_space<vmem_shared>> -> memref<128x128xf32, #tpu.memory_space<vmem_shared>>
      %dma_start3A_40 = arith.constant 0 : i32
      %dma_start3A_41 = arith.constant 0 : i32
      %dma_start3A_42 = tpu.memref_slice %arg7[%dma_start3A_40, %dma_start3A_41] : memref<128x128xf32, #tpu.memory_space<vmem>> -> memref<128x128xf32, #tpu.memory_space<vmem>>
      %dma_start3A_43 = arith.constant 0 : i32
      %dma_start3A_44 = tpu.memref_slice %arg8[%add3A_17, %dma_start3A_43] : memref<10112x128xf32, #tpu.memory_space<vmem_shared>> -> memref<128x128xf32, #tpu.memory_space<vmem_shared>>
      tpu.enqueue_dma source(%dma_start3A_44 : memref<128x128xf32, #tpu.memory_space<vmem_shared>>) target(%dma_start3A_42 : memref<128x128xf32, #tpu.memory_space<vmem>>) target_semaphore(%run_scoped3A : memref<!tpu.dma_semaphore, #tpu.memory_space<semaphore_mem>>)
      %dma_wait3A = arith.constant 0 : i32
      %dma_wait3A_45 = arith.constant 0 : i32
      %dma_wait3A_46 = tpu.memref_slice %arg7[%dma_wait3A, %dma_wait3A_45] : memref<128x128xf32, #tpu.memory_space<vmem>> -> memref<128x128xf32, #tpu.memory_space<vmem>>
      %dma_wait3A_47 = arith.constant 0 : i32
      %dma_wait3A_48 = tpu.memref_slice %arg8[%add3A_17, %dma_wait3A_47] : memref<10112x128xf32, #tpu.memory_space<vmem_shared>> -> memref<128x128xf32, #tpu.memory_space<vmem_shared>>
      %dma_wait3A_49 = arith.constant 0 : i32
      %dma_wait3A_50 = arith.constant 0 : i32
      %dma_wait3A_51 = tpu.memref_slice %arg7[%dma_wait3A_49, %dma_wait3A_50] : memref<128x128xf32, #tpu.memory_space<vmem>> -> memref<128x128xf32, #tpu.memory_space<vmem>>
      %dma_wait3A_52 = arith.constant 0 : i32
      %dma_wait3A_53 = tpu.memref_slice %arg8[%add3A_17, %dma_wait3A_52] : memref<10112x128xf32, #tpu.memory_space<vmem_shared>> -> memref<128x128xf32, #tpu.memory_space<vmem_shared>>
      tpu.wait_dma2 semaphore(%run_scoped3A : memref<!tpu.dma_semaphore, #tpu.memory_space<semaphore_mem>>) src(%dma_wait3A_53 : memref<128x128xf32, #tpu.memory_space<vmem_shared>>) dst(%dma_wait3A_51 : memref<128x128xf32, #tpu.memory_space<vmem>>)
      tpu.yield
    }) : () -> ()
    %add3A_18 = arith.constant 0 : i32
    %add3A_19 = arith.addi %mul3A_0, %add3A_18 : i32
    "tpu.region"() ({
      %run_scoped3A = tpu.sem_alloc : memref<!tpu.dma_semaphore, #tpu.memory_space<semaphore_mem>>
      %dma_start3A = arith.constant 0 : i32
      %dma_start3A_36 = arith.constant 0 : i32
      %dma_start3A_37 = tpu.memref_slice %arg7[%dma_start3A, %dma_start3A_36] : memref<128x128xf32, #tpu.memory_space<vmem>> -> memref<128x128xf32, #tpu.memory_space<vmem>>
      %dma_start3A_38 = arith.constant 0 : i32
      %dma_start3A_39 = tpu.memref_slice %arg5[%arg0, %add3A_19, %dma_start3A_38] : memref<2x10112x128xf32, #tpu.memory_space<hbm>> -> memref<1x128x128xf32, #tpu.memory_space<hbm>>
      %dma_start3A_40 = tpu.memref_squeeze %dma_start3A_39 : memref<1x128x128xf32, #tpu.memory_space<hbm>> -> memref<128x128xf32, #tpu.memory_space<hbm>>
      %dma_start3A_41 = arith.constant 0 : i32
      %dma_start3A_42 = tpu.memref_slice %arg5[%arg0, %add3A_19, %dma_start3A_41] : memref<2x10112x128xf32, #tpu.memory_space<hbm>> -> memref<1x128x128xf32, #tpu.memory_space<hbm>>
      %dma_start3A_43 = tpu.memref_squeeze %dma_start3A_42 : memref<1x128x128xf32, #tpu.memory_space<hbm>> -> memref<128x128xf32, #tpu.memory_space<hbm>>
      %dma_start3A_44 = arith.constant 0 : i32
      %dma_start3A_45 = arith.constant 0 : i32
      %dma_start3A_46 = tpu.memref_slice %arg7[%dma_start3A_44, %dma_start3A_45] : memref<128x128xf32, #tpu.memory_space<vmem>> -> memref<128x128xf32, #tpu.memory_space<vmem>>
      tpu.enqueue_dma source(%dma_start3A_46 : memref<128x128xf32, #tpu.memory_space<vmem>>) target(%dma_start3A_43 : memref<128x128xf32, #tpu.memory_space<hbm>>) target_semaphore(%run_scoped3A : memref<!tpu.dma_semaphore, #tpu.memory_space<semaphore_mem>>)
      %dma_wait3A = arith.constant 0 : i32
      %dma_wait3A_47 = arith.constant 0 : i32
      %dma_wait3A_48 = tpu.memref_slice %arg7[%dma_wait3A, %dma_wait3A_47] : memref<128x128xf32, #tpu.memory_space<vmem>> -> memref<128x128xf32, #tpu.memory_space<vmem>>
      %dma_wait3A_49 = arith.constant 0 : i32
      %dma_wait3A_50 = tpu.memref_slice %arg5[%arg0, %add3A_19, %dma_wait3A_49] : memref<2x10112x128xf32, #tpu.memory_space<hbm>> -> memref<1x128x128xf32, #tpu.memory_space<hbm>>
      %dma_wait3A_51 = tpu.memref_squeeze %dma_wait3A_50 : memref<1x128x128xf32, #tpu.memory_space<hbm>> -> memref<128x128xf32, #tpu.memory_space<hbm>>
      %dma_wait3A_52 = arith.constant 0 : i32
      %dma_wait3A_53 = tpu.memref_slice %arg5[%arg0, %add3A_19, %dma_wait3A_52] : memref<2x10112x128xf32, #tpu.memory_space<hbm>> -> memref<1x128x128xf32, #tpu.memory_space<hbm>>
      %dma_wait3A_54 = tpu.memref_squeeze %dma_wait3A_53 : memref<1x128x128xf32, #tpu.memory_space<hbm>> -> memref<128x128xf32, #tpu.memory_space<hbm>>
      %dma_wait3A_55 = arith.constant 0 : i32
      %dma_wait3A_56 = arith.constant 0 : i32
      %dma_wait3A_57 = tpu.memref_slice %arg7[%dma_wait3A_55, %dma_wait3A_56] : memref<128x128xf32, #tpu.memory_space<vmem>> -> memref<128x128xf32, #tpu.memory_space<vmem>>
      tpu.wait_dma2 semaphore(%run_scoped3A : memref<!tpu.dma_semaphore, #tpu.memory_space<semaphore_mem>>) src(%dma_wait3A_57 : memref<128x128xf32, #tpu.memory_space<vmem>>) dst(%dma_wait3A_54 : memref<128x128xf32, #tpu.memory_space<hbm>>)
      tpu.yield
    }) : () -> ()
    %add3A_20 = arith.constant 128 : i32
    %add3A_21 = arith.addi %mul3A_0, %add3A_20 : i32
    "tpu.region"() ({
      %run_scoped3A = tpu.sem_alloc : memref<!tpu.dma_semaphore, #tpu.memory_space<semaphore_mem>>
      %dma_start3A = arith.constant 0 : i32
      %dma_start3A_36 = arith.constant 0 : i32
      %dma_start3A_37 = tpu.memref_slice %arg7[%dma_start3A, %dma_start3A_36] : memref<128x128xf32, #tpu.memory_space<vmem>> -> memref<128x128xf32, #tpu.memory_space<vmem>>
      %dma_start3A_38 = arith.constant 0 : i32
      %dma_start3A_39 = tpu.memref_slice %arg8[%add3A_21, %dma_start3A_38] : memref<10112x128xf32, #tpu.memory_space<vmem_shared>> -> memref<128x128xf32, #tpu.memory_space<vmem_shared>>
      %dma_start3A_40 = arith.constant 0 : i32
      %dma_start3A_41 = arith.constant 0 : i32
      %dma_start3A_42 = tpu.memref_slice %arg7[%dma_start3A_40, %dma_start3A_41] : memref<128x128xf32, #tpu.memory_space<vmem>> -> memref<128x128xf32, #tpu.memory_space<vmem>>
      %dma_start3A_43 = arith.constant 0 : i32
      %dma_start3A_44 = tpu.memref_slice %arg8[%add3A_21, %dma_start3A_43] : memref<10112x128xf32, #tpu.memory_space<vmem_shared>> -> memref<128x128xf32, #tpu.memory_space<vmem_shared>>
      tpu.enqueue_dma source(%dma_start3A_44 : memref<128x128xf32, #tpu.memory_space<vmem_shared>>) target(%dma_start3A_42 : memref<128x128xf32, #tpu.memory_space<vmem>>) target_semaphore(%run_scoped3A : memref<!tpu.dma_semaphore, #tpu.memory_space<semaphore_mem>>)
      %dma_wait3A = arith.constant 0 : i32
      %dma_wait3A_45 = arith.constant 0 : i32
      %dma_wait3A_46 = tpu.memref_slice %arg7[%dma_wait3A, %dma_wait3A_45] : memref<128x128xf32, #tpu.memory_space<vmem>> -> memref<128x128xf32, #tpu.memory_space<vmem>>
      %dma_wait3A_47 = arith.constant 0 : i32
      %dma_wait3A_48 = tpu.memref_slice %arg8[%add3A_21, %dma_wait3A_47] : memref<10112x128xf32, #tpu.memory_space<vmem_shared>> -> memref<128x128xf32, #tpu.memory_space<vmem_shared>>
      %dma_wait3A_49 = arith.constant 0 : i32
      %dma_wait3A_50 = arith.constant 0 : i32
      %dma_wait3A_51 = tpu.memref_slice %arg7[%dma_wait3A_49, %dma_wait3A_50] : memref<128x128xf32, #tpu.memory_space<vmem>> -> memref<128x128xf32, #tpu.memory_space<vmem>>
      %dma_wait3A_52 = arith.constant 0 : i32
      %dma_wait3A_53 = tpu.memref_slice %arg8[%add3A_21, %dma_wait3A_52] : memref<10112x128xf32, #tpu.memory_space<vmem_shared>> -> memref<128x128xf32, #tpu.memory_space<vmem_shared>>
      tpu.wait_dma2 semaphore(%run_scoped3A : memref<!tpu.dma_semaphore, #tpu.memory_space<semaphore_mem>>) src(%dma_wait3A_53 : memref<128x128xf32, #tpu.memory_space<vmem_shared>>) dst(%dma_wait3A_51 : memref<128x128xf32, #tpu.memory_space<vmem>>)
      tpu.yield
    }) : () -> ()
    %add3A_22 = arith.constant 128 : i32
    %add3A_23 = arith.addi %mul3A_0, %add3A_22 : i32
    "tpu.region"() ({
      %run_scoped3A = tpu.sem_alloc : memref<!tpu.dma_semaphore, #tpu.memory_space<semaphore_mem>>
      %dma_start3A = arith.constant 0 : i32
      %dma_start3A_36 = arith.constant 0 : i32
      %dma_start3A_37 = tpu.memref_slice %arg7[%dma_start3A, %dma_start3A_36] : memref<128x128xf32, #tpu.memory_space<vmem>> -> memref<128x128xf32, #tpu.memory_space<vmem>>
      %dma_start3A_38 = arith.constant 0 : i32
      %dma_start3A_39 = tpu.memref_slice %arg5[%arg0, %add3A_23, %dma_start3A_38] : memref<2x10112x128xf32, #tpu.memory_space<hbm>> -> memref<1x128x128xf32, #tpu.memory_space<hbm>>
      %dma_start3A_40 = tpu.memref_squeeze %dma_start3A_39 : memref<1x128x128xf32, #tpu.memory_space<hbm>> -> memref<128x128xf32, #tpu.memory_space<hbm>>
      %dma_start3A_41 = arith.constant 0 : i32
      %dma_start3A_42 = tpu.memref_slice %arg5[%arg0, %add3A_23, %dma_start3A_41] : memref<2x10112x128xf32, #tpu.memory_space<hbm>> -> memref<1x128x128xf32, #tpu.memory_space<hbm>>
      %dma_start3A_43 = tpu.memref_squeeze %dma_start3A_42 : memref<1x128x128xf32, #tpu.memory_space<hbm>> -> memref<128x128xf32, #tpu.memory_space<hbm>>
      %dma_start3A_44 = arith.constant 0 : i32
      %dma_start3A_45 = arith.constant 0 : i32
      %dma_start3A_46 = tpu.memref_slice %arg7[%dma_start3A_44, %dma_start3A_45] : memref<128x128xf32, #tpu.memory_space<vmem>> -> memref<128x128xf32, #tpu.memory_space<vmem>>
      tpu.enqueue_dma source(%dma_start3A_46 : memref<128x128xf32, #tpu.memory_space<vmem>>) target(%dma_start3A_43 : memref<128x128xf32, #tpu.memory_space<hbm>>) target_semaphore(%run_scoped3A : memref<!tpu.dma_semaphore, #tpu.memory_space<semaphore_mem>>)
      %dma_wait3A = arith.constant 0 : i32
      %dma_wait3A_47 = arith.constant 0 : i32
      %dma_wait3A_48 = tpu.memref_slice %arg7[%dma_wait3A, %dma_wait3A_47] : memref<128x128xf32, #tpu.memory_space<vmem>> -> memref<128x128xf32, #tpu.memory_space<vmem>>
      %dma_wait3A_49 = arith.constant 0 : i32
      %dma_wait3A_50 = tpu.memref_slice %arg5[%arg0, %add3A_23, %dma_wait3A_49] : memref<2x10112x128xf32, #tpu.memory_space<hbm>> -> memref<1x128x128xf32, #tpu.memory_space<hbm>>
      %dma_wait3A_51 = tpu.memref_squeeze %dma_wait3A_50 : memref<1x128x128xf32, #tpu.memory_space<hbm>> -> memref<128x128xf32, #tpu.memory_space<hbm>>
      %dma_wait3A_52 = arith.constant 0 : i32
      %dma_wait3A_53 = tpu.memref_slice %arg5[%arg0, %add3A_23, %dma_wait3A_52] : memref<2x10112x128xf32, #tpu.memory_space<hbm>> -> memref<1x128x128xf32, #tpu.memory_space<hbm>>
      %dma_wait3A_54 = tpu.memref_squeeze %dma_wait3A_53 : memref<1x128x128xf32, #tpu.memory_space<hbm>> -> memref<128x128xf32, #tpu.memory_space<hbm>>
      %dma_wait3A_55 = arith.constant 0 : i32
      %dma_wait3A_56 = arith.constant 0 : i32
      %dma_wait3A_57 = tpu.memref_slice %arg7[%dma_wait3A_55, %dma_wait3A_56] : memref<128x128xf32, #tpu.memory_space<vmem>> -> memref<128x128xf32, #tpu.memory_space<vmem>>
      tpu.wait_dma2 semaphore(%run_scoped3A : memref<!tpu.dma_semaphore, #tpu.memory_space<semaphore_mem>>) src(%dma_wait3A_57 : memref<128x128xf32, #tpu.memory_space<vmem>>) dst(%dma_wait3A_54 : memref<128x128xf32, #tpu.memory_space<hbm>>)
      tpu.yield
    }) : () -> ()
    %add3A_24 = arith.constant 256 : i32
    %add3A_25 = arith.addi %mul3A_0, %add3A_24 : i32
    "tpu.region"() ({
      %run_scoped3A = tpu.sem_alloc : memref<!tpu.dma_semaphore, #tpu.memory_space<semaphore_mem>>
      %dma_start3A = arith.constant 0 : i32
      %dma_start3A_36 = arith.constant 0 : i32
      %dma_start3A_37 = tpu.memref_slice %arg7[%dma_start3A, %dma_start3A_36] : memref<128x128xf32, #tpu.memory_space<vmem>> -> memref<128x128xf32, #tpu.memory_space<vmem>>
      %dma_start3A_38 = arith.constant 0 : i32
      %dma_start3A_39 = tpu.memref_slice %arg8[%add3A_25, %dma_start3A_38] : memref<10112x128xf32, #tpu.memory_space<vmem_shared>> -> memref<128x128xf32, #tpu.memory_space<vmem_shared>>
      %dma_start3A_40 = arith.constant 0 : i32
      %dma_start3A_41 = arith.constant 0 : i32
      %dma_start3A_42 = tpu.memref_slice %arg7[%dma_start3A_40, %dma_start3A_41] : memref<128x128xf32, #tpu.memory_space<vmem>> -> memref<128x128xf32, #tpu.memory_space<vmem>>
      %dma_start3A_43 = arith.constant 0 : i32
      %dma_start3A_44 = tpu.memref_slice %arg8[%add3A_25, %dma_start3A_43] : memref<10112x128xf32, #tpu.memory_space<vmem_shared>> -> memref<128x128xf32, #tpu.memory_space<vmem_shared>>
      tpu.enqueue_dma source(%dma_start3A_44 : memref<128x128xf32, #tpu.memory_space<vmem_shared>>) target(%dma_start3A_42 : memref<128x128xf32, #tpu.memory_space<vmem>>) target_semaphore(%run_scoped3A : memref<!tpu.dma_semaphore, #tpu.memory_space<semaphore_mem>>)
      %dma_wait3A = arith.constant 0 : i32
      %dma_wait3A_45 = arith.constant 0 : i32
      %dma_wait3A_46 = tpu.memref_slice %arg7[%dma_wait3A, %dma_wait3A_45] : memref<128x128xf32, #tpu.memory_space<vmem>> -> memref<128x128xf32, #tpu.memory_space<vmem>>
      %dma_wait3A_47 = arith.constant 0 : i32
      %dma_wait3A_48 = tpu.memref_slice %arg8[%add3A_25, %dma_wait3A_47] : memref<10112x128xf32, #tpu.memory_space<vmem_shared>> -> memref<128x128xf32, #tpu.memory_space<vmem_shared>>
      %dma_wait3A_49 = arith.constant 0 : i32
      %dma_wait3A_50 = arith.constant 0 : i32
      %dma_wait3A_51 = tpu.memref_slice %arg7[%dma_wait3A_49, %dma_wait3A_50] : memref<128x128xf32, #tpu.memory_space<vmem>> -> memref<128x128xf32, #tpu.memory_space<vmem>>
      %dma_wait3A_52 = arith.constant 0 : i32
      %dma_wait3A_53 = tpu.memref_slice %arg8[%add3A_25, %dma_wait3A_52] : memref<10112x128xf32, #tpu.memory_space<vmem_shared>> -> memref<128x128xf32, #tpu.memory_space<vmem_shared>>
      tpu.wait_dma2 semaphore(%run_scoped3A : memref<!tpu.dma_semaphore, #tpu.memory_space<semaphore_mem>>) src(%dma_wait3A_53 : memref<128x128xf32, #tpu.memory_space<vmem_shared>>) dst(%dma_wait3A_51 : memref<128x128xf32, #tpu.memory_space<vmem>>)
      tpu.yield
    }) : () -> ()
    %add3A_26 = arith.constant 256 : i32
    %add3A_27 = arith.addi %mul3A_0, %add3A_26 : i32
    "tpu.region"() ({
      %run_scoped3A = tpu.sem_alloc : memref<!tpu.dma_semaphore, #tpu.memory_space<semaphore_mem>>
      %dma_start3A = arith.constant 0 : i32
      %dma_start3A_36 = arith.constant 0 : i32
      %dma_start3A_37 = tpu.memref_slice %arg7[%dma_start3A, %dma_start3A_36] : memref<128x128xf32, #tpu.memory_space<vmem>> -> memref<128x128xf32, #tpu.memory_space<vmem>>
      %dma_start3A_38 = arith.constant 0 : i32
      %dma_start3A_39 = tpu.memref_slice %arg5[%arg0, %add3A_27, %dma_start3A_38] : memref<2x10112x128xf32, #tpu.memory_space<hbm>> -> memref<1x128x128xf32, #tpu.memory_space<hbm>>
      %dma_start3A_40 = tpu.memref_squeeze %dma_start3A_39 : memref<1x128x128xf32, #tpu.memory_space<hbm>> -> memref<128x128xf32, #tpu.memory_space<hbm>>
      %dma_start3A_41 = arith.constant 0 : i32
      %dma_start3A_42 = tpu.memref_slice %arg5[%arg0, %add3A_27, %dma_start3A_41] : memref<2x10112x128xf32, #tpu.memory_space<hbm>> -> memref<1x128x128xf32, #tpu.memory_space<hbm>>
      %dma_start3A_43 = tpu.memref_squeeze %dma_start3A_42 : memref<1x128x128xf32, #tpu.memory_space<hbm>> -> memref<128x128xf32, #tpu.memory_space<hbm>>
      %dma_start3A_44 = arith.constant 0 : i32
      %dma_start3A_45 = arith.constant 0 : i32
      %dma_start3A_46 = tpu.memref_slice %arg7[%dma_start3A_44, %dma_start3A_45] : memref<128x128xf32, #tpu.memory_space<vmem>> -> memref<128x128xf32, #tpu.memory_space<vmem>>
      tpu.enqueue_dma source(%dma_start3A_46 : memref<128x128xf32, #tpu.memory_space<vmem>>) target(%dma_start3A_43 : memref<128x128xf32, #tpu.memory_space<hbm>>) target_semaphore(%run_scoped3A : memref<!tpu.dma_semaphore, #tpu.memory_space<semaphore_mem>>)
      %dma_wait3A = arith.constant 0 : i32
      %dma_wait3A_47 = arith.constant 0 : i32
      %dma_wait3A_48 = tpu.memref_slice %arg7[%dma_wait3A, %dma_wait3A_47] : memref<128x128xf32, #tpu.memory_space<vmem>> -> memref<128x128xf32, #tpu.memory_space<vmem>>
      %dma_wait3A_49 = arith.constant 0 : i32
      %dma_wait3A_50 = tpu.memref_slice %arg5[%arg0, %add3A_27, %dma_wait3A_49] : memref<2x10112x128xf32, #tpu.memory_space<hbm>> -> memref<1x128x128xf32, #tpu.memory_space<hbm>>
      %dma_wait3A_51 = tpu.memref_squeeze %dma_wait3A_50 : memref<1x128x128xf32, #tpu.memory_space<hbm>> -> memref<128x128xf32, #tpu.memory_space<hbm>>
      %dma_wait3A_52 = arith.constant 0 : i32
      %dma_wait3A_53 = tpu.memref_slice %arg5[%arg0, %add3A_27, %dma_wait3A_52] : memref<2x10112x128xf32, #tpu.memory_space<hbm>> -> memref<1x128x128xf32, #tpu.memory_space<hbm>>
      %dma_wait3A_54 = tpu.memref_squeeze %dma_wait3A_53 : memref<1x128x128xf32, #tpu.memory_space<hbm>> -> memref<128x128xf32, #tpu.memory_space<hbm>>
      %dma_wait3A_55 = arith.constant 0 : i32
      %dma_wait3A_56 = arith.constant 0 : i32
      %dma_wait3A_57 = tpu.memref_slice %arg7[%dma_wait3A_55, %dma_wait3A_56] : memref<128x128xf32, #tpu.memory_space<vmem>> -> memref<128x128xf32, #tpu.memory_space<vmem>>
      tpu.wait_dma2 semaphore(%run_scoped3A : memref<!tpu.dma_semaphore, #tpu.memory_space<semaphore_mem>>) src(%dma_wait3A_57 : memref<128x128xf32, #tpu.memory_space<vmem>>) dst(%dma_wait3A_54 : memref<128x128xf32, #tpu.memory_space<hbm>>)
      tpu.yield
    }) : () -> ()
    %add3A_28 = arith.constant 384 : i32
    %add3A_29 = arith.addi %mul3A_0, %add3A_28 : i32
    "tpu.region"() ({
      %run_scoped3A = tpu.sem_alloc : memref<!tpu.dma_semaphore, #tpu.memory_space<semaphore_mem>>
      %dma_start3A = arith.constant 0 : i32
      %dma_start3A_36 = arith.constant 0 : i32
      %dma_start3A_37 = tpu.memref_slice %arg7[%dma_start3A, %dma_start3A_36] : memref<128x128xf32, #tpu.memory_space<vmem>> -> memref<128x128xf32, #tpu.memory_space<vmem>>
      %dma_start3A_38 = arith.constant 0 : i32
      %dma_start3A_39 = tpu.memref_slice %arg8[%add3A_29, %dma_start3A_38] : memref<10112x128xf32, #tpu.memory_space<vmem_shared>> -> memref<128x128xf32, #tpu.memory_space<vmem_shared>>
      %dma_start3A_40 = arith.constant 0 : i32
      %dma_start3A_41 = arith.constant 0 : i32
      %dma_start3A_42 = tpu.memref_slice %arg7[%dma_start3A_40, %dma_start3A_41] : memref<128x128xf32, #tpu.memory_space<vmem>> -> memref<128x128xf32, #tpu.memory_space<vmem>>
      %dma_start3A_43 = arith.constant 0 : i32
      %dma_start3A_44 = tpu.memref_slice %arg8[%add3A_29, %dma_start3A_43] : memref<10112x128xf32, #tpu.memory_space<vmem_shared>> -> memref<128x128xf32, #tpu.memory_space<vmem_shared>>
      tpu.enqueue_dma source(%dma_start3A_44 : memref<128x128xf32, #tpu.memory_space<vmem_shared>>) target(%dma_start3A_42 : memref<128x128xf32, #tpu.memory_space<vmem>>) target_semaphore(%run_scoped3A : memref<!tpu.dma_semaphore, #tpu.memory_space<semaphore_mem>>)
      %dma_wait3A = arith.constant 0 : i32
      %dma_wait3A_45 = arith.constant 0 : i32
      %dma_wait3A_46 = tpu.memref_slice %arg7[%dma_wait3A, %dma_wait3A_45] : memref<128x128xf32, #tpu.memory_space<vmem>> -> memref<128x128xf32, #tpu.memory_space<vmem>>
      %dma_wait3A_47 = arith.constant 0 : i32
      %dma_wait3A_48 = tpu.memref_slice %arg8[%add3A_29, %dma_wait3A_47] : memref<10112x128xf32, #tpu.memory_space<vmem_shared>> -> memref<128x128xf32, #tpu.memory_space<vmem_shared>>
      %dma_wait3A_49 = arith.constant 0 : i32
      %dma_wait3A_50 = arith.constant 0 : i32
      %dma_wait3A_51 = tpu.memref_slice %arg7[%dma_wait3A_49, %dma_wait3A_50] : memref<128x128xf32, #tpu.memory_space<vmem>> -> memref<128x128xf32, #tpu.memory_space<vmem>>
      %dma_wait3A_52 = arith.constant 0 : i32
      %dma_wait3A_53 = tpu.memref_slice %arg8[%add3A_29, %dma_wait3A_52] : memref<10112x128xf32, #tpu.memory_space<vmem_shared>> -> memref<128x128xf32, #tpu.memory_space<vmem_shared>>
      tpu.wait_dma2 semaphore(%run_scoped3A : memref<!tpu.dma_semaphore, #tpu.memory_space<semaphore_mem>>) src(%dma_wait3A_53 : memref<128x128xf32, #tpu.memory_space<vmem_shared>>) dst(%dma_wait3A_51 : memref<128x128xf32, #tpu.memory_space<vmem>>)
      tpu.yield
    }) : () -> ()
    %add3A_30 = arith.constant 384 : i32
    %add3A_31 = arith.addi %mul3A_0, %add3A_30 : i32
    "tpu.region"() ({
      %run_scoped3A = tpu.sem_alloc : memref<!tpu.dma_semaphore, #tpu.memory_space<semaphore_mem>>
      %dma_start3A = arith.constant 0 : i32
      %dma_start3A_36 = arith.constant 0 : i32
      %dma_start3A_37 = tpu.memref_slice %arg7[%dma_start3A, %dma_start3A_36] : memref<128x128xf32, #tpu.memory_space<vmem>> -> memref<128x128xf32, #tpu.memory_space<vmem>>
      %dma_start3A_38 = arith.constant 0 : i32
      %dma_start3A_39 = tpu.memref_slice %arg5[%arg0, %add3A_31, %dma_start3A_38] : memref<2x10112x128xf32, #tpu.memory_space<hbm>> -> memref<1x128x128xf32, #tpu.memory_space<hbm>>
      %dma_start3A_40 = tpu.memref_squeeze %dma_start3A_39 : memref<1x128x128xf32, #tpu.memory_space<hbm>> -> memref<128x128xf32, #tpu.memory_space<hbm>>
      %dma_start3A_41 = arith.constant 0 : i32
      %dma_start3A_42 = tpu.memref_slice %arg5[%arg0, %add3A_31, %dma_start3A_41] : memref<2x10112x128xf32, #tpu.memory_space<hbm>> -> memref<1x128x128xf32, #tpu.memory_space<hbm>>
      %dma_start3A_43 = tpu.memref_squeeze %dma_start3A_42 : memref<1x128x128xf32, #tpu.memory_space<hbm>> -> memref<128x128xf32, #tpu.memory_space<hbm>>
      %dma_start3A_44 = arith.constant 0 : i32
      %dma_start3A_45 = arith.constant 0 : i32
      %dma_start3A_46 = tpu.memref_slice %arg7[%dma_start3A_44, %dma_start3A_45] : memref<128x128xf32, #tpu.memory_space<vmem>> -> memref<128x128xf32, #tpu.memory_space<vmem>>
      tpu.enqueue_dma source(%dma_start3A_46 : memref<128x128xf32, #tpu.memory_space<vmem>>) target(%dma_start3A_43 : memref<128x128xf32, #tpu.memory_space<hbm>>) target_semaphore(%run_scoped3A : memref<!tpu.dma_semaphore, #tpu.memory_space<semaphore_mem>>)
      %dma_wait3A = arith.constant 0 : i32
      %dma_wait3A_47 = arith.constant 0 : i32
      %dma_wait3A_48 = tpu.memref_slice %arg7[%dma_wait3A, %dma_wait3A_47] : memref<128x128xf32, #tpu.memory_space<vmem>> -> memref<128x128xf32, #tpu.memory_space<vmem>>
      %dma_wait3A_49 = arith.constant 0 : i32
      %dma_wait3A_50 = tpu.memref_slice %arg5[%arg0, %add3A_31, %dma_wait3A_49] : memref<2x10112x128xf32, #tpu.memory_space<hbm>> -> memref<1x128x128xf32, #tpu.memory_space<hbm>>
      %dma_wait3A_51 = tpu.memref_squeeze %dma_wait3A_50 : memref<1x128x128xf32, #tpu.memory_space<hbm>> -> memref<128x128xf32, #tpu.memory_space<hbm>>
      %dma_wait3A_52 = arith.constant 0 : i32
      %dma_wait3A_53 = tpu.memref_slice %arg5[%arg0, %add3A_31, %dma_wait3A_52] : memref<2x10112x128xf32, #tpu.memory_space<hbm>> -> memref<1x128x128xf32, #tpu.memory_space<hbm>>
      %dma_wait3A_54 = tpu.memref_squeeze %dma_wait3A_53 : memref<1x128x128xf32, #tpu.memory_space<hbm>> -> memref<128x128xf32, #tpu.memory_space<hbm>>
      %dma_wait3A_55 = arith.constant 0 : i32
      %dma_wait3A_56 = arith.constant 0 : i32
      %dma_wait3A_57 = tpu.memref_slice %arg7[%dma_wait3A_55, %dma_wait3A_56] : memref<128x128xf32, #tpu.memory_space<vmem>> -> memref<128x128xf32, #tpu.memory_space<vmem>>
      tpu.wait_dma2 semaphore(%run_scoped3A : memref<!tpu.dma_semaphore, #tpu.memory_space<semaphore_mem>>) src(%dma_wait3A_57 : memref<128x128xf32, #tpu.memory_space<vmem>>) dst(%dma_wait3A_54 : memref<128x128xf32, #tpu.memory_space<hbm>>)
      tpu.yield
    }) : () -> ()
    %add3A_32 = arith.constant 512 : i32
    %add3A_33 = arith.addi %mul3A_0, %add3A_32 : i32
    "tpu.region"() ({
      %run_scoped3A = tpu.sem_alloc : memref<!tpu.dma_semaphore, #tpu.memory_space<semaphore_mem>>
      %dma_start3A = arith.constant 0 : i32
      %dma_start3A_36 = arith.constant 0 : i32
      %dma_start3A_37 = tpu.memref_slice %arg7[%dma_start3A, %dma_start3A_36] : memref<128x128xf32, #tpu.memory_space<vmem>> -> memref<120x128xf32, #tpu.memory_space<vmem>>
      %dma_start3A_38 = arith.constant 0 : i32
      %dma_start3A_39 = tpu.memref_slice %arg8[%add3A_33, %dma_start3A_38] : memref<10112x128xf32, #tpu.memory_space<vmem_shared>> -> memref<120x128xf32, #tpu.memory_space<vmem_shared>>
      %dma_start3A_40 = arith.constant 0 : i32
      %dma_start3A_41 = arith.constant 0 : i32
      %dma_start3A_42 = tpu.memref_slice %arg7[%dma_start3A_40, %dma_start3A_41] : memref<128x128xf32, #tpu.memory_space<vmem>> -> memref<120x128xf32, #tpu.memory_space<vmem>>
      %dma_start3A_43 = arith.constant 0 : i32
      %dma_start3A_44 = tpu.memref_slice %arg8[%add3A_33, %dma_start3A_43] : memref<10112x128xf32, #tpu.memory_space<vmem_shared>> -> memref<120x128xf32, #tpu.memory_space<vmem_shared>>
      tpu.enqueue_dma source(%dma_start3A_44 : memref<120x128xf32, #tpu.memory_space<vmem_shared>>) target(%dma_start3A_42 : memref<120x128xf32, #tpu.memory_space<vmem>>) target_semaphore(%run_scoped3A : memref<!tpu.dma_semaphore, #tpu.memory_space<semaphore_mem>>)
      %dma_wait3A = arith.constant 0 : i32
      %dma_wait3A_45 = arith.constant 0 : i32
      %dma_wait3A_46 = tpu.memref_slice %arg7[%dma_wait3A, %dma_wait3A_45] : memref<128x128xf32, #tpu.memory_space<vmem>> -> memref<120x128xf32, #tpu.memory_space<vmem>>
      %dma_wait3A_47 = arith.constant 0 : i32
      %dma_wait3A_48 = tpu.memref_slice %arg8[%add3A_33, %dma_wait3A_47] : memref<10112x128xf32, #tpu.memory_space<vmem_shared>> -> memref<120x128xf32, #tpu.memory_space<vmem_shared>>
      %dma_wait3A_49 = arith.constant 0 : i32
      %dma_wait3A_50 = arith.constant 0 : i32
      %dma_wait3A_51 = tpu.memref_slice %arg7[%dma_wait3A_49, %dma_wait3A_50] : memref<128x128xf32, #tpu.memory_space<vmem>> -> memref<120x128xf32, #tpu.memory_space<vmem>>
      %dma_wait3A_52 = arith.constant 0 : i32
      %dma_wait3A_53 = tpu.memref_slice %arg8[%add3A_33, %dma_wait3A_52] : memref<10112x128xf32, #tpu.memory_space<vmem_shared>> -> memref<120x128xf32, #tpu.memory_space<vmem_shared>>
      tpu.wait_dma2 semaphore(%run_scoped3A : memref<!tpu.dma_semaphore, #tpu.memory_space<semaphore_mem>>) src(%dma_wait3A_53 : memref<120x128xf32, #tpu.memory_space<vmem_shared>>) dst(%dma_wait3A_51 : memref<120x128xf32, #tpu.memory_space<vmem>>)
      tpu.yield
    }) : () -> ()
    %add3A_34 = arith.constant 512 : i32
    %add3A_35 = arith.addi %mul3A_0, %add3A_34 : i32
    "tpu.region"() ({
      %run_scoped3A = tpu.sem_alloc : memref<!tpu.dma_semaphore, #tpu.memory_space<semaphore_mem>>
      %dma_start3A = arith.constant 0 : i32
      %dma_start3A_36 = arith.constant 0 : i32
      %dma_start3A_37 = tpu.memref_slice %arg7[%dma_start3A, %dma_start3A_36] : memref<128x128xf32, #tpu.memory_space<vmem>> -> memref<120x128xf32, #tpu.memory_space<vmem>>
      %dma_start3A_38 = arith.constant 0 : i32
      %dma_start3A_39 = tpu.memref_slice %arg5[%arg0, %add3A_35, %dma_start3A_38] : memref<2x10112x128xf32, #tpu.memory_space<hbm>> -> memref<1x120x128xf32, #tpu.memory_space<hbm>>
      %dma_start3A_40 = tpu.memref_squeeze %dma_start3A_39 : memref<1x120x128xf32, #tpu.memory_space<hbm>> -> memref<120x128xf32, #tpu.memory_space<hbm>>
      %dma_start3A_41 = arith.constant 0 : i32
      %dma_start3A_42 = tpu.memref_slice %arg5[%arg0, %add3A_35, %dma_start3A_41] : memref<2x10112x128xf32, #tpu.memory_space<hbm>> -> memref<1x120x128xf32, #tpu.memory_space<hbm>>
      %dma_start3A_43 = tpu.memref_squeeze %dma_start3A_42 : memref<1x120x128xf32, #tpu.memory_space<hbm>> -> memref<120x128xf32, #tpu.memory_space<hbm>>
      %dma_start3A_44 = arith.constant 0 : i32
      %dma_start3A_45 = arith.constant 0 : i32
      %dma_start3A_46 = tpu.memref_slice %arg7[%dma_start3A_44, %dma_start3A_45] : memref<128x128xf32, #tpu.memory_space<vmem>> -> memref<120x128xf32, #tpu.memory_space<vmem>>
      tpu.enqueue_dma source(%dma_start3A_46 : memref<120x128xf32, #tpu.memory_space<vmem>>) target(%dma_start3A_43 : memref<120x128xf32, #tpu.memory_space<hbm>>) target_semaphore(%run_scoped3A : memref<!tpu.dma_semaphore, #tpu.memory_space<semaphore_mem>>)
      %dma_wait3A = arith.constant 0 : i32
      %dma_wait3A_47 = arith.constant 0 : i32
      %dma_wait3A_48 = tpu.memref_slice %arg7[%dma_wait3A, %dma_wait3A_47] : memref<128x128xf32, #tpu.memory_space<vmem>> -> memref<120x128xf32, #tpu.memory_space<vmem>>
      %dma_wait3A_49 = arith.constant 0 : i32
      %dma_wait3A_50 = tpu.memref_slice %arg5[%arg0, %add3A_35, %dma_wait3A_49] : memref<2x10112x128xf32, #tpu.memory_space<hbm>> -> memref<1x120x128xf32, #tpu.memory_space<hbm>>
      %dma_wait3A_51 = tpu.memref_squeeze %dma_wait3A_50 : memref<1x120x128xf32, #tpu.memory_space<hbm>> -> memref<120x128xf32, #tpu.memory_space<hbm>>
      %dma_wait3A_52 = arith.constant 0 : i32
      %dma_wait3A_53 = tpu.memref_slice %arg5[%arg0, %add3A_35, %dma_wait3A_52] : memref<2x10112x128xf32, #tpu.memory_space<hbm>> -> memref<1x120x128xf32, #tpu.memory_space<hbm>>
      %dma_wait3A_54 = tpu.memref_squeeze %dma_wait3A_53 : memref<1x120x128xf32, #tpu.memory_space<hbm>> -> memref<120x128xf32, #tpu.memory_space<hbm>>
      %dma_wait3A_55 = arith.constant 0 : i32
      %dma_wait3A_56 = arith.constant 0 : i32
      %dma_wait3A_57 = tpu.memref_slice %arg7[%dma_wait3A_55, %dma_wait3A_56] : memref<128x128xf32, #tpu.memory_space<vmem>> -> memref<120x128xf32, #tpu.memory_space<vmem>>
      tpu.wait_dma2 semaphore(%run_scoped3A : memref<!tpu.dma_semaphore, #tpu.memory_space<semaphore_mem>>) src(%dma_wait3A_57 : memref<120x128xf32, #tpu.memory_space<vmem>>) dst(%dma_wait3A_54 : memref<120x128xf32, #tpu.memory_space<hbm>>)
      tpu.yield
    }) : () -> ()
    return
  }
}

#map = affine_map<(d0, d1) -> (0, 0)>
#map1 = affine_map<(d0, d1) -> (0, 0, 0)>
module attributes {stable_mosaic.version = 14 : i64} {
  func.func @_sc_agg_body(%arg0: i32, %arg1: i32, %arg2: memref<10000x128xf32, #tpu.memory_space<hbm>>, %arg3: memref<16x160x128xi32, #tpu.memory_space<hbm>>, %arg4: memref<16x160x128xi32, #tpu.memory_space<hbm>>, %arg5: memref<10112x128xf32, #tpu.memory_space<hbm>>, %arg6: memref<2x10112x128xf32, #tpu.memory_space<hbm>>, %arg7: memref<8x128xi32, #tpu.memory_space<vmem>>, %arg8: memref<8x128xi32, #tpu.memory_space<vmem>>, %arg9: memref<128x128xf32, #tpu.memory_space<vmem>>, %arg10: memref<128x128xf32, #tpu.memory_space<vmem>>, %arg11: memref<10112x128xf32, #tpu.memory_space<vmem_shared>>, %arg12: memref<!tpu.dma_semaphore, #tpu.memory_space<semaphore_mem>>, %arg13: memref<!tpu.dma_semaphore, #tpu.memory_space<semaphore_mem>>) attributes {dimension_semantics = [#tpu.dimension_semantics<core_parallel>, #tpu.dimension_semantics<subcore_parallel>], iteration_bounds = array<i64: 2, 16>, scalar_prefetch = 0 : i64, scratch_operands = 7 : i64, tpu.core_type = #tpu.core_type<sc_vector_subcore>, window_params = [{transform_indices = #map}, {transform_indices = #map1}, {transform_indices = #map1}, {transform_indices = #map}, {transform_indices = #map1}]} {
    %mul3A = arith.constant 632 : i32
    %mul3A_0 = arith.muli %arg1, %mul3A : i32
    "tpu.region"() ({
      %run_scoped3A = tpu.sem_alloc : memref<!tpu.dma_semaphore, #tpu.memory_space<semaphore_mem>>
      %dma_start3A = arith.constant 0 : i32
      %dma_start3A_38 = arith.constant 0 : i32
      %dma_start3A_39 = tpu.memref_slice %arg5[%dma_start3A, %dma_start3A_38] : memref<10112x128xf32, #tpu.memory_space<hbm>> -> memref<128x128xf32, #tpu.memory_space<hbm>>
      %dma_start3A_40 = arith.constant 0 : i32
      %dma_start3A_41 = arith.constant 0 : i32
      %dma_start3A_42 = tpu.memref_slice %arg5[%dma_start3A_40, %dma_start3A_41] : memref<10112x128xf32, #tpu.memory_space<hbm>> -> memref<128x128xf32, #tpu.memory_space<hbm>>
      tpu.enqueue_dma source(%dma_start3A_42 : memref<128x128xf32, #tpu.memory_space<hbm>>) target(%arg9 : memref<128x128xf32, #tpu.memory_space<vmem>>) target_semaphore(%run_scoped3A : memref<!tpu.dma_semaphore, #tpu.memory_space<semaphore_mem>>)
      %dma_wait3A = arith.constant 0 : i32
      %dma_wait3A_43 = arith.constant 0 : i32
      %dma_wait3A_44 = tpu.memref_slice %arg5[%dma_wait3A, %dma_wait3A_43] : memref<10112x128xf32, #tpu.memory_space<hbm>> -> memref<128x128xf32, #tpu.memory_space<hbm>>
      %dma_wait3A_45 = arith.constant 0 : i32
      %dma_wait3A_46 = arith.constant 0 : i32
      %dma_wait3A_47 = tpu.memref_slice %arg5[%dma_wait3A_45, %dma_wait3A_46] : memref<10112x128xf32, #tpu.memory_space<hbm>> -> memref<128x128xf32, #tpu.memory_space<hbm>>
      tpu.wait_dma2 semaphore(%run_scoped3A : memref<!tpu.dma_semaphore, #tpu.memory_space<semaphore_mem>>) src(%dma_wait3A_47 : memref<128x128xf32, #tpu.memory_space<hbm>>) dst(%arg9 : memref<128x128xf32, #tpu.memory_space<vmem>>)
      tpu.yield
    }) : () -> ()
    %add3A = arith.constant 0 : i32
    %add3A_1 = arith.addi %mul3A_0, %add3A : i32
    "tpu.region"() ({
      %run_scoped3A = tpu.sem_alloc : memref<!tpu.dma_semaphore, #tpu.memory_space<semaphore_mem>>
      %dma_start3A = arith.constant 0 : i32
      %dma_start3A_38 = arith.constant 0 : i32
      %dma_start3A_39 = tpu.memref_slice %arg9[%dma_start3A, %dma_start3A_38] : memref<128x128xf32, #tpu.memory_space<vmem>> -> memref<128x128xf32, #tpu.memory_space<vmem>>
      %dma_start3A_40 = arith.constant 0 : i32
      %dma_start3A_41 = tpu.memref_slice %arg11[%add3A_1, %dma_start3A_40] : memref<10112x128xf32, #tpu.memory_space<vmem_shared>> -> memref<128x128xf32, #tpu.memory_space<vmem_shared>>
      %dma_start3A_42 = arith.constant 0 : i32
      %dma_start3A_43 = tpu.memref_slice %arg11[%add3A_1, %dma_start3A_42] : memref<10112x128xf32, #tpu.memory_space<vmem_shared>> -> memref<128x128xf32, #tpu.memory_space<vmem_shared>>
      %dma_start3A_44 = arith.constant 0 : i32
      %dma_start3A_45 = arith.constant 0 : i32
      %dma_start3A_46 = tpu.memref_slice %arg9[%dma_start3A_44, %dma_start3A_45] : memref<128x128xf32, #tpu.memory_space<vmem>> -> memref<128x128xf32, #tpu.memory_space<vmem>>
      tpu.enqueue_dma source(%dma_start3A_46 : memref<128x128xf32, #tpu.memory_space<vmem>>) target(%dma_start3A_43 : memref<128x128xf32, #tpu.memory_space<vmem_shared>>) target_semaphore(%run_scoped3A : memref<!tpu.dma_semaphore, #tpu.memory_space<semaphore_mem>>)
      %dma_wait3A = arith.constant 0 : i32
      %dma_wait3A_47 = arith.constant 0 : i32
      %dma_wait3A_48 = tpu.memref_slice %arg9[%dma_wait3A, %dma_wait3A_47] : memref<128x128xf32, #tpu.memory_space<vmem>> -> memref<128x128xf32, #tpu.memory_space<vmem>>
      %dma_wait3A_49 = arith.constant 0 : i32
      %dma_wait3A_50 = tpu.memref_slice %arg11[%add3A_1, %dma_wait3A_49] : memref<10112x128xf32, #tpu.memory_space<vmem_shared>> -> memref<128x128xf32, #tpu.memory_space<vmem_shared>>
      %dma_wait3A_51 = arith.constant 0 : i32
      %dma_wait3A_52 = tpu.memref_slice %arg11[%add3A_1, %dma_wait3A_51] : memref<10112x128xf32, #tpu.memory_space<vmem_shared>> -> memref<128x128xf32, #tpu.memory_space<vmem_shared>>
      %dma_wait3A_53 = arith.constant 0 : i32
      %dma_wait3A_54 = arith.constant 0 : i32
      %dma_wait3A_55 = tpu.memref_slice %arg9[%dma_wait3A_53, %dma_wait3A_54] : memref<128x128xf32, #tpu.memory_space<vmem>> -> memref<128x128xf32, #tpu.memory_space<vmem>>
      tpu.wait_dma2 semaphore(%run_scoped3A : memref<!tpu.dma_semaphore, #tpu.memory_space<semaphore_mem>>) src(%dma_wait3A_55 : memref<128x128xf32, #tpu.memory_space<vmem>>) dst(%dma_wait3A_52 : memref<128x128xf32, #tpu.memory_space<vmem_shared>>)
      tpu.yield
    }) : () -> ()
    %add3A_2 = arith.constant 128 : i32
    %add3A_3 = arith.addi %mul3A_0, %add3A_2 : i32
    "tpu.region"() ({
      %run_scoped3A = tpu.sem_alloc : memref<!tpu.dma_semaphore, #tpu.memory_space<semaphore_mem>>
      %dma_start3A = arith.constant 0 : i32
      %dma_start3A_38 = arith.constant 0 : i32
      %dma_start3A_39 = tpu.memref_slice %arg9[%dma_start3A, %dma_start3A_38] : memref<128x128xf32, #tpu.memory_space<vmem>> -> memref<128x128xf32, #tpu.memory_space<vmem>>
      %dma_start3A_40 = arith.constant 0 : i32
      %dma_start3A_41 = tpu.memref_slice %arg11[%add3A_3, %dma_start3A_40] : memref<10112x128xf32, #tpu.memory_space<vmem_shared>> -> memref<128x128xf32, #tpu.memory_space<vmem_shared>>
      %dma_start3A_42 = arith.constant 0 : i32
      %dma_start3A_43 = tpu.memref_slice %arg11[%add3A_3, %dma_start3A_42] : memref<10112x128xf32, #tpu.memory_space<vmem_shared>> -> memref<128x128xf32, #tpu.memory_space<vmem_shared>>
      %dma_start3A_44 = arith.constant 0 : i32
      %dma_start3A_45 = arith.constant 0 : i32
      %dma_start3A_46 = tpu.memref_slice %arg9[%dma_start3A_44, %dma_start3A_45] : memref<128x128xf32, #tpu.memory_space<vmem>> -> memref<128x128xf32, #tpu.memory_space<vmem>>
      tpu.enqueue_dma source(%dma_start3A_46 : memref<128x128xf32, #tpu.memory_space<vmem>>) target(%dma_start3A_43 : memref<128x128xf32, #tpu.memory_space<vmem_shared>>) target_semaphore(%run_scoped3A : memref<!tpu.dma_semaphore, #tpu.memory_space<semaphore_mem>>)
      %dma_wait3A = arith.constant 0 : i32
      %dma_wait3A_47 = arith.constant 0 : i32
      %dma_wait3A_48 = tpu.memref_slice %arg9[%dma_wait3A, %dma_wait3A_47] : memref<128x128xf32, #tpu.memory_space<vmem>> -> memref<128x128xf32, #tpu.memory_space<vmem>>
      %dma_wait3A_49 = arith.constant 0 : i32
      %dma_wait3A_50 = tpu.memref_slice %arg11[%add3A_3, %dma_wait3A_49] : memref<10112x128xf32, #tpu.memory_space<vmem_shared>> -> memref<128x128xf32, #tpu.memory_space<vmem_shared>>
      %dma_wait3A_51 = arith.constant 0 : i32
      %dma_wait3A_52 = tpu.memref_slice %arg11[%add3A_3, %dma_wait3A_51] : memref<10112x128xf32, #tpu.memory_space<vmem_shared>> -> memref<128x128xf32, #tpu.memory_space<vmem_shared>>
      %dma_wait3A_53 = arith.constant 0 : i32
      %dma_wait3A_54 = arith.constant 0 : i32
      %dma_wait3A_55 = tpu.memref_slice %arg9[%dma_wait3A_53, %dma_wait3A_54] : memref<128x128xf32, #tpu.memory_space<vmem>> -> memref<128x128xf32, #tpu.memory_space<vmem>>
      tpu.wait_dma2 semaphore(%run_scoped3A : memref<!tpu.dma_semaphore, #tpu.memory_space<semaphore_mem>>) src(%dma_wait3A_55 : memref<128x128xf32, #tpu.memory_space<vmem>>) dst(%dma_wait3A_52 : memref<128x128xf32, #tpu.memory_space<vmem_shared>>)
      tpu.yield
    }) : () -> ()
    %add3A_4 = arith.constant 256 : i32
    %add3A_5 = arith.addi %mul3A_0, %add3A_4 : i32
    "tpu.region"() ({
      %run_scoped3A = tpu.sem_alloc : memref<!tpu.dma_semaphore, #tpu.memory_space<semaphore_mem>>
      %dma_start3A = arith.constant 0 : i32
      %dma_start3A_38 = arith.constant 0 : i32
      %dma_start3A_39 = tpu.memref_slice %arg9[%dma_start3A, %dma_start3A_38] : memref<128x128xf32, #tpu.memory_space<vmem>> -> memref<128x128xf32, #tpu.memory_space<vmem>>
      %dma_start3A_40 = arith.constant 0 : i32
      %dma_start3A_41 = tpu.memref_slice %arg11[%add3A_5, %dma_start3A_40] : memref<10112x128xf32, #tpu.memory_space<vmem_shared>> -> memref<128x128xf32, #tpu.memory_space<vmem_shared>>
      %dma_start3A_42 = arith.constant 0 : i32
      %dma_start3A_43 = tpu.memref_slice %arg11[%add3A_5, %dma_start3A_42] : memref<10112x128xf32, #tpu.memory_space<vmem_shared>> -> memref<128x128xf32, #tpu.memory_space<vmem_shared>>
      %dma_start3A_44 = arith.constant 0 : i32
      %dma_start3A_45 = arith.constant 0 : i32
      %dma_start3A_46 = tpu.memref_slice %arg9[%dma_start3A_44, %dma_start3A_45] : memref<128x128xf32, #tpu.memory_space<vmem>> -> memref<128x128xf32, #tpu.memory_space<vmem>>
      tpu.enqueue_dma source(%dma_start3A_46 : memref<128x128xf32, #tpu.memory_space<vmem>>) target(%dma_start3A_43 : memref<128x128xf32, #tpu.memory_space<vmem_shared>>) target_semaphore(%run_scoped3A : memref<!tpu.dma_semaphore, #tpu.memory_space<semaphore_mem>>)
      %dma_wait3A = arith.constant 0 : i32
      %dma_wait3A_47 = arith.constant 0 : i32
      %dma_wait3A_48 = tpu.memref_slice %arg9[%dma_wait3A, %dma_wait3A_47] : memref<128x128xf32, #tpu.memory_space<vmem>> -> memref<128x128xf32, #tpu.memory_space<vmem>>
      %dma_wait3A_49 = arith.constant 0 : i32
      %dma_wait3A_50 = tpu.memref_slice %arg11[%add3A_5, %dma_wait3A_49] : memref<10112x128xf32, #tpu.memory_space<vmem_shared>> -> memref<128x128xf32, #tpu.memory_space<vmem_shared>>
      %dma_wait3A_51 = arith.constant 0 : i32
      %dma_wait3A_52 = tpu.memref_slice %arg11[%add3A_5, %dma_wait3A_51] : memref<10112x128xf32, #tpu.memory_space<vmem_shared>> -> memref<128x128xf32, #tpu.memory_space<vmem_shared>>
      %dma_wait3A_53 = arith.constant 0 : i32
      %dma_wait3A_54 = arith.constant 0 : i32
      %dma_wait3A_55 = tpu.memref_slice %arg9[%dma_wait3A_53, %dma_wait3A_54] : memref<128x128xf32, #tpu.memory_space<vmem>> -> memref<128x128xf32, #tpu.memory_space<vmem>>
      tpu.wait_dma2 semaphore(%run_scoped3A : memref<!tpu.dma_semaphore, #tpu.memory_space<semaphore_mem>>) src(%dma_wait3A_55 : memref<128x128xf32, #tpu.memory_space<vmem>>) dst(%dma_wait3A_52 : memref<128x128xf32, #tpu.memory_space<vmem_shared>>)
      tpu.yield
    }) : () -> ()
    %add3A_6 = arith.constant 384 : i32
    %add3A_7 = arith.addi %mul3A_0, %add3A_6 : i32
    "tpu.region"() ({
      %run_scoped3A = tpu.sem_alloc : memref<!tpu.dma_semaphore, #tpu.memory_space<semaphore_mem>>
      %dma_start3A = arith.constant 0 : i32
      %dma_start3A_38 = arith.constant 0 : i32
      %dma_start3A_39 = tpu.memref_slice %arg9[%dma_start3A, %dma_start3A_38] : memref<128x128xf32, #tpu.memory_space<vmem>> -> memref<128x128xf32, #tpu.memory_space<vmem>>
      %dma_start3A_40 = arith.constant 0 : i32
      %dma_start3A_41 = tpu.memref_slice %arg11[%add3A_7, %dma_start3A_40] : memref<10112x128xf32, #tpu.memory_space<vmem_shared>> -> memref<128x128xf32, #tpu.memory_space<vmem_shared>>
      %dma_start3A_42 = arith.constant 0 : i32
      %dma_start3A_43 = tpu.memref_slice %arg11[%add3A_7, %dma_start3A_42] : memref<10112x128xf32, #tpu.memory_space<vmem_shared>> -> memref<128x128xf32, #tpu.memory_space<vmem_shared>>
      %dma_start3A_44 = arith.constant 0 : i32
      %dma_start3A_45 = arith.constant 0 : i32
      %dma_start3A_46 = tpu.memref_slice %arg9[%dma_start3A_44, %dma_start3A_45] : memref<128x128xf32, #tpu.memory_space<vmem>> -> memref<128x128xf32, #tpu.memory_space<vmem>>
      tpu.enqueue_dma source(%dma_start3A_46 : memref<128x128xf32, #tpu.memory_space<vmem>>) target(%dma_start3A_43 : memref<128x128xf32, #tpu.memory_space<vmem_shared>>) target_semaphore(%run_scoped3A : memref<!tpu.dma_semaphore, #tpu.memory_space<semaphore_mem>>)
      %dma_wait3A = arith.constant 0 : i32
      %dma_wait3A_47 = arith.constant 0 : i32
      %dma_wait3A_48 = tpu.memref_slice %arg9[%dma_wait3A, %dma_wait3A_47] : memref<128x128xf32, #tpu.memory_space<vmem>> -> memref<128x128xf32, #tpu.memory_space<vmem>>
      %dma_wait3A_49 = arith.constant 0 : i32
      %dma_wait3A_50 = tpu.memref_slice %arg11[%add3A_7, %dma_wait3A_49] : memref<10112x128xf32, #tpu.memory_space<vmem_shared>> -> memref<128x128xf32, #tpu.memory_space<vmem_shared>>
      %dma_wait3A_51 = arith.constant 0 : i32
      %dma_wait3A_52 = tpu.memref_slice %arg11[%add3A_7, %dma_wait3A_51] : memref<10112x128xf32, #tpu.memory_space<vmem_shared>> -> memref<128x128xf32, #tpu.memory_space<vmem_shared>>
      %dma_wait3A_53 = arith.constant 0 : i32
      %dma_wait3A_54 = arith.constant 0 : i32
      %dma_wait3A_55 = tpu.memref_slice %arg9[%dma_wait3A_53, %dma_wait3A_54] : memref<128x128xf32, #tpu.memory_space<vmem>> -> memref<128x128xf32, #tpu.memory_space<vmem>>
      tpu.wait_dma2 semaphore(%run_scoped3A : memref<!tpu.dma_semaphore, #tpu.memory_space<semaphore_mem>>) src(%dma_wait3A_55 : memref<128x128xf32, #tpu.memory_space<vmem>>) dst(%dma_wait3A_52 : memref<128x128xf32, #tpu.memory_space<vmem_shared>>)
      tpu.yield
    }) : () -> ()
    %add3A_8 = arith.constant 512 : i32
    %add3A_9 = arith.addi %mul3A_0, %add3A_8 : i32
    "tpu.region"() ({
      %run_scoped3A = tpu.sem_alloc : memref<!tpu.dma_semaphore, #tpu.memory_space<semaphore_mem>>
      %dma_start3A = arith.constant 0 : i32
      %dma_start3A_38 = arith.constant 0 : i32
      %dma_start3A_39 = tpu.memref_slice %arg9[%dma_start3A, %dma_start3A_38] : memref<128x128xf32, #tpu.memory_space<vmem>> -> memref<120x128xf32, #tpu.memory_space<vmem>>
      %dma_start3A_40 = arith.constant 0 : i32
      %dma_start3A_41 = tpu.memref_slice %arg11[%add3A_9, %dma_start3A_40] : memref<10112x128xf32, #tpu.memory_space<vmem_shared>> -> memref<120x128xf32, #tpu.memory_space<vmem_shared>>
      %dma_start3A_42 = arith.constant 0 : i32
      %dma_start3A_43 = tpu.memref_slice %arg11[%add3A_9, %dma_start3A_42] : memref<10112x128xf32, #tpu.memory_space<vmem_shared>> -> memref<120x128xf32, #tpu.memory_space<vmem_shared>>
      %dma_start3A_44 = arith.constant 0 : i32
      %dma_start3A_45 = arith.constant 0 : i32
      %dma_start3A_46 = tpu.memref_slice %arg9[%dma_start3A_44, %dma_start3A_45] : memref<128x128xf32, #tpu.memory_space<vmem>> -> memref<120x128xf32, #tpu.memory_space<vmem>>
      tpu.enqueue_dma source(%dma_start3A_46 : memref<120x128xf32, #tpu.memory_space<vmem>>) target(%dma_start3A_43 : memref<120x128xf32, #tpu.memory_space<vmem_shared>>) target_semaphore(%run_scoped3A : memref<!tpu.dma_semaphore, #tpu.memory_space<semaphore_mem>>)
      %dma_wait3A = arith.constant 0 : i32
      %dma_wait3A_47 = arith.constant 0 : i32
      %dma_wait3A_48 = tpu.memref_slice %arg9[%dma_wait3A, %dma_wait3A_47] : memref<128x128xf32, #tpu.memory_space<vmem>> -> memref<120x128xf32, #tpu.memory_space<vmem>>
      %dma_wait3A_49 = arith.constant 0 : i32
      %dma_wait3A_50 = tpu.memref_slice %arg11[%add3A_9, %dma_wait3A_49] : memref<10112x128xf32, #tpu.memory_space<vmem_shared>> -> memref<120x128xf32, #tpu.memory_space<vmem_shared>>
      %dma_wait3A_51 = arith.constant 0 : i32
      %dma_wait3A_52 = tpu.memref_slice %arg11[%add3A_9, %dma_wait3A_51] : memref<10112x128xf32, #tpu.memory_space<vmem_shared>> -> memref<120x128xf32, #tpu.memory_space<vmem_shared>>
      %dma_wait3A_53 = arith.constant 0 : i32
      %dma_wait3A_54 = arith.constant 0 : i32
      %dma_wait3A_55 = tpu.memref_slice %arg9[%dma_wait3A_53, %dma_wait3A_54] : memref<128x128xf32, #tpu.memory_space<vmem>> -> memref<120x128xf32, #tpu.memory_space<vmem>>
      tpu.wait_dma2 semaphore(%run_scoped3A : memref<!tpu.dma_semaphore, #tpu.memory_space<semaphore_mem>>) src(%dma_wait3A_55 : memref<120x128xf32, #tpu.memory_space<vmem>>) dst(%dma_wait3A_52 : memref<120x128xf32, #tpu.memory_space<vmem_shared>>)
      tpu.yield
    }) : () -> ()
    %barrier3A = arith.constant 0 : index
    tpu.barrier barrier_id(%barrier3A)
    %eq3A = arith.constant 0 : i32
    %eq3A_10 = arith.cmpi eq, %arg0, %eq3A : i32
    %convert_element_type3A = arith.extui %eq3A_10 : i1 to i32
    %cond3A = arith.constant 0 : i32
    %cond3A_11 = arith.cmpi ne, %convert_element_type3A, %cond3A : i32
    scf.if %cond3A_11 {
      %scan3A = arith.constant 0 : i32
      %scan3A_38 = arith.constant 0 : i32
      %scan3A_39 = arith.constant 14 : i32
      %scan3A_40 = arith.addi %scan3A_38, %scan3A_39 : i32
      %scan3A_41 = arith.constant 1 : i32
      scf.for %scan3A_43 = %scan3A_38 to %scan3A_40 step %scan3A_41  : i32 {
        %mul3A_44 = arith.constant 8 : i32
        %mul3A_45 = arith.muli %scan3A_43, %mul3A_44 : i32
        %add3A_46 = arith.constant 0 : i32
        %add3A_47 = arith.addi %add3A_46, %mul3A_45 : i32
        "tpu.region"() ({
          %run_scoped3A_165 = tpu.sem_alloc : memref<!tpu.dma_semaphore, #tpu.memory_space<semaphore_mem>>
          %dma_start3A_166 = arith.constant 0 : i32
          %dma_start3A_167 = tpu.memref_slice %arg3[%arg1, %add3A_47, %dma_start3A_166] : memref<16x160x128xi32, #tpu.memory_space<hbm>> -> memref<1x8x128xi32, #tpu.memory_space<hbm>>
          %dma_start3A_168 = tpu.memref_squeeze %dma_start3A_167 : memref<1x8x128xi32, #tpu.memory_space<hbm>> -> memref<8x128xi32, #tpu.memory_space<hbm>>
          %dma_start3A_169 = arith.constant 0 : i32
          %dma_start3A_170 = tpu.memref_slice %arg3[%arg1, %add3A_47, %dma_start3A_169] : memref<16x160x128xi32, #tpu.memory_space<hbm>> -> memref<1x8x128xi32, #tpu.memory_space<hbm>>
          %dma_start3A_171 = tpu.memref_squeeze %dma_start3A_170 : memref<1x8x128xi32, #tpu.memory_space<hbm>> -> memref<8x128xi32, #tpu.memory_space<hbm>>
          tpu.enqueue_dma source(%dma_start3A_171 : memref<8x128xi32, #tpu.memory_space<hbm>>) target(%arg7 : memref<8x128xi32, #tpu.memory_space<vmem>>) target_semaphore(%run_scoped3A_165 : memref<!tpu.dma_semaphore, #tpu.memory_space<semaphore_mem>>)
          %dma_wait3A_172 = arith.constant 0 : i32
          %dma_wait3A_173 = tpu.memref_slice %arg3[%arg1, %add3A_47, %dma_wait3A_172] : memref<16x160x128xi32, #tpu.memory_space<hbm>> -> memref<1x8x128xi32, #tpu.memory_space<hbm>>
          %dma_wait3A_174 = tpu.memref_squeeze %dma_wait3A_173 : memref<1x8x128xi32, #tpu.memory_space<hbm>> -> memref<8x128xi32, #tpu.memory_space<hbm>>
          %dma_wait3A_175 = arith.constant 0 : i32
          %dma_wait3A_176 = tpu.memref_slice %arg3[%arg1, %add3A_47, %dma_wait3A_175] : memref<16x160x128xi32, #tpu.memory_space<hbm>> -> memref<1x8x128xi32, #tpu.memory_space<hbm>>
          %dma_wait3A_177 = tpu.memref_squeeze %dma_wait3A_176 : memref<1x8x128xi32, #tpu.memory_space<hbm>> -> memref<8x128xi32, #tpu.memory_space<hbm>>
          tpu.wait_dma2 semaphore(%run_scoped3A_165 : memref<!tpu.dma_semaphore, #tpu.memory_space<semaphore_mem>>) src(%dma_wait3A_177 : memref<8x128xi32, #tpu.memory_space<hbm>>) dst(%arg7 : memref<8x128xi32, #tpu.memory_space<vmem>>)
          tpu.yield
        }) : () -> ()
        "tpu.region"() ({
          %run_scoped3A_165 = tpu.sem_alloc : memref<!tpu.dma_semaphore, #tpu.memory_space<semaphore_mem>>
          %dma_start3A_166 = arith.constant 0 : i32
          %dma_start3A_167 = tpu.memref_slice %arg4[%arg1, %add3A_47, %dma_start3A_166] : memref<16x160x128xi32, #tpu.memory_space<hbm>> -> memref<1x8x128xi32, #tpu.memory_space<hbm>>
          %dma_start3A_168 = tpu.memref_squeeze %dma_start3A_167 : memref<1x8x128xi32, #tpu.memory_space<hbm>> -> memref<8x128xi32, #tpu.memory_space<hbm>>
          %dma_start3A_169 = arith.constant 0 : i32
          %dma_start3A_170 = tpu.memref_slice %arg4[%arg1, %add3A_47, %dma_start3A_169] : memref<16x160x128xi32, #tpu.memory_space<hbm>> -> memref<1x8x128xi32, #tpu.memory_space<hbm>>
          %dma_start3A_171 = tpu.memref_squeeze %dma_start3A_170 : memref<1x8x128xi32, #tpu.memory_space<hbm>> -> memref<8x128xi32, #tpu.memory_space<hbm>>
          tpu.enqueue_dma source(%dma_start3A_171 : memref<8x128xi32, #tpu.memory_space<hbm>>) target(%arg8 : memref<8x128xi32, #tpu.memory_space<vmem>>) target_semaphore(%run_scoped3A_165 : memref<!tpu.dma_semaphore, #tpu.memory_space<semaphore_mem>>)
          %dma_wait3A_172 = arith.constant 0 : i32
          %dma_wait3A_173 = tpu.memref_slice %arg4[%arg1, %add3A_47, %dma_wait3A_172] : memref<16x160x128xi32, #tpu.memory_space<hbm>> -> memref<1x8x128xi32, #tpu.memory_space<hbm>>
          %dma_wait3A_174 = tpu.memref_squeeze %dma_wait3A_173 : memref<1x8x128xi32, #tpu.memory_space<hbm>> -> memref<8x128xi32, #tpu.memory_space<hbm>>
          %dma_wait3A_175 = arith.constant 0 : i32
          %dma_wait3A_176 = tpu.memref_slice %arg4[%arg1, %add3A_47, %dma_wait3A_175] : memref<16x160x128xi32, #tpu.memory_space<hbm>> -> memref<1x8x128xi32, #tpu.memory_space<hbm>>
          %dma_wait3A_177 = tpu.memref_squeeze %dma_wait3A_176 : memref<1x8x128xi32, #tpu.memory_space<hbm>> -> memref<8x128xi32, #tpu.memory_space<hbm>>
          tpu.wait_dma2 semaphore(%run_scoped3A_165 : memref<!tpu.dma_semaphore, #tpu.memory_space<semaphore_mem>>) src(%dma_wait3A_177 : memref<8x128xi32, #tpu.memory_space<hbm>>) dst(%arg8 : memref<8x128xi32, #tpu.memory_space<vmem>>)
          tpu.yield
        }) : () -> ()
        %dma_start3A = arith.constant 0 : i32
        %dma_start3A_48 = arith.constant 0 : i32
        %dma_start3A_49 = tpu.memref_slice %arg7[%dma_start3A, %dma_start3A_48] : memref<8x128xi32, #tpu.memory_space<vmem>> -> memref<1x128xi32, #tpu.memory_space<vmem>>
        %dma_start3A_50 = tpu.memref_squeeze %dma_start3A_49 : memref<1x128xi32, #tpu.memory_space<vmem>> -> memref<128xi32, #tpu.memory_space<vmem>>
        %dma_start3A_51 = arith.constant 0 : i32
        %dma_start3A_52 = arith.constant 0 : i32
        %dma_start3A_53 = tpu.memref_slice %arg2[%dma_start3A_51, %dma_start3A_52] : memref<10000x128xf32, #tpu.memory_space<hbm>> -> memref<10000x128xf32, #tpu.memory_space<hbm>>
        tpu.enqueue_indirect_dma source(%dma_start3A_53 : memref<10000x128xf32, #tpu.memory_space<hbm>>) target(%arg9 : memref<128x128xf32, #tpu.memory_space<vmem>>) offsets(%dma_start3A_50 : memref<128xi32, #tpu.memory_space<vmem>>) semaphore(%arg12 : memref<!tpu.dma_semaphore, #tpu.memory_space<semaphore_mem>>)
        %dma_start3A_54 = arith.constant 1 : i32
        %dma_start3A_55 = arith.constant 0 : i32
        %dma_start3A_56 = tpu.memref_slice %arg7[%dma_start3A_54, %dma_start3A_55] : memref<8x128xi32, #tpu.memory_space<vmem>> -> memref<1x128xi32, #tpu.memory_space<vmem>>
        %dma_start3A_57 = tpu.memref_squeeze %dma_start3A_56 : memref<1x128xi32, #tpu.memory_space<vmem>> -> memref<128xi32, #tpu.memory_space<vmem>>
        %dma_start3A_58 = arith.constant 0 : i32
        %dma_start3A_59 = arith.constant 0 : i32
        %dma_start3A_60 = tpu.memref_slice %arg2[%dma_start3A_58, %dma_start3A_59] : memref<10000x128xf32, #tpu.memory_space<hbm>> -> memref<10000x128xf32, #tpu.memory_space<hbm>>
        tpu.enqueue_indirect_dma source(%dma_start3A_60 : memref<10000x128xf32, #tpu.memory_space<hbm>>) target(%arg10 : memref<128x128xf32, #tpu.memory_space<vmem>>) offsets(%dma_start3A_57 : memref<128xi32, #tpu.memory_space<vmem>>) semaphore(%arg13 : memref<!tpu.dma_semaphore, #tpu.memory_space<semaphore_mem>>)
        %dma_wait3A = arith.constant 0 : i32
        %dma_wait3A_61 = arith.constant 0 : i32
        %dma_wait3A_62 = tpu.memref_slice %arg7[%dma_wait3A, %dma_wait3A_61] : memref<8x128xi32, #tpu.memory_space<vmem>> -> memref<1x128xi32, #tpu.memory_space<vmem>>
        %dma_wait3A_63 = tpu.memref_squeeze %dma_wait3A_62 : memref<1x128xi32, #tpu.memory_space<vmem>> -> memref<128xi32, #tpu.memory_space<vmem>>
        %dma_wait3A_64 = arith.constant 0 : i32
        %dma_wait3A_65 = arith.constant 0 : i32
        %dma_wait3A_66 = tpu.memref_slice %arg2[%dma_wait3A_64, %dma_wait3A_65] : memref<10000x128xf32, #tpu.memory_space<hbm>> -> memref<10000x128xf32, #tpu.memory_space<hbm>>
        tpu.wait_indirect_dma semaphore(%arg12 : memref<!tpu.dma_semaphore, #tpu.memory_space<semaphore_mem>>) src(%dma_wait3A_66 : memref<10000x128xf32, #tpu.memory_space<hbm>>) dst(%arg9 : memref<128x128xf32, #tpu.memory_space<vmem>>)
        %run_scoped3A = arith.constant 0 : i32
        "tpu.region"() ({
          %run_scoped3A_165 = tpu.sem_alloc : memref<!tpu.dma_semaphore, #tpu.memory_space<semaphore_mem>>
          %dma_start3A_166 = arith.constant 0 : i32
          %dma_start3A_167 = tpu.memref_slice %arg8[%run_scoped3A, %dma_start3A_166] : memref<8x128xi32, #tpu.memory_space<vmem>> -> memref<1x128xi32, #tpu.memory_space<vmem>>
          %dma_start3A_168 = tpu.memref_squeeze %dma_start3A_167 : memref<1x128xi32, #tpu.memory_space<vmem>> -> memref<128xi32, #tpu.memory_space<vmem>>
          %dma_start3A_169 = arith.constant 0 : i32
          %dma_start3A_170 = arith.constant 0 : i32
          %dma_start3A_171 = tpu.memref_slice %arg11[%dma_start3A_169, %dma_start3A_170] : memref<10112x128xf32, #tpu.memory_space<vmem_shared>> -> memref<10112x128xf32, #tpu.memory_space<vmem_shared>>
          tpu.enqueue_indirect_dma source(%arg9 : memref<128x128xf32, #tpu.memory_space<vmem>>) target(%dma_start3A_171 : memref<10112x128xf32, #tpu.memory_space<vmem_shared>>) offsets(%dma_start3A_168 : memref<128xi32, #tpu.memory_space<vmem>>) semaphore(%run_scoped3A_165 : memref<!tpu.dma_semaphore, #tpu.memory_space<semaphore_mem>>) {add = true}
          %dma_wait3A_172 = arith.constant 0 : i32
          %dma_wait3A_173 = tpu.memref_slice %arg8[%run_scoped3A, %dma_wait3A_172] : memref<8x128xi32, #tpu.memory_space<vmem>> -> memref<1x128xi32, #tpu.memory_space<vmem>>
          %dma_wait3A_174 = tpu.memref_squeeze %dma_wait3A_173 : memref<1x128xi32, #tpu.memory_space<vmem>> -> memref<128xi32, #tpu.memory_space<vmem>>
          %dma_wait3A_175 = arith.constant 0 : i32
          %dma_wait3A_176 = arith.constant 0 : i32
          %dma_wait3A_177 = tpu.memref_slice %arg11[%dma_wait3A_175, %dma_wait3A_176] : memref<10112x128xf32, #tpu.memory_space<vmem_shared>> -> memref<10112x128xf32, #tpu.memory_space<vmem_shared>>
          tpu.wait_indirect_dma semaphore(%run_scoped3A_165 : memref<!tpu.dma_semaphore, #tpu.memory_space<semaphore_mem>>) src(%arg9 : memref<128x128xf32, #tpu.memory_space<vmem>>) dst(%dma_wait3A_177 : memref<10112x128xf32, #tpu.memory_space<vmem_shared>>)
          tpu.yield
        }) : () -> ()
        %dma_start3A_67 = arith.constant 2 : i32
        %dma_start3A_68 = arith.constant 0 : i32
        %dma_start3A_69 = tpu.memref_slice %arg7[%dma_start3A_67, %dma_start3A_68] : memref<8x128xi32, #tpu.memory_space<vmem>> -> memref<1x128xi32, #tpu.memory_space<vmem>>
        %dma_start3A_70 = tpu.memref_squeeze %dma_start3A_69 : memref<1x128xi32, #tpu.memory_space<vmem>> -> memref<128xi32, #tpu.memory_space<vmem>>
        %dma_start3A_71 = arith.constant 0 : i32
        %dma_start3A_72 = arith.constant 0 : i32
        %dma_start3A_73 = tpu.memref_slice %arg2[%dma_start3A_71, %dma_start3A_72] : memref<10000x128xf32, #tpu.memory_space<hbm>> -> memref<10000x128xf32, #tpu.memory_space<hbm>>
        tpu.enqueue_indirect_dma source(%dma_start3A_73 : memref<10000x128xf32, #tpu.memory_space<hbm>>) target(%arg9 : memref<128x128xf32, #tpu.memory_space<vmem>>) offsets(%dma_start3A_70 : memref<128xi32, #tpu.memory_space<vmem>>) semaphore(%arg12 : memref<!tpu.dma_semaphore, #tpu.memory_space<semaphore_mem>>)
        %dma_wait3A_74 = arith.constant 1 : i32
        %dma_wait3A_75 = arith.constant 0 : i32
        %dma_wait3A_76 = tpu.memref_slice %arg7[%dma_wait3A_74, %dma_wait3A_75] : memref<8x128xi32, #tpu.memory_space<vmem>> -> memref<1x128xi32, #tpu.memory_space<vmem>>
        %dma_wait3A_77 = tpu.memref_squeeze %dma_wait3A_76 : memref<1x128xi32, #tpu.memory_space<vmem>> -> memref<128xi32, #tpu.memory_space<vmem>>
        %dma_wait3A_78 = arith.constant 0 : i32
        %dma_wait3A_79 = arith.constant 0 : i32
        %dma_wait3A_80 = tpu.memref_slice %arg2[%dma_wait3A_78, %dma_wait3A_79] : memref<10000x128xf32, #tpu.memory_space<hbm>> -> memref<10000x128xf32, #tpu.memory_space<hbm>>
        tpu.wait_indirect_dma semaphore(%arg13 : memref<!tpu.dma_semaphore, #tpu.memory_space<semaphore_mem>>) src(%dma_wait3A_80 : memref<10000x128xf32, #tpu.memory_space<hbm>>) dst(%arg10 : memref<128x128xf32, #tpu.memory_space<vmem>>)
        %run_scoped3A_81 = arith.constant 1 : i32
        "tpu.region"() ({
          %run_scoped3A_165 = tpu.sem_alloc : memref<!tpu.dma_semaphore, #tpu.memory_space<semaphore_mem>>
          %dma_start3A_166 = arith.constant 0 : i32
          %dma_start3A_167 = tpu.memref_slice %arg8[%run_scoped3A_81, %dma_start3A_166] : memref<8x128xi32, #tpu.memory_space<vmem>> -> memref<1x128xi32, #tpu.memory_space<vmem>>
          %dma_start3A_168 = tpu.memref_squeeze %dma_start3A_167 : memref<1x128xi32, #tpu.memory_space<vmem>> -> memref<128xi32, #tpu.memory_space<vmem>>
          %dma_start3A_169 = arith.constant 0 : i32
          %dma_start3A_170 = arith.constant 0 : i32
          %dma_start3A_171 = tpu.memref_slice %arg11[%dma_start3A_169, %dma_start3A_170] : memref<10112x128xf32, #tpu.memory_space<vmem_shared>> -> memref<10112x128xf32, #tpu.memory_space<vmem_shared>>
          tpu.enqueue_indirect_dma source(%arg10 : memref<128x128xf32, #tpu.memory_space<vmem>>) target(%dma_start3A_171 : memref<10112x128xf32, #tpu.memory_space<vmem_shared>>) offsets(%dma_start3A_168 : memref<128xi32, #tpu.memory_space<vmem>>) semaphore(%run_scoped3A_165 : memref<!tpu.dma_semaphore, #tpu.memory_space<semaphore_mem>>) {add = true}
          %dma_wait3A_172 = arith.constant 0 : i32
          %dma_wait3A_173 = tpu.memref_slice %arg8[%run_scoped3A_81, %dma_wait3A_172] : memref<8x128xi32, #tpu.memory_space<vmem>> -> memref<1x128xi32, #tpu.memory_space<vmem>>
          %dma_wait3A_174 = tpu.memref_squeeze %dma_wait3A_173 : memref<1x128xi32, #tpu.memory_space<vmem>> -> memref<128xi32, #tpu.memory_space<vmem>>
          %dma_wait3A_175 = arith.constant 0 : i32
          %dma_wait3A_176 = arith.constant 0 : i32
          %dma_wait3A_177 = tpu.memref_slice %arg11[%dma_wait3A_175, %dma_wait3A_176] : memref<10112x128xf32, #tpu.memory_space<vmem_shared>> -> memref<10112x128xf32, #tpu.memory_space<vmem_shared>>
          tpu.wait_indirect_dma semaphore(%run_scoped3A_165 : memref<!tpu.dma_semaphore, #tpu.memory_space<semaphore_mem>>) src(%arg10 : memref<128x128xf32, #tpu.memory_space<vmem>>) dst(%dma_wait3A_177 : memref<10112x128xf32, #tpu.memory_space<vmem_shared>>)
          tpu.yield
        }) : () -> ()
        %dma_start3A_82 = arith.constant 3 : i32
        %dma_start3A_83 = arith.constant 0 : i32
        %dma_start3A_84 = tpu.memref_slice %arg7[%dma_start3A_82, %dma_start3A_83] : memref<8x128xi32, #tpu.memory_space<vmem>> -> memref<1x128xi32, #tpu.memory_space<vmem>>
        %dma_start3A_85 = tpu.memref_squeeze %dma_start3A_84 : memref<1x128xi32, #tpu.memory_space<vmem>> -> memref<128xi32, #tpu.memory_space<vmem>>
        %dma_start3A_86 = arith.constant 0 : i32
        %dma_start3A_87 = arith.constant 0 : i32
        %dma_start3A_88 = tpu.memref_slice %arg2[%dma_start3A_86, %dma_start3A_87] : memref<10000x128xf32, #tpu.memory_space<hbm>> -> memref<10000x128xf32, #tpu.memory_space<hbm>>
        tpu.enqueue_indirect_dma source(%dma_start3A_88 : memref<10000x128xf32, #tpu.memory_space<hbm>>) target(%arg10 : memref<128x128xf32, #tpu.memory_space<vmem>>) offsets(%dma_start3A_85 : memref<128xi32, #tpu.memory_space<vmem>>) semaphore(%arg13 : memref<!tpu.dma_semaphore, #tpu.memory_space<semaphore_mem>>)
        %dma_wait3A_89 = arith.constant 2 : i32
        %dma_wait3A_90 = arith.constant 0 : i32
        %dma_wait3A_91 = tpu.memref_slice %arg7[%dma_wait3A_89, %dma_wait3A_90] : memref<8x128xi32, #tpu.memory_space<vmem>> -> memref<1x128xi32, #tpu.memory_space<vmem>>
        %dma_wait3A_92 = tpu.memref_squeeze %dma_wait3A_91 : memref<1x128xi32, #tpu.memory_space<vmem>> -> memref<128xi32, #tpu.memory_space<vmem>>
        %dma_wait3A_93 = arith.constant 0 : i32
        %dma_wait3A_94 = arith.constant 0 : i32
        %dma_wait3A_95 = tpu.memref_slice %arg2[%dma_wait3A_93, %dma_wait3A_94] : memref<10000x128xf32, #tpu.memory_space<hbm>> -> memref<10000x128xf32, #tpu.memory_space<hbm>>
        tpu.wait_indirect_dma semaphore(%arg12 : memref<!tpu.dma_semaphore, #tpu.memory_space<semaphore_mem>>) src(%dma_wait3A_95 : memref<10000x128xf32, #tpu.memory_space<hbm>>) dst(%arg9 : memref<128x128xf32, #tpu.memory_space<vmem>>)
        %run_scoped3A_96 = arith.constant 2 : i32
        "tpu.region"() ({
          %run_scoped3A_165 = tpu.sem_alloc : memref<!tpu.dma_semaphore, #tpu.memory_space<semaphore_mem>>
          %dma_start3A_166 = arith.constant 0 : i32
          %dma_start3A_167 = tpu.memref_slice %arg8[%run_scoped3A_96, %dma_start3A_166] : memref<8x128xi32, #tpu.memory_space<vmem>> -> memref<1x128xi32, #tpu.memory_space<vmem>>
          %dma_start3A_168 = tpu.memref_squeeze %dma_start3A_167 : memref<1x128xi32, #tpu.memory_space<vmem>> -> memref<128xi32, #tpu.memory_space<vmem>>
          %dma_start3A_169 = arith.constant 0 : i32
          %dma_start3A_170 = arith.constant 0 : i32
          %dma_start3A_171 = tpu.memref_slice %arg11[%dma_start3A_169, %dma_start3A_170] : memref<10112x128xf32, #tpu.memory_space<vmem_shared>> -> memref<10112x128xf32, #tpu.memory_space<vmem_shared>>
          tpu.enqueue_indirect_dma source(%arg9 : memref<128x128xf32, #tpu.memory_space<vmem>>) target(%dma_start3A_171 : memref<10112x128xf32, #tpu.memory_space<vmem_shared>>) offsets(%dma_start3A_168 : memref<128xi32, #tpu.memory_space<vmem>>) semaphore(%run_scoped3A_165 : memref<!tpu.dma_semaphore, #tpu.memory_space<semaphore_mem>>) {add = true}
          %dma_wait3A_172 = arith.constant 0 : i32
          %dma_wait3A_173 = tpu.memref_slice %arg8[%run_scoped3A_96, %dma_wait3A_172] : memref<8x128xi32, #tpu.memory_space<vmem>> -> memref<1x128xi32, #tpu.memory_space<vmem>>
          %dma_wait3A_174 = tpu.memref_squeeze %dma_wait3A_173 : memref<1x128xi32, #tpu.memory_space<vmem>> -> memref<128xi32, #tpu.memory_space<vmem>>
          %dma_wait3A_175 = arith.constant 0 : i32
          %dma_wait3A_176 = arith.constant 0 : i32
          %dma_wait3A_177 = tpu.memref_slice %arg11[%dma_wait3A_175, %dma_wait3A_176] : memref<10112x128xf32, #tpu.memory_space<vmem_shared>> -> memref<10112x128xf32, #tpu.memory_space<vmem_shared>>
          tpu.wait_indirect_dma semaphore(%run_scoped3A_165 : memref<!tpu.dma_semaphore, #tpu.memory_space<semaphore_mem>>) src(%arg9 : memref<128x128xf32, #tpu.memory_space<vmem>>) dst(%dma_wait3A_177 : memref<10112x128xf32, #tpu.memory_space<vmem_shared>>)
          tpu.yield
        }) : () -> ()
        %dma_start3A_97 = arith.constant 4 : i32
        %dma_start3A_98 = arith.constant 0 : i32
        %dma_start3A_99 = tpu.memref_slice %arg7[%dma_start3A_97, %dma_start3A_98] : memref<8x128xi32, #tpu.memory_space<vmem>> -> memref<1x128xi32, #tpu.memory_space<vmem>>
        %dma_start3A_100 = tpu.memref_squeeze %dma_start3A_99 : memref<1x128xi32, #tpu.memory_space<vmem>> -> memref<128xi32, #tpu.memory_space<vmem>>
        %dma_start3A_101 = arith.constant 0 : i32
        %dma_start3A_102 = arith.constant 0 : i32
        %dma_start3A_103 = tpu.memref_slice %arg2[%dma_start3A_101, %dma_start3A_102] : memref<10000x128xf32, #tpu.memory_space<hbm>> -> memref<10000x128xf32, #tpu.memory_space<hbm>>
        tpu.enqueue_indirect_dma source(%dma_start3A_103 : memref<10000x128xf32, #tpu.memory_space<hbm>>) target(%arg9 : memref<128x128xf32, #tpu.memory_space<vmem>>) offsets(%dma_start3A_100 : memref<128xi32, #tpu.memory_space<vmem>>) semaphore(%arg12 : memref<!tpu.dma_semaphore, #tpu.memory_space<semaphore_mem>>)
        %dma_wait3A_104 = arith.constant 3 : i32
        %dma_wait3A_105 = arith.constant 0 : i32
        %dma_wait3A_106 = tpu.memref_slice %arg7[%dma_wait3A_104, %dma_wait3A_105] : memref<8x128xi32, #tpu.memory_space<vmem>> -> memref<1x128xi32, #tpu.memory_space<vmem>>
        %dma_wait3A_107 = tpu.memref_squeeze %dma_wait3A_106 : memref<1x128xi32, #tpu.memory_space<vmem>> -> memref<128xi32, #tpu.memory_space<vmem>>
        %dma_wait3A_108 = arith.constant 0 : i32
        %dma_wait3A_109 = arith.constant 0 : i32
        %dma_wait3A_110 = tpu.memref_slice %arg2[%dma_wait3A_108, %dma_wait3A_109] : memref<10000x128xf32, #tpu.memory_space<hbm>> -> memref<10000x128xf32, #tpu.memory_space<hbm>>
        tpu.wait_indirect_dma semaphore(%arg13 : memref<!tpu.dma_semaphore, #tpu.memory_space<semaphore_mem>>) src(%dma_wait3A_110 : memref<10000x128xf32, #tpu.memory_space<hbm>>) dst(%arg10 : memref<128x128xf32, #tpu.memory_space<vmem>>)
        %run_scoped3A_111 = arith.constant 3 : i32
        "tpu.region"() ({
          %run_scoped3A_165 = tpu.sem_alloc : memref<!tpu.dma_semaphore, #tpu.memory_space<semaphore_mem>>
          %dma_start3A_166 = arith.constant 0 : i32
          %dma_start3A_167 = tpu.memref_slice %arg8[%run_scoped3A_111, %dma_start3A_166] : memref<8x128xi32, #tpu.memory_space<vmem>> -> memref<1x128xi32, #tpu.memory_space<vmem>>
          %dma_start3A_168 = tpu.memref_squeeze %dma_start3A_167 : memref<1x128xi32, #tpu.memory_space<vmem>> -> memref<128xi32, #tpu.memory_space<vmem>>
          %dma_start3A_169 = arith.constant 0 : i32
          %dma_start3A_170 = arith.constant 0 : i32
          %dma_start3A_171 = tpu.memref_slice %arg11[%dma_start3A_169, %dma_start3A_170] : memref<10112x128xf32, #tpu.memory_space<vmem_shared>> -> memref<10112x128xf32, #tpu.memory_space<vmem_shared>>
          tpu.enqueue_indirect_dma source(%arg10 : memref<128x128xf32, #tpu.memory_space<vmem>>) target(%dma_start3A_171 : memref<10112x128xf32, #tpu.memory_space<vmem_shared>>) offsets(%dma_start3A_168 : memref<128xi32, #tpu.memory_space<vmem>>) semaphore(%run_scoped3A_165 : memref<!tpu.dma_semaphore, #tpu.memory_space<semaphore_mem>>) {add = true}
          %dma_wait3A_172 = arith.constant 0 : i32
          %dma_wait3A_173 = tpu.memref_slice %arg8[%run_scoped3A_111, %dma_wait3A_172] : memref<8x128xi32, #tpu.memory_space<vmem>> -> memref<1x128xi32, #tpu.memory_space<vmem>>
          %dma_wait3A_174 = tpu.memref_squeeze %dma_wait3A_173 : memref<1x128xi32, #tpu.memory_space<vmem>> -> memref<128xi32, #tpu.memory_space<vmem>>
          %dma_wait3A_175 = arith.constant 0 : i32
          %dma_wait3A_176 = arith.constant 0 : i32
          %dma_wait3A_177 = tpu.memref_slice %arg11[%dma_wait3A_175, %dma_wait3A_176] : memref<10112x128xf32, #tpu.memory_space<vmem_shared>> -> memref<10112x128xf32, #tpu.memory_space<vmem_shared>>
          tpu.wait_indirect_dma semaphore(%run_scoped3A_165 : memref<!tpu.dma_semaphore, #tpu.memory_space<semaphore_mem>>) src(%arg10 : memref<128x128xf32, #tpu.memory_space<vmem>>) dst(%dma_wait3A_177 : memref<10112x128xf32, #tpu.memory_space<vmem_shared>>)
          tpu.yield
        }) : () -> ()
        %dma_start3A_112 = arith.constant 5 : i32
        %dma_start3A_113 = arith.constant 0 : i32
        %dma_start3A_114 = tpu.memref_slice %arg7[%dma_start3A_112, %dma_start3A_113] : memref<8x128xi32, #tpu.memory_space<vmem>> -> memref<1x128xi32, #tpu.memory_space<vmem>>
        %dma_start3A_115 = tpu.memref_squeeze %dma_start3A_114 : memref<1x128xi32, #tpu.memory_space<vmem>> -> memref<128xi32, #tpu.memory_space<vmem>>
        %dma_start3A_116 = arith.constant 0 : i32
        %dma_start3A_117 = arith.constant 0 : i32
        %dma_start3A_118 = tpu.memref_slice %arg2[%dma_start3A_116, %dma_start3A_117] : memref<10000x128xf32, #tpu.memory_space<hbm>> -> memref<10000x128xf32, #tpu.memory_space<hbm>>
        tpu.enqueue_indirect_dma source(%dma_start3A_118 : memref<10000x128xf32, #tpu.memory_space<hbm>>) target(%arg10 : memref<128x128xf32, #tpu.memory_space<vmem>>) offsets(%dma_start3A_115 : memref<128xi32, #tpu.memory_space<vmem>>) semaphore(%arg13 : memref<!tpu.dma_semaphore, #tpu.memory_space<semaphore_mem>>)
        %dma_wait3A_119 = arith.constant 4 : i32
        %dma_wait3A_120 = arith.constant 0 : i32
        %dma_wait3A_121 = tpu.memref_slice %arg7[%dma_wait3A_119, %dma_wait3A_120] : memref<8x128xi32, #tpu.memory_space<vmem>> -> memref<1x128xi32, #tpu.memory_space<vmem>>
        %dma_wait3A_122 = tpu.memref_squeeze %dma_wait3A_121 : memref<1x128xi32, #tpu.memory_space<vmem>> -> memref<128xi32, #tpu.memory_space<vmem>>
        %dma_wait3A_123 = arith.constant 0 : i32
        %dma_wait3A_124 = arith.constant 0 : i32
        %dma_wait3A_125 = tpu.memref_slice %arg2[%dma_wait3A_123, %dma_wait3A_124] : memref<10000x128xf32, #tpu.memory_space<hbm>> -> memref<10000x128xf32, #tpu.memory_space<hbm>>
        tpu.wait_indirect_dma semaphore(%arg12 : memref<!tpu.dma_semaphore, #tpu.memory_space<semaphore_mem>>) src(%dma_wait3A_125 : memref<10000x128xf32, #tpu.memory_space<hbm>>) dst(%arg9 : memref<128x128xf32, #tpu.memory_space<vmem>>)
        %run_scoped3A_126 = arith.constant 4 : i32
        "tpu.region"() ({
          %run_scoped3A_165 = tpu.sem_alloc : memref<!tpu.dma_semaphore, #tpu.memory_space<semaphore_mem>>
          %dma_start3A_166 = arith.constant 0 : i32
          %dma_start3A_167 = tpu.memref_slice %arg8[%run_scoped3A_126, %dma_start3A_166] : memref<8x128xi32, #tpu.memory_space<vmem>> -> memref<1x128xi32, #tpu.memory_space<vmem>>
          %dma_start3A_168 = tpu.memref_squeeze %dma_start3A_167 : memref<1x128xi32, #tpu.memory_space<vmem>> -> memref<128xi32, #tpu.memory_space<vmem>>
          %dma_start3A_169 = arith.constant 0 : i32
          %dma_start3A_170 = arith.constant 0 : i32
          %dma_start3A_171 = tpu.memref_slice %arg11[%dma_start3A_169, %dma_start3A_170] : memref<10112x128xf32, #tpu.memory_space<vmem_shared>> -> memref<10112x128xf32, #tpu.memory_space<vmem_shared>>
          tpu.enqueue_indirect_dma source(%arg9 : memref<128x128xf32, #tpu.memory_space<vmem>>) target(%dma_start3A_171 : memref<10112x128xf32, #tpu.memory_space<vmem_shared>>) offsets(%dma_start3A_168 : memref<128xi32, #tpu.memory_space<vmem>>) semaphore(%run_scoped3A_165 : memref<!tpu.dma_semaphore, #tpu.memory_space<semaphore_mem>>) {add = true}
          %dma_wait3A_172 = arith.constant 0 : i32
          %dma_wait3A_173 = tpu.memref_slice %arg8[%run_scoped3A_126, %dma_wait3A_172] : memref<8x128xi32, #tpu.memory_space<vmem>> -> memref<1x128xi32, #tpu.memory_space<vmem>>
          %dma_wait3A_174 = tpu.memref_squeeze %dma_wait3A_173 : memref<1x128xi32, #tpu.memory_space<vmem>> -> memref<128xi32, #tpu.memory_space<vmem>>
          %dma_wait3A_175 = arith.constant 0 : i32
          %dma_wait3A_176 = arith.constant 0 : i32
          %dma_wait3A_177 = tpu.memref_slice %arg11[%dma_wait3A_175, %dma_wait3A_176] : memref<10112x128xf32, #tpu.memory_space<vmem_shared>> -> memref<10112x128xf32, #tpu.memory_space<vmem_shared>>
          tpu.wait_indirect_dma semaphore(%run_scoped3A_165 : memref<!tpu.dma_semaphore, #tpu.memory_space<semaphore_mem>>) src(%arg9 : memref<128x128xf32, #tpu.memory_space<vmem>>) dst(%dma_wait3A_177 : memref<10112x128xf32, #tpu.memory_space<vmem_shared>>)
          tpu.yield
        }) : () -> ()
        %dma_start3A_127 = arith.constant 6 : i32
        %dma_start3A_128 = arith.constant 0 : i32
        %dma_start3A_129 = tpu.memref_slice %arg7[%dma_start3A_127, %dma_start3A_128] : memref<8x128xi32, #tpu.memory_space<vmem>> -> memref<1x128xi32, #tpu.memory_space<vmem>>
        %dma_start3A_130 = tpu.memref_squeeze %dma_start3A_129 : memref<1x128xi32, #tpu.memory_space<vmem>> -> memref<128xi32, #tpu.memory_space<vmem>>
        %dma_start3A_131 = arith.constant 0 : i32
        %dma_start3A_132 = arith.constant 0 : i32
        %dma_start3A_133 = tpu.memref_slice %arg2[%dma_start3A_131, %dma_start3A_132] : memref<10000x128xf32, #tpu.memory_space<hbm>> -> memref<10000x128xf32, #tpu.memory_space<hbm>>
        tpu.enqueue_indirect_dma source(%dma_start3A_133 : memref<10000x128xf32, #tpu.memory_space<hbm>>) target(%arg9 : memref<128x128xf32, #tpu.memory_space<vmem>>) offsets(%dma_start3A_130 : memref<128xi32, #tpu.memory_space<vmem>>) semaphore(%arg12 : memref<!tpu.dma_semaphore, #tpu.memory_space<semaphore_mem>>)
        %dma_wait3A_134 = arith.constant 5 : i32
        %dma_wait3A_135 = arith.constant 0 : i32
        %dma_wait3A_136 = tpu.memref_slice %arg7[%dma_wait3A_134, %dma_wait3A_135] : memref<8x128xi32, #tpu.memory_space<vmem>> -> memref<1x128xi32, #tpu.memory_space<vmem>>
        %dma_wait3A_137 = tpu.memref_squeeze %dma_wait3A_136 : memref<1x128xi32, #tpu.memory_space<vmem>> -> memref<128xi32, #tpu.memory_space<vmem>>
        %dma_wait3A_138 = arith.constant 0 : i32
        %dma_wait3A_139 = arith.constant 0 : i32
        %dma_wait3A_140 = tpu.memref_slice %arg2[%dma_wait3A_138, %dma_wait3A_139] : memref<10000x128xf32, #tpu.memory_space<hbm>> -> memref<10000x128xf32, #tpu.memory_space<hbm>>
        tpu.wait_indirect_dma semaphore(%arg13 : memref<!tpu.dma_semaphore, #tpu.memory_space<semaphore_mem>>) src(%dma_wait3A_140 : memref<10000x128xf32, #tpu.memory_space<hbm>>) dst(%arg10 : memref<128x128xf32, #tpu.memory_space<vmem>>)
        %run_scoped3A_141 = arith.constant 5 : i32
        "tpu.region"() ({
          %run_scoped3A_165 = tpu.sem_alloc : memref<!tpu.dma_semaphore, #tpu.memory_space<semaphore_mem>>
          %dma_start3A_166 = arith.constant 0 : i32
          %dma_start3A_167 = tpu.memref_slice %arg8[%run_scoped3A_141, %dma_start3A_166] : memref<8x128xi32, #tpu.memory_space<vmem>> -> memref<1x128xi32, #tpu.memory_space<vmem>>
          %dma_start3A_168 = tpu.memref_squeeze %dma_start3A_167 : memref<1x128xi32, #tpu.memory_space<vmem>> -> memref<128xi32, #tpu.memory_space<vmem>>
          %dma_start3A_169 = arith.constant 0 : i32
          %dma_start3A_170 = arith.constant 0 : i32
          %dma_start3A_171 = tpu.memref_slice %arg11[%dma_start3A_169, %dma_start3A_170] : memref<10112x128xf32, #tpu.memory_space<vmem_shared>> -> memref<10112x128xf32, #tpu.memory_space<vmem_shared>>
          tpu.enqueue_indirect_dma source(%arg10 : memref<128x128xf32, #tpu.memory_space<vmem>>) target(%dma_start3A_171 : memref<10112x128xf32, #tpu.memory_space<vmem_shared>>) offsets(%dma_start3A_168 : memref<128xi32, #tpu.memory_space<vmem>>) semaphore(%run_scoped3A_165 : memref<!tpu.dma_semaphore, #tpu.memory_space<semaphore_mem>>) {add = true}
          %dma_wait3A_172 = arith.constant 0 : i32
          %dma_wait3A_173 = tpu.memref_slice %arg8[%run_scoped3A_141, %dma_wait3A_172] : memref<8x128xi32, #tpu.memory_space<vmem>> -> memref<1x128xi32, #tpu.memory_space<vmem>>
          %dma_wait3A_174 = tpu.memref_squeeze %dma_wait3A_173 : memref<1x128xi32, #tpu.memory_space<vmem>> -> memref<128xi32, #tpu.memory_space<vmem>>
          %dma_wait3A_175 = arith.constant 0 : i32
          %dma_wait3A_176 = arith.constant 0 : i32
          %dma_wait3A_177 = tpu.memref_slice %arg11[%dma_wait3A_175, %dma_wait3A_176] : memref<10112x128xf32, #tpu.memory_space<vmem_shared>> -> memref<10112x128xf32, #tpu.memory_space<vmem_shared>>
          tpu.wait_indirect_dma semaphore(%run_scoped3A_165 : memref<!tpu.dma_semaphore, #tpu.memory_space<semaphore_mem>>) src(%arg10 : memref<128x128xf32, #tpu.memory_space<vmem>>) dst(%dma_wait3A_177 : memref<10112x128xf32, #tpu.memory_space<vmem_shared>>)
          tpu.yield
        }) : () -> ()
        %dma_start3A_142 = arith.constant 7 : i32
        %dma_start3A_143 = arith.constant 0 : i32
        %dma_start3A_144 = tpu.memref_slice %arg7[%dma_start3A_142, %dma_start3A_143] : memref<8x128xi32, #tpu.memory_space<vmem>> -> memref<1x128xi32, #tpu.memory_space<vmem>>
        %dma_start3A_145 = tpu.memref_squeeze %dma_start3A_144 : memref<1x128xi32, #tpu.memory_space<vmem>> -> memref<128xi32, #tpu.memory_space<vmem>>
        %dma_start3A_146 = arith.constant 0 : i32
        %dma_start3A_147 = arith.constant 0 : i32
        %dma_start3A_148 = tpu.memref_slice %arg2[%dma_start3A_146, %dma_start3A_147] : memref<10000x128xf32, #tpu.memory_space<hbm>> -> memref<10000x128xf32, #tpu.memory_space<hbm>>
        tpu.enqueue_indirect_dma source(%dma_start3A_148 : memref<10000x128xf32, #tpu.memory_space<hbm>>) target(%arg10 : memref<128x128xf32, #tpu.memory_space<vmem>>) offsets(%dma_start3A_145 : memref<128xi32, #tpu.memory_space<vmem>>) semaphore(%arg13 : memref<!tpu.dma_semaphore, #tpu.memory_space<semaphore_mem>>)
        %dma_wait3A_149 = arith.constant 6 : i32
        %dma_wait3A_150 = arith.constant 0 : i32
        %dma_wait3A_151 = tpu.memref_slice %arg7[%dma_wait3A_149, %dma_wait3A_150] : memref<8x128xi32, #tpu.memory_space<vmem>> -> memref<1x128xi32, #tpu.memory_space<vmem>>
        %dma_wait3A_152 = tpu.memref_squeeze %dma_wait3A_151 : memref<1x128xi32, #tpu.memory_space<vmem>> -> memref<128xi32, #tpu.memory_space<vmem>>
        %dma_wait3A_153 = arith.constant 0 : i32
        %dma_wait3A_154 = arith.constant 0 : i32
        %dma_wait3A_155 = tpu.memref_slice %arg2[%dma_wait3A_153, %dma_wait3A_154] : memref<10000x128xf32, #tpu.memory_space<hbm>> -> memref<10000x128xf32, #tpu.memory_space<hbm>>
        tpu.wait_indirect_dma semaphore(%arg12 : memref<!tpu.dma_semaphore, #tpu.memory_space<semaphore_mem>>) src(%dma_wait3A_155 : memref<10000x128xf32, #tpu.memory_space<hbm>>) dst(%arg9 : memref<128x128xf32, #tpu.memory_space<vmem>>)
        %run_scoped3A_156 = arith.constant 6 : i32
        "tpu.region"() ({
          %run_scoped3A_165 = tpu.sem_alloc : memref<!tpu.dma_semaphore, #tpu.memory_space<semaphore_mem>>
          %dma_start3A_166 = arith.constant 0 : i32
          %dma_start3A_167 = tpu.memref_slice %arg8[%run_scoped3A_156, %dma_start3A_166] : memref<8x128xi32, #tpu.memory_space<vmem>> -> memref<1x128xi32, #tpu.memory_space<vmem>>
          %dma_start3A_168 = tpu.memref_squeeze %dma_start3A_167 : memref<1x128xi32, #tpu.memory_space<vmem>> -> memref<128xi32, #tpu.memory_space<vmem>>
          %dma_start3A_169 = arith.constant 0 : i32
          %dma_start3A_170 = arith.constant 0 : i32
          %dma_start3A_171 = tpu.memref_slice %arg11[%dma_start3A_169, %dma_start3A_170] : memref<10112x128xf32, #tpu.memory_space<vmem_shared>> -> memref<10112x128xf32, #tpu.memory_space<vmem_shared>>
          tpu.enqueue_indirect_dma source(%arg9 : memref<128x128xf32, #tpu.memory_space<vmem>>) target(%dma_start3A_171 : memref<10112x128xf32, #tpu.memory_space<vmem_shared>>) offsets(%dma_start3A_168 : memref<128xi32, #tpu.memory_space<vmem>>) semaphore(%run_scoped3A_165 : memref<!tpu.dma_semaphore, #tpu.memory_space<semaphore_mem>>) {add = true}
          %dma_wait3A_172 = arith.constant 0 : i32
          %dma_wait3A_173 = tpu.memref_slice %arg8[%run_scoped3A_156, %dma_wait3A_172] : memref<8x128xi32, #tpu.memory_space<vmem>> -> memref<1x128xi32, #tpu.memory_space<vmem>>
          %dma_wait3A_174 = tpu.memref_squeeze %dma_wait3A_173 : memref<1x128xi32, #tpu.memory_space<vmem>> -> memref<128xi32, #tpu.memory_space<vmem>>
          %dma_wait3A_175 = arith.constant 0 : i32
          %dma_wait3A_176 = arith.constant 0 : i32
          %dma_wait3A_177 = tpu.memref_slice %arg11[%dma_wait3A_175, %dma_wait3A_176] : memref<10112x128xf32, #tpu.memory_space<vmem_shared>> -> memref<10112x128xf32, #tpu.memory_space<vmem_shared>>
          tpu.wait_indirect_dma semaphore(%run_scoped3A_165 : memref<!tpu.dma_semaphore, #tpu.memory_space<semaphore_mem>>) src(%arg9 : memref<128x128xf32, #tpu.memory_space<vmem>>) dst(%dma_wait3A_177 : memref<10112x128xf32, #tpu.memory_space<vmem_shared>>)
          tpu.yield
        }) : () -> ()
        %dma_wait3A_157 = arith.constant 7 : i32
        %dma_wait3A_158 = arith.constant 0 : i32
        %dma_wait3A_159 = tpu.memref_slice %arg7[%dma_wait3A_157, %dma_wait3A_158] : memref<8x128xi32, #tpu.memory_space<vmem>> -> memref<1x128xi32, #tpu.memory_space<vmem>>
        %dma_wait3A_160 = tpu.memref_squeeze %dma_wait3A_159 : memref<1x128xi32, #tpu.memory_space<vmem>> -> memref<128xi32, #tpu.memory_space<vmem>>
        %dma_wait3A_161 = arith.constant 0 : i32
        %dma_wait3A_162 = arith.constant 0 : i32
        %dma_wait3A_163 = tpu.memref_slice %arg2[%dma_wait3A_161, %dma_wait3A_162] : memref<10000x128xf32, #tpu.memory_space<hbm>> -> memref<10000x128xf32, #tpu.memory_space<hbm>>
        tpu.wait_indirect_dma semaphore(%arg13 : memref<!tpu.dma_semaphore, #tpu.memory_space<semaphore_mem>>) src(%dma_wait3A_163 : memref<10000x128xf32, #tpu.memory_space<hbm>>) dst(%arg10 : memref<128x128xf32, #tpu.memory_space<vmem>>)
        %run_scoped3A_164 = arith.constant 7 : i32
        "tpu.region"() ({
          %run_scoped3A_165 = tpu.sem_alloc : memref<!tpu.dma_semaphore, #tpu.memory_space<semaphore_mem>>
          %dma_start3A_166 = arith.constant 0 : i32
          %dma_start3A_167 = tpu.memref_slice %arg8[%run_scoped3A_164, %dma_start3A_166] : memref<8x128xi32, #tpu.memory_space<vmem>> -> memref<1x128xi32, #tpu.memory_space<vmem>>
          %dma_start3A_168 = tpu.memref_squeeze %dma_start3A_167 : memref<1x128xi32, #tpu.memory_space<vmem>> -> memref<128xi32, #tpu.memory_space<vmem>>
          %dma_start3A_169 = arith.constant 0 : i32
          %dma_start3A_170 = arith.constant 0 : i32
          %dma_start3A_171 = tpu.memref_slice %arg11[%dma_start3A_169, %dma_start3A_170] : memref<10112x128xf32, #tpu.memory_space<vmem_shared>> -> memref<10112x128xf32, #tpu.memory_space<vmem_shared>>
          tpu.enqueue_indirect_dma source(%arg10 : memref<128x128xf32, #tpu.memory_space<vmem>>) target(%dma_start3A_171 : memref<10112x128xf32, #tpu.memory_space<vmem_shared>>) offsets(%dma_start3A_168 : memref<128xi32, #tpu.memory_space<vmem>>) semaphore(%run_scoped3A_165 : memref<!tpu.dma_semaphore, #tpu.memory_space<semaphore_mem>>) {add = true}
          %dma_wait3A_172 = arith.constant 0 : i32
          %dma_wait3A_173 = tpu.memref_slice %arg8[%run_scoped3A_164, %dma_wait3A_172] : memref<8x128xi32, #tpu.memory_space<vmem>> -> memref<1x128xi32, #tpu.memory_space<vmem>>
          %dma_wait3A_174 = tpu.memref_squeeze %dma_wait3A_173 : memref<1x128xi32, #tpu.memory_space<vmem>> -> memref<128xi32, #tpu.memory_space<vmem>>
          %dma_wait3A_175 = arith.constant 0 : i32
          %dma_wait3A_176 = arith.constant 0 : i32
          %dma_wait3A_177 = tpu.memref_slice %arg11[%dma_wait3A_175, %dma_wait3A_176] : memref<10112x128xf32, #tpu.memory_space<vmem_shared>> -> memref<10112x128xf32, #tpu.memory_space<vmem_shared>>
          tpu.wait_indirect_dma semaphore(%run_scoped3A_165 : memref<!tpu.dma_semaphore, #tpu.memory_space<semaphore_mem>>) src(%arg10 : memref<128x128xf32, #tpu.memory_space<vmem>>) dst(%dma_wait3A_177 : memref<10112x128xf32, #tpu.memory_space<vmem_shared>>)
          tpu.yield
        }) : () -> ()
      }
      %scan3A_42 = arith.constant 14 : i32
    } else {
    }
    %eq3A_12 = arith.constant 1 : i32
    %eq3A_13 = arith.cmpi eq, %arg0, %eq3A_12 : i32
    %convert_element_type3A_14 = arith.extui %eq3A_13 : i1 to i32
    %cond3A_15 = arith.constant 0 : i32
    %cond3A_16 = arith.cmpi ne, %convert_element_type3A_14, %cond3A_15 : i32
    scf.if %cond3A_16 {
      %scan3A = arith.constant 0 : i32
      %scan3A_38 = arith.constant 0 : i32
      %scan3A_39 = arith.constant 6 : i32
      %scan3A_40 = arith.addi %scan3A_38, %scan3A_39 : i32
      %scan3A_41 = arith.constant 1 : i32
      scf.for %scan3A_43 = %scan3A_38 to %scan3A_40 step %scan3A_41  : i32 {
        %mul3A_44 = arith.constant 8 : i32
        %mul3A_45 = arith.muli %scan3A_43, %mul3A_44 : i32
        %add3A_46 = arith.constant 112 : i32
        %add3A_47 = arith.addi %add3A_46, %mul3A_45 : i32
        "tpu.region"() ({
          %run_scoped3A_165 = tpu.sem_alloc : memref<!tpu.dma_semaphore, #tpu.memory_space<semaphore_mem>>
          %dma_start3A_166 = arith.constant 0 : i32
          %dma_start3A_167 = tpu.memref_slice %arg3[%arg1, %add3A_47, %dma_start3A_166] : memref<16x160x128xi32, #tpu.memory_space<hbm>> -> memref<1x8x128xi32, #tpu.memory_space<hbm>>
          %dma_start3A_168 = tpu.memref_squeeze %dma_start3A_167 : memref<1x8x128xi32, #tpu.memory_space<hbm>> -> memref<8x128xi32, #tpu.memory_space<hbm>>
          %dma_start3A_169 = arith.constant 0 : i32
          %dma_start3A_170 = tpu.memref_slice %arg3[%arg1, %add3A_47, %dma_start3A_169] : memref<16x160x128xi32, #tpu.memory_space<hbm>> -> memref<1x8x128xi32, #tpu.memory_space<hbm>>
          %dma_start3A_171 = tpu.memref_squeeze %dma_start3A_170 : memref<1x8x128xi32, #tpu.memory_space<hbm>> -> memref<8x128xi32, #tpu.memory_space<hbm>>
          tpu.enqueue_dma source(%dma_start3A_171 : memref<8x128xi32, #tpu.memory_space<hbm>>) target(%arg7 : memref<8x128xi32, #tpu.memory_space<vmem>>) target_semaphore(%run_scoped3A_165 : memref<!tpu.dma_semaphore, #tpu.memory_space<semaphore_mem>>)
          %dma_wait3A_172 = arith.constant 0 : i32
          %dma_wait3A_173 = tpu.memref_slice %arg3[%arg1, %add3A_47, %dma_wait3A_172] : memref<16x160x128xi32, #tpu.memory_space<hbm>> -> memref<1x8x128xi32, #tpu.memory_space<hbm>>
          %dma_wait3A_174 = tpu.memref_squeeze %dma_wait3A_173 : memref<1x8x128xi32, #tpu.memory_space<hbm>> -> memref<8x128xi32, #tpu.memory_space<hbm>>
          %dma_wait3A_175 = arith.constant 0 : i32
          %dma_wait3A_176 = tpu.memref_slice %arg3[%arg1, %add3A_47, %dma_wait3A_175] : memref<16x160x128xi32, #tpu.memory_space<hbm>> -> memref<1x8x128xi32, #tpu.memory_space<hbm>>
          %dma_wait3A_177 = tpu.memref_squeeze %dma_wait3A_176 : memref<1x8x128xi32, #tpu.memory_space<hbm>> -> memref<8x128xi32, #tpu.memory_space<hbm>>
          tpu.wait_dma2 semaphore(%run_scoped3A_165 : memref<!tpu.dma_semaphore, #tpu.memory_space<semaphore_mem>>) src(%dma_wait3A_177 : memref<8x128xi32, #tpu.memory_space<hbm>>) dst(%arg7 : memref<8x128xi32, #tpu.memory_space<vmem>>)
          tpu.yield
        }) : () -> ()
        "tpu.region"() ({
          %run_scoped3A_165 = tpu.sem_alloc : memref<!tpu.dma_semaphore, #tpu.memory_space<semaphore_mem>>
          %dma_start3A_166 = arith.constant 0 : i32
          %dma_start3A_167 = tpu.memref_slice %arg4[%arg1, %add3A_47, %dma_start3A_166] : memref<16x160x128xi32, #tpu.memory_space<hbm>> -> memref<1x8x128xi32, #tpu.memory_space<hbm>>
          %dma_start3A_168 = tpu.memref_squeeze %dma_start3A_167 : memref<1x8x128xi32, #tpu.memory_space<hbm>> -> memref<8x128xi32, #tpu.memory_space<hbm>>
          %dma_start3A_169 = arith.constant 0 : i32
          %dma_start3A_170 = tpu.memref_slice %arg4[%arg1, %add3A_47, %dma_start3A_169] : memref<16x160x128xi32, #tpu.memory_space<hbm>> -> memref<1x8x128xi32, #tpu.memory_space<hbm>>
          %dma_start3A_171 = tpu.memref_squeeze %dma_start3A_170 : memref<1x8x128xi32, #tpu.memory_space<hbm>> -> memref<8x128xi32, #tpu.memory_space<hbm>>
          tpu.enqueue_dma source(%dma_start3A_171 : memref<8x128xi32, #tpu.memory_space<hbm>>) target(%arg8 : memref<8x128xi32, #tpu.memory_space<vmem>>) target_semaphore(%run_scoped3A_165 : memref<!tpu.dma_semaphore, #tpu.memory_space<semaphore_mem>>)
          %dma_wait3A_172 = arith.constant 0 : i32
          %dma_wait3A_173 = tpu.memref_slice %arg4[%arg1, %add3A_47, %dma_wait3A_172] : memref<16x160x128xi32, #tpu.memory_space<hbm>> -> memref<1x8x128xi32, #tpu.memory_space<hbm>>
          %dma_wait3A_174 = tpu.memref_squeeze %dma_wait3A_173 : memref<1x8x128xi32, #tpu.memory_space<hbm>> -> memref<8x128xi32, #tpu.memory_space<hbm>>
          %dma_wait3A_175 = arith.constant 0 : i32
          %dma_wait3A_176 = tpu.memref_slice %arg4[%arg1, %add3A_47, %dma_wait3A_175] : memref<16x160x128xi32, #tpu.memory_space<hbm>> -> memref<1x8x128xi32, #tpu.memory_space<hbm>>
          %dma_wait3A_177 = tpu.memref_squeeze %dma_wait3A_176 : memref<1x8x128xi32, #tpu.memory_space<hbm>> -> memref<8x128xi32, #tpu.memory_space<hbm>>
          tpu.wait_dma2 semaphore(%run_scoped3A_165 : memref<!tpu.dma_semaphore, #tpu.memory_space<semaphore_mem>>) src(%dma_wait3A_177 : memref<8x128xi32, #tpu.memory_space<hbm>>) dst(%arg8 : memref<8x128xi32, #tpu.memory_space<vmem>>)
          tpu.yield
        }) : () -> ()
        %dma_start3A = arith.constant 0 : i32
        %dma_start3A_48 = arith.constant 0 : i32
        %dma_start3A_49 = tpu.memref_slice %arg7[%dma_start3A, %dma_start3A_48] : memref<8x128xi32, #tpu.memory_space<vmem>> -> memref<1x128xi32, #tpu.memory_space<vmem>>
        %dma_start3A_50 = tpu.memref_squeeze %dma_start3A_49 : memref<1x128xi32, #tpu.memory_space<vmem>> -> memref<128xi32, #tpu.memory_space<vmem>>
        %dma_start3A_51 = arith.constant 0 : i32
        %dma_start3A_52 = arith.constant 0 : i32
        %dma_start3A_53 = tpu.memref_slice %arg2[%dma_start3A_51, %dma_start3A_52] : memref<10000x128xf32, #tpu.memory_space<hbm>> -> memref<10000x128xf32, #tpu.memory_space<hbm>>
        tpu.enqueue_indirect_dma source(%dma_start3A_53 : memref<10000x128xf32, #tpu.memory_space<hbm>>) target(%arg9 : memref<128x128xf32, #tpu.memory_space<vmem>>) offsets(%dma_start3A_50 : memref<128xi32, #tpu.memory_space<vmem>>) semaphore(%arg12 : memref<!tpu.dma_semaphore, #tpu.memory_space<semaphore_mem>>)
        %dma_start3A_54 = arith.constant 1 : i32
        %dma_start3A_55 = arith.constant 0 : i32
        %dma_start3A_56 = tpu.memref_slice %arg7[%dma_start3A_54, %dma_start3A_55] : memref<8x128xi32, #tpu.memory_space<vmem>> -> memref<1x128xi32, #tpu.memory_space<vmem>>
        %dma_start3A_57 = tpu.memref_squeeze %dma_start3A_56 : memref<1x128xi32, #tpu.memory_space<vmem>> -> memref<128xi32, #tpu.memory_space<vmem>>
        %dma_start3A_58 = arith.constant 0 : i32
        %dma_start3A_59 = arith.constant 0 : i32
        %dma_start3A_60 = tpu.memref_slice %arg2[%dma_start3A_58, %dma_start3A_59] : memref<10000x128xf32, #tpu.memory_space<hbm>> -> memref<10000x128xf32, #tpu.memory_space<hbm>>
        tpu.enqueue_indirect_dma source(%dma_start3A_60 : memref<10000x128xf32, #tpu.memory_space<hbm>>) target(%arg10 : memref<128x128xf32, #tpu.memory_space<vmem>>) offsets(%dma_start3A_57 : memref<128xi32, #tpu.memory_space<vmem>>) semaphore(%arg13 : memref<!tpu.dma_semaphore, #tpu.memory_space<semaphore_mem>>)
        %dma_wait3A = arith.constant 0 : i32
        %dma_wait3A_61 = arith.constant 0 : i32
        %dma_wait3A_62 = tpu.memref_slice %arg7[%dma_wait3A, %dma_wait3A_61] : memref<8x128xi32, #tpu.memory_space<vmem>> -> memref<1x128xi32, #tpu.memory_space<vmem>>
        %dma_wait3A_63 = tpu.memref_squeeze %dma_wait3A_62 : memref<1x128xi32, #tpu.memory_space<vmem>> -> memref<128xi32, #tpu.memory_space<vmem>>
        %dma_wait3A_64 = arith.constant 0 : i32
        %dma_wait3A_65 = arith.constant 0 : i32
        %dma_wait3A_66 = tpu.memref_slice %arg2[%dma_wait3A_64, %dma_wait3A_65] : memref<10000x128xf32, #tpu.memory_space<hbm>> -> memref<10000x128xf32, #tpu.memory_space<hbm>>
        tpu.wait_indirect_dma semaphore(%arg12 : memref<!tpu.dma_semaphore, #tpu.memory_space<semaphore_mem>>) src(%dma_wait3A_66 : memref<10000x128xf32, #tpu.memory_space<hbm>>) dst(%arg9 : memref<128x128xf32, #tpu.memory_space<vmem>>)
        %run_scoped3A = arith.constant 0 : i32
        "tpu.region"() ({
          %run_scoped3A_165 = tpu.sem_alloc : memref<!tpu.dma_semaphore, #tpu.memory_space<semaphore_mem>>
          %dma_start3A_166 = arith.constant 0 : i32
          %dma_start3A_167 = tpu.memref_slice %arg8[%run_scoped3A, %dma_start3A_166] : memref<8x128xi32, #tpu.memory_space<vmem>> -> memref<1x128xi32, #tpu.memory_space<vmem>>
          %dma_start3A_168 = tpu.memref_squeeze %dma_start3A_167 : memref<1x128xi32, #tpu.memory_space<vmem>> -> memref<128xi32, #tpu.memory_space<vmem>>
          %dma_start3A_169 = arith.constant 0 : i32
          %dma_start3A_170 = arith.constant 0 : i32
          %dma_start3A_171 = tpu.memref_slice %arg11[%dma_start3A_169, %dma_start3A_170] : memref<10112x128xf32, #tpu.memory_space<vmem_shared>> -> memref<10112x128xf32, #tpu.memory_space<vmem_shared>>
          tpu.enqueue_indirect_dma source(%arg9 : memref<128x128xf32, #tpu.memory_space<vmem>>) target(%dma_start3A_171 : memref<10112x128xf32, #tpu.memory_space<vmem_shared>>) offsets(%dma_start3A_168 : memref<128xi32, #tpu.memory_space<vmem>>) semaphore(%run_scoped3A_165 : memref<!tpu.dma_semaphore, #tpu.memory_space<semaphore_mem>>) {add = true}
          %dma_wait3A_172 = arith.constant 0 : i32
          %dma_wait3A_173 = tpu.memref_slice %arg8[%run_scoped3A, %dma_wait3A_172] : memref<8x128xi32, #tpu.memory_space<vmem>> -> memref<1x128xi32, #tpu.memory_space<vmem>>
          %dma_wait3A_174 = tpu.memref_squeeze %dma_wait3A_173 : memref<1x128xi32, #tpu.memory_space<vmem>> -> memref<128xi32, #tpu.memory_space<vmem>>
          %dma_wait3A_175 = arith.constant 0 : i32
          %dma_wait3A_176 = arith.constant 0 : i32
          %dma_wait3A_177 = tpu.memref_slice %arg11[%dma_wait3A_175, %dma_wait3A_176] : memref<10112x128xf32, #tpu.memory_space<vmem_shared>> -> memref<10112x128xf32, #tpu.memory_space<vmem_shared>>
          tpu.wait_indirect_dma semaphore(%run_scoped3A_165 : memref<!tpu.dma_semaphore, #tpu.memory_space<semaphore_mem>>) src(%arg9 : memref<128x128xf32, #tpu.memory_space<vmem>>) dst(%dma_wait3A_177 : memref<10112x128xf32, #tpu.memory_space<vmem_shared>>)
          tpu.yield
        }) : () -> ()
        %dma_start3A_67 = arith.constant 2 : i32
        %dma_start3A_68 = arith.constant 0 : i32
        %dma_start3A_69 = tpu.memref_slice %arg7[%dma_start3A_67, %dma_start3A_68] : memref<8x128xi32, #tpu.memory_space<vmem>> -> memref<1x128xi32, #tpu.memory_space<vmem>>
        %dma_start3A_70 = tpu.memref_squeeze %dma_start3A_69 : memref<1x128xi32, #tpu.memory_space<vmem>> -> memref<128xi32, #tpu.memory_space<vmem>>
        %dma_start3A_71 = arith.constant 0 : i32
        %dma_start3A_72 = arith.constant 0 : i32
        %dma_start3A_73 = tpu.memref_slice %arg2[%dma_start3A_71, %dma_start3A_72] : memref<10000x128xf32, #tpu.memory_space<hbm>> -> memref<10000x128xf32, #tpu.memory_space<hbm>>
        tpu.enqueue_indirect_dma source(%dma_start3A_73 : memref<10000x128xf32, #tpu.memory_space<hbm>>) target(%arg9 : memref<128x128xf32, #tpu.memory_space<vmem>>) offsets(%dma_start3A_70 : memref<128xi32, #tpu.memory_space<vmem>>) semaphore(%arg12 : memref<!tpu.dma_semaphore, #tpu.memory_space<semaphore_mem>>)
        %dma_wait3A_74 = arith.constant 1 : i32
        %dma_wait3A_75 = arith.constant 0 : i32
        %dma_wait3A_76 = tpu.memref_slice %arg7[%dma_wait3A_74, %dma_wait3A_75] : memref<8x128xi32, #tpu.memory_space<vmem>> -> memref<1x128xi32, #tpu.memory_space<vmem>>
        %dma_wait3A_77 = tpu.memref_squeeze %dma_wait3A_76 : memref<1x128xi32, #tpu.memory_space<vmem>> -> memref<128xi32, #tpu.memory_space<vmem>>
        %dma_wait3A_78 = arith.constant 0 : i32
        %dma_wait3A_79 = arith.constant 0 : i32
        %dma_wait3A_80 = tpu.memref_slice %arg2[%dma_wait3A_78, %dma_wait3A_79] : memref<10000x128xf32, #tpu.memory_space<hbm>> -> memref<10000x128xf32, #tpu.memory_space<hbm>>
        tpu.wait_indirect_dma semaphore(%arg13 : memref<!tpu.dma_semaphore, #tpu.memory_space<semaphore_mem>>) src(%dma_wait3A_80 : memref<10000x128xf32, #tpu.memory_space<hbm>>) dst(%arg10 : memref<128x128xf32, #tpu.memory_space<vmem>>)
        %run_scoped3A_81 = arith.constant 1 : i32
        "tpu.region"() ({
          %run_scoped3A_165 = tpu.sem_alloc : memref<!tpu.dma_semaphore, #tpu.memory_space<semaphore_mem>>
          %dma_start3A_166 = arith.constant 0 : i32
          %dma_start3A_167 = tpu.memref_slice %arg8[%run_scoped3A_81, %dma_start3A_166] : memref<8x128xi32, #tpu.memory_space<vmem>> -> memref<1x128xi32, #tpu.memory_space<vmem>>
          %dma_start3A_168 = tpu.memref_squeeze %dma_start3A_167 : memref<1x128xi32, #tpu.memory_space<vmem>> -> memref<128xi32, #tpu.memory_space<vmem>>
          %dma_start3A_169 = arith.constant 0 : i32
          %dma_start3A_170 = arith.constant 0 : i32
          %dma_start3A_171 = tpu.memref_slice %arg11[%dma_start3A_169, %dma_start3A_170] : memref<10112x128xf32, #tpu.memory_space<vmem_shared>> -> memref<10112x128xf32, #tpu.memory_space<vmem_shared>>
          tpu.enqueue_indirect_dma source(%arg10 : memref<128x128xf32, #tpu.memory_space<vmem>>) target(%dma_start3A_171 : memref<10112x128xf32, #tpu.memory_space<vmem_shared>>) offsets(%dma_start3A_168 : memref<128xi32, #tpu.memory_space<vmem>>) semaphore(%run_scoped3A_165 : memref<!tpu.dma_semaphore, #tpu.memory_space<semaphore_mem>>) {add = true}
          %dma_wait3A_172 = arith.constant 0 : i32
          %dma_wait3A_173 = tpu.memref_slice %arg8[%run_scoped3A_81, %dma_wait3A_172] : memref<8x128xi32, #tpu.memory_space<vmem>> -> memref<1x128xi32, #tpu.memory_space<vmem>>
          %dma_wait3A_174 = tpu.memref_squeeze %dma_wait3A_173 : memref<1x128xi32, #tpu.memory_space<vmem>> -> memref<128xi32, #tpu.memory_space<vmem>>
          %dma_wait3A_175 = arith.constant 0 : i32
          %dma_wait3A_176 = arith.constant 0 : i32
          %dma_wait3A_177 = tpu.memref_slice %arg11[%dma_wait3A_175, %dma_wait3A_176] : memref<10112x128xf32, #tpu.memory_space<vmem_shared>> -> memref<10112x128xf32, #tpu.memory_space<vmem_shared>>
          tpu.wait_indirect_dma semaphore(%run_scoped3A_165 : memref<!tpu.dma_semaphore, #tpu.memory_space<semaphore_mem>>) src(%arg10 : memref<128x128xf32, #tpu.memory_space<vmem>>) dst(%dma_wait3A_177 : memref<10112x128xf32, #tpu.memory_space<vmem_shared>>)
          tpu.yield
        }) : () -> ()
        %dma_start3A_82 = arith.constant 3 : i32
        %dma_start3A_83 = arith.constant 0 : i32
        %dma_start3A_84 = tpu.memref_slice %arg7[%dma_start3A_82, %dma_start3A_83] : memref<8x128xi32, #tpu.memory_space<vmem>> -> memref<1x128xi32, #tpu.memory_space<vmem>>
        %dma_start3A_85 = tpu.memref_squeeze %dma_start3A_84 : memref<1x128xi32, #tpu.memory_space<vmem>> -> memref<128xi32, #tpu.memory_space<vmem>>
        %dma_start3A_86 = arith.constant 0 : i32
        %dma_start3A_87 = arith.constant 0 : i32
        %dma_start3A_88 = tpu.memref_slice %arg2[%dma_start3A_86, %dma_start3A_87] : memref<10000x128xf32, #tpu.memory_space<hbm>> -> memref<10000x128xf32, #tpu.memory_space<hbm>>
        tpu.enqueue_indirect_dma source(%dma_start3A_88 : memref<10000x128xf32, #tpu.memory_space<hbm>>) target(%arg10 : memref<128x128xf32, #tpu.memory_space<vmem>>) offsets(%dma_start3A_85 : memref<128xi32, #tpu.memory_space<vmem>>) semaphore(%arg13 : memref<!tpu.dma_semaphore, #tpu.memory_space<semaphore_mem>>)
        %dma_wait3A_89 = arith.constant 2 : i32
        %dma_wait3A_90 = arith.constant 0 : i32
        %dma_wait3A_91 = tpu.memref_slice %arg7[%dma_wait3A_89, %dma_wait3A_90] : memref<8x128xi32, #tpu.memory_space<vmem>> -> memref<1x128xi32, #tpu.memory_space<vmem>>
        %dma_wait3A_92 = tpu.memref_squeeze %dma_wait3A_91 : memref<1x128xi32, #tpu.memory_space<vmem>> -> memref<128xi32, #tpu.memory_space<vmem>>
        %dma_wait3A_93 = arith.constant 0 : i32
        %dma_wait3A_94 = arith.constant 0 : i32
        %dma_wait3A_95 = tpu.memref_slice %arg2[%dma_wait3A_93, %dma_wait3A_94] : memref<10000x128xf32, #tpu.memory_space<hbm>> -> memref<10000x128xf32, #tpu.memory_space<hbm>>
        tpu.wait_indirect_dma semaphore(%arg12 : memref<!tpu.dma_semaphore, #tpu.memory_space<semaphore_mem>>) src(%dma_wait3A_95 : memref<10000x128xf32, #tpu.memory_space<hbm>>) dst(%arg9 : memref<128x128xf32, #tpu.memory_space<vmem>>)
        %run_scoped3A_96 = arith.constant 2 : i32
        "tpu.region"() ({
          %run_scoped3A_165 = tpu.sem_alloc : memref<!tpu.dma_semaphore, #tpu.memory_space<semaphore_mem>>
          %dma_start3A_166 = arith.constant 0 : i32
          %dma_start3A_167 = tpu.memref_slice %arg8[%run_scoped3A_96, %dma_start3A_166] : memref<8x128xi32, #tpu.memory_space<vmem>> -> memref<1x128xi32, #tpu.memory_space<vmem>>
          %dma_start3A_168 = tpu.memref_squeeze %dma_start3A_167 : memref<1x128xi32, #tpu.memory_space<vmem>> -> memref<128xi32, #tpu.memory_space<vmem>>
          %dma_start3A_169 = arith.constant 0 : i32
          %dma_start3A_170 = arith.constant 0 : i32
          %dma_start3A_171 = tpu.memref_slice %arg11[%dma_start3A_169, %dma_start3A_170] : memref<10112x128xf32, #tpu.memory_space<vmem_shared>> -> memref<10112x128xf32, #tpu.memory_space<vmem_shared>>
          tpu.enqueue_indirect_dma source(%arg9 : memref<128x128xf32, #tpu.memory_space<vmem>>) target(%dma_start3A_171 : memref<10112x128xf32, #tpu.memory_space<vmem_shared>>) offsets(%dma_start3A_168 : memref<128xi32, #tpu.memory_space<vmem>>) semaphore(%run_scoped3A_165 : memref<!tpu.dma_semaphore, #tpu.memory_space<semaphore_mem>>) {add = true}
          %dma_wait3A_172 = arith.constant 0 : i32
          %dma_wait3A_173 = tpu.memref_slice %arg8[%run_scoped3A_96, %dma_wait3A_172] : memref<8x128xi32, #tpu.memory_space<vmem>> -> memref<1x128xi32, #tpu.memory_space<vmem>>
          %dma_wait3A_174 = tpu.memref_squeeze %dma_wait3A_173 : memref<1x128xi32, #tpu.memory_space<vmem>> -> memref<128xi32, #tpu.memory_space<vmem>>
          %dma_wait3A_175 = arith.constant 0 : i32
          %dma_wait3A_176 = arith.constant 0 : i32
          %dma_wait3A_177 = tpu.memref_slice %arg11[%dma_wait3A_175, %dma_wait3A_176] : memref<10112x128xf32, #tpu.memory_space<vmem_shared>> -> memref<10112x128xf32, #tpu.memory_space<vmem_shared>>
          tpu.wait_indirect_dma semaphore(%run_scoped3A_165 : memref<!tpu.dma_semaphore, #tpu.memory_space<semaphore_mem>>) src(%arg9 : memref<128x128xf32, #tpu.memory_space<vmem>>) dst(%dma_wait3A_177 : memref<10112x128xf32, #tpu.memory_space<vmem_shared>>)
          tpu.yield
        }) : () -> ()
        %dma_start3A_97 = arith.constant 4 : i32
        %dma_start3A_98 = arith.constant 0 : i32
        %dma_start3A_99 = tpu.memref_slice %arg7[%dma_start3A_97, %dma_start3A_98] : memref<8x128xi32, #tpu.memory_space<vmem>> -> memref<1x128xi32, #tpu.memory_space<vmem>>
        %dma_start3A_100 = tpu.memref_squeeze %dma_start3A_99 : memref<1x128xi32, #tpu.memory_space<vmem>> -> memref<128xi32, #tpu.memory_space<vmem>>
        %dma_start3A_101 = arith.constant 0 : i32
        %dma_start3A_102 = arith.constant 0 : i32
        %dma_start3A_103 = tpu.memref_slice %arg2[%dma_start3A_101, %dma_start3A_102] : memref<10000x128xf32, #tpu.memory_space<hbm>> -> memref<10000x128xf32, #tpu.memory_space<hbm>>
        tpu.enqueue_indirect_dma source(%dma_start3A_103 : memref<10000x128xf32, #tpu.memory_space<hbm>>) target(%arg9 : memref<128x128xf32, #tpu.memory_space<vmem>>) offsets(%dma_start3A_100 : memref<128xi32, #tpu.memory_space<vmem>>) semaphore(%arg12 : memref<!tpu.dma_semaphore, #tpu.memory_space<semaphore_mem>>)
        %dma_wait3A_104 = arith.constant 3 : i32
        %dma_wait3A_105 = arith.constant 0 : i32
        %dma_wait3A_106 = tpu.memref_slice %arg7[%dma_wait3A_104, %dma_wait3A_105] : memref<8x128xi32, #tpu.memory_space<vmem>> -> memref<1x128xi32, #tpu.memory_space<vmem>>
        %dma_wait3A_107 = tpu.memref_squeeze %dma_wait3A_106 : memref<1x128xi32, #tpu.memory_space<vmem>> -> memref<128xi32, #tpu.memory_space<vmem>>
        %dma_wait3A_108 = arith.constant 0 : i32
        %dma_wait3A_109 = arith.constant 0 : i32
        %dma_wait3A_110 = tpu.memref_slice %arg2[%dma_wait3A_108, %dma_wait3A_109] : memref<10000x128xf32, #tpu.memory_space<hbm>> -> memref<10000x128xf32, #tpu.memory_space<hbm>>
        tpu.wait_indirect_dma semaphore(%arg13 : memref<!tpu.dma_semaphore, #tpu.memory_space<semaphore_mem>>) src(%dma_wait3A_110 : memref<10000x128xf32, #tpu.memory_space<hbm>>) dst(%arg10 : memref<128x128xf32, #tpu.memory_space<vmem>>)
        %run_scoped3A_111 = arith.constant 3 : i32
        "tpu.region"() ({
          %run_scoped3A_165 = tpu.sem_alloc : memref<!tpu.dma_semaphore, #tpu.memory_space<semaphore_mem>>
          %dma_start3A_166 = arith.constant 0 : i32
          %dma_start3A_167 = tpu.memref_slice %arg8[%run_scoped3A_111, %dma_start3A_166] : memref<8x128xi32, #tpu.memory_space<vmem>> -> memref<1x128xi32, #tpu.memory_space<vmem>>
          %dma_start3A_168 = tpu.memref_squeeze %dma_start3A_167 : memref<1x128xi32, #tpu.memory_space<vmem>> -> memref<128xi32, #tpu.memory_space<vmem>>
          %dma_start3A_169 = arith.constant 0 : i32
          %dma_start3A_170 = arith.constant 0 : i32
          %dma_start3A_171 = tpu.memref_slice %arg11[%dma_start3A_169, %dma_start3A_170] : memref<10112x128xf32, #tpu.memory_space<vmem_shared>> -> memref<10112x128xf32, #tpu.memory_space<vmem_shared>>
          tpu.enqueue_indirect_dma source(%arg10 : memref<128x128xf32, #tpu.memory_space<vmem>>) target(%dma_start3A_171 : memref<10112x128xf32, #tpu.memory_space<vmem_shared>>) offsets(%dma_start3A_168 : memref<128xi32, #tpu.memory_space<vmem>>) semaphore(%run_scoped3A_165 : memref<!tpu.dma_semaphore, #tpu.memory_space<semaphore_mem>>) {add = true}
          %dma_wait3A_172 = arith.constant 0 : i32
          %dma_wait3A_173 = tpu.memref_slice %arg8[%run_scoped3A_111, %dma_wait3A_172] : memref<8x128xi32, #tpu.memory_space<vmem>> -> memref<1x128xi32, #tpu.memory_space<vmem>>
          %dma_wait3A_174 = tpu.memref_squeeze %dma_wait3A_173 : memref<1x128xi32, #tpu.memory_space<vmem>> -> memref<128xi32, #tpu.memory_space<vmem>>
          %dma_wait3A_175 = arith.constant 0 : i32
          %dma_wait3A_176 = arith.constant 0 : i32
          %dma_wait3A_177 = tpu.memref_slice %arg11[%dma_wait3A_175, %dma_wait3A_176] : memref<10112x128xf32, #tpu.memory_space<vmem_shared>> -> memref<10112x128xf32, #tpu.memory_space<vmem_shared>>
          tpu.wait_indirect_dma semaphore(%run_scoped3A_165 : memref<!tpu.dma_semaphore, #tpu.memory_space<semaphore_mem>>) src(%arg10 : memref<128x128xf32, #tpu.memory_space<vmem>>) dst(%dma_wait3A_177 : memref<10112x128xf32, #tpu.memory_space<vmem_shared>>)
          tpu.yield
        }) : () -> ()
        %dma_start3A_112 = arith.constant 5 : i32
        %dma_start3A_113 = arith.constant 0 : i32
        %dma_start3A_114 = tpu.memref_slice %arg7[%dma_start3A_112, %dma_start3A_113] : memref<8x128xi32, #tpu.memory_space<vmem>> -> memref<1x128xi32, #tpu.memory_space<vmem>>
        %dma_start3A_115 = tpu.memref_squeeze %dma_start3A_114 : memref<1x128xi32, #tpu.memory_space<vmem>> -> memref<128xi32, #tpu.memory_space<vmem>>
        %dma_start3A_116 = arith.constant 0 : i32
        %dma_start3A_117 = arith.constant 0 : i32
        %dma_start3A_118 = tpu.memref_slice %arg2[%dma_start3A_116, %dma_start3A_117] : memref<10000x128xf32, #tpu.memory_space<hbm>> -> memref<10000x128xf32, #tpu.memory_space<hbm>>
        tpu.enqueue_indirect_dma source(%dma_start3A_118 : memref<10000x128xf32, #tpu.memory_space<hbm>>) target(%arg10 : memref<128x128xf32, #tpu.memory_space<vmem>>) offsets(%dma_start3A_115 : memref<128xi32, #tpu.memory_space<vmem>>) semaphore(%arg13 : memref<!tpu.dma_semaphore, #tpu.memory_space<semaphore_mem>>)
        %dma_wait3A_119 = arith.constant 4 : i32
        %dma_wait3A_120 = arith.constant 0 : i32
        %dma_wait3A_121 = tpu.memref_slice %arg7[%dma_wait3A_119, %dma_wait3A_120] : memref<8x128xi32, #tpu.memory_space<vmem>> -> memref<1x128xi32, #tpu.memory_space<vmem>>
        %dma_wait3A_122 = tpu.memref_squeeze %dma_wait3A_121 : memref<1x128xi32, #tpu.memory_space<vmem>> -> memref<128xi32, #tpu.memory_space<vmem>>
        %dma_wait3A_123 = arith.constant 0 : i32
        %dma_wait3A_124 = arith.constant 0 : i32
        %dma_wait3A_125 = tpu.memref_slice %arg2[%dma_wait3A_123, %dma_wait3A_124] : memref<10000x128xf32, #tpu.memory_space<hbm>> -> memref<10000x128xf32, #tpu.memory_space<hbm>>
        tpu.wait_indirect_dma semaphore(%arg12 : memref<!tpu.dma_semaphore, #tpu.memory_space<semaphore_mem>>) src(%dma_wait3A_125 : memref<10000x128xf32, #tpu.memory_space<hbm>>) dst(%arg9 : memref<128x128xf32, #tpu.memory_space<vmem>>)
        %run_scoped3A_126 = arith.constant 4 : i32
        "tpu.region"() ({
          %run_scoped3A_165 = tpu.sem_alloc : memref<!tpu.dma_semaphore, #tpu.memory_space<semaphore_mem>>
          %dma_start3A_166 = arith.constant 0 : i32
          %dma_start3A_167 = tpu.memref_slice %arg8[%run_scoped3A_126, %dma_start3A_166] : memref<8x128xi32, #tpu.memory_space<vmem>> -> memref<1x128xi32, #tpu.memory_space<vmem>>
          %dma_start3A_168 = tpu.memref_squeeze %dma_start3A_167 : memref<1x128xi32, #tpu.memory_space<vmem>> -> memref<128xi32, #tpu.memory_space<vmem>>
          %dma_start3A_169 = arith.constant 0 : i32
          %dma_start3A_170 = arith.constant 0 : i32
          %dma_start3A_171 = tpu.memref_slice %arg11[%dma_start3A_169, %dma_start3A_170] : memref<10112x128xf32, #tpu.memory_space<vmem_shared>> -> memref<10112x128xf32, #tpu.memory_space<vmem_shared>>
          tpu.enqueue_indirect_dma source(%arg9 : memref<128x128xf32, #tpu.memory_space<vmem>>) target(%dma_start3A_171 : memref<10112x128xf32, #tpu.memory_space<vmem_shared>>) offsets(%dma_start3A_168 : memref<128xi32, #tpu.memory_space<vmem>>) semaphore(%run_scoped3A_165 : memref<!tpu.dma_semaphore, #tpu.memory_space<semaphore_mem>>) {add = true}
          %dma_wait3A_172 = arith.constant 0 : i32
          %dma_wait3A_173 = tpu.memref_slice %arg8[%run_scoped3A_126, %dma_wait3A_172] : memref<8x128xi32, #tpu.memory_space<vmem>> -> memref<1x128xi32, #tpu.memory_space<vmem>>
          %dma_wait3A_174 = tpu.memref_squeeze %dma_wait3A_173 : memref<1x128xi32, #tpu.memory_space<vmem>> -> memref<128xi32, #tpu.memory_space<vmem>>
          %dma_wait3A_175 = arith.constant 0 : i32
          %dma_wait3A_176 = arith.constant 0 : i32
          %dma_wait3A_177 = tpu.memref_slice %arg11[%dma_wait3A_175, %dma_wait3A_176] : memref<10112x128xf32, #tpu.memory_space<vmem_shared>> -> memref<10112x128xf32, #tpu.memory_space<vmem_shared>>
          tpu.wait_indirect_dma semaphore(%run_scoped3A_165 : memref<!tpu.dma_semaphore, #tpu.memory_space<semaphore_mem>>) src(%arg9 : memref<128x128xf32, #tpu.memory_space<vmem>>) dst(%dma_wait3A_177 : memref<10112x128xf32, #tpu.memory_space<vmem_shared>>)
          tpu.yield
        }) : () -> ()
        %dma_start3A_127 = arith.constant 6 : i32
        %dma_start3A_128 = arith.constant 0 : i32
        %dma_start3A_129 = tpu.memref_slice %arg7[%dma_start3A_127, %dma_start3A_128] : memref<8x128xi32, #tpu.memory_space<vmem>> -> memref<1x128xi32, #tpu.memory_space<vmem>>
        %dma_start3A_130 = tpu.memref_squeeze %dma_start3A_129 : memref<1x128xi32, #tpu.memory_space<vmem>> -> memref<128xi32, #tpu.memory_space<vmem>>
        %dma_start3A_131 = arith.constant 0 : i32
        %dma_start3A_132 = arith.constant 0 : i32
        %dma_start3A_133 = tpu.memref_slice %arg2[%dma_start3A_131, %dma_start3A_132] : memref<10000x128xf32, #tpu.memory_space<hbm>> -> memref<10000x128xf32, #tpu.memory_space<hbm>>
        tpu.enqueue_indirect_dma source(%dma_start3A_133 : memref<10000x128xf32, #tpu.memory_space<hbm>>) target(%arg9 : memref<128x128xf32, #tpu.memory_space<vmem>>) offsets(%dma_start3A_130 : memref<128xi32, #tpu.memory_space<vmem>>) semaphore(%arg12 : memref<!tpu.dma_semaphore, #tpu.memory_space<semaphore_mem>>)
        %dma_wait3A_134 = arith.constant 5 : i32
        %dma_wait3A_135 = arith.constant 0 : i32
        %dma_wait3A_136 = tpu.memref_slice %arg7[%dma_wait3A_134, %dma_wait3A_135] : memref<8x128xi32, #tpu.memory_space<vmem>> -> memref<1x128xi32, #tpu.memory_space<vmem>>
        %dma_wait3A_137 = tpu.memref_squeeze %dma_wait3A_136 : memref<1x128xi32, #tpu.memory_space<vmem>> -> memref<128xi32, #tpu.memory_space<vmem>>
        %dma_wait3A_138 = arith.constant 0 : i32
        %dma_wait3A_139 = arith.constant 0 : i32
        %dma_wait3A_140 = tpu.memref_slice %arg2[%dma_wait3A_138, %dma_wait3A_139] : memref<10000x128xf32, #tpu.memory_space<hbm>> -> memref<10000x128xf32, #tpu.memory_space<hbm>>
        tpu.wait_indirect_dma semaphore(%arg13 : memref<!tpu.dma_semaphore, #tpu.memory_space<semaphore_mem>>) src(%dma_wait3A_140 : memref<10000x128xf32, #tpu.memory_space<hbm>>) dst(%arg10 : memref<128x128xf32, #tpu.memory_space<vmem>>)
        %run_scoped3A_141 = arith.constant 5 : i32
        "tpu.region"() ({
          %run_scoped3A_165 = tpu.sem_alloc : memref<!tpu.dma_semaphore, #tpu.memory_space<semaphore_mem>>
          %dma_start3A_166 = arith.constant 0 : i32
          %dma_start3A_167 = tpu.memref_slice %arg8[%run_scoped3A_141, %dma_start3A_166] : memref<8x128xi32, #tpu.memory_space<vmem>> -> memref<1x128xi32, #tpu.memory_space<vmem>>
          %dma_start3A_168 = tpu.memref_squeeze %dma_start3A_167 : memref<1x128xi32, #tpu.memory_space<vmem>> -> memref<128xi32, #tpu.memory_space<vmem>>
          %dma_start3A_169 = arith.constant 0 : i32
          %dma_start3A_170 = arith.constant 0 : i32
          %dma_start3A_171 = tpu.memref_slice %arg11[%dma_start3A_169, %dma_start3A_170] : memref<10112x128xf32, #tpu.memory_space<vmem_shared>> -> memref<10112x128xf32, #tpu.memory_space<vmem_shared>>
          tpu.enqueue_indirect_dma source(%arg10 : memref<128x128xf32, #tpu.memory_space<vmem>>) target(%dma_start3A_171 : memref<10112x128xf32, #tpu.memory_space<vmem_shared>>) offsets(%dma_start3A_168 : memref<128xi32, #tpu.memory_space<vmem>>) semaphore(%run_scoped3A_165 : memref<!tpu.dma_semaphore, #tpu.memory_space<semaphore_mem>>) {add = true}
          %dma_wait3A_172 = arith.constant 0 : i32
          %dma_wait3A_173 = tpu.memref_slice %arg8[%run_scoped3A_141, %dma_wait3A_172] : memref<8x128xi32, #tpu.memory_space<vmem>> -> memref<1x128xi32, #tpu.memory_space<vmem>>
          %dma_wait3A_174 = tpu.memref_squeeze %dma_wait3A_173 : memref<1x128xi32, #tpu.memory_space<vmem>> -> memref<128xi32, #tpu.memory_space<vmem>>
          %dma_wait3A_175 = arith.constant 0 : i32
          %dma_wait3A_176 = arith.constant 0 : i32
          %dma_wait3A_177 = tpu.memref_slice %arg11[%dma_wait3A_175, %dma_wait3A_176] : memref<10112x128xf32, #tpu.memory_space<vmem_shared>> -> memref<10112x128xf32, #tpu.memory_space<vmem_shared>>
          tpu.wait_indirect_dma semaphore(%run_scoped3A_165 : memref<!tpu.dma_semaphore, #tpu.memory_space<semaphore_mem>>) src(%arg10 : memref<128x128xf32, #tpu.memory_space<vmem>>) dst(%dma_wait3A_177 : memref<10112x128xf32, #tpu.memory_space<vmem_shared>>)
          tpu.yield
        }) : () -> ()
        %dma_start3A_142 = arith.constant 7 : i32
        %dma_start3A_143 = arith.constant 0 : i32
        %dma_start3A_144 = tpu.memref_slice %arg7[%dma_start3A_142, %dma_start3A_143] : memref<8x128xi32, #tpu.memory_space<vmem>> -> memref<1x128xi32, #tpu.memory_space<vmem>>
        %dma_start3A_145 = tpu.memref_squeeze %dma_start3A_144 : memref<1x128xi32, #tpu.memory_space<vmem>> -> memref<128xi32, #tpu.memory_space<vmem>>
        %dma_start3A_146 = arith.constant 0 : i32
        %dma_start3A_147 = arith.constant 0 : i32
        %dma_start3A_148 = tpu.memref_slice %arg2[%dma_start3A_146, %dma_start3A_147] : memref<10000x128xf32, #tpu.memory_space<hbm>> -> memref<10000x128xf32, #tpu.memory_space<hbm>>
        tpu.enqueue_indirect_dma source(%dma_start3A_148 : memref<10000x128xf32, #tpu.memory_space<hbm>>) target(%arg10 : memref<128x128xf32, #tpu.memory_space<vmem>>) offsets(%dma_start3A_145 : memref<128xi32, #tpu.memory_space<vmem>>) semaphore(%arg13 : memref<!tpu.dma_semaphore, #tpu.memory_space<semaphore_mem>>)
        %dma_wait3A_149 = arith.constant 6 : i32
        %dma_wait3A_150 = arith.constant 0 : i32
        %dma_wait3A_151 = tpu.memref_slice %arg7[%dma_wait3A_149, %dma_wait3A_150] : memref<8x128xi32, #tpu.memory_space<vmem>> -> memref<1x128xi32, #tpu.memory_space<vmem>>
        %dma_wait3A_152 = tpu.memref_squeeze %dma_wait3A_151 : memref<1x128xi32, #tpu.memory_space<vmem>> -> memref<128xi32, #tpu.memory_space<vmem>>
        %dma_wait3A_153 = arith.constant 0 : i32
        %dma_wait3A_154 = arith.constant 0 : i32
        %dma_wait3A_155 = tpu.memref_slice %arg2[%dma_wait3A_153, %dma_wait3A_154] : memref<10000x128xf32, #tpu.memory_space<hbm>> -> memref<10000x128xf32, #tpu.memory_space<hbm>>
        tpu.wait_indirect_dma semaphore(%arg12 : memref<!tpu.dma_semaphore, #tpu.memory_space<semaphore_mem>>) src(%dma_wait3A_155 : memref<10000x128xf32, #tpu.memory_space<hbm>>) dst(%arg9 : memref<128x128xf32, #tpu.memory_space<vmem>>)
        %run_scoped3A_156 = arith.constant 6 : i32
        "tpu.region"() ({
          %run_scoped3A_165 = tpu.sem_alloc : memref<!tpu.dma_semaphore, #tpu.memory_space<semaphore_mem>>
          %dma_start3A_166 = arith.constant 0 : i32
          %dma_start3A_167 = tpu.memref_slice %arg8[%run_scoped3A_156, %dma_start3A_166] : memref<8x128xi32, #tpu.memory_space<vmem>> -> memref<1x128xi32, #tpu.memory_space<vmem>>
          %dma_start3A_168 = tpu.memref_squeeze %dma_start3A_167 : memref<1x128xi32, #tpu.memory_space<vmem>> -> memref<128xi32, #tpu.memory_space<vmem>>
          %dma_start3A_169 = arith.constant 0 : i32
          %dma_start3A_170 = arith.constant 0 : i32
          %dma_start3A_171 = tpu.memref_slice %arg11[%dma_start3A_169, %dma_start3A_170] : memref<10112x128xf32, #tpu.memory_space<vmem_shared>> -> memref<10112x128xf32, #tpu.memory_space<vmem_shared>>
          tpu.enqueue_indirect_dma source(%arg9 : memref<128x128xf32, #tpu.memory_space<vmem>>) target(%dma_start3A_171 : memref<10112x128xf32, #tpu.memory_space<vmem_shared>>) offsets(%dma_start3A_168 : memref<128xi32, #tpu.memory_space<vmem>>) semaphore(%run_scoped3A_165 : memref<!tpu.dma_semaphore, #tpu.memory_space<semaphore_mem>>) {add = true}
          %dma_wait3A_172 = arith.constant 0 : i32
          %dma_wait3A_173 = tpu.memref_slice %arg8[%run_scoped3A_156, %dma_wait3A_172] : memref<8x128xi32, #tpu.memory_space<vmem>> -> memref<1x128xi32, #tpu.memory_space<vmem>>
          %dma_wait3A_174 = tpu.memref_squeeze %dma_wait3A_173 : memref<1x128xi32, #tpu.memory_space<vmem>> -> memref<128xi32, #tpu.memory_space<vmem>>
          %dma_wait3A_175 = arith.constant 0 : i32
          %dma_wait3A_176 = arith.constant 0 : i32
          %dma_wait3A_177 = tpu.memref_slice %arg11[%dma_wait3A_175, %dma_wait3A_176] : memref<10112x128xf32, #tpu.memory_space<vmem_shared>> -> memref<10112x128xf32, #tpu.memory_space<vmem_shared>>
          tpu.wait_indirect_dma semaphore(%run_scoped3A_165 : memref<!tpu.dma_semaphore, #tpu.memory_space<semaphore_mem>>) src(%arg9 : memref<128x128xf32, #tpu.memory_space<vmem>>) dst(%dma_wait3A_177 : memref<10112x128xf32, #tpu.memory_space<vmem_shared>>)
          tpu.yield
        }) : () -> ()
        %dma_wait3A_157 = arith.constant 7 : i32
        %dma_wait3A_158 = arith.constant 0 : i32
        %dma_wait3A_159 = tpu.memref_slice %arg7[%dma_wait3A_157, %dma_wait3A_158] : memref<8x128xi32, #tpu.memory_space<vmem>> -> memref<1x128xi32, #tpu.memory_space<vmem>>
        %dma_wait3A_160 = tpu.memref_squeeze %dma_wait3A_159 : memref<1x128xi32, #tpu.memory_space<vmem>> -> memref<128xi32, #tpu.memory_space<vmem>>
        %dma_wait3A_161 = arith.constant 0 : i32
        %dma_wait3A_162 = arith.constant 0 : i32
        %dma_wait3A_163 = tpu.memref_slice %arg2[%dma_wait3A_161, %dma_wait3A_162] : memref<10000x128xf32, #tpu.memory_space<hbm>> -> memref<10000x128xf32, #tpu.memory_space<hbm>>
        tpu.wait_indirect_dma semaphore(%arg13 : memref<!tpu.dma_semaphore, #tpu.memory_space<semaphore_mem>>) src(%dma_wait3A_163 : memref<10000x128xf32, #tpu.memory_space<hbm>>) dst(%arg10 : memref<128x128xf32, #tpu.memory_space<vmem>>)
        %run_scoped3A_164 = arith.constant 7 : i32
        "tpu.region"() ({
          %run_scoped3A_165 = tpu.sem_alloc : memref<!tpu.dma_semaphore, #tpu.memory_space<semaphore_mem>>
          %dma_start3A_166 = arith.constant 0 : i32
          %dma_start3A_167 = tpu.memref_slice %arg8[%run_scoped3A_164, %dma_start3A_166] : memref<8x128xi32, #tpu.memory_space<vmem>> -> memref<1x128xi32, #tpu.memory_space<vmem>>
          %dma_start3A_168 = tpu.memref_squeeze %dma_start3A_167 : memref<1x128xi32, #tpu.memory_space<vmem>> -> memref<128xi32, #tpu.memory_space<vmem>>
          %dma_start3A_169 = arith.constant 0 : i32
          %dma_start3A_170 = arith.constant 0 : i32
          %dma_start3A_171 = tpu.memref_slice %arg11[%dma_start3A_169, %dma_start3A_170] : memref<10112x128xf32, #tpu.memory_space<vmem_shared>> -> memref<10112x128xf32, #tpu.memory_space<vmem_shared>>
          tpu.enqueue_indirect_dma source(%arg10 : memref<128x128xf32, #tpu.memory_space<vmem>>) target(%dma_start3A_171 : memref<10112x128xf32, #tpu.memory_space<vmem_shared>>) offsets(%dma_start3A_168 : memref<128xi32, #tpu.memory_space<vmem>>) semaphore(%run_scoped3A_165 : memref<!tpu.dma_semaphore, #tpu.memory_space<semaphore_mem>>) {add = true}
          %dma_wait3A_172 = arith.constant 0 : i32
          %dma_wait3A_173 = tpu.memref_slice %arg8[%run_scoped3A_164, %dma_wait3A_172] : memref<8x128xi32, #tpu.memory_space<vmem>> -> memref<1x128xi32, #tpu.memory_space<vmem>>
          %dma_wait3A_174 = tpu.memref_squeeze %dma_wait3A_173 : memref<1x128xi32, #tpu.memory_space<vmem>> -> memref<128xi32, #tpu.memory_space<vmem>>
          %dma_wait3A_175 = arith.constant 0 : i32
          %dma_wait3A_176 = arith.constant 0 : i32
          %dma_wait3A_177 = tpu.memref_slice %arg11[%dma_wait3A_175, %dma_wait3A_176] : memref<10112x128xf32, #tpu.memory_space<vmem_shared>> -> memref<10112x128xf32, #tpu.memory_space<vmem_shared>>
          tpu.wait_indirect_dma semaphore(%run_scoped3A_165 : memref<!tpu.dma_semaphore, #tpu.memory_space<semaphore_mem>>) src(%arg10 : memref<128x128xf32, #tpu.memory_space<vmem>>) dst(%dma_wait3A_177 : memref<10112x128xf32, #tpu.memory_space<vmem_shared>>)
          tpu.yield
        }) : () -> ()
      }
      %scan3A_42 = arith.constant 6 : i32
    } else {
    }
    %barrier3A_17 = arith.constant 0 : index
    tpu.barrier barrier_id(%barrier3A_17)
    %add3A_18 = arith.constant 0 : i32
    %add3A_19 = arith.addi %mul3A_0, %add3A_18 : i32
    "tpu.region"() ({
      %run_scoped3A = tpu.sem_alloc : memref<!tpu.dma_semaphore, #tpu.memory_space<semaphore_mem>>
      %dma_start3A = arith.constant 0 : i32
      %dma_start3A_38 = arith.constant 0 : i32
      %dma_start3A_39 = tpu.memref_slice %arg9[%dma_start3A, %dma_start3A_38] : memref<128x128xf32, #tpu.memory_space<vmem>> -> memref<128x128xf32, #tpu.memory_space<vmem>>
      %dma_start3A_40 = arith.constant 0 : i32
      %dma_start3A_41 = tpu.memref_slice %arg11[%add3A_19, %dma_start3A_40] : memref<10112x128xf32, #tpu.memory_space<vmem_shared>> -> memref<128x128xf32, #tpu.memory_space<vmem_shared>>
      %dma_start3A_42 = arith.constant 0 : i32
      %dma_start3A_43 = arith.constant 0 : i32
      %dma_start3A_44 = tpu.memref_slice %arg9[%dma_start3A_42, %dma_start3A_43] : memref<128x128xf32, #tpu.memory_space<vmem>> -> memref<128x128xf32, #tpu.memory_space<vmem>>
      %dma_start3A_45 = arith.constant 0 : i32
      %dma_start3A_46 = tpu.memref_slice %arg11[%add3A_19, %dma_start3A_45] : memref<10112x128xf32, #tpu.memory_space<vmem_shared>> -> memref<128x128xf32, #tpu.memory_space<vmem_shared>>
      tpu.enqueue_dma source(%dma_start3A_46 : memref<128x128xf32, #tpu.memory_space<vmem_shared>>) target(%dma_start3A_44 : memref<128x128xf32, #tpu.memory_space<vmem>>) target_semaphore(%run_scoped3A : memref<!tpu.dma_semaphore, #tpu.memory_space<semaphore_mem>>)
      %dma_wait3A = arith.constant 0 : i32
      %dma_wait3A_47 = arith.constant 0 : i32
      %dma_wait3A_48 = tpu.memref_slice %arg9[%dma_wait3A, %dma_wait3A_47] : memref<128x128xf32, #tpu.memory_space<vmem>> -> memref<128x128xf32, #tpu.memory_space<vmem>>
      %dma_wait3A_49 = arith.constant 0 : i32
      %dma_wait3A_50 = tpu.memref_slice %arg11[%add3A_19, %dma_wait3A_49] : memref<10112x128xf32, #tpu.memory_space<vmem_shared>> -> memref<128x128xf32, #tpu.memory_space<vmem_shared>>
      %dma_wait3A_51 = arith.constant 0 : i32
      %dma_wait3A_52 = arith.constant 0 : i32
      %dma_wait3A_53 = tpu.memref_slice %arg9[%dma_wait3A_51, %dma_wait3A_52] : memref<128x128xf32, #tpu.memory_space<vmem>> -> memref<128x128xf32, #tpu.memory_space<vmem>>
      %dma_wait3A_54 = arith.constant 0 : i32
      %dma_wait3A_55 = tpu.memref_slice %arg11[%add3A_19, %dma_wait3A_54] : memref<10112x128xf32, #tpu.memory_space<vmem_shared>> -> memref<128x128xf32, #tpu.memory_space<vmem_shared>>
      tpu.wait_dma2 semaphore(%run_scoped3A : memref<!tpu.dma_semaphore, #tpu.memory_space<semaphore_mem>>) src(%dma_wait3A_55 : memref<128x128xf32, #tpu.memory_space<vmem_shared>>) dst(%dma_wait3A_53 : memref<128x128xf32, #tpu.memory_space<vmem>>)
      tpu.yield
    }) : () -> ()
    %add3A_20 = arith.constant 0 : i32
    %add3A_21 = arith.addi %mul3A_0, %add3A_20 : i32
    "tpu.region"() ({
      %run_scoped3A = tpu.sem_alloc : memref<!tpu.dma_semaphore, #tpu.memory_space<semaphore_mem>>
      %dma_start3A = arith.constant 0 : i32
      %dma_start3A_38 = arith.constant 0 : i32
      %dma_start3A_39 = tpu.memref_slice %arg9[%dma_start3A, %dma_start3A_38] : memref<128x128xf32, #tpu.memory_space<vmem>> -> memref<128x128xf32, #tpu.memory_space<vmem>>
      %dma_start3A_40 = arith.constant 0 : i32
      %dma_start3A_41 = tpu.memref_slice %arg6[%arg0, %add3A_21, %dma_start3A_40] : memref<2x10112x128xf32, #tpu.memory_space<hbm>> -> memref<1x128x128xf32, #tpu.memory_space<hbm>>
      %dma_start3A_42 = tpu.memref_squeeze %dma_start3A_41 : memref<1x128x128xf32, #tpu.memory_space<hbm>> -> memref<128x128xf32, #tpu.memory_space<hbm>>
      %dma_start3A_43 = arith.constant 0 : i32
      %dma_start3A_44 = tpu.memref_slice %arg6[%arg0, %add3A_21, %dma_start3A_43] : memref<2x10112x128xf32, #tpu.memory_space<hbm>> -> memref<1x128x128xf32, #tpu.memory_space<hbm>>
      %dma_start3A_45 = tpu.memref_squeeze %dma_start3A_44 : memref<1x128x128xf32, #tpu.memory_space<hbm>> -> memref<128x128xf32, #tpu.memory_space<hbm>>
      %dma_start3A_46 = arith.constant 0 : i32
      %dma_start3A_47 = arith.constant 0 : i32
      %dma_start3A_48 = tpu.memref_slice %arg9[%dma_start3A_46, %dma_start3A_47] : memref<128x128xf32, #tpu.memory_space<vmem>> -> memref<128x128xf32, #tpu.memory_space<vmem>>
      tpu.enqueue_dma source(%dma_start3A_48 : memref<128x128xf32, #tpu.memory_space<vmem>>) target(%dma_start3A_45 : memref<128x128xf32, #tpu.memory_space<hbm>>) target_semaphore(%run_scoped3A : memref<!tpu.dma_semaphore, #tpu.memory_space<semaphore_mem>>)
      %dma_wait3A = arith.constant 0 : i32
      %dma_wait3A_49 = arith.constant 0 : i32
      %dma_wait3A_50 = tpu.memref_slice %arg9[%dma_wait3A, %dma_wait3A_49] : memref<128x128xf32, #tpu.memory_space<vmem>> -> memref<128x128xf32, #tpu.memory_space<vmem>>
      %dma_wait3A_51 = arith.constant 0 : i32
      %dma_wait3A_52 = tpu.memref_slice %arg6[%arg0, %add3A_21, %dma_wait3A_51] : memref<2x10112x128xf32, #tpu.memory_space<hbm>> -> memref<1x128x128xf32, #tpu.memory_space<hbm>>
      %dma_wait3A_53 = tpu.memref_squeeze %dma_wait3A_52 : memref<1x128x128xf32, #tpu.memory_space<hbm>> -> memref<128x128xf32, #tpu.memory_space<hbm>>
      %dma_wait3A_54 = arith.constant 0 : i32
      %dma_wait3A_55 = tpu.memref_slice %arg6[%arg0, %add3A_21, %dma_wait3A_54] : memref<2x10112x128xf32, #tpu.memory_space<hbm>> -> memref<1x128x128xf32, #tpu.memory_space<hbm>>
      %dma_wait3A_56 = tpu.memref_squeeze %dma_wait3A_55 : memref<1x128x128xf32, #tpu.memory_space<hbm>> -> memref<128x128xf32, #tpu.memory_space<hbm>>
      %dma_wait3A_57 = arith.constant 0 : i32
      %dma_wait3A_58 = arith.constant 0 : i32
      %dma_wait3A_59 = tpu.memref_slice %arg9[%dma_wait3A_57, %dma_wait3A_58] : memref<128x128xf32, #tpu.memory_space<vmem>> -> memref<128x128xf32, #tpu.memory_space<vmem>>
      tpu.wait_dma2 semaphore(%run_scoped3A : memref<!tpu.dma_semaphore, #tpu.memory_space<semaphore_mem>>) src(%dma_wait3A_59 : memref<128x128xf32, #tpu.memory_space<vmem>>) dst(%dma_wait3A_56 : memref<128x128xf32, #tpu.memory_space<hbm>>)
      tpu.yield
    }) : () -> ()
    %add3A_22 = arith.constant 128 : i32
    %add3A_23 = arith.addi %mul3A_0, %add3A_22 : i32
    "tpu.region"() ({
      %run_scoped3A = tpu.sem_alloc : memref<!tpu.dma_semaphore, #tpu.memory_space<semaphore_mem>>
      %dma_start3A = arith.constant 0 : i32
      %dma_start3A_38 = arith.constant 0 : i32
      %dma_start3A_39 = tpu.memref_slice %arg9[%dma_start3A, %dma_start3A_38] : memref<128x128xf32, #tpu.memory_space<vmem>> -> memref<128x128xf32, #tpu.memory_space<vmem>>
      %dma_start3A_40 = arith.constant 0 : i32
      %dma_start3A_41 = tpu.memref_slice %arg11[%add3A_23, %dma_start3A_40] : memref<10112x128xf32, #tpu.memory_space<vmem_shared>> -> memref<128x128xf32, #tpu.memory_space<vmem_shared>>
      %dma_start3A_42 = arith.constant 0 : i32
      %dma_start3A_43 = arith.constant 0 : i32
      %dma_start3A_44 = tpu.memref_slice %arg9[%dma_start3A_42, %dma_start3A_43] : memref<128x128xf32, #tpu.memory_space<vmem>> -> memref<128x128xf32, #tpu.memory_space<vmem>>
      %dma_start3A_45 = arith.constant 0 : i32
      %dma_start3A_46 = tpu.memref_slice %arg11[%add3A_23, %dma_start3A_45] : memref<10112x128xf32, #tpu.memory_space<vmem_shared>> -> memref<128x128xf32, #tpu.memory_space<vmem_shared>>
      tpu.enqueue_dma source(%dma_start3A_46 : memref<128x128xf32, #tpu.memory_space<vmem_shared>>) target(%dma_start3A_44 : memref<128x128xf32, #tpu.memory_space<vmem>>) target_semaphore(%run_scoped3A : memref<!tpu.dma_semaphore, #tpu.memory_space<semaphore_mem>>)
      %dma_wait3A = arith.constant 0 : i32
      %dma_wait3A_47 = arith.constant 0 : i32
      %dma_wait3A_48 = tpu.memref_slice %arg9[%dma_wait3A, %dma_wait3A_47] : memref<128x128xf32, #tpu.memory_space<vmem>> -> memref<128x128xf32, #tpu.memory_space<vmem>>
      %dma_wait3A_49 = arith.constant 0 : i32
      %dma_wait3A_50 = tpu.memref_slice %arg11[%add3A_23, %dma_wait3A_49] : memref<10112x128xf32, #tpu.memory_space<vmem_shared>> -> memref<128x128xf32, #tpu.memory_space<vmem_shared>>
      %dma_wait3A_51 = arith.constant 0 : i32
      %dma_wait3A_52 = arith.constant 0 : i32
      %dma_wait3A_53 = tpu.memref_slice %arg9[%dma_wait3A_51, %dma_wait3A_52] : memref<128x128xf32, #tpu.memory_space<vmem>> -> memref<128x128xf32, #tpu.memory_space<vmem>>
      %dma_wait3A_54 = arith.constant 0 : i32
      %dma_wait3A_55 = tpu.memref_slice %arg11[%add3A_23, %dma_wait3A_54] : memref<10112x128xf32, #tpu.memory_space<vmem_shared>> -> memref<128x128xf32, #tpu.memory_space<vmem_shared>>
      tpu.wait_dma2 semaphore(%run_scoped3A : memref<!tpu.dma_semaphore, #tpu.memory_space<semaphore_mem>>) src(%dma_wait3A_55 : memref<128x128xf32, #tpu.memory_space<vmem_shared>>) dst(%dma_wait3A_53 : memref<128x128xf32, #tpu.memory_space<vmem>>)
      tpu.yield
    }) : () -> ()
    %add3A_24 = arith.constant 128 : i32
    %add3A_25 = arith.addi %mul3A_0, %add3A_24 : i32
    "tpu.region"() ({
      %run_scoped3A = tpu.sem_alloc : memref<!tpu.dma_semaphore, #tpu.memory_space<semaphore_mem>>
      %dma_start3A = arith.constant 0 : i32
      %dma_start3A_38 = arith.constant 0 : i32
      %dma_start3A_39 = tpu.memref_slice %arg9[%dma_start3A, %dma_start3A_38] : memref<128x128xf32, #tpu.memory_space<vmem>> -> memref<128x128xf32, #tpu.memory_space<vmem>>
      %dma_start3A_40 = arith.constant 0 : i32
      %dma_start3A_41 = tpu.memref_slice %arg6[%arg0, %add3A_25, %dma_start3A_40] : memref<2x10112x128xf32, #tpu.memory_space<hbm>> -> memref<1x128x128xf32, #tpu.memory_space<hbm>>
      %dma_start3A_42 = tpu.memref_squeeze %dma_start3A_41 : memref<1x128x128xf32, #tpu.memory_space<hbm>> -> memref<128x128xf32, #tpu.memory_space<hbm>>
      %dma_start3A_43 = arith.constant 0 : i32
      %dma_start3A_44 = tpu.memref_slice %arg6[%arg0, %add3A_25, %dma_start3A_43] : memref<2x10112x128xf32, #tpu.memory_space<hbm>> -> memref<1x128x128xf32, #tpu.memory_space<hbm>>
      %dma_start3A_45 = tpu.memref_squeeze %dma_start3A_44 : memref<1x128x128xf32, #tpu.memory_space<hbm>> -> memref<128x128xf32, #tpu.memory_space<hbm>>
      %dma_start3A_46 = arith.constant 0 : i32
      %dma_start3A_47 = arith.constant 0 : i32
      %dma_start3A_48 = tpu.memref_slice %arg9[%dma_start3A_46, %dma_start3A_47] : memref<128x128xf32, #tpu.memory_space<vmem>> -> memref<128x128xf32, #tpu.memory_space<vmem>>
      tpu.enqueue_dma source(%dma_start3A_48 : memref<128x128xf32, #tpu.memory_space<vmem>>) target(%dma_start3A_45 : memref<128x128xf32, #tpu.memory_space<hbm>>) target_semaphore(%run_scoped3A : memref<!tpu.dma_semaphore, #tpu.memory_space<semaphore_mem>>)
      %dma_wait3A = arith.constant 0 : i32
      %dma_wait3A_49 = arith.constant 0 : i32
      %dma_wait3A_50 = tpu.memref_slice %arg9[%dma_wait3A, %dma_wait3A_49] : memref<128x128xf32, #tpu.memory_space<vmem>> -> memref<128x128xf32, #tpu.memory_space<vmem>>
      %dma_wait3A_51 = arith.constant 0 : i32
      %dma_wait3A_52 = tpu.memref_slice %arg6[%arg0, %add3A_25, %dma_wait3A_51] : memref<2x10112x128xf32, #tpu.memory_space<hbm>> -> memref<1x128x128xf32, #tpu.memory_space<hbm>>
      %dma_wait3A_53 = tpu.memref_squeeze %dma_wait3A_52 : memref<1x128x128xf32, #tpu.memory_space<hbm>> -> memref<128x128xf32, #tpu.memory_space<hbm>>
      %dma_wait3A_54 = arith.constant 0 : i32
      %dma_wait3A_55 = tpu.memref_slice %arg6[%arg0, %add3A_25, %dma_wait3A_54] : memref<2x10112x128xf32, #tpu.memory_space<hbm>> -> memref<1x128x128xf32, #tpu.memory_space<hbm>>
      %dma_wait3A_56 = tpu.memref_squeeze %dma_wait3A_55 : memref<1x128x128xf32, #tpu.memory_space<hbm>> -> memref<128x128xf32, #tpu.memory_space<hbm>>
      %dma_wait3A_57 = arith.constant 0 : i32
      %dma_wait3A_58 = arith.constant 0 : i32
      %dma_wait3A_59 = tpu.memref_slice %arg9[%dma_wait3A_57, %dma_wait3A_58] : memref<128x128xf32, #tpu.memory_space<vmem>> -> memref<128x128xf32, #tpu.memory_space<vmem>>
      tpu.wait_dma2 semaphore(%run_scoped3A : memref<!tpu.dma_semaphore, #tpu.memory_space<semaphore_mem>>) src(%dma_wait3A_59 : memref<128x128xf32, #tpu.memory_space<vmem>>) dst(%dma_wait3A_56 : memref<128x128xf32, #tpu.memory_space<hbm>>)
      tpu.yield
    }) : () -> ()
    %add3A_26 = arith.constant 256 : i32
    %add3A_27 = arith.addi %mul3A_0, %add3A_26 : i32
    "tpu.region"() ({
      %run_scoped3A = tpu.sem_alloc : memref<!tpu.dma_semaphore, #tpu.memory_space<semaphore_mem>>
      %dma_start3A = arith.constant 0 : i32
      %dma_start3A_38 = arith.constant 0 : i32
      %dma_start3A_39 = tpu.memref_slice %arg9[%dma_start3A, %dma_start3A_38] : memref<128x128xf32, #tpu.memory_space<vmem>> -> memref<128x128xf32, #tpu.memory_space<vmem>>
      %dma_start3A_40 = arith.constant 0 : i32
      %dma_start3A_41 = tpu.memref_slice %arg11[%add3A_27, %dma_start3A_40] : memref<10112x128xf32, #tpu.memory_space<vmem_shared>> -> memref<128x128xf32, #tpu.memory_space<vmem_shared>>
      %dma_start3A_42 = arith.constant 0 : i32
      %dma_start3A_43 = arith.constant 0 : i32
      %dma_start3A_44 = tpu.memref_slice %arg9[%dma_start3A_42, %dma_start3A_43] : memref<128x128xf32, #tpu.memory_space<vmem>> -> memref<128x128xf32, #tpu.memory_space<vmem>>
      %dma_start3A_45 = arith.constant 0 : i32
      %dma_start3A_46 = tpu.memref_slice %arg11[%add3A_27, %dma_start3A_45] : memref<10112x128xf32, #tpu.memory_space<vmem_shared>> -> memref<128x128xf32, #tpu.memory_space<vmem_shared>>
      tpu.enqueue_dma source(%dma_start3A_46 : memref<128x128xf32, #tpu.memory_space<vmem_shared>>) target(%dma_start3A_44 : memref<128x128xf32, #tpu.memory_space<vmem>>) target_semaphore(%run_scoped3A : memref<!tpu.dma_semaphore, #tpu.memory_space<semaphore_mem>>)
      %dma_wait3A = arith.constant 0 : i32
      %dma_wait3A_47 = arith.constant 0 : i32
      %dma_wait3A_48 = tpu.memref_slice %arg9[%dma_wait3A, %dma_wait3A_47] : memref<128x128xf32, #tpu.memory_space<vmem>> -> memref<128x128xf32, #tpu.memory_space<vmem>>
      %dma_wait3A_49 = arith.constant 0 : i32
      %dma_wait3A_50 = tpu.memref_slice %arg11[%add3A_27, %dma_wait3A_49] : memref<10112x128xf32, #tpu.memory_space<vmem_shared>> -> memref<128x128xf32, #tpu.memory_space<vmem_shared>>
      %dma_wait3A_51 = arith.constant 0 : i32
      %dma_wait3A_52 = arith.constant 0 : i32
      %dma_wait3A_53 = tpu.memref_slice %arg9[%dma_wait3A_51, %dma_wait3A_52] : memref<128x128xf32, #tpu.memory_space<vmem>> -> memref<128x128xf32, #tpu.memory_space<vmem>>
      %dma_wait3A_54 = arith.constant 0 : i32
      %dma_wait3A_55 = tpu.memref_slice %arg11[%add3A_27, %dma_wait3A_54] : memref<10112x128xf32, #tpu.memory_space<vmem_shared>> -> memref<128x128xf32, #tpu.memory_space<vmem_shared>>
      tpu.wait_dma2 semaphore(%run_scoped3A : memref<!tpu.dma_semaphore, #tpu.memory_space<semaphore_mem>>) src(%dma_wait3A_55 : memref<128x128xf32, #tpu.memory_space<vmem_shared>>) dst(%dma_wait3A_53 : memref<128x128xf32, #tpu.memory_space<vmem>>)
      tpu.yield
    }) : () -> ()
    %add3A_28 = arith.constant 256 : i32
    %add3A_29 = arith.addi %mul3A_0, %add3A_28 : i32
    "tpu.region"() ({
      %run_scoped3A = tpu.sem_alloc : memref<!tpu.dma_semaphore, #tpu.memory_space<semaphore_mem>>
      %dma_start3A = arith.constant 0 : i32
      %dma_start3A_38 = arith.constant 0 : i32
      %dma_start3A_39 = tpu.memref_slice %arg9[%dma_start3A, %dma_start3A_38] : memref<128x128xf32, #tpu.memory_space<vmem>> -> memref<128x128xf32, #tpu.memory_space<vmem>>
      %dma_start3A_40 = arith.constant 0 : i32
      %dma_start3A_41 = tpu.memref_slice %arg6[%arg0, %add3A_29, %dma_start3A_40] : memref<2x10112x128xf32, #tpu.memory_space<hbm>> -> memref<1x128x128xf32, #tpu.memory_space<hbm>>
      %dma_start3A_42 = tpu.memref_squeeze %dma_start3A_41 : memref<1x128x128xf32, #tpu.memory_space<hbm>> -> memref<128x128xf32, #tpu.memory_space<hbm>>
      %dma_start3A_43 = arith.constant 0 : i32
      %dma_start3A_44 = tpu.memref_slice %arg6[%arg0, %add3A_29, %dma_start3A_43] : memref<2x10112x128xf32, #tpu.memory_space<hbm>> -> memref<1x128x128xf32, #tpu.memory_space<hbm>>
      %dma_start3A_45 = tpu.memref_squeeze %dma_start3A_44 : memref<1x128x128xf32, #tpu.memory_space<hbm>> -> memref<128x128xf32, #tpu.memory_space<hbm>>
      %dma_start3A_46 = arith.constant 0 : i32
      %dma_start3A_47 = arith.constant 0 : i32
      %dma_start3A_48 = tpu.memref_slice %arg9[%dma_start3A_46, %dma_start3A_47] : memref<128x128xf32, #tpu.memory_space<vmem>> -> memref<128x128xf32, #tpu.memory_space<vmem>>
      tpu.enqueue_dma source(%dma_start3A_48 : memref<128x128xf32, #tpu.memory_space<vmem>>) target(%dma_start3A_45 : memref<128x128xf32, #tpu.memory_space<hbm>>) target_semaphore(%run_scoped3A : memref<!tpu.dma_semaphore, #tpu.memory_space<semaphore_mem>>)
      %dma_wait3A = arith.constant 0 : i32
      %dma_wait3A_49 = arith.constant 0 : i32
      %dma_wait3A_50 = tpu.memref_slice %arg9[%dma_wait3A, %dma_wait3A_49] : memref<128x128xf32, #tpu.memory_space<vmem>> -> memref<128x128xf32, #tpu.memory_space<vmem>>
      %dma_wait3A_51 = arith.constant 0 : i32
      %dma_wait3A_52 = tpu.memref_slice %arg6[%arg0, %add3A_29, %dma_wait3A_51] : memref<2x10112x128xf32, #tpu.memory_space<hbm>> -> memref<1x128x128xf32, #tpu.memory_space<hbm>>
      %dma_wait3A_53 = tpu.memref_squeeze %dma_wait3A_52 : memref<1x128x128xf32, #tpu.memory_space<hbm>> -> memref<128x128xf32, #tpu.memory_space<hbm>>
      %dma_wait3A_54 = arith.constant 0 : i32
      %dma_wait3A_55 = tpu.memref_slice %arg6[%arg0, %add3A_29, %dma_wait3A_54] : memref<2x10112x128xf32, #tpu.memory_space<hbm>> -> memref<1x128x128xf32, #tpu.memory_space<hbm>>
      %dma_wait3A_56 = tpu.memref_squeeze %dma_wait3A_55 : memref<1x128x128xf32, #tpu.memory_space<hbm>> -> memref<128x128xf32, #tpu.memory_space<hbm>>
      %dma_wait3A_57 = arith.constant 0 : i32
      %dma_wait3A_58 = arith.constant 0 : i32
      %dma_wait3A_59 = tpu.memref_slice %arg9[%dma_wait3A_57, %dma_wait3A_58] : memref<128x128xf32, #tpu.memory_space<vmem>> -> memref<128x128xf32, #tpu.memory_space<vmem>>
      tpu.wait_dma2 semaphore(%run_scoped3A : memref<!tpu.dma_semaphore, #tpu.memory_space<semaphore_mem>>) src(%dma_wait3A_59 : memref<128x128xf32, #tpu.memory_space<vmem>>) dst(%dma_wait3A_56 : memref<128x128xf32, #tpu.memory_space<hbm>>)
      tpu.yield
    }) : () -> ()
    %add3A_30 = arith.constant 384 : i32
    %add3A_31 = arith.addi %mul3A_0, %add3A_30 : i32
    "tpu.region"() ({
      %run_scoped3A = tpu.sem_alloc : memref<!tpu.dma_semaphore, #tpu.memory_space<semaphore_mem>>
      %dma_start3A = arith.constant 0 : i32
      %dma_start3A_38 = arith.constant 0 : i32
      %dma_start3A_39 = tpu.memref_slice %arg9[%dma_start3A, %dma_start3A_38] : memref<128x128xf32, #tpu.memory_space<vmem>> -> memref<128x128xf32, #tpu.memory_space<vmem>>
      %dma_start3A_40 = arith.constant 0 : i32
      %dma_start3A_41 = tpu.memref_slice %arg11[%add3A_31, %dma_start3A_40] : memref<10112x128xf32, #tpu.memory_space<vmem_shared>> -> memref<128x128xf32, #tpu.memory_space<vmem_shared>>
      %dma_start3A_42 = arith.constant 0 : i32
      %dma_start3A_43 = arith.constant 0 : i32
      %dma_start3A_44 = tpu.memref_slice %arg9[%dma_start3A_42, %dma_start3A_43] : memref<128x128xf32, #tpu.memory_space<vmem>> -> memref<128x128xf32, #tpu.memory_space<vmem>>
      %dma_start3A_45 = arith.constant 0 : i32
      %dma_start3A_46 = tpu.memref_slice %arg11[%add3A_31, %dma_start3A_45] : memref<10112x128xf32, #tpu.memory_space<vmem_shared>> -> memref<128x128xf32, #tpu.memory_space<vmem_shared>>
      tpu.enqueue_dma source(%dma_start3A_46 : memref<128x128xf32, #tpu.memory_space<vmem_shared>>) target(%dma_start3A_44 : memref<128x128xf32, #tpu.memory_space<vmem>>) target_semaphore(%run_scoped3A : memref<!tpu.dma_semaphore, #tpu.memory_space<semaphore_mem>>)
      %dma_wait3A = arith.constant 0 : i32
      %dma_wait3A_47 = arith.constant 0 : i32
      %dma_wait3A_48 = tpu.memref_slice %arg9[%dma_wait3A, %dma_wait3A_47] : memref<128x128xf32, #tpu.memory_space<vmem>> -> memref<128x128xf32, #tpu.memory_space<vmem>>
      %dma_wait3A_49 = arith.constant 0 : i32
      %dma_wait3A_50 = tpu.memref_slice %arg11[%add3A_31, %dma_wait3A_49] : memref<10112x128xf32, #tpu.memory_space<vmem_shared>> -> memref<128x128xf32, #tpu.memory_space<vmem_shared>>
      %dma_wait3A_51 = arith.constant 0 : i32
      %dma_wait3A_52 = arith.constant 0 : i32
      %dma_wait3A_53 = tpu.memref_slice %arg9[%dma_wait3A_51, %dma_wait3A_52] : memref<128x128xf32, #tpu.memory_space<vmem>> -> memref<128x128xf32, #tpu.memory_space<vmem>>
      %dma_wait3A_54 = arith.constant 0 : i32
      %dma_wait3A_55 = tpu.memref_slice %arg11[%add3A_31, %dma_wait3A_54] : memref<10112x128xf32, #tpu.memory_space<vmem_shared>> -> memref<128x128xf32, #tpu.memory_space<vmem_shared>>
      tpu.wait_dma2 semaphore(%run_scoped3A : memref<!tpu.dma_semaphore, #tpu.memory_space<semaphore_mem>>) src(%dma_wait3A_55 : memref<128x128xf32, #tpu.memory_space<vmem_shared>>) dst(%dma_wait3A_53 : memref<128x128xf32, #tpu.memory_space<vmem>>)
      tpu.yield
    }) : () -> ()
    %add3A_32 = arith.constant 384 : i32
    %add3A_33 = arith.addi %mul3A_0, %add3A_32 : i32
    "tpu.region"() ({
      %run_scoped3A = tpu.sem_alloc : memref<!tpu.dma_semaphore, #tpu.memory_space<semaphore_mem>>
      %dma_start3A = arith.constant 0 : i32
      %dma_start3A_38 = arith.constant 0 : i32
      %dma_start3A_39 = tpu.memref_slice %arg9[%dma_start3A, %dma_start3A_38] : memref<128x128xf32, #tpu.memory_space<vmem>> -> memref<128x128xf32, #tpu.memory_space<vmem>>
      %dma_start3A_40 = arith.constant 0 : i32
      %dma_start3A_41 = tpu.memref_slice %arg6[%arg0, %add3A_33, %dma_start3A_40] : memref<2x10112x128xf32, #tpu.memory_space<hbm>> -> memref<1x128x128xf32, #tpu.memory_space<hbm>>
      %dma_start3A_42 = tpu.memref_squeeze %dma_start3A_41 : memref<1x128x128xf32, #tpu.memory_space<hbm>> -> memref<128x128xf32, #tpu.memory_space<hbm>>
      %dma_start3A_43 = arith.constant 0 : i32
      %dma_start3A_44 = tpu.memref_slice %arg6[%arg0, %add3A_33, %dma_start3A_43] : memref<2x10112x128xf32, #tpu.memory_space<hbm>> -> memref<1x128x128xf32, #tpu.memory_space<hbm>>
      %dma_start3A_45 = tpu.memref_squeeze %dma_start3A_44 : memref<1x128x128xf32, #tpu.memory_space<hbm>> -> memref<128x128xf32, #tpu.memory_space<hbm>>
      %dma_start3A_46 = arith.constant 0 : i32
      %dma_start3A_47 = arith.constant 0 : i32
      %dma_start3A_48 = tpu.memref_slice %arg9[%dma_start3A_46, %dma_start3A_47] : memref<128x128xf32, #tpu.memory_space<vmem>> -> memref<128x128xf32, #tpu.memory_space<vmem>>
      tpu.enqueue_dma source(%dma_start3A_48 : memref<128x128xf32, #tpu.memory_space<vmem>>) target(%dma_start3A_45 : memref<128x128xf32, #tpu.memory_space<hbm>>) target_semaphore(%run_scoped3A : memref<!tpu.dma_semaphore, #tpu.memory_space<semaphore_mem>>)
      %dma_wait3A = arith.constant 0 : i32
      %dma_wait3A_49 = arith.constant 0 : i32
      %dma_wait3A_50 = tpu.memref_slice %arg9[%dma_wait3A, %dma_wait3A_49] : memref<128x128xf32, #tpu.memory_space<vmem>> -> memref<128x128xf32, #tpu.memory_space<vmem>>
      %dma_wait3A_51 = arith.constant 0 : i32
      %dma_wait3A_52 = tpu.memref_slice %arg6[%arg0, %add3A_33, %dma_wait3A_51] : memref<2x10112x128xf32, #tpu.memory_space<hbm>> -> memref<1x128x128xf32, #tpu.memory_space<hbm>>
      %dma_wait3A_53 = tpu.memref_squeeze %dma_wait3A_52 : memref<1x128x128xf32, #tpu.memory_space<hbm>> -> memref<128x128xf32, #tpu.memory_space<hbm>>
      %dma_wait3A_54 = arith.constant 0 : i32
      %dma_wait3A_55 = tpu.memref_slice %arg6[%arg0, %add3A_33, %dma_wait3A_54] : memref<2x10112x128xf32, #tpu.memory_space<hbm>> -> memref<1x128x128xf32, #tpu.memory_space<hbm>>
      %dma_wait3A_56 = tpu.memref_squeeze %dma_wait3A_55 : memref<1x128x128xf32, #tpu.memory_space<hbm>> -> memref<128x128xf32, #tpu.memory_space<hbm>>
      %dma_wait3A_57 = arith.constant 0 : i32
      %dma_wait3A_58 = arith.constant 0 : i32
      %dma_wait3A_59 = tpu.memref_slice %arg9[%dma_wait3A_57, %dma_wait3A_58] : memref<128x128xf32, #tpu.memory_space<vmem>> -> memref<128x128xf32, #tpu.memory_space<vmem>>
      tpu.wait_dma2 semaphore(%run_scoped3A : memref<!tpu.dma_semaphore, #tpu.memory_space<semaphore_mem>>) src(%dma_wait3A_59 : memref<128x128xf32, #tpu.memory_space<vmem>>) dst(%dma_wait3A_56 : memref<128x128xf32, #tpu.memory_space<hbm>>)
      tpu.yield
    }) : () -> ()
    %add3A_34 = arith.constant 512 : i32
    %add3A_35 = arith.addi %mul3A_0, %add3A_34 : i32
    "tpu.region"() ({
      %run_scoped3A = tpu.sem_alloc : memref<!tpu.dma_semaphore, #tpu.memory_space<semaphore_mem>>
      %dma_start3A = arith.constant 0 : i32
      %dma_start3A_38 = arith.constant 0 : i32
      %dma_start3A_39 = tpu.memref_slice %arg9[%dma_start3A, %dma_start3A_38] : memref<128x128xf32, #tpu.memory_space<vmem>> -> memref<120x128xf32, #tpu.memory_space<vmem>>
      %dma_start3A_40 = arith.constant 0 : i32
      %dma_start3A_41 = tpu.memref_slice %arg11[%add3A_35, %dma_start3A_40] : memref<10112x128xf32, #tpu.memory_space<vmem_shared>> -> memref<120x128xf32, #tpu.memory_space<vmem_shared>>
      %dma_start3A_42 = arith.constant 0 : i32
      %dma_start3A_43 = arith.constant 0 : i32
      %dma_start3A_44 = tpu.memref_slice %arg9[%dma_start3A_42, %dma_start3A_43] : memref<128x128xf32, #tpu.memory_space<vmem>> -> memref<120x128xf32, #tpu.memory_space<vmem>>
      %dma_start3A_45 = arith.constant 0 : i32
      %dma_start3A_46 = tpu.memref_slice %arg11[%add3A_35, %dma_start3A_45] : memref<10112x128xf32, #tpu.memory_space<vmem_shared>> -> memref<120x128xf32, #tpu.memory_space<vmem_shared>>
      tpu.enqueue_dma source(%dma_start3A_46 : memref<120x128xf32, #tpu.memory_space<vmem_shared>>) target(%dma_start3A_44 : memref<120x128xf32, #tpu.memory_space<vmem>>) target_semaphore(%run_scoped3A : memref<!tpu.dma_semaphore, #tpu.memory_space<semaphore_mem>>)
      %dma_wait3A = arith.constant 0 : i32
      %dma_wait3A_47 = arith.constant 0 : i32
      %dma_wait3A_48 = tpu.memref_slice %arg9[%dma_wait3A, %dma_wait3A_47] : memref<128x128xf32, #tpu.memory_space<vmem>> -> memref<120x128xf32, #tpu.memory_space<vmem>>
      %dma_wait3A_49 = arith.constant 0 : i32
      %dma_wait3A_50 = tpu.memref_slice %arg11[%add3A_35, %dma_wait3A_49] : memref<10112x128xf32, #tpu.memory_space<vmem_shared>> -> memref<120x128xf32, #tpu.memory_space<vmem_shared>>
      %dma_wait3A_51 = arith.constant 0 : i32
      %dma_wait3A_52 = arith.constant 0 : i32
      %dma_wait3A_53 = tpu.memref_slice %arg9[%dma_wait3A_51, %dma_wait3A_52] : memref<128x128xf32, #tpu.memory_space<vmem>> -> memref<120x128xf32, #tpu.memory_space<vmem>>
      %dma_wait3A_54 = arith.constant 0 : i32
      %dma_wait3A_55 = tpu.memref_slice %arg11[%add3A_35, %dma_wait3A_54] : memref<10112x128xf32, #tpu.memory_space<vmem_shared>> -> memref<120x128xf32, #tpu.memory_space<vmem_shared>>
      tpu.wait_dma2 semaphore(%run_scoped3A : memref<!tpu.dma_semaphore, #tpu.memory_space<semaphore_mem>>) src(%dma_wait3A_55 : memref<120x128xf32, #tpu.memory_space<vmem_shared>>) dst(%dma_wait3A_53 : memref<120x128xf32, #tpu.memory_space<vmem>>)
      tpu.yield
    }) : () -> ()
    %add3A_36 = arith.constant 512 : i32
    %add3A_37 = arith.addi %mul3A_0, %add3A_36 : i32
    "tpu.region"() ({
      %run_scoped3A = tpu.sem_alloc : memref<!tpu.dma_semaphore, #tpu.memory_space<semaphore_mem>>
      %dma_start3A = arith.constant 0 : i32
      %dma_start3A_38 = arith.constant 0 : i32
      %dma_start3A_39 = tpu.memref_slice %arg9[%dma_start3A, %dma_start3A_38] : memref<128x128xf32, #tpu.memory_space<vmem>> -> memref<120x128xf32, #tpu.memory_space<vmem>>
      %dma_start3A_40 = arith.constant 0 : i32
      %dma_start3A_41 = tpu.memref_slice %arg6[%arg0, %add3A_37, %dma_start3A_40] : memref<2x10112x128xf32, #tpu.memory_space<hbm>> -> memref<1x120x128xf32, #tpu.memory_space<hbm>>
      %dma_start3A_42 = tpu.memref_squeeze %dma_start3A_41 : memref<1x120x128xf32, #tpu.memory_space<hbm>> -> memref<120x128xf32, #tpu.memory_space<hbm>>
      %dma_start3A_43 = arith.constant 0 : i32
      %dma_start3A_44 = tpu.memref_slice %arg6[%arg0, %add3A_37, %dma_start3A_43] : memref<2x10112x128xf32, #tpu.memory_space<hbm>> -> memref<1x120x128xf32, #tpu.memory_space<hbm>>
      %dma_start3A_45 = tpu.memref_squeeze %dma_start3A_44 : memref<1x120x128xf32, #tpu.memory_space<hbm>> -> memref<120x128xf32, #tpu.memory_space<hbm>>
      %dma_start3A_46 = arith.constant 0 : i32
      %dma_start3A_47 = arith.constant 0 : i32
      %dma_start3A_48 = tpu.memref_slice %arg9[%dma_start3A_46, %dma_start3A_47] : memref<128x128xf32, #tpu.memory_space<vmem>> -> memref<120x128xf32, #tpu.memory_space<vmem>>
      tpu.enqueue_dma source(%dma_start3A_48 : memref<120x128xf32, #tpu.memory_space<vmem>>) target(%dma_start3A_45 : memref<120x128xf32, #tpu.memory_space<hbm>>) target_semaphore(%run_scoped3A : memref<!tpu.dma_semaphore, #tpu.memory_space<semaphore_mem>>)
      %dma_wait3A = arith.constant 0 : i32
      %dma_wait3A_49 = arith.constant 0 : i32
      %dma_wait3A_50 = tpu.memref_slice %arg9[%dma_wait3A, %dma_wait3A_49] : memref<128x128xf32, #tpu.memory_space<vmem>> -> memref<120x128xf32, #tpu.memory_space<vmem>>
      %dma_wait3A_51 = arith.constant 0 : i32
      %dma_wait3A_52 = tpu.memref_slice %arg6[%arg0, %add3A_37, %dma_wait3A_51] : memref<2x10112x128xf32, #tpu.memory_space<hbm>> -> memref<1x120x128xf32, #tpu.memory_space<hbm>>
      %dma_wait3A_53 = tpu.memref_squeeze %dma_wait3A_52 : memref<1x120x128xf32, #tpu.memory_space<hbm>> -> memref<120x128xf32, #tpu.memory_space<hbm>>
      %dma_wait3A_54 = arith.constant 0 : i32
      %dma_wait3A_55 = tpu.memref_slice %arg6[%arg0, %add3A_37, %dma_wait3A_54] : memref<2x10112x128xf32, #tpu.memory_space<hbm>> -> memref<1x120x128xf32, #tpu.memory_space<hbm>>
      %dma_wait3A_56 = tpu.memref_squeeze %dma_wait3A_55 : memref<1x120x128xf32, #tpu.memory_space<hbm>> -> memref<120x128xf32, #tpu.memory_space<hbm>>
      %dma_wait3A_57 = arith.constant 0 : i32
      %dma_wait3A_58 = arith.constant 0 : i32
      %dma_wait3A_59 = tpu.memref_slice %arg9[%dma_wait3A_57, %dma_wait3A_58] : memref<128x128xf32, #tpu.memory_space<vmem>> -> memref<120x128xf32, #tpu.memory_space<vmem>>
      tpu.wait_dma2 semaphore(%run_scoped3A : memref<!tpu.dma_semaphore, #tpu.memory_space<semaphore_mem>>) src(%dma_wait3A_59 : memref<120x128xf32, #tpu.memory_space<vmem>>) dst(%dma_wait3A_56 : memref<120x128xf32, #tpu.memory_space<hbm>>)
      tpu.yield
    }) : () -> ()
    return
  }
}

#map = affine_map<(d0, d1) -> (0, 0)>
#map1 = affine_map<(d0, d1) -> (0, 0, 0)>
module attributes {stable_mosaic.version = 14 : i64} {
  func.func @_sc_agg_body(%arg0: i32, %arg1: i32, %arg2: memref<10000x128xf32, #tpu.memory_space<hbm>>, %arg3: memref<16x160x128xi32, #tpu.memory_space<hbm>>, %arg4: memref<16x160x128xi32, #tpu.memory_space<hbm>>, %arg5: memref<10112x128xf32, #tpu.memory_space<hbm>>, %arg6: memref<2x10112x128xf32, #tpu.memory_space<hbm>>, %arg7: memref<8x128xi32, #tpu.memory_space<vmem>>, %arg8: memref<8x128xi32, #tpu.memory_space<vmem>>, %arg9: memref<128x128xf32, #tpu.memory_space<vmem>>, %arg10: memref<128x128xf32, #tpu.memory_space<vmem>>, %arg11: memref<10112x128xf32, #tpu.memory_space<vmem_shared>>, %arg12: memref<!tpu.dma_semaphore, #tpu.memory_space<semaphore_mem>>, %arg13: memref<!tpu.dma_semaphore, #tpu.memory_space<semaphore_mem>>) attributes {dimension_semantics = [#tpu.dimension_semantics<core_parallel>, #tpu.dimension_semantics<subcore_parallel>], iteration_bounds = array<i64: 2, 16>, scalar_prefetch = 0 : i64, scratch_operands = 7 : i64, tpu.core_type = #tpu.core_type<sc_vector_subcore>, window_params = [{transform_indices = #map}, {transform_indices = #map1}, {transform_indices = #map1}, {transform_indices = #map}, {transform_indices = #map1}]} {
    %mul3A = arith.constant 632 : i32
    %mul3A_0 = arith.muli %arg1, %mul3A : i32
    "tpu.region"() ({
      %run_scoped3A = tpu.sem_alloc : memref<!tpu.dma_semaphore, #tpu.memory_space<semaphore_mem>>
      %dma_start3A = arith.constant 0 : i32
      %dma_start3A_38 = arith.constant 0 : i32
      %dma_start3A_39 = tpu.memref_slice %arg5[%dma_start3A, %dma_start3A_38] : memref<10112x128xf32, #tpu.memory_space<hbm>> -> memref<128x128xf32, #tpu.memory_space<hbm>>
      %dma_start3A_40 = arith.constant 0 : i32
      %dma_start3A_41 = arith.constant 0 : i32
      %dma_start3A_42 = tpu.memref_slice %arg5[%dma_start3A_40, %dma_start3A_41] : memref<10112x128xf32, #tpu.memory_space<hbm>> -> memref<128x128xf32, #tpu.memory_space<hbm>>
      tpu.enqueue_dma source(%dma_start3A_42 : memref<128x128xf32, #tpu.memory_space<hbm>>) target(%arg9 : memref<128x128xf32, #tpu.memory_space<vmem>>) target_semaphore(%run_scoped3A : memref<!tpu.dma_semaphore, #tpu.memory_space<semaphore_mem>>)
      %dma_wait3A = arith.constant 0 : i32
      %dma_wait3A_43 = arith.constant 0 : i32
      %dma_wait3A_44 = tpu.memref_slice %arg5[%dma_wait3A, %dma_wait3A_43] : memref<10112x128xf32, #tpu.memory_space<hbm>> -> memref<128x128xf32, #tpu.memory_space<hbm>>
      %dma_wait3A_45 = arith.constant 0 : i32
      %dma_wait3A_46 = arith.constant 0 : i32
      %dma_wait3A_47 = tpu.memref_slice %arg5[%dma_wait3A_45, %dma_wait3A_46] : memref<10112x128xf32, #tpu.memory_space<hbm>> -> memref<128x128xf32, #tpu.memory_space<hbm>>
      tpu.wait_dma2 semaphore(%run_scoped3A : memref<!tpu.dma_semaphore, #tpu.memory_space<semaphore_mem>>) src(%dma_wait3A_47 : memref<128x128xf32, #tpu.memory_space<hbm>>) dst(%arg9 : memref<128x128xf32, #tpu.memory_space<vmem>>)
      tpu.yield
    }) : () -> ()
    %add3A = arith.constant 0 : i32
    %add3A_1 = arith.addi %mul3A_0, %add3A : i32
    "tpu.region"() ({
      %run_scoped3A = tpu.sem_alloc : memref<!tpu.dma_semaphore, #tpu.memory_space<semaphore_mem>>
      %dma_start3A = arith.constant 0 : i32
      %dma_start3A_38 = arith.constant 0 : i32
      %dma_start3A_39 = tpu.memref_slice %arg9[%dma_start3A, %dma_start3A_38] : memref<128x128xf32, #tpu.memory_space<vmem>> -> memref<128x128xf32, #tpu.memory_space<vmem>>
      %dma_start3A_40 = arith.constant 0 : i32
      %dma_start3A_41 = tpu.memref_slice %arg11[%add3A_1, %dma_start3A_40] : memref<10112x128xf32, #tpu.memory_space<vmem_shared>> -> memref<128x128xf32, #tpu.memory_space<vmem_shared>>
      %dma_start3A_42 = arith.constant 0 : i32
      %dma_start3A_43 = tpu.memref_slice %arg11[%add3A_1, %dma_start3A_42] : memref<10112x128xf32, #tpu.memory_space<vmem_shared>> -> memref<128x128xf32, #tpu.memory_space<vmem_shared>>
      %dma_start3A_44 = arith.constant 0 : i32
      %dma_start3A_45 = arith.constant 0 : i32
      %dma_start3A_46 = tpu.memref_slice %arg9[%dma_start3A_44, %dma_start3A_45] : memref<128x128xf32, #tpu.memory_space<vmem>> -> memref<128x128xf32, #tpu.memory_space<vmem>>
      tpu.enqueue_dma source(%dma_start3A_46 : memref<128x128xf32, #tpu.memory_space<vmem>>) target(%dma_start3A_43 : memref<128x128xf32, #tpu.memory_space<vmem_shared>>) target_semaphore(%run_scoped3A : memref<!tpu.dma_semaphore, #tpu.memory_space<semaphore_mem>>)
      %dma_wait3A = arith.constant 0 : i32
      %dma_wait3A_47 = arith.constant 0 : i32
      %dma_wait3A_48 = tpu.memref_slice %arg9[%dma_wait3A, %dma_wait3A_47] : memref<128x128xf32, #tpu.memory_space<vmem>> -> memref<128x128xf32, #tpu.memory_space<vmem>>
      %dma_wait3A_49 = arith.constant 0 : i32
      %dma_wait3A_50 = tpu.memref_slice %arg11[%add3A_1, %dma_wait3A_49] : memref<10112x128xf32, #tpu.memory_space<vmem_shared>> -> memref<128x128xf32, #tpu.memory_space<vmem_shared>>
      %dma_wait3A_51 = arith.constant 0 : i32
      %dma_wait3A_52 = tpu.memref_slice %arg11[%add3A_1, %dma_wait3A_51] : memref<10112x128xf32, #tpu.memory_space<vmem_shared>> -> memref<128x128xf32, #tpu.memory_space<vmem_shared>>
      %dma_wait3A_53 = arith.constant 0 : i32
      %dma_wait3A_54 = arith.constant 0 : i32
      %dma_wait3A_55 = tpu.memref_slice %arg9[%dma_wait3A_53, %dma_wait3A_54] : memref<128x128xf32, #tpu.memory_space<vmem>> -> memref<128x128xf32, #tpu.memory_space<vmem>>
      tpu.wait_dma2 semaphore(%run_scoped3A : memref<!tpu.dma_semaphore, #tpu.memory_space<semaphore_mem>>) src(%dma_wait3A_55 : memref<128x128xf32, #tpu.memory_space<vmem>>) dst(%dma_wait3A_52 : memref<128x128xf32, #tpu.memory_space<vmem_shared>>)
      tpu.yield
    }) : () -> ()
    %add3A_2 = arith.constant 128 : i32
    %add3A_3 = arith.addi %mul3A_0, %add3A_2 : i32
    "tpu.region"() ({
      %run_scoped3A = tpu.sem_alloc : memref<!tpu.dma_semaphore, #tpu.memory_space<semaphore_mem>>
      %dma_start3A = arith.constant 0 : i32
      %dma_start3A_38 = arith.constant 0 : i32
      %dma_start3A_39 = tpu.memref_slice %arg9[%dma_start3A, %dma_start3A_38] : memref<128x128xf32, #tpu.memory_space<vmem>> -> memref<128x128xf32, #tpu.memory_space<vmem>>
      %dma_start3A_40 = arith.constant 0 : i32
      %dma_start3A_41 = tpu.memref_slice %arg11[%add3A_3, %dma_start3A_40] : memref<10112x128xf32, #tpu.memory_space<vmem_shared>> -> memref<128x128xf32, #tpu.memory_space<vmem_shared>>
      %dma_start3A_42 = arith.constant 0 : i32
      %dma_start3A_43 = tpu.memref_slice %arg11[%add3A_3, %dma_start3A_42] : memref<10112x128xf32, #tpu.memory_space<vmem_shared>> -> memref<128x128xf32, #tpu.memory_space<vmem_shared>>
      %dma_start3A_44 = arith.constant 0 : i32
      %dma_start3A_45 = arith.constant 0 : i32
      %dma_start3A_46 = tpu.memref_slice %arg9[%dma_start3A_44, %dma_start3A_45] : memref<128x128xf32, #tpu.memory_space<vmem>> -> memref<128x128xf32, #tpu.memory_space<vmem>>
      tpu.enqueue_dma source(%dma_start3A_46 : memref<128x128xf32, #tpu.memory_space<vmem>>) target(%dma_start3A_43 : memref<128x128xf32, #tpu.memory_space<vmem_shared>>) target_semaphore(%run_scoped3A : memref<!tpu.dma_semaphore, #tpu.memory_space<semaphore_mem>>)
      %dma_wait3A = arith.constant 0 : i32
      %dma_wait3A_47 = arith.constant 0 : i32
      %dma_wait3A_48 = tpu.memref_slice %arg9[%dma_wait3A, %dma_wait3A_47] : memref<128x128xf32, #tpu.memory_space<vmem>> -> memref<128x128xf32, #tpu.memory_space<vmem>>
      %dma_wait3A_49 = arith.constant 0 : i32
      %dma_wait3A_50 = tpu.memref_slice %arg11[%add3A_3, %dma_wait3A_49] : memref<10112x128xf32, #tpu.memory_space<vmem_shared>> -> memref<128x128xf32, #tpu.memory_space<vmem_shared>>
      %dma_wait3A_51 = arith.constant 0 : i32
      %dma_wait3A_52 = tpu.memref_slice %arg11[%add3A_3, %dma_wait3A_51] : memref<10112x128xf32, #tpu.memory_space<vmem_shared>> -> memref<128x128xf32, #tpu.memory_space<vmem_shared>>
      %dma_wait3A_53 = arith.constant 0 : i32
      %dma_wait3A_54 = arith.constant 0 : i32
      %dma_wait3A_55 = tpu.memref_slice %arg9[%dma_wait3A_53, %dma_wait3A_54] : memref<128x128xf32, #tpu.memory_space<vmem>> -> memref<128x128xf32, #tpu.memory_space<vmem>>
      tpu.wait_dma2 semaphore(%run_scoped3A : memref<!tpu.dma_semaphore, #tpu.memory_space<semaphore_mem>>) src(%dma_wait3A_55 : memref<128x128xf32, #tpu.memory_space<vmem>>) dst(%dma_wait3A_52 : memref<128x128xf32, #tpu.memory_space<vmem_shared>>)
      tpu.yield
    }) : () -> ()
    %add3A_4 = arith.constant 256 : i32
    %add3A_5 = arith.addi %mul3A_0, %add3A_4 : i32
    "tpu.region"() ({
      %run_scoped3A = tpu.sem_alloc : memref<!tpu.dma_semaphore, #tpu.memory_space<semaphore_mem>>
      %dma_start3A = arith.constant 0 : i32
      %dma_start3A_38 = arith.constant 0 : i32
      %dma_start3A_39 = tpu.memref_slice %arg9[%dma_start3A, %dma_start3A_38] : memref<128x128xf32, #tpu.memory_space<vmem>> -> memref<128x128xf32, #tpu.memory_space<vmem>>
      %dma_start3A_40 = arith.constant 0 : i32
      %dma_start3A_41 = tpu.memref_slice %arg11[%add3A_5, %dma_start3A_40] : memref<10112x128xf32, #tpu.memory_space<vmem_shared>> -> memref<128x128xf32, #tpu.memory_space<vmem_shared>>
      %dma_start3A_42 = arith.constant 0 : i32
      %dma_start3A_43 = tpu.memref_slice %arg11[%add3A_5, %dma_start3A_42] : memref<10112x128xf32, #tpu.memory_space<vmem_shared>> -> memref<128x128xf32, #tpu.memory_space<vmem_shared>>
      %dma_start3A_44 = arith.constant 0 : i32
      %dma_start3A_45 = arith.constant 0 : i32
      %dma_start3A_46 = tpu.memref_slice %arg9[%dma_start3A_44, %dma_start3A_45] : memref<128x128xf32, #tpu.memory_space<vmem>> -> memref<128x128xf32, #tpu.memory_space<vmem>>
      tpu.enqueue_dma source(%dma_start3A_46 : memref<128x128xf32, #tpu.memory_space<vmem>>) target(%dma_start3A_43 : memref<128x128xf32, #tpu.memory_space<vmem_shared>>) target_semaphore(%run_scoped3A : memref<!tpu.dma_semaphore, #tpu.memory_space<semaphore_mem>>)
      %dma_wait3A = arith.constant 0 : i32
      %dma_wait3A_47 = arith.constant 0 : i32
      %dma_wait3A_48 = tpu.memref_slice %arg9[%dma_wait3A, %dma_wait3A_47] : memref<128x128xf32, #tpu.memory_space<vmem>> -> memref<128x128xf32, #tpu.memory_space<vmem>>
      %dma_wait3A_49 = arith.constant 0 : i32
      %dma_wait3A_50 = tpu.memref_slice %arg11[%add3A_5, %dma_wait3A_49] : memref<10112x128xf32, #tpu.memory_space<vmem_shared>> -> memref<128x128xf32, #tpu.memory_space<vmem_shared>>
      %dma_wait3A_51 = arith.constant 0 : i32
      %dma_wait3A_52 = tpu.memref_slice %arg11[%add3A_5, %dma_wait3A_51] : memref<10112x128xf32, #tpu.memory_space<vmem_shared>> -> memref<128x128xf32, #tpu.memory_space<vmem_shared>>
      %dma_wait3A_53 = arith.constant 0 : i32
      %dma_wait3A_54 = arith.constant 0 : i32
      %dma_wait3A_55 = tpu.memref_slice %arg9[%dma_wait3A_53, %dma_wait3A_54] : memref<128x128xf32, #tpu.memory_space<vmem>> -> memref<128x128xf32, #tpu.memory_space<vmem>>
      tpu.wait_dma2 semaphore(%run_scoped3A : memref<!tpu.dma_semaphore, #tpu.memory_space<semaphore_mem>>) src(%dma_wait3A_55 : memref<128x128xf32, #tpu.memory_space<vmem>>) dst(%dma_wait3A_52 : memref<128x128xf32, #tpu.memory_space<vmem_shared>>)
      tpu.yield
    }) : () -> ()
    %add3A_6 = arith.constant 384 : i32
    %add3A_7 = arith.addi %mul3A_0, %add3A_6 : i32
    "tpu.region"() ({
      %run_scoped3A = tpu.sem_alloc : memref<!tpu.dma_semaphore, #tpu.memory_space<semaphore_mem>>
      %dma_start3A = arith.constant 0 : i32
      %dma_start3A_38 = arith.constant 0 : i32
      %dma_start3A_39 = tpu.memref_slice %arg9[%dma_start3A, %dma_start3A_38] : memref<128x128xf32, #tpu.memory_space<vmem>> -> memref<128x128xf32, #tpu.memory_space<vmem>>
      %dma_start3A_40 = arith.constant 0 : i32
      %dma_start3A_41 = tpu.memref_slice %arg11[%add3A_7, %dma_start3A_40] : memref<10112x128xf32, #tpu.memory_space<vmem_shared>> -> memref<128x128xf32, #tpu.memory_space<vmem_shared>>
      %dma_start3A_42 = arith.constant 0 : i32
      %dma_start3A_43 = tpu.memref_slice %arg11[%add3A_7, %dma_start3A_42] : memref<10112x128xf32, #tpu.memory_space<vmem_shared>> -> memref<128x128xf32, #tpu.memory_space<vmem_shared>>
      %dma_start3A_44 = arith.constant 0 : i32
      %dma_start3A_45 = arith.constant 0 : i32
      %dma_start3A_46 = tpu.memref_slice %arg9[%dma_start3A_44, %dma_start3A_45] : memref<128x128xf32, #tpu.memory_space<vmem>> -> memref<128x128xf32, #tpu.memory_space<vmem>>
      tpu.enqueue_dma source(%dma_start3A_46 : memref<128x128xf32, #tpu.memory_space<vmem>>) target(%dma_start3A_43 : memref<128x128xf32, #tpu.memory_space<vmem_shared>>) target_semaphore(%run_scoped3A : memref<!tpu.dma_semaphore, #tpu.memory_space<semaphore_mem>>)
      %dma_wait3A = arith.constant 0 : i32
      %dma_wait3A_47 = arith.constant 0 : i32
      %dma_wait3A_48 = tpu.memref_slice %arg9[%dma_wait3A, %dma_wait3A_47] : memref<128x128xf32, #tpu.memory_space<vmem>> -> memref<128x128xf32, #tpu.memory_space<vmem>>
      %dma_wait3A_49 = arith.constant 0 : i32
      %dma_wait3A_50 = tpu.memref_slice %arg11[%add3A_7, %dma_wait3A_49] : memref<10112x128xf32, #tpu.memory_space<vmem_shared>> -> memref<128x128xf32, #tpu.memory_space<vmem_shared>>
      %dma_wait3A_51 = arith.constant 0 : i32
      %dma_wait3A_52 = tpu.memref_slice %arg11[%add3A_7, %dma_wait3A_51] : memref<10112x128xf32, #tpu.memory_space<vmem_shared>> -> memref<128x128xf32, #tpu.memory_space<vmem_shared>>
      %dma_wait3A_53 = arith.constant 0 : i32
      %dma_wait3A_54 = arith.constant 0 : i32
      %dma_wait3A_55 = tpu.memref_slice %arg9[%dma_wait3A_53, %dma_wait3A_54] : memref<128x128xf32, #tpu.memory_space<vmem>> -> memref<128x128xf32, #tpu.memory_space<vmem>>
      tpu.wait_dma2 semaphore(%run_scoped3A : memref<!tpu.dma_semaphore, #tpu.memory_space<semaphore_mem>>) src(%dma_wait3A_55 : memref<128x128xf32, #tpu.memory_space<vmem>>) dst(%dma_wait3A_52 : memref<128x128xf32, #tpu.memory_space<vmem_shared>>)
      tpu.yield
    }) : () -> ()
    %add3A_8 = arith.constant 512 : i32
    %add3A_9 = arith.addi %mul3A_0, %add3A_8 : i32
    "tpu.region"() ({
      %run_scoped3A = tpu.sem_alloc : memref<!tpu.dma_semaphore, #tpu.memory_space<semaphore_mem>>
      %dma_start3A = arith.constant 0 : i32
      %dma_start3A_38 = arith.constant 0 : i32
      %dma_start3A_39 = tpu.memref_slice %arg9[%dma_start3A, %dma_start3A_38] : memref<128x128xf32, #tpu.memory_space<vmem>> -> memref<120x128xf32, #tpu.memory_space<vmem>>
      %dma_start3A_40 = arith.constant 0 : i32
      %dma_start3A_41 = tpu.memref_slice %arg11[%add3A_9, %dma_start3A_40] : memref<10112x128xf32, #tpu.memory_space<vmem_shared>> -> memref<120x128xf32, #tpu.memory_space<vmem_shared>>
      %dma_start3A_42 = arith.constant 0 : i32
      %dma_start3A_43 = tpu.memref_slice %arg11[%add3A_9, %dma_start3A_42] : memref<10112x128xf32, #tpu.memory_space<vmem_shared>> -> memref<120x128xf32, #tpu.memory_space<vmem_shared>>
      %dma_start3A_44 = arith.constant 0 : i32
      %dma_start3A_45 = arith.constant 0 : i32
      %dma_start3A_46 = tpu.memref_slice %arg9[%dma_start3A_44, %dma_start3A_45] : memref<128x128xf32, #tpu.memory_space<vmem>> -> memref<120x128xf32, #tpu.memory_space<vmem>>
      tpu.enqueue_dma source(%dma_start3A_46 : memref<120x128xf32, #tpu.memory_space<vmem>>) target(%dma_start3A_43 : memref<120x128xf32, #tpu.memory_space<vmem_shared>>) target_semaphore(%run_scoped3A : memref<!tpu.dma_semaphore, #tpu.memory_space<semaphore_mem>>)
      %dma_wait3A = arith.constant 0 : i32
      %dma_wait3A_47 = arith.constant 0 : i32
      %dma_wait3A_48 = tpu.memref_slice %arg9[%dma_wait3A, %dma_wait3A_47] : memref<128x128xf32, #tpu.memory_space<vmem>> -> memref<120x128xf32, #tpu.memory_space<vmem>>
      %dma_wait3A_49 = arith.constant 0 : i32
      %dma_wait3A_50 = tpu.memref_slice %arg11[%add3A_9, %dma_wait3A_49] : memref<10112x128xf32, #tpu.memory_space<vmem_shared>> -> memref<120x128xf32, #tpu.memory_space<vmem_shared>>
      %dma_wait3A_51 = arith.constant 0 : i32
      %dma_wait3A_52 = tpu.memref_slice %arg11[%add3A_9, %dma_wait3A_51] : memref<10112x128xf32, #tpu.memory_space<vmem_shared>> -> memref<120x128xf32, #tpu.memory_space<vmem_shared>>
      %dma_wait3A_53 = arith.constant 0 : i32
      %dma_wait3A_54 = arith.constant 0 : i32
      %dma_wait3A_55 = tpu.memref_slice %arg9[%dma_wait3A_53, %dma_wait3A_54] : memref<128x128xf32, #tpu.memory_space<vmem>> -> memref<120x128xf32, #tpu.memory_space<vmem>>
      tpu.wait_dma2 semaphore(%run_scoped3A : memref<!tpu.dma_semaphore, #tpu.memory_space<semaphore_mem>>) src(%dma_wait3A_55 : memref<120x128xf32, #tpu.memory_space<vmem>>) dst(%dma_wait3A_52 : memref<120x128xf32, #tpu.memory_space<vmem_shared>>)
      tpu.yield
    }) : () -> ()
    %barrier3A = arith.constant 0 : index
    tpu.barrier barrier_id(%barrier3A)
    %eq3A = arith.constant 0 : i32
    %eq3A_10 = arith.cmpi eq, %arg0, %eq3A : i32
    %convert_element_type3A = arith.extui %eq3A_10 : i1 to i32
    %cond3A = arith.constant 0 : i32
    %cond3A_11 = arith.cmpi ne, %convert_element_type3A, %cond3A : i32
    scf.if %cond3A_11 {
      %scan3A = arith.constant 0 : i32
      %scan3A_38 = arith.constant 0 : i32
      %scan3A_39 = arith.constant 14 : i32
      %scan3A_40 = arith.addi %scan3A_38, %scan3A_39 : i32
      %scan3A_41 = arith.constant 1 : i32
      scf.for %scan3A_43 = %scan3A_38 to %scan3A_40 step %scan3A_41  : i32 {
        %mul3A_44 = arith.constant 8 : i32
        %mul3A_45 = arith.muli %scan3A_43, %mul3A_44 : i32
        %add3A_46 = arith.constant 0 : i32
        %add3A_47 = arith.addi %add3A_46, %mul3A_45 : i32
        "tpu.region"() ({
          %run_scoped3A_165 = tpu.sem_alloc : memref<!tpu.dma_semaphore, #tpu.memory_space<semaphore_mem>>
          %dma_start3A_166 = arith.constant 0 : i32
          %dma_start3A_167 = tpu.memref_slice %arg3[%arg1, %add3A_47, %dma_start3A_166] : memref<16x160x128xi32, #tpu.memory_space<hbm>> -> memref<1x8x128xi32, #tpu.memory_space<hbm>>
          %dma_start3A_168 = tpu.memref_squeeze %dma_start3A_167 : memref<1x8x128xi32, #tpu.memory_space<hbm>> -> memref<8x128xi32, #tpu.memory_space<hbm>>
          %dma_start3A_169 = arith.constant 0 : i32
          %dma_start3A_170 = tpu.memref_slice %arg3[%arg1, %add3A_47, %dma_start3A_169] : memref<16x160x128xi32, #tpu.memory_space<hbm>> -> memref<1x8x128xi32, #tpu.memory_space<hbm>>
          %dma_start3A_171 = tpu.memref_squeeze %dma_start3A_170 : memref<1x8x128xi32, #tpu.memory_space<hbm>> -> memref<8x128xi32, #tpu.memory_space<hbm>>
          tpu.enqueue_dma source(%dma_start3A_171 : memref<8x128xi32, #tpu.memory_space<hbm>>) target(%arg7 : memref<8x128xi32, #tpu.memory_space<vmem>>) target_semaphore(%run_scoped3A_165 : memref<!tpu.dma_semaphore, #tpu.memory_space<semaphore_mem>>)
          %dma_wait3A_172 = arith.constant 0 : i32
          %dma_wait3A_173 = tpu.memref_slice %arg3[%arg1, %add3A_47, %dma_wait3A_172] : memref<16x160x128xi32, #tpu.memory_space<hbm>> -> memref<1x8x128xi32, #tpu.memory_space<hbm>>
          %dma_wait3A_174 = tpu.memref_squeeze %dma_wait3A_173 : memref<1x8x128xi32, #tpu.memory_space<hbm>> -> memref<8x128xi32, #tpu.memory_space<hbm>>
          %dma_wait3A_175 = arith.constant 0 : i32
          %dma_wait3A_176 = tpu.memref_slice %arg3[%arg1, %add3A_47, %dma_wait3A_175] : memref<16x160x128xi32, #tpu.memory_space<hbm>> -> memref<1x8x128xi32, #tpu.memory_space<hbm>>
          %dma_wait3A_177 = tpu.memref_squeeze %dma_wait3A_176 : memref<1x8x128xi32, #tpu.memory_space<hbm>> -> memref<8x128xi32, #tpu.memory_space<hbm>>
          tpu.wait_dma2 semaphore(%run_scoped3A_165 : memref<!tpu.dma_semaphore, #tpu.memory_space<semaphore_mem>>) src(%dma_wait3A_177 : memref<8x128xi32, #tpu.memory_space<hbm>>) dst(%arg7 : memref<8x128xi32, #tpu.memory_space<vmem>>)
          tpu.yield
        }) : () -> ()
        "tpu.region"() ({
          %run_scoped3A_165 = tpu.sem_alloc : memref<!tpu.dma_semaphore, #tpu.memory_space<semaphore_mem>>
          %dma_start3A_166 = arith.constant 0 : i32
          %dma_start3A_167 = tpu.memref_slice %arg4[%arg1, %add3A_47, %dma_start3A_166] : memref<16x160x128xi32, #tpu.memory_space<hbm>> -> memref<1x8x128xi32, #tpu.memory_space<hbm>>
          %dma_start3A_168 = tpu.memref_squeeze %dma_start3A_167 : memref<1x8x128xi32, #tpu.memory_space<hbm>> -> memref<8x128xi32, #tpu.memory_space<hbm>>
          %dma_start3A_169 = arith.constant 0 : i32
          %dma_start3A_170 = tpu.memref_slice %arg4[%arg1, %add3A_47, %dma_start3A_169] : memref<16x160x128xi32, #tpu.memory_space<hbm>> -> memref<1x8x128xi32, #tpu.memory_space<hbm>>
          %dma_start3A_171 = tpu.memref_squeeze %dma_start3A_170 : memref<1x8x128xi32, #tpu.memory_space<hbm>> -> memref<8x128xi32, #tpu.memory_space<hbm>>
          tpu.enqueue_dma source(%dma_start3A_171 : memref<8x128xi32, #tpu.memory_space<hbm>>) target(%arg8 : memref<8x128xi32, #tpu.memory_space<vmem>>) target_semaphore(%run_scoped3A_165 : memref<!tpu.dma_semaphore, #tpu.memory_space<semaphore_mem>>)
          %dma_wait3A_172 = arith.constant 0 : i32
          %dma_wait3A_173 = tpu.memref_slice %arg4[%arg1, %add3A_47, %dma_wait3A_172] : memref<16x160x128xi32, #tpu.memory_space<hbm>> -> memref<1x8x128xi32, #tpu.memory_space<hbm>>
          %dma_wait3A_174 = tpu.memref_squeeze %dma_wait3A_173 : memref<1x8x128xi32, #tpu.memory_space<hbm>> -> memref<8x128xi32, #tpu.memory_space<hbm>>
          %dma_wait3A_175 = arith.constant 0 : i32
          %dma_wait3A_176 = tpu.memref_slice %arg4[%arg1, %add3A_47, %dma_wait3A_175] : memref<16x160x128xi32, #tpu.memory_space<hbm>> -> memref<1x8x128xi32, #tpu.memory_space<hbm>>
          %dma_wait3A_177 = tpu.memref_squeeze %dma_wait3A_176 : memref<1x8x128xi32, #tpu.memory_space<hbm>> -> memref<8x128xi32, #tpu.memory_space<hbm>>
          tpu.wait_dma2 semaphore(%run_scoped3A_165 : memref<!tpu.dma_semaphore, #tpu.memory_space<semaphore_mem>>) src(%dma_wait3A_177 : memref<8x128xi32, #tpu.memory_space<hbm>>) dst(%arg8 : memref<8x128xi32, #tpu.memory_space<vmem>>)
          tpu.yield
        }) : () -> ()
        %dma_start3A = arith.constant 0 : i32
        %dma_start3A_48 = arith.constant 0 : i32
        %dma_start3A_49 = tpu.memref_slice %arg7[%dma_start3A, %dma_start3A_48] : memref<8x128xi32, #tpu.memory_space<vmem>> -> memref<1x128xi32, #tpu.memory_space<vmem>>
        %dma_start3A_50 = tpu.memref_squeeze %dma_start3A_49 : memref<1x128xi32, #tpu.memory_space<vmem>> -> memref<128xi32, #tpu.memory_space<vmem>>
        %dma_start3A_51 = arith.constant 0 : i32
        %dma_start3A_52 = arith.constant 0 : i32
        %dma_start3A_53 = tpu.memref_slice %arg2[%dma_start3A_51, %dma_start3A_52] : memref<10000x128xf32, #tpu.memory_space<hbm>> -> memref<10000x128xf32, #tpu.memory_space<hbm>>
        tpu.enqueue_indirect_dma source(%dma_start3A_53 : memref<10000x128xf32, #tpu.memory_space<hbm>>) target(%arg9 : memref<128x128xf32, #tpu.memory_space<vmem>>) offsets(%dma_start3A_50 : memref<128xi32, #tpu.memory_space<vmem>>) semaphore(%arg12 : memref<!tpu.dma_semaphore, #tpu.memory_space<semaphore_mem>>)
        %dma_start3A_54 = arith.constant 1 : i32
        %dma_start3A_55 = arith.constant 0 : i32
        %dma_start3A_56 = tpu.memref_slice %arg7[%dma_start3A_54, %dma_start3A_55] : memref<8x128xi32, #tpu.memory_space<vmem>> -> memref<1x128xi32, #tpu.memory_space<vmem>>
        %dma_start3A_57 = tpu.memref_squeeze %dma_start3A_56 : memref<1x128xi32, #tpu.memory_space<vmem>> -> memref<128xi32, #tpu.memory_space<vmem>>
        %dma_start3A_58 = arith.constant 0 : i32
        %dma_start3A_59 = arith.constant 0 : i32
        %dma_start3A_60 = tpu.memref_slice %arg2[%dma_start3A_58, %dma_start3A_59] : memref<10000x128xf32, #tpu.memory_space<hbm>> -> memref<10000x128xf32, #tpu.memory_space<hbm>>
        tpu.enqueue_indirect_dma source(%dma_start3A_60 : memref<10000x128xf32, #tpu.memory_space<hbm>>) target(%arg10 : memref<128x128xf32, #tpu.memory_space<vmem>>) offsets(%dma_start3A_57 : memref<128xi32, #tpu.memory_space<vmem>>) semaphore(%arg13 : memref<!tpu.dma_semaphore, #tpu.memory_space<semaphore_mem>>)
        %dma_wait3A = arith.constant 0 : i32
        %dma_wait3A_61 = arith.constant 0 : i32
        %dma_wait3A_62 = tpu.memref_slice %arg7[%dma_wait3A, %dma_wait3A_61] : memref<8x128xi32, #tpu.memory_space<vmem>> -> memref<1x128xi32, #tpu.memory_space<vmem>>
        %dma_wait3A_63 = tpu.memref_squeeze %dma_wait3A_62 : memref<1x128xi32, #tpu.memory_space<vmem>> -> memref<128xi32, #tpu.memory_space<vmem>>
        %dma_wait3A_64 = arith.constant 0 : i32
        %dma_wait3A_65 = arith.constant 0 : i32
        %dma_wait3A_66 = tpu.memref_slice %arg2[%dma_wait3A_64, %dma_wait3A_65] : memref<10000x128xf32, #tpu.memory_space<hbm>> -> memref<10000x128xf32, #tpu.memory_space<hbm>>
        tpu.wait_indirect_dma semaphore(%arg12 : memref<!tpu.dma_semaphore, #tpu.memory_space<semaphore_mem>>) src(%dma_wait3A_66 : memref<10000x128xf32, #tpu.memory_space<hbm>>) dst(%arg9 : memref<128x128xf32, #tpu.memory_space<vmem>>)
        %run_scoped3A = arith.constant 0 : i32
        "tpu.region"() ({
          %run_scoped3A_165 = tpu.sem_alloc : memref<!tpu.dma_semaphore, #tpu.memory_space<semaphore_mem>>
          %dma_start3A_166 = arith.constant 0 : i32
          %dma_start3A_167 = tpu.memref_slice %arg8[%run_scoped3A, %dma_start3A_166] : memref<8x128xi32, #tpu.memory_space<vmem>> -> memref<1x128xi32, #tpu.memory_space<vmem>>
          %dma_start3A_168 = tpu.memref_squeeze %dma_start3A_167 : memref<1x128xi32, #tpu.memory_space<vmem>> -> memref<128xi32, #tpu.memory_space<vmem>>
          %dma_start3A_169 = arith.constant 0 : i32
          %dma_start3A_170 = arith.constant 0 : i32
          %dma_start3A_171 = tpu.memref_slice %arg11[%dma_start3A_169, %dma_start3A_170] : memref<10112x128xf32, #tpu.memory_space<vmem_shared>> -> memref<10112x128xf32, #tpu.memory_space<vmem_shared>>
          tpu.enqueue_indirect_dma source(%arg9 : memref<128x128xf32, #tpu.memory_space<vmem>>) target(%dma_start3A_171 : memref<10112x128xf32, #tpu.memory_space<vmem_shared>>) offsets(%dma_start3A_168 : memref<128xi32, #tpu.memory_space<vmem>>) semaphore(%run_scoped3A_165 : memref<!tpu.dma_semaphore, #tpu.memory_space<semaphore_mem>>) {add = true}
          %dma_wait3A_172 = arith.constant 0 : i32
          %dma_wait3A_173 = tpu.memref_slice %arg8[%run_scoped3A, %dma_wait3A_172] : memref<8x128xi32, #tpu.memory_space<vmem>> -> memref<1x128xi32, #tpu.memory_space<vmem>>
          %dma_wait3A_174 = tpu.memref_squeeze %dma_wait3A_173 : memref<1x128xi32, #tpu.memory_space<vmem>> -> memref<128xi32, #tpu.memory_space<vmem>>
          %dma_wait3A_175 = arith.constant 0 : i32
          %dma_wait3A_176 = arith.constant 0 : i32
          %dma_wait3A_177 = tpu.memref_slice %arg11[%dma_wait3A_175, %dma_wait3A_176] : memref<10112x128xf32, #tpu.memory_space<vmem_shared>> -> memref<10112x128xf32, #tpu.memory_space<vmem_shared>>
          tpu.wait_indirect_dma semaphore(%run_scoped3A_165 : memref<!tpu.dma_semaphore, #tpu.memory_space<semaphore_mem>>) src(%arg9 : memref<128x128xf32, #tpu.memory_space<vmem>>) dst(%dma_wait3A_177 : memref<10112x128xf32, #tpu.memory_space<vmem_shared>>)
          tpu.yield
        }) : () -> ()
        %dma_start3A_67 = arith.constant 2 : i32
        %dma_start3A_68 = arith.constant 0 : i32
        %dma_start3A_69 = tpu.memref_slice %arg7[%dma_start3A_67, %dma_start3A_68] : memref<8x128xi32, #tpu.memory_space<vmem>> -> memref<1x128xi32, #tpu.memory_space<vmem>>
        %dma_start3A_70 = tpu.memref_squeeze %dma_start3A_69 : memref<1x128xi32, #tpu.memory_space<vmem>> -> memref<128xi32, #tpu.memory_space<vmem>>
        %dma_start3A_71 = arith.constant 0 : i32
        %dma_start3A_72 = arith.constant 0 : i32
        %dma_start3A_73 = tpu.memref_slice %arg2[%dma_start3A_71, %dma_start3A_72] : memref<10000x128xf32, #tpu.memory_space<hbm>> -> memref<10000x128xf32, #tpu.memory_space<hbm>>
        tpu.enqueue_indirect_dma source(%dma_start3A_73 : memref<10000x128xf32, #tpu.memory_space<hbm>>) target(%arg9 : memref<128x128xf32, #tpu.memory_space<vmem>>) offsets(%dma_start3A_70 : memref<128xi32, #tpu.memory_space<vmem>>) semaphore(%arg12 : memref<!tpu.dma_semaphore, #tpu.memory_space<semaphore_mem>>)
        %dma_wait3A_74 = arith.constant 1 : i32
        %dma_wait3A_75 = arith.constant 0 : i32
        %dma_wait3A_76 = tpu.memref_slice %arg7[%dma_wait3A_74, %dma_wait3A_75] : memref<8x128xi32, #tpu.memory_space<vmem>> -> memref<1x128xi32, #tpu.memory_space<vmem>>
        %dma_wait3A_77 = tpu.memref_squeeze %dma_wait3A_76 : memref<1x128xi32, #tpu.memory_space<vmem>> -> memref<128xi32, #tpu.memory_space<vmem>>
        %dma_wait3A_78 = arith.constant 0 : i32
        %dma_wait3A_79 = arith.constant 0 : i32
        %dma_wait3A_80 = tpu.memref_slice %arg2[%dma_wait3A_78, %dma_wait3A_79] : memref<10000x128xf32, #tpu.memory_space<hbm>> -> memref<10000x128xf32, #tpu.memory_space<hbm>>
        tpu.wait_indirect_dma semaphore(%arg13 : memref<!tpu.dma_semaphore, #tpu.memory_space<semaphore_mem>>) src(%dma_wait3A_80 : memref<10000x128xf32, #tpu.memory_space<hbm>>) dst(%arg10 : memref<128x128xf32, #tpu.memory_space<vmem>>)
        %run_scoped3A_81 = arith.constant 1 : i32
        "tpu.region"() ({
          %run_scoped3A_165 = tpu.sem_alloc : memref<!tpu.dma_semaphore, #tpu.memory_space<semaphore_mem>>
          %dma_start3A_166 = arith.constant 0 : i32
          %dma_start3A_167 = tpu.memref_slice %arg8[%run_scoped3A_81, %dma_start3A_166] : memref<8x128xi32, #tpu.memory_space<vmem>> -> memref<1x128xi32, #tpu.memory_space<vmem>>
          %dma_start3A_168 = tpu.memref_squeeze %dma_start3A_167 : memref<1x128xi32, #tpu.memory_space<vmem>> -> memref<128xi32, #tpu.memory_space<vmem>>
          %dma_start3A_169 = arith.constant 0 : i32
          %dma_start3A_170 = arith.constant 0 : i32
          %dma_start3A_171 = tpu.memref_slice %arg11[%dma_start3A_169, %dma_start3A_170] : memref<10112x128xf32, #tpu.memory_space<vmem_shared>> -> memref<10112x128xf32, #tpu.memory_space<vmem_shared>>
          tpu.enqueue_indirect_dma source(%arg10 : memref<128x128xf32, #tpu.memory_space<vmem>>) target(%dma_start3A_171 : memref<10112x128xf32, #tpu.memory_space<vmem_shared>>) offsets(%dma_start3A_168 : memref<128xi32, #tpu.memory_space<vmem>>) semaphore(%run_scoped3A_165 : memref<!tpu.dma_semaphore, #tpu.memory_space<semaphore_mem>>) {add = true}
          %dma_wait3A_172 = arith.constant 0 : i32
          %dma_wait3A_173 = tpu.memref_slice %arg8[%run_scoped3A_81, %dma_wait3A_172] : memref<8x128xi32, #tpu.memory_space<vmem>> -> memref<1x128xi32, #tpu.memory_space<vmem>>
          %dma_wait3A_174 = tpu.memref_squeeze %dma_wait3A_173 : memref<1x128xi32, #tpu.memory_space<vmem>> -> memref<128xi32, #tpu.memory_space<vmem>>
          %dma_wait3A_175 = arith.constant 0 : i32
          %dma_wait3A_176 = arith.constant 0 : i32
          %dma_wait3A_177 = tpu.memref_slice %arg11[%dma_wait3A_175, %dma_wait3A_176] : memref<10112x128xf32, #tpu.memory_space<vmem_shared>> -> memref<10112x128xf32, #tpu.memory_space<vmem_shared>>
          tpu.wait_indirect_dma semaphore(%run_scoped3A_165 : memref<!tpu.dma_semaphore, #tpu.memory_space<semaphore_mem>>) src(%arg10 : memref<128x128xf32, #tpu.memory_space<vmem>>) dst(%dma_wait3A_177 : memref<10112x128xf32, #tpu.memory_space<vmem_shared>>)
          tpu.yield
        }) : () -> ()
        %dma_start3A_82 = arith.constant 3 : i32
        %dma_start3A_83 = arith.constant 0 : i32
        %dma_start3A_84 = tpu.memref_slice %arg7[%dma_start3A_82, %dma_start3A_83] : memref<8x128xi32, #tpu.memory_space<vmem>> -> memref<1x128xi32, #tpu.memory_space<vmem>>
        %dma_start3A_85 = tpu.memref_squeeze %dma_start3A_84 : memref<1x128xi32, #tpu.memory_space<vmem>> -> memref<128xi32, #tpu.memory_space<vmem>>
        %dma_start3A_86 = arith.constant 0 : i32
        %dma_start3A_87 = arith.constant 0 : i32
        %dma_start3A_88 = tpu.memref_slice %arg2[%dma_start3A_86, %dma_start3A_87] : memref<10000x128xf32, #tpu.memory_space<hbm>> -> memref<10000x128xf32, #tpu.memory_space<hbm>>
        tpu.enqueue_indirect_dma source(%dma_start3A_88 : memref<10000x128xf32, #tpu.memory_space<hbm>>) target(%arg10 : memref<128x128xf32, #tpu.memory_space<vmem>>) offsets(%dma_start3A_85 : memref<128xi32, #tpu.memory_space<vmem>>) semaphore(%arg13 : memref<!tpu.dma_semaphore, #tpu.memory_space<semaphore_mem>>)
        %dma_wait3A_89 = arith.constant 2 : i32
        %dma_wait3A_90 = arith.constant 0 : i32
        %dma_wait3A_91 = tpu.memref_slice %arg7[%dma_wait3A_89, %dma_wait3A_90] : memref<8x128xi32, #tpu.memory_space<vmem>> -> memref<1x128xi32, #tpu.memory_space<vmem>>
        %dma_wait3A_92 = tpu.memref_squeeze %dma_wait3A_91 : memref<1x128xi32, #tpu.memory_space<vmem>> -> memref<128xi32, #tpu.memory_space<vmem>>
        %dma_wait3A_93 = arith.constant 0 : i32
        %dma_wait3A_94 = arith.constant 0 : i32
        %dma_wait3A_95 = tpu.memref_slice %arg2[%dma_wait3A_93, %dma_wait3A_94] : memref<10000x128xf32, #tpu.memory_space<hbm>> -> memref<10000x128xf32, #tpu.memory_space<hbm>>
        tpu.wait_indirect_dma semaphore(%arg12 : memref<!tpu.dma_semaphore, #tpu.memory_space<semaphore_mem>>) src(%dma_wait3A_95 : memref<10000x128xf32, #tpu.memory_space<hbm>>) dst(%arg9 : memref<128x128xf32, #tpu.memory_space<vmem>>)
        %run_scoped3A_96 = arith.constant 2 : i32
        "tpu.region"() ({
          %run_scoped3A_165 = tpu.sem_alloc : memref<!tpu.dma_semaphore, #tpu.memory_space<semaphore_mem>>
          %dma_start3A_166 = arith.constant 0 : i32
          %dma_start3A_167 = tpu.memref_slice %arg8[%run_scoped3A_96, %dma_start3A_166] : memref<8x128xi32, #tpu.memory_space<vmem>> -> memref<1x128xi32, #tpu.memory_space<vmem>>
          %dma_start3A_168 = tpu.memref_squeeze %dma_start3A_167 : memref<1x128xi32, #tpu.memory_space<vmem>> -> memref<128xi32, #tpu.memory_space<vmem>>
          %dma_start3A_169 = arith.constant 0 : i32
          %dma_start3A_170 = arith.constant 0 : i32
          %dma_start3A_171 = tpu.memref_slice %arg11[%dma_start3A_169, %dma_start3A_170] : memref<10112x128xf32, #tpu.memory_space<vmem_shared>> -> memref<10112x128xf32, #tpu.memory_space<vmem_shared>>
          tpu.enqueue_indirect_dma source(%arg9 : memref<128x128xf32, #tpu.memory_space<vmem>>) target(%dma_start3A_171 : memref<10112x128xf32, #tpu.memory_space<vmem_shared>>) offsets(%dma_start3A_168 : memref<128xi32, #tpu.memory_space<vmem>>) semaphore(%run_scoped3A_165 : memref<!tpu.dma_semaphore, #tpu.memory_space<semaphore_mem>>) {add = true}
          %dma_wait3A_172 = arith.constant 0 : i32
          %dma_wait3A_173 = tpu.memref_slice %arg8[%run_scoped3A_96, %dma_wait3A_172] : memref<8x128xi32, #tpu.memory_space<vmem>> -> memref<1x128xi32, #tpu.memory_space<vmem>>
          %dma_wait3A_174 = tpu.memref_squeeze %dma_wait3A_173 : memref<1x128xi32, #tpu.memory_space<vmem>> -> memref<128xi32, #tpu.memory_space<vmem>>
          %dma_wait3A_175 = arith.constant 0 : i32
          %dma_wait3A_176 = arith.constant 0 : i32
          %dma_wait3A_177 = tpu.memref_slice %arg11[%dma_wait3A_175, %dma_wait3A_176] : memref<10112x128xf32, #tpu.memory_space<vmem_shared>> -> memref<10112x128xf32, #tpu.memory_space<vmem_shared>>
          tpu.wait_indirect_dma semaphore(%run_scoped3A_165 : memref<!tpu.dma_semaphore, #tpu.memory_space<semaphore_mem>>) src(%arg9 : memref<128x128xf32, #tpu.memory_space<vmem>>) dst(%dma_wait3A_177 : memref<10112x128xf32, #tpu.memory_space<vmem_shared>>)
          tpu.yield
        }) : () -> ()
        %dma_start3A_97 = arith.constant 4 : i32
        %dma_start3A_98 = arith.constant 0 : i32
        %dma_start3A_99 = tpu.memref_slice %arg7[%dma_start3A_97, %dma_start3A_98] : memref<8x128xi32, #tpu.memory_space<vmem>> -> memref<1x128xi32, #tpu.memory_space<vmem>>
        %dma_start3A_100 = tpu.memref_squeeze %dma_start3A_99 : memref<1x128xi32, #tpu.memory_space<vmem>> -> memref<128xi32, #tpu.memory_space<vmem>>
        %dma_start3A_101 = arith.constant 0 : i32
        %dma_start3A_102 = arith.constant 0 : i32
        %dma_start3A_103 = tpu.memref_slice %arg2[%dma_start3A_101, %dma_start3A_102] : memref<10000x128xf32, #tpu.memory_space<hbm>> -> memref<10000x128xf32, #tpu.memory_space<hbm>>
        tpu.enqueue_indirect_dma source(%dma_start3A_103 : memref<10000x128xf32, #tpu.memory_space<hbm>>) target(%arg9 : memref<128x128xf32, #tpu.memory_space<vmem>>) offsets(%dma_start3A_100 : memref<128xi32, #tpu.memory_space<vmem>>) semaphore(%arg12 : memref<!tpu.dma_semaphore, #tpu.memory_space<semaphore_mem>>)
        %dma_wait3A_104 = arith.constant 3 : i32
        %dma_wait3A_105 = arith.constant 0 : i32
        %dma_wait3A_106 = tpu.memref_slice %arg7[%dma_wait3A_104, %dma_wait3A_105] : memref<8x128xi32, #tpu.memory_space<vmem>> -> memref<1x128xi32, #tpu.memory_space<vmem>>
        %dma_wait3A_107 = tpu.memref_squeeze %dma_wait3A_106 : memref<1x128xi32, #tpu.memory_space<vmem>> -> memref<128xi32, #tpu.memory_space<vmem>>
        %dma_wait3A_108 = arith.constant 0 : i32
        %dma_wait3A_109 = arith.constant 0 : i32
        %dma_wait3A_110 = tpu.memref_slice %arg2[%dma_wait3A_108, %dma_wait3A_109] : memref<10000x128xf32, #tpu.memory_space<hbm>> -> memref<10000x128xf32, #tpu.memory_space<hbm>>
        tpu.wait_indirect_dma semaphore(%arg13 : memref<!tpu.dma_semaphore, #tpu.memory_space<semaphore_mem>>) src(%dma_wait3A_110 : memref<10000x128xf32, #tpu.memory_space<hbm>>) dst(%arg10 : memref<128x128xf32, #tpu.memory_space<vmem>>)
        %run_scoped3A_111 = arith.constant 3 : i32
        "tpu.region"() ({
          %run_scoped3A_165 = tpu.sem_alloc : memref<!tpu.dma_semaphore, #tpu.memory_space<semaphore_mem>>
          %dma_start3A_166 = arith.constant 0 : i32
          %dma_start3A_167 = tpu.memref_slice %arg8[%run_scoped3A_111, %dma_start3A_166] : memref<8x128xi32, #tpu.memory_space<vmem>> -> memref<1x128xi32, #tpu.memory_space<vmem>>
          %dma_start3A_168 = tpu.memref_squeeze %dma_start3A_167 : memref<1x128xi32, #tpu.memory_space<vmem>> -> memref<128xi32, #tpu.memory_space<vmem>>
          %dma_start3A_169 = arith.constant 0 : i32
          %dma_start3A_170 = arith.constant 0 : i32
          %dma_start3A_171 = tpu.memref_slice %arg11[%dma_start3A_169, %dma_start3A_170] : memref<10112x128xf32, #tpu.memory_space<vmem_shared>> -> memref<10112x128xf32, #tpu.memory_space<vmem_shared>>
          tpu.enqueue_indirect_dma source(%arg10 : memref<128x128xf32, #tpu.memory_space<vmem>>) target(%dma_start3A_171 : memref<10112x128xf32, #tpu.memory_space<vmem_shared>>) offsets(%dma_start3A_168 : memref<128xi32, #tpu.memory_space<vmem>>) semaphore(%run_scoped3A_165 : memref<!tpu.dma_semaphore, #tpu.memory_space<semaphore_mem>>) {add = true}
          %dma_wait3A_172 = arith.constant 0 : i32
          %dma_wait3A_173 = tpu.memref_slice %arg8[%run_scoped3A_111, %dma_wait3A_172] : memref<8x128xi32, #tpu.memory_space<vmem>> -> memref<1x128xi32, #tpu.memory_space<vmem>>
          %dma_wait3A_174 = tpu.memref_squeeze %dma_wait3A_173 : memref<1x128xi32, #tpu.memory_space<vmem>> -> memref<128xi32, #tpu.memory_space<vmem>>
          %dma_wait3A_175 = arith.constant 0 : i32
          %dma_wait3A_176 = arith.constant 0 : i32
          %dma_wait3A_177 = tpu.memref_slice %arg11[%dma_wait3A_175, %dma_wait3A_176] : memref<10112x128xf32, #tpu.memory_space<vmem_shared>> -> memref<10112x128xf32, #tpu.memory_space<vmem_shared>>
          tpu.wait_indirect_dma semaphore(%run_scoped3A_165 : memref<!tpu.dma_semaphore, #tpu.memory_space<semaphore_mem>>) src(%arg10 : memref<128x128xf32, #tpu.memory_space<vmem>>) dst(%dma_wait3A_177 : memref<10112x128xf32, #tpu.memory_space<vmem_shared>>)
          tpu.yield
        }) : () -> ()
        %dma_start3A_112 = arith.constant 5 : i32
        %dma_start3A_113 = arith.constant 0 : i32
        %dma_start3A_114 = tpu.memref_slice %arg7[%dma_start3A_112, %dma_start3A_113] : memref<8x128xi32, #tpu.memory_space<vmem>> -> memref<1x128xi32, #tpu.memory_space<vmem>>
        %dma_start3A_115 = tpu.memref_squeeze %dma_start3A_114 : memref<1x128xi32, #tpu.memory_space<vmem>> -> memref<128xi32, #tpu.memory_space<vmem>>
        %dma_start3A_116 = arith.constant 0 : i32
        %dma_start3A_117 = arith.constant 0 : i32
        %dma_start3A_118 = tpu.memref_slice %arg2[%dma_start3A_116, %dma_start3A_117] : memref<10000x128xf32, #tpu.memory_space<hbm>> -> memref<10000x128xf32, #tpu.memory_space<hbm>>
        tpu.enqueue_indirect_dma source(%dma_start3A_118 : memref<10000x128xf32, #tpu.memory_space<hbm>>) target(%arg10 : memref<128x128xf32, #tpu.memory_space<vmem>>) offsets(%dma_start3A_115 : memref<128xi32, #tpu.memory_space<vmem>>) semaphore(%arg13 : memref<!tpu.dma_semaphore, #tpu.memory_space<semaphore_mem>>)
        %dma_wait3A_119 = arith.constant 4 : i32
        %dma_wait3A_120 = arith.constant 0 : i32
        %dma_wait3A_121 = tpu.memref_slice %arg7[%dma_wait3A_119, %dma_wait3A_120] : memref<8x128xi32, #tpu.memory_space<vmem>> -> memref<1x128xi32, #tpu.memory_space<vmem>>
        %dma_wait3A_122 = tpu.memref_squeeze %dma_wait3A_121 : memref<1x128xi32, #tpu.memory_space<vmem>> -> memref<128xi32, #tpu.memory_space<vmem>>
        %dma_wait3A_123 = arith.constant 0 : i32
        %dma_wait3A_124 = arith.constant 0 : i32
        %dma_wait3A_125 = tpu.memref_slice %arg2[%dma_wait3A_123, %dma_wait3A_124] : memref<10000x128xf32, #tpu.memory_space<hbm>> -> memref<10000x128xf32, #tpu.memory_space<hbm>>
        tpu.wait_indirect_dma semaphore(%arg12 : memref<!tpu.dma_semaphore, #tpu.memory_space<semaphore_mem>>) src(%dma_wait3A_125 : memref<10000x128xf32, #tpu.memory_space<hbm>>) dst(%arg9 : memref<128x128xf32, #tpu.memory_space<vmem>>)
        %run_scoped3A_126 = arith.constant 4 : i32
        "tpu.region"() ({
          %run_scoped3A_165 = tpu.sem_alloc : memref<!tpu.dma_semaphore, #tpu.memory_space<semaphore_mem>>
          %dma_start3A_166 = arith.constant 0 : i32
          %dma_start3A_167 = tpu.memref_slice %arg8[%run_scoped3A_126, %dma_start3A_166] : memref<8x128xi32, #tpu.memory_space<vmem>> -> memref<1x128xi32, #tpu.memory_space<vmem>>
          %dma_start3A_168 = tpu.memref_squeeze %dma_start3A_167 : memref<1x128xi32, #tpu.memory_space<vmem>> -> memref<128xi32, #tpu.memory_space<vmem>>
          %dma_start3A_169 = arith.constant 0 : i32
          %dma_start3A_170 = arith.constant 0 : i32
          %dma_start3A_171 = tpu.memref_slice %arg11[%dma_start3A_169, %dma_start3A_170] : memref<10112x128xf32, #tpu.memory_space<vmem_shared>> -> memref<10112x128xf32, #tpu.memory_space<vmem_shared>>
          tpu.enqueue_indirect_dma source(%arg9 : memref<128x128xf32, #tpu.memory_space<vmem>>) target(%dma_start3A_171 : memref<10112x128xf32, #tpu.memory_space<vmem_shared>>) offsets(%dma_start3A_168 : memref<128xi32, #tpu.memory_space<vmem>>) semaphore(%run_scoped3A_165 : memref<!tpu.dma_semaphore, #tpu.memory_space<semaphore_mem>>) {add = true}
          %dma_wait3A_172 = arith.constant 0 : i32
          %dma_wait3A_173 = tpu.memref_slice %arg8[%run_scoped3A_126, %dma_wait3A_172] : memref<8x128xi32, #tpu.memory_space<vmem>> -> memref<1x128xi32, #tpu.memory_space<vmem>>
          %dma_wait3A_174 = tpu.memref_squeeze %dma_wait3A_173 : memref<1x128xi32, #tpu.memory_space<vmem>> -> memref<128xi32, #tpu.memory_space<vmem>>
          %dma_wait3A_175 = arith.constant 0 : i32
          %dma_wait3A_176 = arith.constant 0 : i32
          %dma_wait3A_177 = tpu.memref_slice %arg11[%dma_wait3A_175, %dma_wait3A_176] : memref<10112x128xf32, #tpu.memory_space<vmem_shared>> -> memref<10112x128xf32, #tpu.memory_space<vmem_shared>>
          tpu.wait_indirect_dma semaphore(%run_scoped3A_165 : memref<!tpu.dma_semaphore, #tpu.memory_space<semaphore_mem>>) src(%arg9 : memref<128x128xf32, #tpu.memory_space<vmem>>) dst(%dma_wait3A_177 : memref<10112x128xf32, #tpu.memory_space<vmem_shared>>)
          tpu.yield
        }) : () -> ()
        %dma_start3A_127 = arith.constant 6 : i32
        %dma_start3A_128 = arith.constant 0 : i32
        %dma_start3A_129 = tpu.memref_slice %arg7[%dma_start3A_127, %dma_start3A_128] : memref<8x128xi32, #tpu.memory_space<vmem>> -> memref<1x128xi32, #tpu.memory_space<vmem>>
        %dma_start3A_130 = tpu.memref_squeeze %dma_start3A_129 : memref<1x128xi32, #tpu.memory_space<vmem>> -> memref<128xi32, #tpu.memory_space<vmem>>
        %dma_start3A_131 = arith.constant 0 : i32
        %dma_start3A_132 = arith.constant 0 : i32
        %dma_start3A_133 = tpu.memref_slice %arg2[%dma_start3A_131, %dma_start3A_132] : memref<10000x128xf32, #tpu.memory_space<hbm>> -> memref<10000x128xf32, #tpu.memory_space<hbm>>
        tpu.enqueue_indirect_dma source(%dma_start3A_133 : memref<10000x128xf32, #tpu.memory_space<hbm>>) target(%arg9 : memref<128x128xf32, #tpu.memory_space<vmem>>) offsets(%dma_start3A_130 : memref<128xi32, #tpu.memory_space<vmem>>) semaphore(%arg12 : memref<!tpu.dma_semaphore, #tpu.memory_space<semaphore_mem>>)
        %dma_wait3A_134 = arith.constant 5 : i32
        %dma_wait3A_135 = arith.constant 0 : i32
        %dma_wait3A_136 = tpu.memref_slice %arg7[%dma_wait3A_134, %dma_wait3A_135] : memref<8x128xi32, #tpu.memory_space<vmem>> -> memref<1x128xi32, #tpu.memory_space<vmem>>
        %dma_wait3A_137 = tpu.memref_squeeze %dma_wait3A_136 : memref<1x128xi32, #tpu.memory_space<vmem>> -> memref<128xi32, #tpu.memory_space<vmem>>
        %dma_wait3A_138 = arith.constant 0 : i32
        %dma_wait3A_139 = arith.constant 0 : i32
        %dma_wait3A_140 = tpu.memref_slice %arg2[%dma_wait3A_138, %dma_wait3A_139] : memref<10000x128xf32, #tpu.memory_space<hbm>> -> memref<10000x128xf32, #tpu.memory_space<hbm>>
        tpu.wait_indirect_dma semaphore(%arg13 : memref<!tpu.dma_semaphore, #tpu.memory_space<semaphore_mem>>) src(%dma_wait3A_140 : memref<10000x128xf32, #tpu.memory_space<hbm>>) dst(%arg10 : memref<128x128xf32, #tpu.memory_space<vmem>>)
        %run_scoped3A_141 = arith.constant 5 : i32
        "tpu.region"() ({
          %run_scoped3A_165 = tpu.sem_alloc : memref<!tpu.dma_semaphore, #tpu.memory_space<semaphore_mem>>
          %dma_start3A_166 = arith.constant 0 : i32
          %dma_start3A_167 = tpu.memref_slice %arg8[%run_scoped3A_141, %dma_start3A_166] : memref<8x128xi32, #tpu.memory_space<vmem>> -> memref<1x128xi32, #tpu.memory_space<vmem>>
          %dma_start3A_168 = tpu.memref_squeeze %dma_start3A_167 : memref<1x128xi32, #tpu.memory_space<vmem>> -> memref<128xi32, #tpu.memory_space<vmem>>
          %dma_start3A_169 = arith.constant 0 : i32
          %dma_start3A_170 = arith.constant 0 : i32
          %dma_start3A_171 = tpu.memref_slice %arg11[%dma_start3A_169, %dma_start3A_170] : memref<10112x128xf32, #tpu.memory_space<vmem_shared>> -> memref<10112x128xf32, #tpu.memory_space<vmem_shared>>
          tpu.enqueue_indirect_dma source(%arg10 : memref<128x128xf32, #tpu.memory_space<vmem>>) target(%dma_start3A_171 : memref<10112x128xf32, #tpu.memory_space<vmem_shared>>) offsets(%dma_start3A_168 : memref<128xi32, #tpu.memory_space<vmem>>) semaphore(%run_scoped3A_165 : memref<!tpu.dma_semaphore, #tpu.memory_space<semaphore_mem>>) {add = true}
          %dma_wait3A_172 = arith.constant 0 : i32
          %dma_wait3A_173 = tpu.memref_slice %arg8[%run_scoped3A_141, %dma_wait3A_172] : memref<8x128xi32, #tpu.memory_space<vmem>> -> memref<1x128xi32, #tpu.memory_space<vmem>>
          %dma_wait3A_174 = tpu.memref_squeeze %dma_wait3A_173 : memref<1x128xi32, #tpu.memory_space<vmem>> -> memref<128xi32, #tpu.memory_space<vmem>>
          %dma_wait3A_175 = arith.constant 0 : i32
          %dma_wait3A_176 = arith.constant 0 : i32
          %dma_wait3A_177 = tpu.memref_slice %arg11[%dma_wait3A_175, %dma_wait3A_176] : memref<10112x128xf32, #tpu.memory_space<vmem_shared>> -> memref<10112x128xf32, #tpu.memory_space<vmem_shared>>
          tpu.wait_indirect_dma semaphore(%run_scoped3A_165 : memref<!tpu.dma_semaphore, #tpu.memory_space<semaphore_mem>>) src(%arg10 : memref<128x128xf32, #tpu.memory_space<vmem>>) dst(%dma_wait3A_177 : memref<10112x128xf32, #tpu.memory_space<vmem_shared>>)
          tpu.yield
        }) : () -> ()
        %dma_start3A_142 = arith.constant 7 : i32
        %dma_start3A_143 = arith.constant 0 : i32
        %dma_start3A_144 = tpu.memref_slice %arg7[%dma_start3A_142, %dma_start3A_143] : memref<8x128xi32, #tpu.memory_space<vmem>> -> memref<1x128xi32, #tpu.memory_space<vmem>>
        %dma_start3A_145 = tpu.memref_squeeze %dma_start3A_144 : memref<1x128xi32, #tpu.memory_space<vmem>> -> memref<128xi32, #tpu.memory_space<vmem>>
        %dma_start3A_146 = arith.constant 0 : i32
        %dma_start3A_147 = arith.constant 0 : i32
        %dma_start3A_148 = tpu.memref_slice %arg2[%dma_start3A_146, %dma_start3A_147] : memref<10000x128xf32, #tpu.memory_space<hbm>> -> memref<10000x128xf32, #tpu.memory_space<hbm>>
        tpu.enqueue_indirect_dma source(%dma_start3A_148 : memref<10000x128xf32, #tpu.memory_space<hbm>>) target(%arg10 : memref<128x128xf32, #tpu.memory_space<vmem>>) offsets(%dma_start3A_145 : memref<128xi32, #tpu.memory_space<vmem>>) semaphore(%arg13 : memref<!tpu.dma_semaphore, #tpu.memory_space<semaphore_mem>>)
        %dma_wait3A_149 = arith.constant 6 : i32
        %dma_wait3A_150 = arith.constant 0 : i32
        %dma_wait3A_151 = tpu.memref_slice %arg7[%dma_wait3A_149, %dma_wait3A_150] : memref<8x128xi32, #tpu.memory_space<vmem>> -> memref<1x128xi32, #tpu.memory_space<vmem>>
        %dma_wait3A_152 = tpu.memref_squeeze %dma_wait3A_151 : memref<1x128xi32, #tpu.memory_space<vmem>> -> memref<128xi32, #tpu.memory_space<vmem>>
        %dma_wait3A_153 = arith.constant 0 : i32
        %dma_wait3A_154 = arith.constant 0 : i32
        %dma_wait3A_155 = tpu.memref_slice %arg2[%dma_wait3A_153, %dma_wait3A_154] : memref<10000x128xf32, #tpu.memory_space<hbm>> -> memref<10000x128xf32, #tpu.memory_space<hbm>>
        tpu.wait_indirect_dma semaphore(%arg12 : memref<!tpu.dma_semaphore, #tpu.memory_space<semaphore_mem>>) src(%dma_wait3A_155 : memref<10000x128xf32, #tpu.memory_space<hbm>>) dst(%arg9 : memref<128x128xf32, #tpu.memory_space<vmem>>)
        %run_scoped3A_156 = arith.constant 6 : i32
        "tpu.region"() ({
          %run_scoped3A_165 = tpu.sem_alloc : memref<!tpu.dma_semaphore, #tpu.memory_space<semaphore_mem>>
          %dma_start3A_166 = arith.constant 0 : i32
          %dma_start3A_167 = tpu.memref_slice %arg8[%run_scoped3A_156, %dma_start3A_166] : memref<8x128xi32, #tpu.memory_space<vmem>> -> memref<1x128xi32, #tpu.memory_space<vmem>>
          %dma_start3A_168 = tpu.memref_squeeze %dma_start3A_167 : memref<1x128xi32, #tpu.memory_space<vmem>> -> memref<128xi32, #tpu.memory_space<vmem>>
          %dma_start3A_169 = arith.constant 0 : i32
          %dma_start3A_170 = arith.constant 0 : i32
          %dma_start3A_171 = tpu.memref_slice %arg11[%dma_start3A_169, %dma_start3A_170] : memref<10112x128xf32, #tpu.memory_space<vmem_shared>> -> memref<10112x128xf32, #tpu.memory_space<vmem_shared>>
          tpu.enqueue_indirect_dma source(%arg9 : memref<128x128xf32, #tpu.memory_space<vmem>>) target(%dma_start3A_171 : memref<10112x128xf32, #tpu.memory_space<vmem_shared>>) offsets(%dma_start3A_168 : memref<128xi32, #tpu.memory_space<vmem>>) semaphore(%run_scoped3A_165 : memref<!tpu.dma_semaphore, #tpu.memory_space<semaphore_mem>>) {add = true}
          %dma_wait3A_172 = arith.constant 0 : i32
          %dma_wait3A_173 = tpu.memref_slice %arg8[%run_scoped3A_156, %dma_wait3A_172] : memref<8x128xi32, #tpu.memory_space<vmem>> -> memref<1x128xi32, #tpu.memory_space<vmem>>
          %dma_wait3A_174 = tpu.memref_squeeze %dma_wait3A_173 : memref<1x128xi32, #tpu.memory_space<vmem>> -> memref<128xi32, #tpu.memory_space<vmem>>
          %dma_wait3A_175 = arith.constant 0 : i32
          %dma_wait3A_176 = arith.constant 0 : i32
          %dma_wait3A_177 = tpu.memref_slice %arg11[%dma_wait3A_175, %dma_wait3A_176] : memref<10112x128xf32, #tpu.memory_space<vmem_shared>> -> memref<10112x128xf32, #tpu.memory_space<vmem_shared>>
          tpu.wait_indirect_dma semaphore(%run_scoped3A_165 : memref<!tpu.dma_semaphore, #tpu.memory_space<semaphore_mem>>) src(%arg9 : memref<128x128xf32, #tpu.memory_space<vmem>>) dst(%dma_wait3A_177 : memref<10112x128xf32, #tpu.memory_space<vmem_shared>>)
          tpu.yield
        }) : () -> ()
        %dma_wait3A_157 = arith.constant 7 : i32
        %dma_wait3A_158 = arith.constant 0 : i32
        %dma_wait3A_159 = tpu.memref_slice %arg7[%dma_wait3A_157, %dma_wait3A_158] : memref<8x128xi32, #tpu.memory_space<vmem>> -> memref<1x128xi32, #tpu.memory_space<vmem>>
        %dma_wait3A_160 = tpu.memref_squeeze %dma_wait3A_159 : memref<1x128xi32, #tpu.memory_space<vmem>> -> memref<128xi32, #tpu.memory_space<vmem>>
        %dma_wait3A_161 = arith.constant 0 : i32
        %dma_wait3A_162 = arith.constant 0 : i32
        %dma_wait3A_163 = tpu.memref_slice %arg2[%dma_wait3A_161, %dma_wait3A_162] : memref<10000x128xf32, #tpu.memory_space<hbm>> -> memref<10000x128xf32, #tpu.memory_space<hbm>>
        tpu.wait_indirect_dma semaphore(%arg13 : memref<!tpu.dma_semaphore, #tpu.memory_space<semaphore_mem>>) src(%dma_wait3A_163 : memref<10000x128xf32, #tpu.memory_space<hbm>>) dst(%arg10 : memref<128x128xf32, #tpu.memory_space<vmem>>)
        %run_scoped3A_164 = arith.constant 7 : i32
        "tpu.region"() ({
          %run_scoped3A_165 = tpu.sem_alloc : memref<!tpu.dma_semaphore, #tpu.memory_space<semaphore_mem>>
          %dma_start3A_166 = arith.constant 0 : i32
          %dma_start3A_167 = tpu.memref_slice %arg8[%run_scoped3A_164, %dma_start3A_166] : memref<8x128xi32, #tpu.memory_space<vmem>> -> memref<1x128xi32, #tpu.memory_space<vmem>>
          %dma_start3A_168 = tpu.memref_squeeze %dma_start3A_167 : memref<1x128xi32, #tpu.memory_space<vmem>> -> memref<128xi32, #tpu.memory_space<vmem>>
          %dma_start3A_169 = arith.constant 0 : i32
          %dma_start3A_170 = arith.constant 0 : i32
          %dma_start3A_171 = tpu.memref_slice %arg11[%dma_start3A_169, %dma_start3A_170] : memref<10112x128xf32, #tpu.memory_space<vmem_shared>> -> memref<10112x128xf32, #tpu.memory_space<vmem_shared>>
          tpu.enqueue_indirect_dma source(%arg10 : memref<128x128xf32, #tpu.memory_space<vmem>>) target(%dma_start3A_171 : memref<10112x128xf32, #tpu.memory_space<vmem_shared>>) offsets(%dma_start3A_168 : memref<128xi32, #tpu.memory_space<vmem>>) semaphore(%run_scoped3A_165 : memref<!tpu.dma_semaphore, #tpu.memory_space<semaphore_mem>>) {add = true}
          %dma_wait3A_172 = arith.constant 0 : i32
          %dma_wait3A_173 = tpu.memref_slice %arg8[%run_scoped3A_164, %dma_wait3A_172] : memref<8x128xi32, #tpu.memory_space<vmem>> -> memref<1x128xi32, #tpu.memory_space<vmem>>
          %dma_wait3A_174 = tpu.memref_squeeze %dma_wait3A_173 : memref<1x128xi32, #tpu.memory_space<vmem>> -> memref<128xi32, #tpu.memory_space<vmem>>
          %dma_wait3A_175 = arith.constant 0 : i32
          %dma_wait3A_176 = arith.constant 0 : i32
          %dma_wait3A_177 = tpu.memref_slice %arg11[%dma_wait3A_175, %dma_wait3A_176] : memref<10112x128xf32, #tpu.memory_space<vmem_shared>> -> memref<10112x128xf32, #tpu.memory_space<vmem_shared>>
          tpu.wait_indirect_dma semaphore(%run_scoped3A_165 : memref<!tpu.dma_semaphore, #tpu.memory_space<semaphore_mem>>) src(%arg10 : memref<128x128xf32, #tpu.memory_space<vmem>>) dst(%dma_wait3A_177 : memref<10112x128xf32, #tpu.memory_space<vmem_shared>>)
          tpu.yield
        }) : () -> ()
      }
      %scan3A_42 = arith.constant 14 : i32
    } else {
    }
    %eq3A_12 = arith.constant 1 : i32
    %eq3A_13 = arith.cmpi eq, %arg0, %eq3A_12 : i32
    %convert_element_type3A_14 = arith.extui %eq3A_13 : i1 to i32
    %cond3A_15 = arith.constant 0 : i32
    %cond3A_16 = arith.cmpi ne, %convert_element_type3A_14, %cond3A_15 : i32
    scf.if %cond3A_16 {
      %scan3A = arith.constant 0 : i32
      %scan3A_38 = arith.constant 0 : i32
      %scan3A_39 = arith.constant 6 : i32
      %scan3A_40 = arith.addi %scan3A_38, %scan3A_39 : i32
      %scan3A_41 = arith.constant 1 : i32
      scf.for %scan3A_43 = %scan3A_38 to %scan3A_40 step %scan3A_41  : i32 {
        %mul3A_44 = arith.constant 8 : i32
        %mul3A_45 = arith.muli %scan3A_43, %mul3A_44 : i32
        %add3A_46 = arith.constant 112 : i32
        %add3A_47 = arith.addi %add3A_46, %mul3A_45 : i32
        "tpu.region"() ({
          %run_scoped3A_165 = tpu.sem_alloc : memref<!tpu.dma_semaphore, #tpu.memory_space<semaphore_mem>>
          %dma_start3A_166 = arith.constant 0 : i32
          %dma_start3A_167 = tpu.memref_slice %arg3[%arg1, %add3A_47, %dma_start3A_166] : memref<16x160x128xi32, #tpu.memory_space<hbm>> -> memref<1x8x128xi32, #tpu.memory_space<hbm>>
          %dma_start3A_168 = tpu.memref_squeeze %dma_start3A_167 : memref<1x8x128xi32, #tpu.memory_space<hbm>> -> memref<8x128xi32, #tpu.memory_space<hbm>>
          %dma_start3A_169 = arith.constant 0 : i32
          %dma_start3A_170 = tpu.memref_slice %arg3[%arg1, %add3A_47, %dma_start3A_169] : memref<16x160x128xi32, #tpu.memory_space<hbm>> -> memref<1x8x128xi32, #tpu.memory_space<hbm>>
          %dma_start3A_171 = tpu.memref_squeeze %dma_start3A_170 : memref<1x8x128xi32, #tpu.memory_space<hbm>> -> memref<8x128xi32, #tpu.memory_space<hbm>>
          tpu.enqueue_dma source(%dma_start3A_171 : memref<8x128xi32, #tpu.memory_space<hbm>>) target(%arg7 : memref<8x128xi32, #tpu.memory_space<vmem>>) target_semaphore(%run_scoped3A_165 : memref<!tpu.dma_semaphore, #tpu.memory_space<semaphore_mem>>)
          %dma_wait3A_172 = arith.constant 0 : i32
          %dma_wait3A_173 = tpu.memref_slice %arg3[%arg1, %add3A_47, %dma_wait3A_172] : memref<16x160x128xi32, #tpu.memory_space<hbm>> -> memref<1x8x128xi32, #tpu.memory_space<hbm>>
          %dma_wait3A_174 = tpu.memref_squeeze %dma_wait3A_173 : memref<1x8x128xi32, #tpu.memory_space<hbm>> -> memref<8x128xi32, #tpu.memory_space<hbm>>
          %dma_wait3A_175 = arith.constant 0 : i32
          %dma_wait3A_176 = tpu.memref_slice %arg3[%arg1, %add3A_47, %dma_wait3A_175] : memref<16x160x128xi32, #tpu.memory_space<hbm>> -> memref<1x8x128xi32, #tpu.memory_space<hbm>>
          %dma_wait3A_177 = tpu.memref_squeeze %dma_wait3A_176 : memref<1x8x128xi32, #tpu.memory_space<hbm>> -> memref<8x128xi32, #tpu.memory_space<hbm>>
          tpu.wait_dma2 semaphore(%run_scoped3A_165 : memref<!tpu.dma_semaphore, #tpu.memory_space<semaphore_mem>>) src(%dma_wait3A_177 : memref<8x128xi32, #tpu.memory_space<hbm>>) dst(%arg7 : memref<8x128xi32, #tpu.memory_space<vmem>>)
          tpu.yield
        }) : () -> ()
        "tpu.region"() ({
          %run_scoped3A_165 = tpu.sem_alloc : memref<!tpu.dma_semaphore, #tpu.memory_space<semaphore_mem>>
          %dma_start3A_166 = arith.constant 0 : i32
          %dma_start3A_167 = tpu.memref_slice %arg4[%arg1, %add3A_47, %dma_start3A_166] : memref<16x160x128xi32, #tpu.memory_space<hbm>> -> memref<1x8x128xi32, #tpu.memory_space<hbm>>
          %dma_start3A_168 = tpu.memref_squeeze %dma_start3A_167 : memref<1x8x128xi32, #tpu.memory_space<hbm>> -> memref<8x128xi32, #tpu.memory_space<hbm>>
          %dma_start3A_169 = arith.constant 0 : i32
          %dma_start3A_170 = tpu.memref_slice %arg4[%arg1, %add3A_47, %dma_start3A_169] : memref<16x160x128xi32, #tpu.memory_space<hbm>> -> memref<1x8x128xi32, #tpu.memory_space<hbm>>
          %dma_start3A_171 = tpu.memref_squeeze %dma_start3A_170 : memref<1x8x128xi32, #tpu.memory_space<hbm>> -> memref<8x128xi32, #tpu.memory_space<hbm>>
          tpu.enqueue_dma source(%dma_start3A_171 : memref<8x128xi32, #tpu.memory_space<hbm>>) target(%arg8 : memref<8x128xi32, #tpu.memory_space<vmem>>) target_semaphore(%run_scoped3A_165 : memref<!tpu.dma_semaphore, #tpu.memory_space<semaphore_mem>>)
          %dma_wait3A_172 = arith.constant 0 : i32
          %dma_wait3A_173 = tpu.memref_slice %arg4[%arg1, %add3A_47, %dma_wait3A_172] : memref<16x160x128xi32, #tpu.memory_space<hbm>> -> memref<1x8x128xi32, #tpu.memory_space<hbm>>
          %dma_wait3A_174 = tpu.memref_squeeze %dma_wait3A_173 : memref<1x8x128xi32, #tpu.memory_space<hbm>> -> memref<8x128xi32, #tpu.memory_space<hbm>>
          %dma_wait3A_175 = arith.constant 0 : i32
          %dma_wait3A_176 = tpu.memref_slice %arg4[%arg1, %add3A_47, %dma_wait3A_175] : memref<16x160x128xi32, #tpu.memory_space<hbm>> -> memref<1x8x128xi32, #tpu.memory_space<hbm>>
          %dma_wait3A_177 = tpu.memref_squeeze %dma_wait3A_176 : memref<1x8x128xi32, #tpu.memory_space<hbm>> -> memref<8x128xi32, #tpu.memory_space<hbm>>
          tpu.wait_dma2 semaphore(%run_scoped3A_165 : memref<!tpu.dma_semaphore, #tpu.memory_space<semaphore_mem>>) src(%dma_wait3A_177 : memref<8x128xi32, #tpu.memory_space<hbm>>) dst(%arg8 : memref<8x128xi32, #tpu.memory_space<vmem>>)
          tpu.yield
        }) : () -> ()
        %dma_start3A = arith.constant 0 : i32
        %dma_start3A_48 = arith.constant 0 : i32
        %dma_start3A_49 = tpu.memref_slice %arg7[%dma_start3A, %dma_start3A_48] : memref<8x128xi32, #tpu.memory_space<vmem>> -> memref<1x128xi32, #tpu.memory_space<vmem>>
        %dma_start3A_50 = tpu.memref_squeeze %dma_start3A_49 : memref<1x128xi32, #tpu.memory_space<vmem>> -> memref<128xi32, #tpu.memory_space<vmem>>
        %dma_start3A_51 = arith.constant 0 : i32
        %dma_start3A_52 = arith.constant 0 : i32
        %dma_start3A_53 = tpu.memref_slice %arg2[%dma_start3A_51, %dma_start3A_52] : memref<10000x128xf32, #tpu.memory_space<hbm>> -> memref<10000x128xf32, #tpu.memory_space<hbm>>
        tpu.enqueue_indirect_dma source(%dma_start3A_53 : memref<10000x128xf32, #tpu.memory_space<hbm>>) target(%arg9 : memref<128x128xf32, #tpu.memory_space<vmem>>) offsets(%dma_start3A_50 : memref<128xi32, #tpu.memory_space<vmem>>) semaphore(%arg12 : memref<!tpu.dma_semaphore, #tpu.memory_space<semaphore_mem>>)
        %dma_start3A_54 = arith.constant 1 : i32
        %dma_start3A_55 = arith.constant 0 : i32
        %dma_start3A_56 = tpu.memref_slice %arg7[%dma_start3A_54, %dma_start3A_55] : memref<8x128xi32, #tpu.memory_space<vmem>> -> memref<1x128xi32, #tpu.memory_space<vmem>>
        %dma_start3A_57 = tpu.memref_squeeze %dma_start3A_56 : memref<1x128xi32, #tpu.memory_space<vmem>> -> memref<128xi32, #tpu.memory_space<vmem>>
        %dma_start3A_58 = arith.constant 0 : i32
        %dma_start3A_59 = arith.constant 0 : i32
        %dma_start3A_60 = tpu.memref_slice %arg2[%dma_start3A_58, %dma_start3A_59] : memref<10000x128xf32, #tpu.memory_space<hbm>> -> memref<10000x128xf32, #tpu.memory_space<hbm>>
        tpu.enqueue_indirect_dma source(%dma_start3A_60 : memref<10000x128xf32, #tpu.memory_space<hbm>>) target(%arg10 : memref<128x128xf32, #tpu.memory_space<vmem>>) offsets(%dma_start3A_57 : memref<128xi32, #tpu.memory_space<vmem>>) semaphore(%arg13 : memref<!tpu.dma_semaphore, #tpu.memory_space<semaphore_mem>>)
        %dma_wait3A = arith.constant 0 : i32
        %dma_wait3A_61 = arith.constant 0 : i32
        %dma_wait3A_62 = tpu.memref_slice %arg7[%dma_wait3A, %dma_wait3A_61] : memref<8x128xi32, #tpu.memory_space<vmem>> -> memref<1x128xi32, #tpu.memory_space<vmem>>
        %dma_wait3A_63 = tpu.memref_squeeze %dma_wait3A_62 : memref<1x128xi32, #tpu.memory_space<vmem>> -> memref<128xi32, #tpu.memory_space<vmem>>
        %dma_wait3A_64 = arith.constant 0 : i32
        %dma_wait3A_65 = arith.constant 0 : i32
        %dma_wait3A_66 = tpu.memref_slice %arg2[%dma_wait3A_64, %dma_wait3A_65] : memref<10000x128xf32, #tpu.memory_space<hbm>> -> memref<10000x128xf32, #tpu.memory_space<hbm>>
        tpu.wait_indirect_dma semaphore(%arg12 : memref<!tpu.dma_semaphore, #tpu.memory_space<semaphore_mem>>) src(%dma_wait3A_66 : memref<10000x128xf32, #tpu.memory_space<hbm>>) dst(%arg9 : memref<128x128xf32, #tpu.memory_space<vmem>>)
        %run_scoped3A = arith.constant 0 : i32
        "tpu.region"() ({
          %run_scoped3A_165 = tpu.sem_alloc : memref<!tpu.dma_semaphore, #tpu.memory_space<semaphore_mem>>
          %dma_start3A_166 = arith.constant 0 : i32
          %dma_start3A_167 = tpu.memref_slice %arg8[%run_scoped3A, %dma_start3A_166] : memref<8x128xi32, #tpu.memory_space<vmem>> -> memref<1x128xi32, #tpu.memory_space<vmem>>
          %dma_start3A_168 = tpu.memref_squeeze %dma_start3A_167 : memref<1x128xi32, #tpu.memory_space<vmem>> -> memref<128xi32, #tpu.memory_space<vmem>>
          %dma_start3A_169 = arith.constant 0 : i32
          %dma_start3A_170 = arith.constant 0 : i32
          %dma_start3A_171 = tpu.memref_slice %arg11[%dma_start3A_169, %dma_start3A_170] : memref<10112x128xf32, #tpu.memory_space<vmem_shared>> -> memref<10112x128xf32, #tpu.memory_space<vmem_shared>>
          tpu.enqueue_indirect_dma source(%arg9 : memref<128x128xf32, #tpu.memory_space<vmem>>) target(%dma_start3A_171 : memref<10112x128xf32, #tpu.memory_space<vmem_shared>>) offsets(%dma_start3A_168 : memref<128xi32, #tpu.memory_space<vmem>>) semaphore(%run_scoped3A_165 : memref<!tpu.dma_semaphore, #tpu.memory_space<semaphore_mem>>) {add = true}
          %dma_wait3A_172 = arith.constant 0 : i32
          %dma_wait3A_173 = tpu.memref_slice %arg8[%run_scoped3A, %dma_wait3A_172] : memref<8x128xi32, #tpu.memory_space<vmem>> -> memref<1x128xi32, #tpu.memory_space<vmem>>
          %dma_wait3A_174 = tpu.memref_squeeze %dma_wait3A_173 : memref<1x128xi32, #tpu.memory_space<vmem>> -> memref<128xi32, #tpu.memory_space<vmem>>
          %dma_wait3A_175 = arith.constant 0 : i32
          %dma_wait3A_176 = arith.constant 0 : i32
          %dma_wait3A_177 = tpu.memref_slice %arg11[%dma_wait3A_175, %dma_wait3A_176] : memref<10112x128xf32, #tpu.memory_space<vmem_shared>> -> memref<10112x128xf32, #tpu.memory_space<vmem_shared>>
          tpu.wait_indirect_dma semaphore(%run_scoped3A_165 : memref<!tpu.dma_semaphore, #tpu.memory_space<semaphore_mem>>) src(%arg9 : memref<128x128xf32, #tpu.memory_space<vmem>>) dst(%dma_wait3A_177 : memref<10112x128xf32, #tpu.memory_space<vmem_shared>>)
          tpu.yield
        }) : () -> ()
        %dma_start3A_67 = arith.constant 2 : i32
        %dma_start3A_68 = arith.constant 0 : i32
        %dma_start3A_69 = tpu.memref_slice %arg7[%dma_start3A_67, %dma_start3A_68] : memref<8x128xi32, #tpu.memory_space<vmem>> -> memref<1x128xi32, #tpu.memory_space<vmem>>
        %dma_start3A_70 = tpu.memref_squeeze %dma_start3A_69 : memref<1x128xi32, #tpu.memory_space<vmem>> -> memref<128xi32, #tpu.memory_space<vmem>>
        %dma_start3A_71 = arith.constant 0 : i32
        %dma_start3A_72 = arith.constant 0 : i32
        %dma_start3A_73 = tpu.memref_slice %arg2[%dma_start3A_71, %dma_start3A_72] : memref<10000x128xf32, #tpu.memory_space<hbm>> -> memref<10000x128xf32, #tpu.memory_space<hbm>>
        tpu.enqueue_indirect_dma source(%dma_start3A_73 : memref<10000x128xf32, #tpu.memory_space<hbm>>) target(%arg9 : memref<128x128xf32, #tpu.memory_space<vmem>>) offsets(%dma_start3A_70 : memref<128xi32, #tpu.memory_space<vmem>>) semaphore(%arg12 : memref<!tpu.dma_semaphore, #tpu.memory_space<semaphore_mem>>)
        %dma_wait3A_74 = arith.constant 1 : i32
        %dma_wait3A_75 = arith.constant 0 : i32
        %dma_wait3A_76 = tpu.memref_slice %arg7[%dma_wait3A_74, %dma_wait3A_75] : memref<8x128xi32, #tpu.memory_space<vmem>> -> memref<1x128xi32, #tpu.memory_space<vmem>>
        %dma_wait3A_77 = tpu.memref_squeeze %dma_wait3A_76 : memref<1x128xi32, #tpu.memory_space<vmem>> -> memref<128xi32, #tpu.memory_space<vmem>>
        %dma_wait3A_78 = arith.constant 0 : i32
        %dma_wait3A_79 = arith.constant 0 : i32
        %dma_wait3A_80 = tpu.memref_slice %arg2[%dma_wait3A_78, %dma_wait3A_79] : memref<10000x128xf32, #tpu.memory_space<hbm>> -> memref<10000x128xf32, #tpu.memory_space<hbm>>
        tpu.wait_indirect_dma semaphore(%arg13 : memref<!tpu.dma_semaphore, #tpu.memory_space<semaphore_mem>>) src(%dma_wait3A_80 : memref<10000x128xf32, #tpu.memory_space<hbm>>) dst(%arg10 : memref<128x128xf32, #tpu.memory_space<vmem>>)
        %run_scoped3A_81 = arith.constant 1 : i32
        "tpu.region"() ({
          %run_scoped3A_165 = tpu.sem_alloc : memref<!tpu.dma_semaphore, #tpu.memory_space<semaphore_mem>>
          %dma_start3A_166 = arith.constant 0 : i32
          %dma_start3A_167 = tpu.memref_slice %arg8[%run_scoped3A_81, %dma_start3A_166] : memref<8x128xi32, #tpu.memory_space<vmem>> -> memref<1x128xi32, #tpu.memory_space<vmem>>
          %dma_start3A_168 = tpu.memref_squeeze %dma_start3A_167 : memref<1x128xi32, #tpu.memory_space<vmem>> -> memref<128xi32, #tpu.memory_space<vmem>>
          %dma_start3A_169 = arith.constant 0 : i32
          %dma_start3A_170 = arith.constant 0 : i32
          %dma_start3A_171 = tpu.memref_slice %arg11[%dma_start3A_169, %dma_start3A_170] : memref<10112x128xf32, #tpu.memory_space<vmem_shared>> -> memref<10112x128xf32, #tpu.memory_space<vmem_shared>>
          tpu.enqueue_indirect_dma source(%arg10 : memref<128x128xf32, #tpu.memory_space<vmem>>) target(%dma_start3A_171 : memref<10112x128xf32, #tpu.memory_space<vmem_shared>>) offsets(%dma_start3A_168 : memref<128xi32, #tpu.memory_space<vmem>>) semaphore(%run_scoped3A_165 : memref<!tpu.dma_semaphore, #tpu.memory_space<semaphore_mem>>) {add = true}
          %dma_wait3A_172 = arith.constant 0 : i32
          %dma_wait3A_173 = tpu.memref_slice %arg8[%run_scoped3A_81, %dma_wait3A_172] : memref<8x128xi32, #tpu.memory_space<vmem>> -> memref<1x128xi32, #tpu.memory_space<vmem>>
          %dma_wait3A_174 = tpu.memref_squeeze %dma_wait3A_173 : memref<1x128xi32, #tpu.memory_space<vmem>> -> memref<128xi32, #tpu.memory_space<vmem>>
          %dma_wait3A_175 = arith.constant 0 : i32
          %dma_wait3A_176 = arith.constant 0 : i32
          %dma_wait3A_177 = tpu.memref_slice %arg11[%dma_wait3A_175, %dma_wait3A_176] : memref<10112x128xf32, #tpu.memory_space<vmem_shared>> -> memref<10112x128xf32, #tpu.memory_space<vmem_shared>>
          tpu.wait_indirect_dma semaphore(%run_scoped3A_165 : memref<!tpu.dma_semaphore, #tpu.memory_space<semaphore_mem>>) src(%arg10 : memref<128x128xf32, #tpu.memory_space<vmem>>) dst(%dma_wait3A_177 : memref<10112x128xf32, #tpu.memory_space<vmem_shared>>)
          tpu.yield
        }) : () -> ()
        %dma_start3A_82 = arith.constant 3 : i32
        %dma_start3A_83 = arith.constant 0 : i32
        %dma_start3A_84 = tpu.memref_slice %arg7[%dma_start3A_82, %dma_start3A_83] : memref<8x128xi32, #tpu.memory_space<vmem>> -> memref<1x128xi32, #tpu.memory_space<vmem>>
        %dma_start3A_85 = tpu.memref_squeeze %dma_start3A_84 : memref<1x128xi32, #tpu.memory_space<vmem>> -> memref<128xi32, #tpu.memory_space<vmem>>
        %dma_start3A_86 = arith.constant 0 : i32
        %dma_start3A_87 = arith.constant 0 : i32
        %dma_start3A_88 = tpu.memref_slice %arg2[%dma_start3A_86, %dma_start3A_87] : memref<10000x128xf32, #tpu.memory_space<hbm>> -> memref<10000x128xf32, #tpu.memory_space<hbm>>
        tpu.enqueue_indirect_dma source(%dma_start3A_88 : memref<10000x128xf32, #tpu.memory_space<hbm>>) target(%arg10 : memref<128x128xf32, #tpu.memory_space<vmem>>) offsets(%dma_start3A_85 : memref<128xi32, #tpu.memory_space<vmem>>) semaphore(%arg13 : memref<!tpu.dma_semaphore, #tpu.memory_space<semaphore_mem>>)
        %dma_wait3A_89 = arith.constant 2 : i32
        %dma_wait3A_90 = arith.constant 0 : i32
        %dma_wait3A_91 = tpu.memref_slice %arg7[%dma_wait3A_89, %dma_wait3A_90] : memref<8x128xi32, #tpu.memory_space<vmem>> -> memref<1x128xi32, #tpu.memory_space<vmem>>
        %dma_wait3A_92 = tpu.memref_squeeze %dma_wait3A_91 : memref<1x128xi32, #tpu.memory_space<vmem>> -> memref<128xi32, #tpu.memory_space<vmem>>
        %dma_wait3A_93 = arith.constant 0 : i32
        %dma_wait3A_94 = arith.constant 0 : i32
        %dma_wait3A_95 = tpu.memref_slice %arg2[%dma_wait3A_93, %dma_wait3A_94] : memref<10000x128xf32, #tpu.memory_space<hbm>> -> memref<10000x128xf32, #tpu.memory_space<hbm>>
        tpu.wait_indirect_dma semaphore(%arg12 : memref<!tpu.dma_semaphore, #tpu.memory_space<semaphore_mem>>) src(%dma_wait3A_95 : memref<10000x128xf32, #tpu.memory_space<hbm>>) dst(%arg9 : memref<128x128xf32, #tpu.memory_space<vmem>>)
        %run_scoped3A_96 = arith.constant 2 : i32
        "tpu.region"() ({
          %run_scoped3A_165 = tpu.sem_alloc : memref<!tpu.dma_semaphore, #tpu.memory_space<semaphore_mem>>
          %dma_start3A_166 = arith.constant 0 : i32
          %dma_start3A_167 = tpu.memref_slice %arg8[%run_scoped3A_96, %dma_start3A_166] : memref<8x128xi32, #tpu.memory_space<vmem>> -> memref<1x128xi32, #tpu.memory_space<vmem>>
          %dma_start3A_168 = tpu.memref_squeeze %dma_start3A_167 : memref<1x128xi32, #tpu.memory_space<vmem>> -> memref<128xi32, #tpu.memory_space<vmem>>
          %dma_start3A_169 = arith.constant 0 : i32
          %dma_start3A_170 = arith.constant 0 : i32
          %dma_start3A_171 = tpu.memref_slice %arg11[%dma_start3A_169, %dma_start3A_170] : memref<10112x128xf32, #tpu.memory_space<vmem_shared>> -> memref<10112x128xf32, #tpu.memory_space<vmem_shared>>
          tpu.enqueue_indirect_dma source(%arg9 : memref<128x128xf32, #tpu.memory_space<vmem>>) target(%dma_start3A_171 : memref<10112x128xf32, #tpu.memory_space<vmem_shared>>) offsets(%dma_start3A_168 : memref<128xi32, #tpu.memory_space<vmem>>) semaphore(%run_scoped3A_165 : memref<!tpu.dma_semaphore, #tpu.memory_space<semaphore_mem>>) {add = true}
          %dma_wait3A_172 = arith.constant 0 : i32
          %dma_wait3A_173 = tpu.memref_slice %arg8[%run_scoped3A_96, %dma_wait3A_172] : memref<8x128xi32, #tpu.memory_space<vmem>> -> memref<1x128xi32, #tpu.memory_space<vmem>>
          %dma_wait3A_174 = tpu.memref_squeeze %dma_wait3A_173 : memref<1x128xi32, #tpu.memory_space<vmem>> -> memref<128xi32, #tpu.memory_space<vmem>>
          %dma_wait3A_175 = arith.constant 0 : i32
          %dma_wait3A_176 = arith.constant 0 : i32
          %dma_wait3A_177 = tpu.memref_slice %arg11[%dma_wait3A_175, %dma_wait3A_176] : memref<10112x128xf32, #tpu.memory_space<vmem_shared>> -> memref<10112x128xf32, #tpu.memory_space<vmem_shared>>
          tpu.wait_indirect_dma semaphore(%run_scoped3A_165 : memref<!tpu.dma_semaphore, #tpu.memory_space<semaphore_mem>>) src(%arg9 : memref<128x128xf32, #tpu.memory_space<vmem>>) dst(%dma_wait3A_177 : memref<10112x128xf32, #tpu.memory_space<vmem_shared>>)
          tpu.yield
        }) : () -> ()
        %dma_start3A_97 = arith.constant 4 : i32
        %dma_start3A_98 = arith.constant 0 : i32
        %dma_start3A_99 = tpu.memref_slice %arg7[%dma_start3A_97, %dma_start3A_98] : memref<8x128xi32, #tpu.memory_space<vmem>> -> memref<1x128xi32, #tpu.memory_space<vmem>>
        %dma_start3A_100 = tpu.memref_squeeze %dma_start3A_99 : memref<1x128xi32, #tpu.memory_space<vmem>> -> memref<128xi32, #tpu.memory_space<vmem>>
        %dma_start3A_101 = arith.constant 0 : i32
        %dma_start3A_102 = arith.constant 0 : i32
        %dma_start3A_103 = tpu.memref_slice %arg2[%dma_start3A_101, %dma_start3A_102] : memref<10000x128xf32, #tpu.memory_space<hbm>> -> memref<10000x128xf32, #tpu.memory_space<hbm>>
        tpu.enqueue_indirect_dma source(%dma_start3A_103 : memref<10000x128xf32, #tpu.memory_space<hbm>>) target(%arg9 : memref<128x128xf32, #tpu.memory_space<vmem>>) offsets(%dma_start3A_100 : memref<128xi32, #tpu.memory_space<vmem>>) semaphore(%arg12 : memref<!tpu.dma_semaphore, #tpu.memory_space<semaphore_mem>>)
        %dma_wait3A_104 = arith.constant 3 : i32
        %dma_wait3A_105 = arith.constant 0 : i32
        %dma_wait3A_106 = tpu.memref_slice %arg7[%dma_wait3A_104, %dma_wait3A_105] : memref<8x128xi32, #tpu.memory_space<vmem>> -> memref<1x128xi32, #tpu.memory_space<vmem>>
        %dma_wait3A_107 = tpu.memref_squeeze %dma_wait3A_106 : memref<1x128xi32, #tpu.memory_space<vmem>> -> memref<128xi32, #tpu.memory_space<vmem>>
        %dma_wait3A_108 = arith.constant 0 : i32
        %dma_wait3A_109 = arith.constant 0 : i32
        %dma_wait3A_110 = tpu.memref_slice %arg2[%dma_wait3A_108, %dma_wait3A_109] : memref<10000x128xf32, #tpu.memory_space<hbm>> -> memref<10000x128xf32, #tpu.memory_space<hbm>>
        tpu.wait_indirect_dma semaphore(%arg13 : memref<!tpu.dma_semaphore, #tpu.memory_space<semaphore_mem>>) src(%dma_wait3A_110 : memref<10000x128xf32, #tpu.memory_space<hbm>>) dst(%arg10 : memref<128x128xf32, #tpu.memory_space<vmem>>)
        %run_scoped3A_111 = arith.constant 3 : i32
        "tpu.region"() ({
          %run_scoped3A_165 = tpu.sem_alloc : memref<!tpu.dma_semaphore, #tpu.memory_space<semaphore_mem>>
          %dma_start3A_166 = arith.constant 0 : i32
          %dma_start3A_167 = tpu.memref_slice %arg8[%run_scoped3A_111, %dma_start3A_166] : memref<8x128xi32, #tpu.memory_space<vmem>> -> memref<1x128xi32, #tpu.memory_space<vmem>>
          %dma_start3A_168 = tpu.memref_squeeze %dma_start3A_167 : memref<1x128xi32, #tpu.memory_space<vmem>> -> memref<128xi32, #tpu.memory_space<vmem>>
          %dma_start3A_169 = arith.constant 0 : i32
          %dma_start3A_170 = arith.constant 0 : i32
          %dma_start3A_171 = tpu.memref_slice %arg11[%dma_start3A_169, %dma_start3A_170] : memref<10112x128xf32, #tpu.memory_space<vmem_shared>> -> memref<10112x128xf32, #tpu.memory_space<vmem_shared>>
          tpu.enqueue_indirect_dma source(%arg10 : memref<128x128xf32, #tpu.memory_space<vmem>>) target(%dma_start3A_171 : memref<10112x128xf32, #tpu.memory_space<vmem_shared>>) offsets(%dma_start3A_168 : memref<128xi32, #tpu.memory_space<vmem>>) semaphore(%run_scoped3A_165 : memref<!tpu.dma_semaphore, #tpu.memory_space<semaphore_mem>>) {add = true}
          %dma_wait3A_172 = arith.constant 0 : i32
          %dma_wait3A_173 = tpu.memref_slice %arg8[%run_scoped3A_111, %dma_wait3A_172] : memref<8x128xi32, #tpu.memory_space<vmem>> -> memref<1x128xi32, #tpu.memory_space<vmem>>
          %dma_wait3A_174 = tpu.memref_squeeze %dma_wait3A_173 : memref<1x128xi32, #tpu.memory_space<vmem>> -> memref<128xi32, #tpu.memory_space<vmem>>
          %dma_wait3A_175 = arith.constant 0 : i32
          %dma_wait3A_176 = arith.constant 0 : i32
          %dma_wait3A_177 = tpu.memref_slice %arg11[%dma_wait3A_175, %dma_wait3A_176] : memref<10112x128xf32, #tpu.memory_space<vmem_shared>> -> memref<10112x128xf32, #tpu.memory_space<vmem_shared>>
          tpu.wait_indirect_dma semaphore(%run_scoped3A_165 : memref<!tpu.dma_semaphore, #tpu.memory_space<semaphore_mem>>) src(%arg10 : memref<128x128xf32, #tpu.memory_space<vmem>>) dst(%dma_wait3A_177 : memref<10112x128xf32, #tpu.memory_space<vmem_shared>>)
          tpu.yield
        }) : () -> ()
        %dma_start3A_112 = arith.constant 5 : i32
        %dma_start3A_113 = arith.constant 0 : i32
        %dma_start3A_114 = tpu.memref_slice %arg7[%dma_start3A_112, %dma_start3A_113] : memref<8x128xi32, #tpu.memory_space<vmem>> -> memref<1x128xi32, #tpu.memory_space<vmem>>
        %dma_start3A_115 = tpu.memref_squeeze %dma_start3A_114 : memref<1x128xi32, #tpu.memory_space<vmem>> -> memref<128xi32, #tpu.memory_space<vmem>>
        %dma_start3A_116 = arith.constant 0 : i32
        %dma_start3A_117 = arith.constant 0 : i32
        %dma_start3A_118 = tpu.memref_slice %arg2[%dma_start3A_116, %dma_start3A_117] : memref<10000x128xf32, #tpu.memory_space<hbm>> -> memref<10000x128xf32, #tpu.memory_space<hbm>>
        tpu.enqueue_indirect_dma source(%dma_start3A_118 : memref<10000x128xf32, #tpu.memory_space<hbm>>) target(%arg10 : memref<128x128xf32, #tpu.memory_space<vmem>>) offsets(%dma_start3A_115 : memref<128xi32, #tpu.memory_space<vmem>>) semaphore(%arg13 : memref<!tpu.dma_semaphore, #tpu.memory_space<semaphore_mem>>)
        %dma_wait3A_119 = arith.constant 4 : i32
        %dma_wait3A_120 = arith.constant 0 : i32
        %dma_wait3A_121 = tpu.memref_slice %arg7[%dma_wait3A_119, %dma_wait3A_120] : memref<8x128xi32, #tpu.memory_space<vmem>> -> memref<1x128xi32, #tpu.memory_space<vmem>>
        %dma_wait3A_122 = tpu.memref_squeeze %dma_wait3A_121 : memref<1x128xi32, #tpu.memory_space<vmem>> -> memref<128xi32, #tpu.memory_space<vmem>>
        %dma_wait3A_123 = arith.constant 0 : i32
        %dma_wait3A_124 = arith.constant 0 : i32
        %dma_wait3A_125 = tpu.memref_slice %arg2[%dma_wait3A_123, %dma_wait3A_124] : memref<10000x128xf32, #tpu.memory_space<hbm>> -> memref<10000x128xf32, #tpu.memory_space<hbm>>
        tpu.wait_indirect_dma semaphore(%arg12 : memref<!tpu.dma_semaphore, #tpu.memory_space<semaphore_mem>>) src(%dma_wait3A_125 : memref<10000x128xf32, #tpu.memory_space<hbm>>) dst(%arg9 : memref<128x128xf32, #tpu.memory_space<vmem>>)
        %run_scoped3A_126 = arith.constant 4 : i32
        "tpu.region"() ({
          %run_scoped3A_165 = tpu.sem_alloc : memref<!tpu.dma_semaphore, #tpu.memory_space<semaphore_mem>>
          %dma_start3A_166 = arith.constant 0 : i32
          %dma_start3A_167 = tpu.memref_slice %arg8[%run_scoped3A_126, %dma_start3A_166] : memref<8x128xi32, #tpu.memory_space<vmem>> -> memref<1x128xi32, #tpu.memory_space<vmem>>
          %dma_start3A_168 = tpu.memref_squeeze %dma_start3A_167 : memref<1x128xi32, #tpu.memory_space<vmem>> -> memref<128xi32, #tpu.memory_space<vmem>>
          %dma_start3A_169 = arith.constant 0 : i32
          %dma_start3A_170 = arith.constant 0 : i32
          %dma_start3A_171 = tpu.memref_slice %arg11[%dma_start3A_169, %dma_start3A_170] : memref<10112x128xf32, #tpu.memory_space<vmem_shared>> -> memref<10112x128xf32, #tpu.memory_space<vmem_shared>>
          tpu.enqueue_indirect_dma source(%arg9 : memref<128x128xf32, #tpu.memory_space<vmem>>) target(%dma_start3A_171 : memref<10112x128xf32, #tpu.memory_space<vmem_shared>>) offsets(%dma_start3A_168 : memref<128xi32, #tpu.memory_space<vmem>>) semaphore(%run_scoped3A_165 : memref<!tpu.dma_semaphore, #tpu.memory_space<semaphore_mem>>) {add = true}
          %dma_wait3A_172 = arith.constant 0 : i32
          %dma_wait3A_173 = tpu.memref_slice %arg8[%run_scoped3A_126, %dma_wait3A_172] : memref<8x128xi32, #tpu.memory_space<vmem>> -> memref<1x128xi32, #tpu.memory_space<vmem>>
          %dma_wait3A_174 = tpu.memref_squeeze %dma_wait3A_173 : memref<1x128xi32, #tpu.memory_space<vmem>> -> memref<128xi32, #tpu.memory_space<vmem>>
          %dma_wait3A_175 = arith.constant 0 : i32
          %dma_wait3A_176 = arith.constant 0 : i32
          %dma_wait3A_177 = tpu.memref_slice %arg11[%dma_wait3A_175, %dma_wait3A_176] : memref<10112x128xf32, #tpu.memory_space<vmem_shared>> -> memref<10112x128xf32, #tpu.memory_space<vmem_shared>>
          tpu.wait_indirect_dma semaphore(%run_scoped3A_165 : memref<!tpu.dma_semaphore, #tpu.memory_space<semaphore_mem>>) src(%arg9 : memref<128x128xf32, #tpu.memory_space<vmem>>) dst(%dma_wait3A_177 : memref<10112x128xf32, #tpu.memory_space<vmem_shared>>)
          tpu.yield
        }) : () -> ()
        %dma_start3A_127 = arith.constant 6 : i32
        %dma_start3A_128 = arith.constant 0 : i32
        %dma_start3A_129 = tpu.memref_slice %arg7[%dma_start3A_127, %dma_start3A_128] : memref<8x128xi32, #tpu.memory_space<vmem>> -> memref<1x128xi32, #tpu.memory_space<vmem>>
        %dma_start3A_130 = tpu.memref_squeeze %dma_start3A_129 : memref<1x128xi32, #tpu.memory_space<vmem>> -> memref<128xi32, #tpu.memory_space<vmem>>
        %dma_start3A_131 = arith.constant 0 : i32
        %dma_start3A_132 = arith.constant 0 : i32
        %dma_start3A_133 = tpu.memref_slice %arg2[%dma_start3A_131, %dma_start3A_132] : memref<10000x128xf32, #tpu.memory_space<hbm>> -> memref<10000x128xf32, #tpu.memory_space<hbm>>
        tpu.enqueue_indirect_dma source(%dma_start3A_133 : memref<10000x128xf32, #tpu.memory_space<hbm>>) target(%arg9 : memref<128x128xf32, #tpu.memory_space<vmem>>) offsets(%dma_start3A_130 : memref<128xi32, #tpu.memory_space<vmem>>) semaphore(%arg12 : memref<!tpu.dma_semaphore, #tpu.memory_space<semaphore_mem>>)
        %dma_wait3A_134 = arith.constant 5 : i32
        %dma_wait3A_135 = arith.constant 0 : i32
        %dma_wait3A_136 = tpu.memref_slice %arg7[%dma_wait3A_134, %dma_wait3A_135] : memref<8x128xi32, #tpu.memory_space<vmem>> -> memref<1x128xi32, #tpu.memory_space<vmem>>
        %dma_wait3A_137 = tpu.memref_squeeze %dma_wait3A_136 : memref<1x128xi32, #tpu.memory_space<vmem>> -> memref<128xi32, #tpu.memory_space<vmem>>
        %dma_wait3A_138 = arith.constant 0 : i32
        %dma_wait3A_139 = arith.constant 0 : i32
        %dma_wait3A_140 = tpu.memref_slice %arg2[%dma_wait3A_138, %dma_wait3A_139] : memref<10000x128xf32, #tpu.memory_space<hbm>> -> memref<10000x128xf32, #tpu.memory_space<hbm>>
        tpu.wait_indirect_dma semaphore(%arg13 : memref<!tpu.dma_semaphore, #tpu.memory_space<semaphore_mem>>) src(%dma_wait3A_140 : memref<10000x128xf32, #tpu.memory_space<hbm>>) dst(%arg10 : memref<128x128xf32, #tpu.memory_space<vmem>>)
        %run_scoped3A_141 = arith.constant 5 : i32
        "tpu.region"() ({
          %run_scoped3A_165 = tpu.sem_alloc : memref<!tpu.dma_semaphore, #tpu.memory_space<semaphore_mem>>
          %dma_start3A_166 = arith.constant 0 : i32
          %dma_start3A_167 = tpu.memref_slice %arg8[%run_scoped3A_141, %dma_start3A_166] : memref<8x128xi32, #tpu.memory_space<vmem>> -> memref<1x128xi32, #tpu.memory_space<vmem>>
          %dma_start3A_168 = tpu.memref_squeeze %dma_start3A_167 : memref<1x128xi32, #tpu.memory_space<vmem>> -> memref<128xi32, #tpu.memory_space<vmem>>
          %dma_start3A_169 = arith.constant 0 : i32
          %dma_start3A_170 = arith.constant 0 : i32
          %dma_start3A_171 = tpu.memref_slice %arg11[%dma_start3A_169, %dma_start3A_170] : memref<10112x128xf32, #tpu.memory_space<vmem_shared>> -> memref<10112x128xf32, #tpu.memory_space<vmem_shared>>
          tpu.enqueue_indirect_dma source(%arg10 : memref<128x128xf32, #tpu.memory_space<vmem>>) target(%dma_start3A_171 : memref<10112x128xf32, #tpu.memory_space<vmem_shared>>) offsets(%dma_start3A_168 : memref<128xi32, #tpu.memory_space<vmem>>) semaphore(%run_scoped3A_165 : memref<!tpu.dma_semaphore, #tpu.memory_space<semaphore_mem>>) {add = true}
          %dma_wait3A_172 = arith.constant 0 : i32
          %dma_wait3A_173 = tpu.memref_slice %arg8[%run_scoped3A_141, %dma_wait3A_172] : memref<8x128xi32, #tpu.memory_space<vmem>> -> memref<1x128xi32, #tpu.memory_space<vmem>>
          %dma_wait3A_174 = tpu.memref_squeeze %dma_wait3A_173 : memref<1x128xi32, #tpu.memory_space<vmem>> -> memref<128xi32, #tpu.memory_space<vmem>>
          %dma_wait3A_175 = arith.constant 0 : i32
          %dma_wait3A_176 = arith.constant 0 : i32
          %dma_wait3A_177 = tpu.memref_slice %arg11[%dma_wait3A_175, %dma_wait3A_176] : memref<10112x128xf32, #tpu.memory_space<vmem_shared>> -> memref<10112x128xf32, #tpu.memory_space<vmem_shared>>
          tpu.wait_indirect_dma semaphore(%run_scoped3A_165 : memref<!tpu.dma_semaphore, #tpu.memory_space<semaphore_mem>>) src(%arg10 : memref<128x128xf32, #tpu.memory_space<vmem>>) dst(%dma_wait3A_177 : memref<10112x128xf32, #tpu.memory_space<vmem_shared>>)
          tpu.yield
        }) : () -> ()
        %dma_start3A_142 = arith.constant 7 : i32
        %dma_start3A_143 = arith.constant 0 : i32
        %dma_start3A_144 = tpu.memref_slice %arg7[%dma_start3A_142, %dma_start3A_143] : memref<8x128xi32, #tpu.memory_space<vmem>> -> memref<1x128xi32, #tpu.memory_space<vmem>>
        %dma_start3A_145 = tpu.memref_squeeze %dma_start3A_144 : memref<1x128xi32, #tpu.memory_space<vmem>> -> memref<128xi32, #tpu.memory_space<vmem>>
        %dma_start3A_146 = arith.constant 0 : i32
        %dma_start3A_147 = arith.constant 0 : i32
        %dma_start3A_148 = tpu.memref_slice %arg2[%dma_start3A_146, %dma_start3A_147] : memref<10000x128xf32, #tpu.memory_space<hbm>> -> memref<10000x128xf32, #tpu.memory_space<hbm>>
        tpu.enqueue_indirect_dma source(%dma_start3A_148 : memref<10000x128xf32, #tpu.memory_space<hbm>>) target(%arg10 : memref<128x128xf32, #tpu.memory_space<vmem>>) offsets(%dma_start3A_145 : memref<128xi32, #tpu.memory_space<vmem>>) semaphore(%arg13 : memref<!tpu.dma_semaphore, #tpu.memory_space<semaphore_mem>>)
        %dma_wait3A_149 = arith.constant 6 : i32
        %dma_wait3A_150 = arith.constant 0 : i32
        %dma_wait3A_151 = tpu.memref_slice %arg7[%dma_wait3A_149, %dma_wait3A_150] : memref<8x128xi32, #tpu.memory_space<vmem>> -> memref<1x128xi32, #tpu.memory_space<vmem>>
        %dma_wait3A_152 = tpu.memref_squeeze %dma_wait3A_151 : memref<1x128xi32, #tpu.memory_space<vmem>> -> memref<128xi32, #tpu.memory_space<vmem>>
        %dma_wait3A_153 = arith.constant 0 : i32
        %dma_wait3A_154 = arith.constant 0 : i32
        %dma_wait3A_155 = tpu.memref_slice %arg2[%dma_wait3A_153, %dma_wait3A_154] : memref<10000x128xf32, #tpu.memory_space<hbm>> -> memref<10000x128xf32, #tpu.memory_space<hbm>>
        tpu.wait_indirect_dma semaphore(%arg12 : memref<!tpu.dma_semaphore, #tpu.memory_space<semaphore_mem>>) src(%dma_wait3A_155 : memref<10000x128xf32, #tpu.memory_space<hbm>>) dst(%arg9 : memref<128x128xf32, #tpu.memory_space<vmem>>)
        %run_scoped3A_156 = arith.constant 6 : i32
        "tpu.region"() ({
          %run_scoped3A_165 = tpu.sem_alloc : memref<!tpu.dma_semaphore, #tpu.memory_space<semaphore_mem>>
          %dma_start3A_166 = arith.constant 0 : i32
          %dma_start3A_167 = tpu.memref_slice %arg8[%run_scoped3A_156, %dma_start3A_166] : memref<8x128xi32, #tpu.memory_space<vmem>> -> memref<1x128xi32, #tpu.memory_space<vmem>>
          %dma_start3A_168 = tpu.memref_squeeze %dma_start3A_167 : memref<1x128xi32, #tpu.memory_space<vmem>> -> memref<128xi32, #tpu.memory_space<vmem>>
          %dma_start3A_169 = arith.constant 0 : i32
          %dma_start3A_170 = arith.constant 0 : i32
          %dma_start3A_171 = tpu.memref_slice %arg11[%dma_start3A_169, %dma_start3A_170] : memref<10112x128xf32, #tpu.memory_space<vmem_shared>> -> memref<10112x128xf32, #tpu.memory_space<vmem_shared>>
          tpu.enqueue_indirect_dma source(%arg9 : memref<128x128xf32, #tpu.memory_space<vmem>>) target(%dma_start3A_171 : memref<10112x128xf32, #tpu.memory_space<vmem_shared>>) offsets(%dma_start3A_168 : memref<128xi32, #tpu.memory_space<vmem>>) semaphore(%run_scoped3A_165 : memref<!tpu.dma_semaphore, #tpu.memory_space<semaphore_mem>>) {add = true}
          %dma_wait3A_172 = arith.constant 0 : i32
          %dma_wait3A_173 = tpu.memref_slice %arg8[%run_scoped3A_156, %dma_wait3A_172] : memref<8x128xi32, #tpu.memory_space<vmem>> -> memref<1x128xi32, #tpu.memory_space<vmem>>
          %dma_wait3A_174 = tpu.memref_squeeze %dma_wait3A_173 : memref<1x128xi32, #tpu.memory_space<vmem>> -> memref<128xi32, #tpu.memory_space<vmem>>
          %dma_wait3A_175 = arith.constant 0 : i32
          %dma_wait3A_176 = arith.constant 0 : i32
          %dma_wait3A_177 = tpu.memref_slice %arg11[%dma_wait3A_175, %dma_wait3A_176] : memref<10112x128xf32, #tpu.memory_space<vmem_shared>> -> memref<10112x128xf32, #tpu.memory_space<vmem_shared>>
          tpu.wait_indirect_dma semaphore(%run_scoped3A_165 : memref<!tpu.dma_semaphore, #tpu.memory_space<semaphore_mem>>) src(%arg9 : memref<128x128xf32, #tpu.memory_space<vmem>>) dst(%dma_wait3A_177 : memref<10112x128xf32, #tpu.memory_space<vmem_shared>>)
          tpu.yield
        }) : () -> ()
        %dma_wait3A_157 = arith.constant 7 : i32
        %dma_wait3A_158 = arith.constant 0 : i32
        %dma_wait3A_159 = tpu.memref_slice %arg7[%dma_wait3A_157, %dma_wait3A_158] : memref<8x128xi32, #tpu.memory_space<vmem>> -> memref<1x128xi32, #tpu.memory_space<vmem>>
        %dma_wait3A_160 = tpu.memref_squeeze %dma_wait3A_159 : memref<1x128xi32, #tpu.memory_space<vmem>> -> memref<128xi32, #tpu.memory_space<vmem>>
        %dma_wait3A_161 = arith.constant 0 : i32
        %dma_wait3A_162 = arith.constant 0 : i32
        %dma_wait3A_163 = tpu.memref_slice %arg2[%dma_wait3A_161, %dma_wait3A_162] : memref<10000x128xf32, #tpu.memory_space<hbm>> -> memref<10000x128xf32, #tpu.memory_space<hbm>>
        tpu.wait_indirect_dma semaphore(%arg13 : memref<!tpu.dma_semaphore, #tpu.memory_space<semaphore_mem>>) src(%dma_wait3A_163 : memref<10000x128xf32, #tpu.memory_space<hbm>>) dst(%arg10 : memref<128x128xf32, #tpu.memory_space<vmem>>)
        %run_scoped3A_164 = arith.constant 7 : i32
        "tpu.region"() ({
          %run_scoped3A_165 = tpu.sem_alloc : memref<!tpu.dma_semaphore, #tpu.memory_space<semaphore_mem>>
          %dma_start3A_166 = arith.constant 0 : i32
          %dma_start3A_167 = tpu.memref_slice %arg8[%run_scoped3A_164, %dma_start3A_166] : memref<8x128xi32, #tpu.memory_space<vmem>> -> memref<1x128xi32, #tpu.memory_space<vmem>>
          %dma_start3A_168 = tpu.memref_squeeze %dma_start3A_167 : memref<1x128xi32, #tpu.memory_space<vmem>> -> memref<128xi32, #tpu.memory_space<vmem>>
          %dma_start3A_169 = arith.constant 0 : i32
          %dma_start3A_170 = arith.constant 0 : i32
          %dma_start3A_171 = tpu.memref_slice %arg11[%dma_start3A_169, %dma_start3A_170] : memref<10112x128xf32, #tpu.memory_space<vmem_shared>> -> memref<10112x128xf32, #tpu.memory_space<vmem_shared>>
          tpu.enqueue_indirect_dma source(%arg10 : memref<128x128xf32, #tpu.memory_space<vmem>>) target(%dma_start3A_171 : memref<10112x128xf32, #tpu.memory_space<vmem_shared>>) offsets(%dma_start3A_168 : memref<128xi32, #tpu.memory_space<vmem>>) semaphore(%run_scoped3A_165 : memref<!tpu.dma_semaphore, #tpu.memory_space<semaphore_mem>>) {add = true}
          %dma_wait3A_172 = arith.constant 0 : i32
          %dma_wait3A_173 = tpu.memref_slice %arg8[%run_scoped3A_164, %dma_wait3A_172] : memref<8x128xi32, #tpu.memory_space<vmem>> -> memref<1x128xi32, #tpu.memory_space<vmem>>
          %dma_wait3A_174 = tpu.memref_squeeze %dma_wait3A_173 : memref<1x128xi32, #tpu.memory_space<vmem>> -> memref<128xi32, #tpu.memory_space<vmem>>
          %dma_wait3A_175 = arith.constant 0 : i32
          %dma_wait3A_176 = arith.constant 0 : i32
          %dma_wait3A_177 = tpu.memref_slice %arg11[%dma_wait3A_175, %dma_wait3A_176] : memref<10112x128xf32, #tpu.memory_space<vmem_shared>> -> memref<10112x128xf32, #tpu.memory_space<vmem_shared>>
          tpu.wait_indirect_dma semaphore(%run_scoped3A_165 : memref<!tpu.dma_semaphore, #tpu.memory_space<semaphore_mem>>) src(%arg10 : memref<128x128xf32, #tpu.memory_space<vmem>>) dst(%dma_wait3A_177 : memref<10112x128xf32, #tpu.memory_space<vmem_shared>>)
          tpu.yield
        }) : () -> ()
      }
      %scan3A_42 = arith.constant 6 : i32
    } else {
    }
    %barrier3A_17 = arith.constant 0 : index
    tpu.barrier barrier_id(%barrier3A_17)
    %add3A_18 = arith.constant 0 : i32
    %add3A_19 = arith.addi %mul3A_0, %add3A_18 : i32
    "tpu.region"() ({
      %run_scoped3A = tpu.sem_alloc : memref<!tpu.dma_semaphore, #tpu.memory_space<semaphore_mem>>
      %dma_start3A = arith.constant 0 : i32
      %dma_start3A_38 = arith.constant 0 : i32
      %dma_start3A_39 = tpu.memref_slice %arg9[%dma_start3A, %dma_start3A_38] : memref<128x128xf32, #tpu.memory_space<vmem>> -> memref<128x128xf32, #tpu.memory_space<vmem>>
      %dma_start3A_40 = arith.constant 0 : i32
      %dma_start3A_41 = tpu.memref_slice %arg11[%add3A_19, %dma_start3A_40] : memref<10112x128xf32, #tpu.memory_space<vmem_shared>> -> memref<128x128xf32, #tpu.memory_space<vmem_shared>>
      %dma_start3A_42 = arith.constant 0 : i32
      %dma_start3A_43 = arith.constant 0 : i32
      %dma_start3A_44 = tpu.memref_slice %arg9[%dma_start3A_42, %dma_start3A_43] : memref<128x128xf32, #tpu.memory_space<vmem>> -> memref<128x128xf32, #tpu.memory_space<vmem>>
      %dma_start3A_45 = arith.constant 0 : i32
      %dma_start3A_46 = tpu.memref_slice %arg11[%add3A_19, %dma_start3A_45] : memref<10112x128xf32, #tpu.memory_space<vmem_shared>> -> memref<128x128xf32, #tpu.memory_space<vmem_shared>>
      tpu.enqueue_dma source(%dma_start3A_46 : memref<128x128xf32, #tpu.memory_space<vmem_shared>>) target(%dma_start3A_44 : memref<128x128xf32, #tpu.memory_space<vmem>>) target_semaphore(%run_scoped3A : memref<!tpu.dma_semaphore, #tpu.memory_space<semaphore_mem>>)
      %dma_wait3A = arith.constant 0 : i32
      %dma_wait3A_47 = arith.constant 0 : i32
      %dma_wait3A_48 = tpu.memref_slice %arg9[%dma_wait3A, %dma_wait3A_47] : memref<128x128xf32, #tpu.memory_space<vmem>> -> memref<128x128xf32, #tpu.memory_space<vmem>>
      %dma_wait3A_49 = arith.constant 0 : i32
      %dma_wait3A_50 = tpu.memref_slice %arg11[%add3A_19, %dma_wait3A_49] : memref<10112x128xf32, #tpu.memory_space<vmem_shared>> -> memref<128x128xf32, #tpu.memory_space<vmem_shared>>
      %dma_wait3A_51 = arith.constant 0 : i32
      %dma_wait3A_52 = arith.constant 0 : i32
      %dma_wait3A_53 = tpu.memref_slice %arg9[%dma_wait3A_51, %dma_wait3A_52] : memref<128x128xf32, #tpu.memory_space<vmem>> -> memref<128x128xf32, #tpu.memory_space<vmem>>
      %dma_wait3A_54 = arith.constant 0 : i32
      %dma_wait3A_55 = tpu.memref_slice %arg11[%add3A_19, %dma_wait3A_54] : memref<10112x128xf32, #tpu.memory_space<vmem_shared>> -> memref<128x128xf32, #tpu.memory_space<vmem_shared>>
      tpu.wait_dma2 semaphore(%run_scoped3A : memref<!tpu.dma_semaphore, #tpu.memory_space<semaphore_mem>>) src(%dma_wait3A_55 : memref<128x128xf32, #tpu.memory_space<vmem_shared>>) dst(%dma_wait3A_53 : memref<128x128xf32, #tpu.memory_space<vmem>>)
      tpu.yield
    }) : () -> ()
    %add3A_20 = arith.constant 0 : i32
    %add3A_21 = arith.addi %mul3A_0, %add3A_20 : i32
    "tpu.region"() ({
      %run_scoped3A = tpu.sem_alloc : memref<!tpu.dma_semaphore, #tpu.memory_space<semaphore_mem>>
      %dma_start3A = arith.constant 0 : i32
      %dma_start3A_38 = arith.constant 0 : i32
      %dma_start3A_39 = tpu.memref_slice %arg9[%dma_start3A, %dma_start3A_38] : memref<128x128xf32, #tpu.memory_space<vmem>> -> memref<128x128xf32, #tpu.memory_space<vmem>>
      %dma_start3A_40 = arith.constant 0 : i32
      %dma_start3A_41 = tpu.memref_slice %arg6[%arg0, %add3A_21, %dma_start3A_40] : memref<2x10112x128xf32, #tpu.memory_space<hbm>> -> memref<1x128x128xf32, #tpu.memory_space<hbm>>
      %dma_start3A_42 = tpu.memref_squeeze %dma_start3A_41 : memref<1x128x128xf32, #tpu.memory_space<hbm>> -> memref<128x128xf32, #tpu.memory_space<hbm>>
      %dma_start3A_43 = arith.constant 0 : i32
      %dma_start3A_44 = tpu.memref_slice %arg6[%arg0, %add3A_21, %dma_start3A_43] : memref<2x10112x128xf32, #tpu.memory_space<hbm>> -> memref<1x128x128xf32, #tpu.memory_space<hbm>>
      %dma_start3A_45 = tpu.memref_squeeze %dma_start3A_44 : memref<1x128x128xf32, #tpu.memory_space<hbm>> -> memref<128x128xf32, #tpu.memory_space<hbm>>
      %dma_start3A_46 = arith.constant 0 : i32
      %dma_start3A_47 = arith.constant 0 : i32
      %dma_start3A_48 = tpu.memref_slice %arg9[%dma_start3A_46, %dma_start3A_47] : memref<128x128xf32, #tpu.memory_space<vmem>> -> memref<128x128xf32, #tpu.memory_space<vmem>>
      tpu.enqueue_dma source(%dma_start3A_48 : memref<128x128xf32, #tpu.memory_space<vmem>>) target(%dma_start3A_45 : memref<128x128xf32, #tpu.memory_space<hbm>>) target_semaphore(%run_scoped3A : memref<!tpu.dma_semaphore, #tpu.memory_space<semaphore_mem>>)
      %dma_wait3A = arith.constant 0 : i32
      %dma_wait3A_49 = arith.constant 0 : i32
      %dma_wait3A_50 = tpu.memref_slice %arg9[%dma_wait3A, %dma_wait3A_49] : memref<128x128xf32, #tpu.memory_space<vmem>> -> memref<128x128xf32, #tpu.memory_space<vmem>>
      %dma_wait3A_51 = arith.constant 0 : i32
      %dma_wait3A_52 = tpu.memref_slice %arg6[%arg0, %add3A_21, %dma_wait3A_51] : memref<2x10112x128xf32, #tpu.memory_space<hbm>> -> memref<1x128x128xf32, #tpu.memory_space<hbm>>
      %dma_wait3A_53 = tpu.memref_squeeze %dma_wait3A_52 : memref<1x128x128xf32, #tpu.memory_space<hbm>> -> memref<128x128xf32, #tpu.memory_space<hbm>>
      %dma_wait3A_54 = arith.constant 0 : i32
      %dma_wait3A_55 = tpu.memref_slice %arg6[%arg0, %add3A_21, %dma_wait3A_54] : memref<2x10112x128xf32, #tpu.memory_space<hbm>> -> memref<1x128x128xf32, #tpu.memory_space<hbm>>
      %dma_wait3A_56 = tpu.memref_squeeze %dma_wait3A_55 : memref<1x128x128xf32, #tpu.memory_space<hbm>> -> memref<128x128xf32, #tpu.memory_space<hbm>>
      %dma_wait3A_57 = arith.constant 0 : i32
      %dma_wait3A_58 = arith.constant 0 : i32
      %dma_wait3A_59 = tpu.memref_slice %arg9[%dma_wait3A_57, %dma_wait3A_58] : memref<128x128xf32, #tpu.memory_space<vmem>> -> memref<128x128xf32, #tpu.memory_space<vmem>>
      tpu.wait_dma2 semaphore(%run_scoped3A : memref<!tpu.dma_semaphore, #tpu.memory_space<semaphore_mem>>) src(%dma_wait3A_59 : memref<128x128xf32, #tpu.memory_space<vmem>>) dst(%dma_wait3A_56 : memref<128x128xf32, #tpu.memory_space<hbm>>)
      tpu.yield
    }) : () -> ()
    %add3A_22 = arith.constant 128 : i32
    %add3A_23 = arith.addi %mul3A_0, %add3A_22 : i32
    "tpu.region"() ({
      %run_scoped3A = tpu.sem_alloc : memref<!tpu.dma_semaphore, #tpu.memory_space<semaphore_mem>>
      %dma_start3A = arith.constant 0 : i32
      %dma_start3A_38 = arith.constant 0 : i32
      %dma_start3A_39 = tpu.memref_slice %arg9[%dma_start3A, %dma_start3A_38] : memref<128x128xf32, #tpu.memory_space<vmem>> -> memref<128x128xf32, #tpu.memory_space<vmem>>
      %dma_start3A_40 = arith.constant 0 : i32
      %dma_start3A_41 = tpu.memref_slice %arg11[%add3A_23, %dma_start3A_40] : memref<10112x128xf32, #tpu.memory_space<vmem_shared>> -> memref<128x128xf32, #tpu.memory_space<vmem_shared>>
      %dma_start3A_42 = arith.constant 0 : i32
      %dma_start3A_43 = arith.constant 0 : i32
      %dma_start3A_44 = tpu.memref_slice %arg9[%dma_start3A_42, %dma_start3A_43] : memref<128x128xf32, #tpu.memory_space<vmem>> -> memref<128x128xf32, #tpu.memory_space<vmem>>
      %dma_start3A_45 = arith.constant 0 : i32
      %dma_start3A_46 = tpu.memref_slice %arg11[%add3A_23, %dma_start3A_45] : memref<10112x128xf32, #tpu.memory_space<vmem_shared>> -> memref<128x128xf32, #tpu.memory_space<vmem_shared>>
      tpu.enqueue_dma source(%dma_start3A_46 : memref<128x128xf32, #tpu.memory_space<vmem_shared>>) target(%dma_start3A_44 : memref<128x128xf32, #tpu.memory_space<vmem>>) target_semaphore(%run_scoped3A : memref<!tpu.dma_semaphore, #tpu.memory_space<semaphore_mem>>)
      %dma_wait3A = arith.constant 0 : i32
      %dma_wait3A_47 = arith.constant 0 : i32
      %dma_wait3A_48 = tpu.memref_slice %arg9[%dma_wait3A, %dma_wait3A_47] : memref<128x128xf32, #tpu.memory_space<vmem>> -> memref<128x128xf32, #tpu.memory_space<vmem>>
      %dma_wait3A_49 = arith.constant 0 : i32
      %dma_wait3A_50 = tpu.memref_slice %arg11[%add3A_23, %dma_wait3A_49] : memref<10112x128xf32, #tpu.memory_space<vmem_shared>> -> memref<128x128xf32, #tpu.memory_space<vmem_shared>>
      %dma_wait3A_51 = arith.constant 0 : i32
      %dma_wait3A_52 = arith.constant 0 : i32
      %dma_wait3A_53 = tpu.memref_slice %arg9[%dma_wait3A_51, %dma_wait3A_52] : memref<128x128xf32, #tpu.memory_space<vmem>> -> memref<128x128xf32, #tpu.memory_space<vmem>>
      %dma_wait3A_54 = arith.constant 0 : i32
      %dma_wait3A_55 = tpu.memref_slice %arg11[%add3A_23, %dma_wait3A_54] : memref<10112x128xf32, #tpu.memory_space<vmem_shared>> -> memref<128x128xf32, #tpu.memory_space<vmem_shared>>
      tpu.wait_dma2 semaphore(%run_scoped3A : memref<!tpu.dma_semaphore, #tpu.memory_space<semaphore_mem>>) src(%dma_wait3A_55 : memref<128x128xf32, #tpu.memory_space<vmem_shared>>) dst(%dma_wait3A_53 : memref<128x128xf32, #tpu.memory_space<vmem>>)
      tpu.yield
    }) : () -> ()
    %add3A_24 = arith.constant 128 : i32
    %add3A_25 = arith.addi %mul3A_0, %add3A_24 : i32
    "tpu.region"() ({
      %run_scoped3A = tpu.sem_alloc : memref<!tpu.dma_semaphore, #tpu.memory_space<semaphore_mem>>
      %dma_start3A = arith.constant 0 : i32
      %dma_start3A_38 = arith.constant 0 : i32
      %dma_start3A_39 = tpu.memref_slice %arg9[%dma_start3A, %dma_start3A_38] : memref<128x128xf32, #tpu.memory_space<vmem>> -> memref<128x128xf32, #tpu.memory_space<vmem>>
      %dma_start3A_40 = arith.constant 0 : i32
      %dma_start3A_41 = tpu.memref_slice %arg6[%arg0, %add3A_25, %dma_start3A_40] : memref<2x10112x128xf32, #tpu.memory_space<hbm>> -> memref<1x128x128xf32, #tpu.memory_space<hbm>>
      %dma_start3A_42 = tpu.memref_squeeze %dma_start3A_41 : memref<1x128x128xf32, #tpu.memory_space<hbm>> -> memref<128x128xf32, #tpu.memory_space<hbm>>
      %dma_start3A_43 = arith.constant 0 : i32
      %dma_start3A_44 = tpu.memref_slice %arg6[%arg0, %add3A_25, %dma_start3A_43] : memref<2x10112x128xf32, #tpu.memory_space<hbm>> -> memref<1x128x128xf32, #tpu.memory_space<hbm>>
      %dma_start3A_45 = tpu.memref_squeeze %dma_start3A_44 : memref<1x128x128xf32, #tpu.memory_space<hbm>> -> memref<128x128xf32, #tpu.memory_space<hbm>>
      %dma_start3A_46 = arith.constant 0 : i32
      %dma_start3A_47 = arith.constant 0 : i32
      %dma_start3A_48 = tpu.memref_slice %arg9[%dma_start3A_46, %dma_start3A_47] : memref<128x128xf32, #tpu.memory_space<vmem>> -> memref<128x128xf32, #tpu.memory_space<vmem>>
      tpu.enqueue_dma source(%dma_start3A_48 : memref<128x128xf32, #tpu.memory_space<vmem>>) target(%dma_start3A_45 : memref<128x128xf32, #tpu.memory_space<hbm>>) target_semaphore(%run_scoped3A : memref<!tpu.dma_semaphore, #tpu.memory_space<semaphore_mem>>)
      %dma_wait3A = arith.constant 0 : i32
      %dma_wait3A_49 = arith.constant 0 : i32
      %dma_wait3A_50 = tpu.memref_slice %arg9[%dma_wait3A, %dma_wait3A_49] : memref<128x128xf32, #tpu.memory_space<vmem>> -> memref<128x128xf32, #tpu.memory_space<vmem>>
      %dma_wait3A_51 = arith.constant 0 : i32
      %dma_wait3A_52 = tpu.memref_slice %arg6[%arg0, %add3A_25, %dma_wait3A_51] : memref<2x10112x128xf32, #tpu.memory_space<hbm>> -> memref<1x128x128xf32, #tpu.memory_space<hbm>>
      %dma_wait3A_53 = tpu.memref_squeeze %dma_wait3A_52 : memref<1x128x128xf32, #tpu.memory_space<hbm>> -> memref<128x128xf32, #tpu.memory_space<hbm>>
      %dma_wait3A_54 = arith.constant 0 : i32
      %dma_wait3A_55 = tpu.memref_slice %arg6[%arg0, %add3A_25, %dma_wait3A_54] : memref<2x10112x128xf32, #tpu.memory_space<hbm>> -> memref<1x128x128xf32, #tpu.memory_space<hbm>>
      %dma_wait3A_56 = tpu.memref_squeeze %dma_wait3A_55 : memref<1x128x128xf32, #tpu.memory_space<hbm>> -> memref<128x128xf32, #tpu.memory_space<hbm>>
      %dma_wait3A_57 = arith.constant 0 : i32
      %dma_wait3A_58 = arith.constant 0 : i32
      %dma_wait3A_59 = tpu.memref_slice %arg9[%dma_wait3A_57, %dma_wait3A_58] : memref<128x128xf32, #tpu.memory_space<vmem>> -> memref<128x128xf32, #tpu.memory_space<vmem>>
      tpu.wait_dma2 semaphore(%run_scoped3A : memref<!tpu.dma_semaphore, #tpu.memory_space<semaphore_mem>>) src(%dma_wait3A_59 : memref<128x128xf32, #tpu.memory_space<vmem>>) dst(%dma_wait3A_56 : memref<128x128xf32, #tpu.memory_space<hbm>>)
      tpu.yield
    }) : () -> ()
    %add3A_26 = arith.constant 256 : i32
    %add3A_27 = arith.addi %mul3A_0, %add3A_26 : i32
    "tpu.region"() ({
      %run_scoped3A = tpu.sem_alloc : memref<!tpu.dma_semaphore, #tpu.memory_space<semaphore_mem>>
      %dma_start3A = arith.constant 0 : i32
      %dma_start3A_38 = arith.constant 0 : i32
      %dma_start3A_39 = tpu.memref_slice %arg9[%dma_start3A, %dma_start3A_38] : memref<128x128xf32, #tpu.memory_space<vmem>> -> memref<128x128xf32, #tpu.memory_space<vmem>>
      %dma_start3A_40 = arith.constant 0 : i32
      %dma_start3A_41 = tpu.memref_slice %arg11[%add3A_27, %dma_start3A_40] : memref<10112x128xf32, #tpu.memory_space<vmem_shared>> -> memref<128x128xf32, #tpu.memory_space<vmem_shared>>
      %dma_start3A_42 = arith.constant 0 : i32
      %dma_start3A_43 = arith.constant 0 : i32
      %dma_start3A_44 = tpu.memref_slice %arg9[%dma_start3A_42, %dma_start3A_43] : memref<128x128xf32, #tpu.memory_space<vmem>> -> memref<128x128xf32, #tpu.memory_space<vmem>>
      %dma_start3A_45 = arith.constant 0 : i32
      %dma_start3A_46 = tpu.memref_slice %arg11[%add3A_27, %dma_start3A_45] : memref<10112x128xf32, #tpu.memory_space<vmem_shared>> -> memref<128x128xf32, #tpu.memory_space<vmem_shared>>
      tpu.enqueue_dma source(%dma_start3A_46 : memref<128x128xf32, #tpu.memory_space<vmem_shared>>) target(%dma_start3A_44 : memref<128x128xf32, #tpu.memory_space<vmem>>) target_semaphore(%run_scoped3A : memref<!tpu.dma_semaphore, #tpu.memory_space<semaphore_mem>>)
      %dma_wait3A = arith.constant 0 : i32
      %dma_wait3A_47 = arith.constant 0 : i32
      %dma_wait3A_48 = tpu.memref_slice %arg9[%dma_wait3A, %dma_wait3A_47] : memref<128x128xf32, #tpu.memory_space<vmem>> -> memref<128x128xf32, #tpu.memory_space<vmem>>
      %dma_wait3A_49 = arith.constant 0 : i32
      %dma_wait3A_50 = tpu.memref_slice %arg11[%add3A_27, %dma_wait3A_49] : memref<10112x128xf32, #tpu.memory_space<vmem_shared>> -> memref<128x128xf32, #tpu.memory_space<vmem_shared>>
      %dma_wait3A_51 = arith.constant 0 : i32
      %dma_wait3A_52 = arith.constant 0 : i32
      %dma_wait3A_53 = tpu.memref_slice %arg9[%dma_wait3A_51, %dma_wait3A_52] : memref<128x128xf32, #tpu.memory_space<vmem>> -> memref<128x128xf32, #tpu.memory_space<vmem>>
      %dma_wait3A_54 = arith.constant 0 : i32
      %dma_wait3A_55 = tpu.memref_slice %arg11[%add3A_27, %dma_wait3A_54] : memref<10112x128xf32, #tpu.memory_space<vmem_shared>> -> memref<128x128xf32, #tpu.memory_space<vmem_shared>>
      tpu.wait_dma2 semaphore(%run_scoped3A : memref<!tpu.dma_semaphore, #tpu.memory_space<semaphore_mem>>) src(%dma_wait3A_55 : memref<128x128xf32, #tpu.memory_space<vmem_shared>>) dst(%dma_wait3A_53 : memref<128x128xf32, #tpu.memory_space<vmem>>)
      tpu.yield
    }) : () -> ()
    %add3A_28 = arith.constant 256 : i32
    %add3A_29 = arith.addi %mul3A_0, %add3A_28 : i32
    "tpu.region"() ({
      %run_scoped3A = tpu.sem_alloc : memref<!tpu.dma_semaphore, #tpu.memory_space<semaphore_mem>>
      %dma_start3A = arith.constant 0 : i32
      %dma_start3A_38 = arith.constant 0 : i32
      %dma_start3A_39 = tpu.memref_slice %arg9[%dma_start3A, %dma_start3A_38] : memref<128x128xf32, #tpu.memory_space<vmem>> -> memref<128x128xf32, #tpu.memory_space<vmem>>
      %dma_start3A_40 = arith.constant 0 : i32
      %dma_start3A_41 = tpu.memref_slice %arg6[%arg0, %add3A_29, %dma_start3A_40] : memref<2x10112x128xf32, #tpu.memory_space<hbm>> -> memref<1x128x128xf32, #tpu.memory_space<hbm>>
      %dma_start3A_42 = tpu.memref_squeeze %dma_start3A_41 : memref<1x128x128xf32, #tpu.memory_space<hbm>> -> memref<128x128xf32, #tpu.memory_space<hbm>>
      %dma_start3A_43 = arith.constant 0 : i32
      %dma_start3A_44 = tpu.memref_slice %arg6[%arg0, %add3A_29, %dma_start3A_43] : memref<2x10112x128xf32, #tpu.memory_space<hbm>> -> memref<1x128x128xf32, #tpu.memory_space<hbm>>
      %dma_start3A_45 = tpu.memref_squeeze %dma_start3A_44 : memref<1x128x128xf32, #tpu.memory_space<hbm>> -> memref<128x128xf32, #tpu.memory_space<hbm>>
      %dma_start3A_46 = arith.constant 0 : i32
      %dma_start3A_47 = arith.constant 0 : i32
      %dma_start3A_48 = tpu.memref_slice %arg9[%dma_start3A_46, %dma_start3A_47] : memref<128x128xf32, #tpu.memory_space<vmem>> -> memref<128x128xf32, #tpu.memory_space<vmem>>
      tpu.enqueue_dma source(%dma_start3A_48 : memref<128x128xf32, #tpu.memory_space<vmem>>) target(%dma_start3A_45 : memref<128x128xf32, #tpu.memory_space<hbm>>) target_semaphore(%run_scoped3A : memref<!tpu.dma_semaphore, #tpu.memory_space<semaphore_mem>>)
      %dma_wait3A = arith.constant 0 : i32
      %dma_wait3A_49 = arith.constant 0 : i32
      %dma_wait3A_50 = tpu.memref_slice %arg9[%dma_wait3A, %dma_wait3A_49] : memref<128x128xf32, #tpu.memory_space<vmem>> -> memref<128x128xf32, #tpu.memory_space<vmem>>
      %dma_wait3A_51 = arith.constant 0 : i32
      %dma_wait3A_52 = tpu.memref_slice %arg6[%arg0, %add3A_29, %dma_wait3A_51] : memref<2x10112x128xf32, #tpu.memory_space<hbm>> -> memref<1x128x128xf32, #tpu.memory_space<hbm>>
      %dma_wait3A_53 = tpu.memref_squeeze %dma_wait3A_52 : memref<1x128x128xf32, #tpu.memory_space<hbm>> -> memref<128x128xf32, #tpu.memory_space<hbm>>
      %dma_wait3A_54 = arith.constant 0 : i32
      %dma_wait3A_55 = tpu.memref_slice %arg6[%arg0, %add3A_29, %dma_wait3A_54] : memref<2x10112x128xf32, #tpu.memory_space<hbm>> -> memref<1x128x128xf32, #tpu.memory_space<hbm>>
      %dma_wait3A_56 = tpu.memref_squeeze %dma_wait3A_55 : memref<1x128x128xf32, #tpu.memory_space<hbm>> -> memref<128x128xf32, #tpu.memory_space<hbm>>
      %dma_wait3A_57 = arith.constant 0 : i32
      %dma_wait3A_58 = arith.constant 0 : i32
      %dma_wait3A_59 = tpu.memref_slice %arg9[%dma_wait3A_57, %dma_wait3A_58] : memref<128x128xf32, #tpu.memory_space<vmem>> -> memref<128x128xf32, #tpu.memory_space<vmem>>
      tpu.wait_dma2 semaphore(%run_scoped3A : memref<!tpu.dma_semaphore, #tpu.memory_space<semaphore_mem>>) src(%dma_wait3A_59 : memref<128x128xf32, #tpu.memory_space<vmem>>) dst(%dma_wait3A_56 : memref<128x128xf32, #tpu.memory_space<hbm>>)
      tpu.yield
    }) : () -> ()
    %add3A_30 = arith.constant 384 : i32
    %add3A_31 = arith.addi %mul3A_0, %add3A_30 : i32
    "tpu.region"() ({
      %run_scoped3A = tpu.sem_alloc : memref<!tpu.dma_semaphore, #tpu.memory_space<semaphore_mem>>
      %dma_start3A = arith.constant 0 : i32
      %dma_start3A_38 = arith.constant 0 : i32
      %dma_start3A_39 = tpu.memref_slice %arg9[%dma_start3A, %dma_start3A_38] : memref<128x128xf32, #tpu.memory_space<vmem>> -> memref<128x128xf32, #tpu.memory_space<vmem>>
      %dma_start3A_40 = arith.constant 0 : i32
      %dma_start3A_41 = tpu.memref_slice %arg11[%add3A_31, %dma_start3A_40] : memref<10112x128xf32, #tpu.memory_space<vmem_shared>> -> memref<128x128xf32, #tpu.memory_space<vmem_shared>>
      %dma_start3A_42 = arith.constant 0 : i32
      %dma_start3A_43 = arith.constant 0 : i32
      %dma_start3A_44 = tpu.memref_slice %arg9[%dma_start3A_42, %dma_start3A_43] : memref<128x128xf32, #tpu.memory_space<vmem>> -> memref<128x128xf32, #tpu.memory_space<vmem>>
      %dma_start3A_45 = arith.constant 0 : i32
      %dma_start3A_46 = tpu.memref_slice %arg11[%add3A_31, %dma_start3A_45] : memref<10112x128xf32, #tpu.memory_space<vmem_shared>> -> memref<128x128xf32, #tpu.memory_space<vmem_shared>>
      tpu.enqueue_dma source(%dma_start3A_46 : memref<128x128xf32, #tpu.memory_space<vmem_shared>>) target(%dma_start3A_44 : memref<128x128xf32, #tpu.memory_space<vmem>>) target_semaphore(%run_scoped3A : memref<!tpu.dma_semaphore, #tpu.memory_space<semaphore_mem>>)
      %dma_wait3A = arith.constant 0 : i32
      %dma_wait3A_47 = arith.constant 0 : i32
      %dma_wait3A_48 = tpu.memref_slice %arg9[%dma_wait3A, %dma_wait3A_47] : memref<128x128xf32, #tpu.memory_space<vmem>> -> memref<128x128xf32, #tpu.memory_space<vmem>>
      %dma_wait3A_49 = arith.constant 0 : i32
      %dma_wait3A_50 = tpu.memref_slice %arg11[%add3A_31, %dma_wait3A_49] : memref<10112x128xf32, #tpu.memory_space<vmem_shared>> -> memref<128x128xf32, #tpu.memory_space<vmem_shared>>
      %dma_wait3A_51 = arith.constant 0 : i32
      %dma_wait3A_52 = arith.constant 0 : i32
      %dma_wait3A_53 = tpu.memref_slice %arg9[%dma_wait3A_51, %dma_wait3A_52] : memref<128x128xf32, #tpu.memory_space<vmem>> -> memref<128x128xf32, #tpu.memory_space<vmem>>
      %dma_wait3A_54 = arith.constant 0 : i32
      %dma_wait3A_55 = tpu.memref_slice %arg11[%add3A_31, %dma_wait3A_54] : memref<10112x128xf32, #tpu.memory_space<vmem_shared>> -> memref<128x128xf32, #tpu.memory_space<vmem_shared>>
      tpu.wait_dma2 semaphore(%run_scoped3A : memref<!tpu.dma_semaphore, #tpu.memory_space<semaphore_mem>>) src(%dma_wait3A_55 : memref<128x128xf32, #tpu.memory_space<vmem_shared>>) dst(%dma_wait3A_53 : memref<128x128xf32, #tpu.memory_space<vmem>>)
      tpu.yield
    }) : () -> ()
    %add3A_32 = arith.constant 384 : i32
    %add3A_33 = arith.addi %mul3A_0, %add3A_32 : i32
    "tpu.region"() ({
      %run_scoped3A = tpu.sem_alloc : memref<!tpu.dma_semaphore, #tpu.memory_space<semaphore_mem>>
      %dma_start3A = arith.constant 0 : i32
      %dma_start3A_38 = arith.constant 0 : i32
      %dma_start3A_39 = tpu.memref_slice %arg9[%dma_start3A, %dma_start3A_38] : memref<128x128xf32, #tpu.memory_space<vmem>> -> memref<128x128xf32, #tpu.memory_space<vmem>>
      %dma_start3A_40 = arith.constant 0 : i32
      %dma_start3A_41 = tpu.memref_slice %arg6[%arg0, %add3A_33, %dma_start3A_40] : memref<2x10112x128xf32, #tpu.memory_space<hbm>> -> memref<1x128x128xf32, #tpu.memory_space<hbm>>
      %dma_start3A_42 = tpu.memref_squeeze %dma_start3A_41 : memref<1x128x128xf32, #tpu.memory_space<hbm>> -> memref<128x128xf32, #tpu.memory_space<hbm>>
      %dma_start3A_43 = arith.constant 0 : i32
      %dma_start3A_44 = tpu.memref_slice %arg6[%arg0, %add3A_33, %dma_start3A_43] : memref<2x10112x128xf32, #tpu.memory_space<hbm>> -> memref<1x128x128xf32, #tpu.memory_space<hbm>>
      %dma_start3A_45 = tpu.memref_squeeze %dma_start3A_44 : memref<1x128x128xf32, #tpu.memory_space<hbm>> -> memref<128x128xf32, #tpu.memory_space<hbm>>
      %dma_start3A_46 = arith.constant 0 : i32
      %dma_start3A_47 = arith.constant 0 : i32
      %dma_start3A_48 = tpu.memref_slice %arg9[%dma_start3A_46, %dma_start3A_47] : memref<128x128xf32, #tpu.memory_space<vmem>> -> memref<128x128xf32, #tpu.memory_space<vmem>>
      tpu.enqueue_dma source(%dma_start3A_48 : memref<128x128xf32, #tpu.memory_space<vmem>>) target(%dma_start3A_45 : memref<128x128xf32, #tpu.memory_space<hbm>>) target_semaphore(%run_scoped3A : memref<!tpu.dma_semaphore, #tpu.memory_space<semaphore_mem>>)
      %dma_wait3A = arith.constant 0 : i32
      %dma_wait3A_49 = arith.constant 0 : i32
      %dma_wait3A_50 = tpu.memref_slice %arg9[%dma_wait3A, %dma_wait3A_49] : memref<128x128xf32, #tpu.memory_space<vmem>> -> memref<128x128xf32, #tpu.memory_space<vmem>>
      %dma_wait3A_51 = arith.constant 0 : i32
      %dma_wait3A_52 = tpu.memref_slice %arg6[%arg0, %add3A_33, %dma_wait3A_51] : memref<2x10112x128xf32, #tpu.memory_space<hbm>> -> memref<1x128x128xf32, #tpu.memory_space<hbm>>
      %dma_wait3A_53 = tpu.memref_squeeze %dma_wait3A_52 : memref<1x128x128xf32, #tpu.memory_space<hbm>> -> memref<128x128xf32, #tpu.memory_space<hbm>>
      %dma_wait3A_54 = arith.constant 0 : i32
      %dma_wait3A_55 = tpu.memref_slice %arg6[%arg0, %add3A_33, %dma_wait3A_54] : memref<2x10112x128xf32, #tpu.memory_space<hbm>> -> memref<1x128x128xf32, #tpu.memory_space<hbm>>
      %dma_wait3A_56 = tpu.memref_squeeze %dma_wait3A_55 : memref<1x128x128xf32, #tpu.memory_space<hbm>> -> memref<128x128xf32, #tpu.memory_space<hbm>>
      %dma_wait3A_57 = arith.constant 0 : i32
      %dma_wait3A_58 = arith.constant 0 : i32
      %dma_wait3A_59 = tpu.memref_slice %arg9[%dma_wait3A_57, %dma_wait3A_58] : memref<128x128xf32, #tpu.memory_space<vmem>> -> memref<128x128xf32, #tpu.memory_space<vmem>>
      tpu.wait_dma2 semaphore(%run_scoped3A : memref<!tpu.dma_semaphore, #tpu.memory_space<semaphore_mem>>) src(%dma_wait3A_59 : memref<128x128xf32, #tpu.memory_space<vmem>>) dst(%dma_wait3A_56 : memref<128x128xf32, #tpu.memory_space<hbm>>)
      tpu.yield
    }) : () -> ()
    %add3A_34 = arith.constant 512 : i32
    %add3A_35 = arith.addi %mul3A_0, %add3A_34 : i32
    "tpu.region"() ({
      %run_scoped3A = tpu.sem_alloc : memref<!tpu.dma_semaphore, #tpu.memory_space<semaphore_mem>>
      %dma_start3A = arith.constant 0 : i32
      %dma_start3A_38 = arith.constant 0 : i32
      %dma_start3A_39 = tpu.memref_slice %arg9[%dma_start3A, %dma_start3A_38] : memref<128x128xf32, #tpu.memory_space<vmem>> -> memref<120x128xf32, #tpu.memory_space<vmem>>
      %dma_start3A_40 = arith.constant 0 : i32
      %dma_start3A_41 = tpu.memref_slice %arg11[%add3A_35, %dma_start3A_40] : memref<10112x128xf32, #tpu.memory_space<vmem_shared>> -> memref<120x128xf32, #tpu.memory_space<vmem_shared>>
      %dma_start3A_42 = arith.constant 0 : i32
      %dma_start3A_43 = arith.constant 0 : i32
      %dma_start3A_44 = tpu.memref_slice %arg9[%dma_start3A_42, %dma_start3A_43] : memref<128x128xf32, #tpu.memory_space<vmem>> -> memref<120x128xf32, #tpu.memory_space<vmem>>
      %dma_start3A_45 = arith.constant 0 : i32
      %dma_start3A_46 = tpu.memref_slice %arg11[%add3A_35, %dma_start3A_45] : memref<10112x128xf32, #tpu.memory_space<vmem_shared>> -> memref<120x128xf32, #tpu.memory_space<vmem_shared>>
      tpu.enqueue_dma source(%dma_start3A_46 : memref<120x128xf32, #tpu.memory_space<vmem_shared>>) target(%dma_start3A_44 : memref<120x128xf32, #tpu.memory_space<vmem>>) target_semaphore(%run_scoped3A : memref<!tpu.dma_semaphore, #tpu.memory_space<semaphore_mem>>)
      %dma_wait3A = arith.constant 0 : i32
      %dma_wait3A_47 = arith.constant 0 : i32
      %dma_wait3A_48 = tpu.memref_slice %arg9[%dma_wait3A, %dma_wait3A_47] : memref<128x128xf32, #tpu.memory_space<vmem>> -> memref<120x128xf32, #tpu.memory_space<vmem>>
      %dma_wait3A_49 = arith.constant 0 : i32
      %dma_wait3A_50 = tpu.memref_slice %arg11[%add3A_35, %dma_wait3A_49] : memref<10112x128xf32, #tpu.memory_space<vmem_shared>> -> memref<120x128xf32, #tpu.memory_space<vmem_shared>>
      %dma_wait3A_51 = arith.constant 0 : i32
      %dma_wait3A_52 = arith.constant 0 : i32
      %dma_wait3A_53 = tpu.memref_slice %arg9[%dma_wait3A_51, %dma_wait3A_52] : memref<128x128xf32, #tpu.memory_space<vmem>> -> memref<120x128xf32, #tpu.memory_space<vmem>>
      %dma_wait3A_54 = arith.constant 0 : i32
      %dma_wait3A_55 = tpu.memref_slice %arg11[%add3A_35, %dma_wait3A_54] : memref<10112x128xf32, #tpu.memory_space<vmem_shared>> -> memref<120x128xf32, #tpu.memory_space<vmem_shared>>
      tpu.wait_dma2 semaphore(%run_scoped3A : memref<!tpu.dma_semaphore, #tpu.memory_space<semaphore_mem>>) src(%dma_wait3A_55 : memref<120x128xf32, #tpu.memory_space<vmem_shared>>) dst(%dma_wait3A_53 : memref<120x128xf32, #tpu.memory_space<vmem>>)
      tpu.yield
    }) : () -> ()
    %add3A_36 = arith.constant 512 : i32
    %add3A_37 = arith.addi %mul3A_0, %add3A_36 : i32
    "tpu.region"() ({
      %run_scoped3A = tpu.sem_alloc : memref<!tpu.dma_semaphore, #tpu.memory_space<semaphore_mem>>
      %dma_start3A = arith.constant 0 : i32
      %dma_start3A_38 = arith.constant 0 : i32
      %dma_start3A_39 = tpu.memref_slice %arg9[%dma_start3A, %dma_start3A_38] : memref<128x128xf32, #tpu.memory_space<vmem>> -> memref<120x128xf32, #tpu.memory_space<vmem>>
      %dma_start3A_40 = arith.constant 0 : i32
      %dma_start3A_41 = tpu.memref_slice %arg6[%arg0, %add3A_37, %dma_start3A_40] : memref<2x10112x128xf32, #tpu.memory_space<hbm>> -> memref<1x120x128xf32, #tpu.memory_space<hbm>>
      %dma_start3A_42 = tpu.memref_squeeze %dma_start3A_41 : memref<1x120x128xf32, #tpu.memory_space<hbm>> -> memref<120x128xf32, #tpu.memory_space<hbm>>
      %dma_start3A_43 = arith.constant 0 : i32
      %dma_start3A_44 = tpu.memref_slice %arg6[%arg0, %add3A_37, %dma_start3A_43] : memref<2x10112x128xf32, #tpu.memory_space<hbm>> -> memref<1x120x128xf32, #tpu.memory_space<hbm>>
      %dma_start3A_45 = tpu.memref_squeeze %dma_start3A_44 : memref<1x120x128xf32, #tpu.memory_space<hbm>> -> memref<120x128xf32, #tpu.memory_space<hbm>>
      %dma_start3A_46 = arith.constant 0 : i32
      %dma_start3A_47 = arith.constant 0 : i32
      %dma_start3A_48 = tpu.memref_slice %arg9[%dma_start3A_46, %dma_start3A_47] : memref<128x128xf32, #tpu.memory_space<vmem>> -> memref<120x128xf32, #tpu.memory_space<vmem>>
      tpu.enqueue_dma source(%dma_start3A_48 : memref<120x128xf32, #tpu.memory_space<vmem>>) target(%dma_start3A_45 : memref<120x128xf32, #tpu.memory_space<hbm>>) target_semaphore(%run_scoped3A : memref<!tpu.dma_semaphore, #tpu.memory_space<semaphore_mem>>)
      %dma_wait3A = arith.constant 0 : i32
      %dma_wait3A_49 = arith.constant 0 : i32
      %dma_wait3A_50 = tpu.memref_slice %arg9[%dma_wait3A, %dma_wait3A_49] : memref<128x128xf32, #tpu.memory_space<vmem>> -> memref<120x128xf32, #tpu.memory_space<vmem>>
      %dma_wait3A_51 = arith.constant 0 : i32
      %dma_wait3A_52 = tpu.memref_slice %arg6[%arg0, %add3A_37, %dma_wait3A_51] : memref<2x10112x128xf32, #tpu.memory_space<hbm>> -> memref<1x120x128xf32, #tpu.memory_space<hbm>>
      %dma_wait3A_53 = tpu.memref_squeeze %dma_wait3A_52 : memref<1x120x128xf32, #tpu.memory_space<hbm>> -> memref<120x128xf32, #tpu.memory_space<hbm>>
      %dma_wait3A_54 = arith.constant 0 : i32
      %dma_wait3A_55 = tpu.memref_slice %arg6[%arg0, %add3A_37, %dma_wait3A_54] : memref<2x10112x128xf32, #tpu.memory_space<hbm>> -> memref<1x120x128xf32, #tpu.memory_space<hbm>>
      %dma_wait3A_56 = tpu.memref_squeeze %dma_wait3A_55 : memref<1x120x128xf32, #tpu.memory_space<hbm>> -> memref<120x128xf32, #tpu.memory_space<hbm>>
      %dma_wait3A_57 = arith.constant 0 : i32
      %dma_wait3A_58 = arith.constant 0 : i32
      %dma_wait3A_59 = tpu.memref_slice %arg9[%dma_wait3A_57, %dma_wait3A_58] : memref<128x128xf32, #tpu.memory_space<vmem>> -> memref<120x128xf32, #tpu.memory_space<vmem>>
      tpu.wait_dma2 semaphore(%run_scoped3A : memref<!tpu.dma_semaphore, #tpu.memory_space<semaphore_mem>>) src(%dma_wait3A_59 : memref<120x128xf32, #tpu.memory_space<vmem>>) dst(%dma_wait3A_56 : memref<120x128xf32, #tpu.memory_space<hbm>>)
      tpu.yield
    }) : () -> ()
    return
  }
}

module attributes {stable_mosaic.version = 14 : i64} {
  func.func @_tc_body(%arg0: i32, %arg1: memref<1000x128xf32, #tpu.memory_space<vmem>>, %arg2: memref<1000x128xf32, #tpu.memory_space<vmem>>, %arg3: memref<1000x128xf32, #tpu.memory_space<vmem>>, %arg4: memref<1000x128xf32, #tpu.memory_space<vmem>>, %arg5: memref<1000x128xf32, #tpu.memory_space<vmem>>, %arg6: memref<128x128xf32, #tpu.memory_space<vmem>>, %arg7: memref<128x128xf32, #tpu.memory_space<vmem>>, %arg8: memref<1x128xf32, #tpu.memory_space<vmem>>, %arg9: memref<1000x128xf32, #tpu.memory_space<vmem>>) attributes {dimension_semantics = [#tpu.dimension_semantics<arbitrary>], iteration_bounds = array<i64: 10>, scalar_prefetch = 0 : i64, scratch_operands = 0 : i64, tpu.core_type = #tpu.core_type<tc>, window_params = [{transform_indices = @transform_0, window_bounds = array<i64: 1000, 128>}, {transform_indices = @transform_1, window_bounds = array<i64: 1000, 128>}, {transform_indices = @transform_2, window_bounds = array<i64: 1000, 128>}, {transform_indices = @transform_3, window_bounds = array<i64: 1000, 128>}, {transform_indices = @transform_4, window_bounds = array<i64: 1000, 128>}, {pipeline_mode = #tpu.pipeline_mode<synchronous>, transform_indices = @transform_5, window_bounds = array<i64: 128, 128>}, {pipeline_mode = #tpu.pipeline_mode<synchronous>, transform_indices = @transform_6, window_bounds = array<i64: 128, 128>}, {pipeline_mode = #tpu.pipeline_mode<synchronous>, transform_indices = @transform_7, window_bounds = array<i64: 1, 128>}, {transform_indices = @transform_8, window_bounds = array<i64: 1000, 128>}]} {
    %get3A = arith.constant 0 : index
    %get3A_0 = arith.constant 0 : index
    %get3A_1 = vector.load %arg4[%get3A, %get3A_0] : memref<1000x128xf32, #tpu.memory_space<vmem>>, vector<1000x128xf32>
    %get3A_2 = arith.constant 0 : index
    %get3A_3 = arith.constant 0 : index
    %get3A_4 = vector.load %arg5[%get3A_2, %get3A_3] : memref<1000x128xf32, #tpu.memory_space<vmem>>, vector<1000x128xf32>
    %add3A = arith.addf %get3A_1, %get3A_4 : vector<1000x128xf32>
    %max3A = arith.constant 1.000000e+00 : f32
    %max3A_5 = vector.broadcast %max3A : f32 to vector<1000x128xf32>
    %max3A_6 = arith.maximumf %add3A, %max3A_5 : vector<1000x128xf32>
    %get3A_7 = arith.constant 0 : index
    %get3A_8 = arith.constant 0 : index
    %get3A_9 = vector.load %arg2[%get3A_7, %get3A_8] : memref<1000x128xf32, #tpu.memory_space<vmem>>, vector<1000x128xf32>
    %get3A_10 = arith.constant 0 : index
    %get3A_11 = arith.constant 0 : index
    %get3A_12 = vector.load %arg3[%get3A_10, %get3A_11] : memref<1000x128xf32, #tpu.memory_space<vmem>>, vector<1000x128xf32>
    %add3A_13 = arith.addf %get3A_9, %get3A_12 : vector<1000x128xf32>
    %div3A = arith.divf %add3A_13, %max3A_6 : vector<1000x128xf32>
    %get3A_14 = arith.constant 0 : index
    %get3A_15 = arith.constant 0 : index
    %get3A_16 = vector.load %arg1[%get3A_14, %get3A_15] : memref<1000x128xf32, #tpu.memory_space<vmem>>, vector<1000x128xf32>
    %get3A_17 = arith.constant 0 : index
    %get3A_18 = arith.constant 0 : index
    %get3A_19 = vector.load %arg6[%get3A_17, %get3A_18] : memref<128x128xf32, #tpu.memory_space<vmem>>, vector<128x128xf32>
    %dot_general3A = arith.constant dense<0.000000e+00> : vector<1000x128xf32>
    %dot_general3A_20 = tpu.matmul %get3A_16, %get3A_19, %dot_general3A {dimension_numbers = #tpu.dot_dimension_numbers<[1], [1], [0], [0], [0, 0, 1, 0], [], []>, transpose_lhs_hint = false} : vector<1000x128xf32>, vector<128x128xf32>, vector<1000x128xf32> -> vector<1000x128xf32>
    %get3A_21 = arith.constant 0 : index
    %get3A_22 = arith.constant 0 : index
    %get3A_23 = vector.load %arg7[%get3A_21, %get3A_22] : memref<128x128xf32, #tpu.memory_space<vmem>>, vector<128x128xf32>
    %dot_general3A_24 = arith.constant dense<0.000000e+00> : vector<1000x128xf32>
    %dot_general3A_25 = tpu.matmul %div3A, %get3A_23, %dot_general3A_24 {dimension_numbers = #tpu.dot_dimension_numbers<[1], [1], [0], [0], [0, 0, 1, 0], [], []>, transpose_lhs_hint = false} : vector<1000x128xf32>, vector<128x128xf32>, vector<1000x128xf32> -> vector<1000x128xf32>
    %add3A_26 = arith.addf %dot_general3A_20, %dot_general3A_25 : vector<1000x128xf32>
    %get3A_27 = arith.constant 0 : index
    %get3A_28 = arith.constant 0 : index
    %get3A_29 = vector.load %arg8[%get3A_27, %get3A_28] : memref<1x128xf32, #tpu.memory_space<vmem>>, vector<1x128xf32>
    %add3A_30 = vector.broadcast %get3A_29 : vector<1x128xf32> to vector<1000x128xf32>
    %add3A_31 = arith.addf %add3A_26, %add3A_30 : vector<1000x128xf32>
    %max3A_32 = arith.constant 0.000000e+00 : f32
    %max3A_33 = vector.broadcast %max3A_32 : f32 to vector<1000x128xf32>
    %max3A_34 = arith.maximumf %add3A_31, %max3A_33 : vector<1000x128xf32>
    %swap3A = arith.constant 0 : index
    %swap3A_35 = arith.constant 0 : index
    %swap3A_36 = vector.load %arg9[%swap3A, %swap3A_35] : memref<1000x128xf32, #tpu.memory_space<vmem>>, vector<1000x128xf32>
    tpu.vector_store %arg9[%swap3A, %swap3A_35], %max3A_34 {strides = array<i32>} : memref<1000x128xf32, #tpu.memory_space<vmem>>, vector<1000x128xf32>,
    return
  }
  func.func @transform_0(%arg0: i32) -> (i32, i32) {
    %c0_i32 = arith.constant 0 : i32
    %c0_i32_0 = arith.constant 0 : i32
    return %arg0, %c0_i32 : i32, i32
  }
  func.func @transform_1(%arg0: i32) -> (i32, i32) {
    %c0_i32 = arith.constant 0 : i32
    %c0_i32_0 = arith.constant 0 : i32
    return %arg0, %c0_i32 : i32, i32
  }
  func.func @transform_2(%arg0: i32) -> (i32, i32) {
    %c0_i32 = arith.constant 0 : i32
    %c0_i32_0 = arith.constant 0 : i32
    return %arg0, %c0_i32 : i32, i32
  }
  func.func @transform_3(%arg0: i32) -> (i32, i32) {
    %c0_i32 = arith.constant 0 : i32
    %c0_i32_0 = arith.constant 0 : i32
    return %arg0, %c0_i32 : i32, i32
  }
  func.func @transform_4(%arg0: i32) -> (i32, i32) {
    %c0_i32 = arith.constant 0 : i32
    %c0_i32_0 = arith.constant 0 : i32
    return %arg0, %c0_i32 : i32, i32
  }
  func.func @transform_5(%arg0: i32) -> (i32, i32) {
    %c0_i32 = arith.constant 0 : i32
    %c0_i32_0 = arith.constant 0 : i32
    %c0_i32_1 = arith.constant 0 : i32
    return %c0_i32, %c0_i32_0 : i32, i32
  }
  func.func @transform_6(%arg0: i32) -> (i32, i32) {
    %c0_i32 = arith.constant 0 : i32
    %c0_i32_0 = arith.constant 0 : i32
    %c0_i32_1 = arith.constant 0 : i32
    return %c0_i32, %c0_i32_0 : i32, i32
  }
  func.func @transform_7(%arg0: i32) -> (i32, i32) {
    %c0_i32 = arith.constant 0 : i32
    %c0_i32_0 = arith.constant 0 : i32
    %c0_i32_1 = arith.constant 0 : i32
    return %c0_i32, %c0_i32_0 : i32, i32
  }
  func.func @transform_8(%arg0: i32) -> (i32, i32) {
    %c0_i32 = arith.constant 0 : i32
    %c0_i32_0 = arith.constant 0 : i32
    return %arg0, %c0_i32 : i32, i32
  }
}

module attributes {stable_mosaic.version = 14 : i64} {
  func.func @_tc_body(%arg0: i32, %arg1: memref<1000x128xf32, #tpu.memory_space<vmem>>, %arg2: memref<1000x128xf32, #tpu.memory_space<vmem>>, %arg3: memref<1000x128xf32, #tpu.memory_space<vmem>>, %arg4: memref<1000x128xf32, #tpu.memory_space<vmem>>, %arg5: memref<1000x128xf32, #tpu.memory_space<vmem>>, %arg6: memref<128x128xf32, #tpu.memory_space<vmem>>, %arg7: memref<128x128xf32, #tpu.memory_space<vmem>>, %arg8: memref<1x128xf32, #tpu.memory_space<vmem>>, %arg9: memref<1000x128xf32, #tpu.memory_space<vmem>>) attributes {dimension_semantics = [#tpu.dimension_semantics<arbitrary>], iteration_bounds = array<i64: 10>, scalar_prefetch = 0 : i64, scratch_operands = 0 : i64, tpu.core_type = #tpu.core_type<tc>, window_params = [{transform_indices = @transform_0, window_bounds = array<i64: 1000, 128>}, {transform_indices = @transform_1, window_bounds = array<i64: 1000, 128>}, {transform_indices = @transform_2, window_bounds = array<i64: 1000, 128>}, {transform_indices = @transform_3, window_bounds = array<i64: 1000, 128>}, {transform_indices = @transform_4, window_bounds = array<i64: 1000, 128>}, {pipeline_mode = #tpu.pipeline_mode<synchronous>, transform_indices = @transform_5, window_bounds = array<i64: 128, 128>}, {pipeline_mode = #tpu.pipeline_mode<synchronous>, transform_indices = @transform_6, window_bounds = array<i64: 128, 128>}, {pipeline_mode = #tpu.pipeline_mode<synchronous>, transform_indices = @transform_7, window_bounds = array<i64: 1, 128>}, {transform_indices = @transform_8, window_bounds = array<i64: 1000, 128>}]} {
    %get3A = arith.constant 0 : index
    %get3A_0 = arith.constant 0 : index
    %get3A_1 = vector.load %arg4[%get3A, %get3A_0] : memref<1000x128xf32, #tpu.memory_space<vmem>>, vector<1000x128xf32>
    %get3A_2 = arith.constant 0 : index
    %get3A_3 = arith.constant 0 : index
    %get3A_4 = vector.load %arg5[%get3A_2, %get3A_3] : memref<1000x128xf32, #tpu.memory_space<vmem>>, vector<1000x128xf32>
    %add3A = arith.addf %get3A_1, %get3A_4 : vector<1000x128xf32>
    %max3A = arith.constant 1.000000e+00 : f32
    %max3A_5 = vector.broadcast %max3A : f32 to vector<1000x128xf32>
    %max3A_6 = arith.maximumf %add3A, %max3A_5 : vector<1000x128xf32>
    %get3A_7 = arith.constant 0 : index
    %get3A_8 = arith.constant 0 : index
    %get3A_9 = vector.load %arg2[%get3A_7, %get3A_8] : memref<1000x128xf32, #tpu.memory_space<vmem>>, vector<1000x128xf32>
    %get3A_10 = arith.constant 0 : index
    %get3A_11 = arith.constant 0 : index
    %get3A_12 = vector.load %arg3[%get3A_10, %get3A_11] : memref<1000x128xf32, #tpu.memory_space<vmem>>, vector<1000x128xf32>
    %add3A_13 = arith.addf %get3A_9, %get3A_12 : vector<1000x128xf32>
    %div3A = arith.divf %add3A_13, %max3A_6 : vector<1000x128xf32>
    %get3A_14 = arith.constant 0 : index
    %get3A_15 = arith.constant 0 : index
    %get3A_16 = vector.load %arg1[%get3A_14, %get3A_15] : memref<1000x128xf32, #tpu.memory_space<vmem>>, vector<1000x128xf32>
    %get3A_17 = arith.constant 0 : index
    %get3A_18 = arith.constant 0 : index
    %get3A_19 = vector.load %arg6[%get3A_17, %get3A_18] : memref<128x128xf32, #tpu.memory_space<vmem>>, vector<128x128xf32>
    %dot_general3A = arith.constant dense<0.000000e+00> : vector<1000x128xf32>
    %dot_general3A_20 = tpu.matmul %get3A_16, %get3A_19, %dot_general3A {dimension_numbers = #tpu.dot_dimension_numbers<[1], [1], [0], [0], [0, 0, 1, 0], [], []>, transpose_lhs_hint = false} : vector<1000x128xf32>, vector<128x128xf32>, vector<1000x128xf32> -> vector<1000x128xf32>
    %get3A_21 = arith.constant 0 : index
    %get3A_22 = arith.constant 0 : index
    %get3A_23 = vector.load %arg7[%get3A_21, %get3A_22] : memref<128x128xf32, #tpu.memory_space<vmem>>, vector<128x128xf32>
    %dot_general3A_24 = arith.constant dense<0.000000e+00> : vector<1000x128xf32>
    %dot_general3A_25 = tpu.matmul %div3A, %get3A_23, %dot_general3A_24 {dimension_numbers = #tpu.dot_dimension_numbers<[1], [1], [0], [0], [0, 0, 1, 0], [], []>, transpose_lhs_hint = false} : vector<1000x128xf32>, vector<128x128xf32>, vector<1000x128xf32> -> vector<1000x128xf32>
    %add3A_26 = arith.addf %dot_general3A_20, %dot_general3A_25 : vector<1000x128xf32>
    %get3A_27 = arith.constant 0 : index
    %get3A_28 = arith.constant 0 : index
    %get3A_29 = vector.load %arg8[%get3A_27, %get3A_28] : memref<1x128xf32, #tpu.memory_space<vmem>>, vector<1x128xf32>
    %add3A_30 = vector.broadcast %get3A_29 : vector<1x128xf32> to vector<1000x128xf32>
    %add3A_31 = arith.addf %add3A_26, %add3A_30 : vector<1000x128xf32>
    %swap3A = arith.constant 0 : index
    %swap3A_32 = arith.constant 0 : index
    %swap3A_33 = vector.load %arg9[%swap3A, %swap3A_32] : memref<1000x128xf32, #tpu.memory_space<vmem>>, vector<1000x128xf32>
    tpu.vector_store %arg9[%swap3A, %swap3A_32], %add3A_31 {strides = array<i32>} : memref<1000x128xf32, #tpu.memory_space<vmem>>, vector<1000x128xf32>,
    return
  }
  func.func @transform_0(%arg0: i32) -> (i32, i32) {
    %c0_i32 = arith.constant 0 : i32
    %c0_i32_0 = arith.constant 0 : i32
    return %arg0, %c0_i32 : i32, i32
  }
  func.func @transform_1(%arg0: i32) -> (i32, i32) {
    %c0_i32 = arith.constant 0 : i32
    %c0_i32_0 = arith.constant 0 : i32
    return %arg0, %c0_i32 : i32, i32
  }
  func.func @transform_2(%arg0: i32) -> (i32, i32) {
    %c0_i32 = arith.constant 0 : i32
    %c0_i32_0 = arith.constant 0 : i32
    return %arg0, %c0_i32 : i32, i32
  }
  func.func @transform_3(%arg0: i32) -> (i32, i32) {
    %c0_i32 = arith.constant 0 : i32
    %c0_i32_0 = arith.constant 0 : i32
    return %arg0, %c0_i32 : i32, i32
  }
  func.func @transform_4(%arg0: i32) -> (i32, i32) {
    %c0_i32 = arith.constant 0 : i32
    %c0_i32_0 = arith.constant 0 : i32
    return %arg0, %c0_i32 : i32, i32
  }
  func.func @transform_5(%arg0: i32) -> (i32, i32) {
    %c0_i32 = arith.constant 0 : i32
    %c0_i32_0 = arith.constant 0 : i32
    %c0_i32_1 = arith.constant 0 : i32
    return %c0_i32, %c0_i32_0 : i32, i32
  }
  func.func @transform_6(%arg0: i32) -> (i32, i32) {
    %c0_i32 = arith.constant 0 : i32
    %c0_i32_0 = arith.constant 0 : i32
    %c0_i32_1 = arith.constant 0 : i32
    return %c0_i32, %c0_i32_0 : i32, i32
  }
  func.func @transform_7(%arg0: i32) -> (i32, i32) {
    %c0_i32 = arith.constant 0 : i32
    %c0_i32_0 = arith.constant 0 : i32
    %c0_i32_1 = arith.constant 0 : i32
    return %c0_i32, %c0_i32_0 : i32, i32
  }
  func.func @transform_8(%arg0: i32) -> (i32, i32) {
    %c0_i32 = arith.constant 0 : i32
    %c0_i32_0 = arith.constant 0 : i32
    return %arg0, %c0_i32 : i32, i32
  }
}

</mosaic_0001>

<sc_bundles>
// kernel: kernel.10.cloned.1.call-start
scs
__scs_entry_jumppad:
0x0: {  	(pc) =	sbr.rel $0x88, $3  }
0x1: {  	(tag) =	ssettag $0x0;
	lr =	simm.s32 $0x1  }
0x2: {  	[smem:$0x3F99] =	sst lr;
	_ =	strace $0xD0000000  }
0x3: {  	_ = 	snop  }
0x4: {  	_ = 	snop  }
0x5: {  	_ = 	snop  }
0x6: {  	_ = 	snop  }
0x7: {  	_ = 	snop  }
__scs_overlays_trampoline_lowered:
0x8: {  	[smem:$0x3FA8] =	sst s0  }
0x9: {  	[smem:$0x3FA9] =	sst s1  }
0xa: {  	[smem:$0x3FAA] =	sst s2  }
0xb: {  	[smem:$0x3FAB] =	sst s3  }
0xc: {  	[smem:$0x3FAC] =	sst s4  }
0xd: {  	[smem:$0x3FAD] =	sst s5  }
0xe: {  	[smem:$0x3FAE] =	sst s6  }
0xf: {  	[smem:$0x3FAF] =	sst s7  }
0x10: {  	[smem:$0x3FB0] =	sst s8  }
0x11: {  	[smem:$0x3FB1] =	sst s9;
	s0 =	simm.s32 @!p0 $0x0  }
0x12: {  	s1 =	sld [smem:$0x3F97];
	s0 =	simm.s32 @p0 $0x1  }
0x13: {  	[smem:$0x3FB2] =	sst s0;
	s0 =	simm.s32 @!p1 $0x0  }
0x14: {  	s2 =	sld [smem:$0x3F96];
	s0 =	simm.s32 @p1 $0x1  }
0x15: {  	[smem:$0x3FB3] =	sst s0;
	s0 =	simm.s32 @!p2 $0x0  }
0x16: {  	s3 =	sld [smem:$0x3FDB];
	s0 =	simm.s32 @p2 $0x1  }
0x17: {  	s4 =	simm.s32 $0x1BF5;
	[smem:$0x3FB5] =	sst s0  }
0x18: {  	s0 =	sld [smem:$0x3F98];
	_ =	swait.ge [sflag:s4], $0x0  }
0x19: {  	s7 =	sld [smem:$0x3F99]  }
0x1a: {  	s8 =	sadd.s32 $0xFFFFE003, lr  }
0x1b: {  	s9 =	sadd.s32 $0xFFFFFEF7, lr;
	s5 =	simm.s32 $0xFFFFFFFF;
	p2 =	slt.u32 s8, $0xFFFFF086  }
0x1c: {  	p1 =	slt.u32 s9, $0xF7A;
	s5 =	simm.s32 @!p2 $0x0  }
0x1d: {  	s5 =	simm.s32 @p1 $0x1;
	p0 =	seq.s32 s7, s2  }
0x1e: {  	s7 =	smul.u32 @!p0 $0xF7A, s2;
	p2 =	seq.s32 @!p0 s5, $0x0  }
0x1f: {  	s9 =	smul.u32 $0xF7A, s1;
	s8 =	simm.s32 @!p0 $0x1BF5;
	p2 =	por !p2, p0  }
0x20: {  	[sflag:s8] =	ssyncset.s32 @!p0 $0xFFFFF086;
	s6 =	sadd.s32 @!p0 s3, s7;
	s7 =	simm.s32 @!p0 $0x108  }
0x21: {  	s3 =	sadd.s32 s3, s9;
	s6 =	sadd.s32 @!p0 $0x88, s6;
	s7 =	simm.s32 @p2 $0x1082  }
0x22: {  	[simem:s7], [sflag:s8] =	dma.local @!p0 [hbm:s6], $0xF7A  }
0x23: {  	s9 =	sor.u32 $0xD0000000, s2;
	s6 =	simm.s32 $0x108;
	_ =	swait.ge @!p0 [sflag:s8], $0x0  }
0x24: {  	s3 =	sadd.s32 $0x88, s3;
	s6 =	simm.s32 @!p1 $0x1082;
	[sflag:s4] =	ssyncset.s32 $0xFFFFF086  }
0x25: {  	[simem:s6], [sflag:s4] =	dma.local [hbm:s3], $0xF7A  }
0x26: {  	[smem:$0x3F99] =	sst s1;
	(tag) =	ssettag s2;
	_ =	strace s9  }
0x27: {  	s1 =	sld [smem:$0x3FA9]  }
0x28: {  	s2 =	sld [smem:$0x3FAA]  }
0x29: {  	s4 =	sld [smem:$0x3FAC]  }
0x2a: {  	p0 =	seq.s32 s5, $0x0;
	s5 =	sld [smem:$0x3FAD]  }
0x2b: {  	s6 =	sld [smem:$0x3FAE]  }
0x2c: {  	s7 =	sld [smem:$0x3FAF]  }
0x2d: {  	s3 =	simm.s32 $0x108;
	s8 =	sld [smem:$0x3FB0]  }
0x2e: {  	s3 =	simm.s32 @!p0 $0x1082;
	s9 =	sld [smem:$0x3FB1]  }
0x2f: {  	lr =	sadd.s32 s0, s3;
	s0 =	sld [smem:$0x3FA8]  }
0x30: {  	s3 =	sld [smem:$0x3FAB]  }
0x31: {  	[smem:$0x3FB4] =	sst s10  }
0x32: {  	s10 =	sld [smem:$0x3FB2];
	_ =	sdelay $0x3  }
0x33: {  	p0 =	seq.s32 s10, $0x1;
	s10 =	sld [smem:$0x3FB4];
	_ =	sdelay $0x3  }
0x34: {  	[smem:$0x3FB4] =	sst s10  }
0x35: {  	s10 =	sld [smem:$0x3FB3];
	_ =	sdelay $0x3  }
0x36: {  	p1 =	seq.s32 s10, $0x1;
	s10 =	sld [smem:$0x3FB4];
	_ =	sdelay $0x3  }
0x37: {  	[smem:$0x3FB4] =	sst s10  }
0x38: {  	s10 =	sld [smem:$0x3FB5]  }
0x39: {  	_ = 	snop;
	(pc) =	sbr.ind lr, $3  }
0x3a: {  	_ = 	snop  }
0x3b: {  	_ = 	snop  }
0x3c: {  	p2 =	seq.s32 s10, $0x1;
	s10 =	sld [smem:$0x3FB4]  }
0x3d: {  	_ =	shalt  }
0x3e: {  	_ =	shalt  }
0x3f: {  	_ =	shalt  }
0x40: {  	_ =	shalt  }
0x41: {  	_ =	shalt  }
0x42: {  	_ =	shalt  }
0x43: {  	_ =	shalt  }
0x44: {  	_ =	shalt  }
0x45: {  	_ =	shalt  }
0x46: {  	_ =	shalt  }
0x47: {  	_ =	shalt  }
0x48: {  	_ =	shalt  }
0x49: {  	_ =	shalt  }
0x4a: {  	_ =	shalt  }
0x4b: {  	_ =	shalt  }
0x4c: {  	_ =	shalt  }
0x4d: {  	_ =	shalt  }
0x4e: {  	_ =	shalt  }
0x4f: {  	_ =	shalt  }
0x50: {  	_ =	shalt  }
0x51: {  	_ =	shalt  }
0x52: {  	_ =	shalt  }
0x53: {  	_ =	shalt  }
0x54: {  	_ =	shalt  }
0x55: {  	_ =	shalt  }
0x56: {  	_ =	shalt  }
0x57: {  	_ =	shalt  }
0x58: {  	_ =	shalt  }
0x59: {  	_ =	shalt  }
0x5a: {  	_ =	shalt  }
0x5b: {  	_ =	shalt  }
0x5c: {  	_ =	shalt  }
0x5d: {  	_ =	shalt  }
0x5e: {  	_ =	shalt  }
0x5f: {  	_ =	shalt  }
0x60: {  	_ =	shalt  }
0x61: {  	_ =	shalt  }
0x62: {  	_ =	shalt  }
0x63: {  	_ =	shalt  }
0x64: {  	_ =	shalt  }
0x65: {  	_ =	shalt  }
0x66: {  	_ =	shalt  }
0x67: {  	_ =	shalt  }
0x68: {  	_ =	shalt  }
0x69: {  	_ =	shalt  }
0x6a: {  	_ =	shalt  }
0x6b: {  	_ =	shalt  }
0x6c: {  	_ =	shalt  }
0x6d: {  	_ =	shalt  }
0x6e: {  	_ =	shalt  }
0x6f: {  	_ =	shalt  }
0x70: {  	_ =	shalt  }
0x71: {  	_ =	shalt  }
0x72: {  	_ =	shalt  }
0x73: {  	_ =	shalt  }
0x74: {  	_ =	shalt  }
0x75: {  	_ =	shalt  }
0x76: {  	_ =	shalt  }
0x77: {  	_ =	shalt  }
0x78: {  	_ =	shalt  }
0x79: {  	_ =	shalt  }
0x7a: {  	_ =	shalt  }
0x7b: {  	_ =	shalt  }
0x7c: {  	_ =	shalt  }
0x7d: {  	_ =	shalt  }
0x7e: {  	_ =	shalt  }
0x7f: {  	_ =	shalt  }
0x80: {  	_ =	shalt  }
0x81: {  	_ =	shalt  }
0x82: {  	_ =	shalt  }
0x83: {  	_ =	shalt  }
0x84: {  	_ =	shalt  }
0x85: {  	_ =	shalt  }
0x86: {  	_ =	shalt  }
0x87: {  	_ =	shalt  }
.Lfunc_end0:
.L_simem_size_0:
called_computation.1_lowered:
.L_overlay_start_0:
0x88: {  	s2 =	sld [smem:$0x3FD9]  }
0x89: {  	s3 =	sld [smem:$0x3FFE];
	_ =	sdelay $0x1  }
0x8a: {  	s1 =	srdreg.scid  }
0x8b: {  	s0 =	sand.u32 $0x1, s1  }
0x8c: {  	s17 =	sshll.u32 s0, $0xA;
	s2 =	sadd.s32 s3, s2  }
0x8d: {  	s2 =	sadd.s32 s2, s17  }
0x8e: {  	[smem:$0x3FC0] =	sst s2  }
0x8f: {  	_ = 	snop  }
0x90: {  	s18 =	sld [smem:$0x3FC9];
	(tm) =	ssettm $0x1  }
0x91: {  	s19 =	sld [smem:$0x3FFB];
	_ =	sdelay $0x3  }
0x92: {  	_ =	strace s19  }
0x93: {  	s2 =	sld [smem:$0x3FFC];
	_ =	sdelay $0x3  }
0x94: {  	_ =	strace s2  }
0x95: {  	s2 =	sld [smem:$0x3FFD];
	_ =	sdelay $0x3  }
0x96: {  	_ =	strace s2  }
0x97: {  	_ =	strace $0x8FFFFFFF  }
0x98: {  	s20 =	sld [smem:$0x3FDB];
	_ =	sdelay $0x1  }
0x99: {  	s4 =	simm.s32 $_scs_section_size  }
0x9a: {  	s5 =	simm.s32 $_size__tile_overlayer_lowered;
	s6 =	simm.s32 $_tile_overlayer_lowered  }
0x9b: {  	s7 =	simm.s32 $0x1BFF;
	s21 =	sshll.u32 s6, $0x1;
	s4 =	sadd.s32 s4, s20  }
0x9c: {  	s22 =	simm.s32 $0x0;
	s5 =	sshll.u32 s5, $0x1;
	s6 =	sadd.s32 s21, s4  }
0x9d: {  	[timem:s22], [sflag:s7] =	dma.local [hbm:s6], s5  }
0x9e: {  	_ =	swait.ge [sflag:s7], s5  }
0x9f: {  	s5 =	ssub.s32 $0x0, s5;
	[sflag:s7] =	ssyncset.done $0x0  }
0xa0: {  	[sflag:s7] =	ssyncadd.s32 s5;
	_ =	sdelay $0x1  }
0xa1: {  	s23 =	simm.s32 $0x1B8B  }
0xa2: {  	_ =	swait.ge [sflag:s23], $0x1  }
0xa3: {  	[sflag:s23] =	ssyncset.done $0x0  }
0xa4: {  	[sflag:s23] =	ssyncadd.s32 $0xFFFFFFFF  }
0xa5: {  	s5 =	sld [smem:$0x0]  }
0xa6: {  	s6 =	sand.u32 $0xFFFFFFFE, s1  }
0xa7: {  	p0 =	sne.s32 s1, s6  }
0xa8: {  	s6 =	sshll.u32 @p0 s6, $0xE  }
0xa9: {  	s6 =	sadd.s32 @p0 $0x11B8D, s6;
	s7 =	sshll.u32 @p0 s5, $0x11  }
0xaa: {  	s6 =	sor.u32 @p0 s7, s6  }
0xab: {  	[sflag:s6] =	ssyncadd.remote.s32 @p0 $0x1;
	_ =	sdelay $0x1  }
0xac: {  	s6 =	simm.s32 @p0 $0x1B8D  }
0xad: {  	_ =	swait.eq @p0 [sflag:s6], $0x1  }
0xae: {  	[sflag:s6] =	ssyncadd.s32 @p0 $0xFFFFFFFF  }
0xaf: {  	s7 =	sshll.u32 @!p0 s1, $0xE  }
0xb0: {  	s7 =	sor.u32 @!p0 $0x4000, s7;
	s6 =	simm.s32 @!p0 $0x1B8D  }
0xb1: {  	s5 =	sshll.u32 @!p0 s5, $0x11;
	s7 =	sadd.s32 @!p0 $0x11B8D, s7;
	_ =	swait.eq @!p0 [sflag:s6], $0x1  }
0xb2: {  	s5 =	sor.u32 @!p0 s5, s7;
	[sflag:s6] =	ssyncadd.s32 @!p0 $0xFFFFFFFF  }
0xb3: {  	s25 =	simm.s32 $0x1B8E;
	s24 =	sld [smem:$0x3FFE];
	[sflag:s5] =	ssyncadd.remote.s32 @!p0 $0x1  }
0xb4: {  	s26 =	simm.s32 $execute0_lowered;
	[smem:$0x3FD2] =	sst s25  }
0xb5: {  	s6 =	sshll.u32 s26, $0x1;
	_ =	strace $0x80000049;
	[dreg:$0x1] =	wrdreg $0xFFFFFFFF  }
0xb6: {  	s28 =	simm.s32 $_size_execute0_lowered;
	s4 =	sadd.s32 s4, s6;
	[dreg:$0x0] =	wrdreg $0x0  }
0xb7: {  	s6 =	sshll.u32 s28, $0x1;
	[dreg:$0x2] =	wrdreg s4  }
0xb8: {  	[dreg:$0x3] =	wrdreg s6  }
0xb9: {  	[dreg:$0x4] =	wrdreg $0xC0  }
0xba: {  	_ =	task [dreg:s22], $0x5FFFF  }
0xbb: {  	[dreg:$0x1] =	wrdreg $0xFFFFFFFF  }
0xbc: {  	[dreg:$0x0] =	wrdreg $0x60  }
0xbd: {  	[dreg:$0x2] =	wrdreg s18  }
0xbe: {  	[dreg:$0x3] =	wrdreg s24  }
0xbf: {  	[dreg:$0x4] =	wrdreg $0x88000  }
0xc0: {  	[dreg:$0x5] =	wrdreg $0xA  }
0xc1: {  	_ =	task.clear_ibuf [dreg:s22], $0x6FFFF;
	_ =	strace $0x90000049  }
0xc2: {  	s29 =	simm.s32 $0xA;
	_ =	strace $0x8000004B  }
0xc3: {  	_ =	swait.ge [sflag:s29], $0x1  }
0xc4: {  	[sflag:s29] =	ssyncadd.s32 $0xFFFFFFFF  }
0xc5: {  	_ =	strace $0x9000004B  }
0xc6: {  	_ =	sfence  }
0xc7: {  	s30 =	sld [smem:$0x0];
	_ =	sdelay $0x2  }
0xc8: {  	s31 =	sshll.u32 s1, $0xD;
	s1 =	sshrl.u32 s1, $0x2  }
0xc9: {  	s4 =	sand.u32 $0x4000, s31;
	s1 =	sadd.s32 s1, s30  }
0xca: {  	s0 =	sor.u32 s4, s0;
	s1 =	sshll.u32 s1, $0x11  }
0xcb: {  	s0 =	sor.u32 s1, s0  }
0xcc: {  	s0 =	sadd.s32 $0x8F2B, s0  }
0xcd: {  	[sflag:s0] =	ssyncadd.remote.s32 $0x1  }
0xce: {  	_ =	sfence.sel $0xFFFF  }
0xcf: {  	[dreg:$0x0] =	wrdreg $0xFFFFFFFF;
	(pc) =	sbr.abs _section_cstart, $3  }
0xd0: {  	[dreg:$0x1] =	wrdreg $0xFFFFFFFF  }
0xd1: {  	_ =	task.clear_ibuf [dreg:s22], $0x2FFFF;
	_ =	strace $0x9FFFFFFF  }
0xd2: {  	(tm) =	ssettm $0x7FFFFFFF  }
0xd3: {  	_ =	shalt  }
tec
execute0_lowered:
.L_overlay_start_1:
0x0: {  	(tag) =	ssettag $0x1  }
0x1: {  	s1 =	rddreg [dreg:$0x0]  }
0x2: {  	s0 =	rddreg [dreg:$0x1]  }
0x3: {  	s3 =	rddreg [dreg:$0x2];
	s4 =	simm.s32 $0x0;
	s9 =	stileid.u32  }
0x4: {  	s5 =	srdreg.scid;
	s28 =	simm.s32 $0x100;
	s29 =	simm.s32 $0x2  }
0x5: {  	s30 =	simm.s32 $0x480;
	s31 =	simm.s32 $0x180;
	s2 =	smul.u32 $0xA00, s9  }
0x6: {  	[smem:$0x7FF] =	sst s4;
	s5 =	sand.u32 $0x1, s5;
	s6 =	smul.u32 $0x4F000, s9  }
0x7: {  	s7 =	sadd.s32 $0xC800, s0;
	s9 =	smul.u32 $0x13C00, s9;
	_ =	strace $0x8000004A  }
0x8: {  	[dreg:$0x4] =	wrdreg s7;
	s26 =	ssub.s32 $0x2, s5;
	s10 =	smul.u32 $0x13C000, s5  }
0x9: {  	p0 =	seq.s32 s5, $0x1;
	s2 =	sadd.s32 s2, s0;
	s8 =	sshrl.u32 s26, $0x1  }
0xa: {  	s6 =	sshrl.u32 s6, $0x2;
	s0 =	sadd.s32 $0x8D000, s0;
	s14 =	sadd.s32 $0x8000, s9  }
0xb: {  	s11 =	sadd.s32 $0xC000, s9;
	s12 =	sadd.s32 $0x10000, s9;
	s16 =	ssub.s32 s26, s8  }
0xc: {  	s6 =	sadd.s32 s6, s3;
	s8 =	sadd.s32 $0x4000, s9;
	s17 =	sadd.s32 s14, s3  }
0xd: {  	s15 =	sadd.s32 s11, s3;
	s9 =	sadd.s32 s9, s10;
	s7 =	sadd.s32 s12, s3  }
0xe: {  	s20 =	sadd.s32 s10, s14;
	s21 =	sadd.s32 s10, s11;
	s22 =	sadd.s32 s10, s12  }
0xf: {  	s26 =	sadd.s32 $0x2800, s2;
	s11 =	simm.s32 $0x280;
	s12 =	simm.s32 $0x600  }
0x10: {  	s14 =	simm.s32 $0x680;
	[dreg:$0x5] =	wrdreg s6;
	s13 =	sadd.s32 s8, s3  }
0x11: {  	[dreg:$0x7] =	wrdreg s17;
	s9 =	sshrl.u32 s9, $0x3;
	s6 =	sadd.s32 s10, s8  }
0x12: {  	s10 =	smov.u32 s15;
	s24 =	sshrl.u32 s22, $0x3;
	s25 =	smax.u32 s16, $0x1  }
0x13: {  	[dreg:$0x10] =	wrdreg s26;
	s22 =	simm.s32 $0x3;
	s26 =	simm.s32 $0x1  }
0x14: {  	s15 =	simm.s32 $0x380;
	s16 =	simm.s32 $0x700;
	s17 =	simm.s32 $0x0  }
0x15: {  	[dreg:$0x9] =	wrdreg s7;
	s18 =	sadd.s32 s0, s9;
	s19 =	sshrl.u32 s6, $0x3  }
0x16: {  	s6 =	sshrl.u32 s21, $0x3;
	s8 =	smov.u32 s13;
	[dreg:$0xf] =	wrdreg s25  }
0x17: {  	s21 =	simm.s32 $0x800;
	s25 =	simm.s32 $0x4800;
	[dreg:$0x8] =	wrdreg s10  }
0x18: {  	s13 =	simm.s32 $0x300;
	s9 =	smov.u32 s7;
	[dreg:$0xa] =	wrdreg s18  }
0x19: {  	s5 =	sadd.s32 s0, s19;
	s23 =	sadd.s32 s0, s6;
	s19 =	sadd.s32 $0x83000, s2  }
0x1a: {  	s18 =	sadd.s32 $0x2F00, s2;
	s6 =	simm.s32 $0x780;
	[dreg:$0x6] =	wrdreg s8  }
.Ltmp0:
0x1b: {  	[dreg:$0xb] =	wrdreg s5;
	s5 =	sshrl.u32 s20, $0x3;
	(pc) =	sbr.rel .LBB2_1-.Ltmp0, $4  }
0x1c: {  	[dreg:$0xd] =	wrdreg s23;
	s20 =	sadd.s32 $0x83700, s2;
	s23 =	simm.s32 $0x400  }
0x1d: {  	s2 =	simm.s32 $0x200;
	[dreg:$0x11] =	wrdreg s18;
	s5 =	sadd.s32 s0, s5  }
0x1e: {  	s0 =	sadd.s32 s0, s24;
	s24 =	simm.s32 $0x80;
	[dreg:$0xc] =	wrdreg s5  }
0x1f: {  	[dreg:$0xe] =	wrdreg s0;
	s0 =	simm.s32 $0x500;
	s5 =	simm.s32 $0x580  }
.LBB2_7:
0x20: {  	s7 =	sadd.s32 s8, s20;
	[sflag:s22] =	ssyncadd.s32 $0xFFFFC000  }
0x21: {  	[tilespmem:s4], [sflag:$0x3] =	stream.linear.gather [hbm4b:s7+s4], $0x400, $0x38;
	[tilespmem:$0x1C400] =	vst v63  }
0x22: {  	_ =	swait.ge [sflag:s22], $0x400  }
0x23: {  	[sflag:s22] =	ssyncset.done $0x0  }
0x24: {  	s17 =	sadd.s32 s8, s18;
	[sflag:s22] =	ssyncadd.s32 $0xFFFFFC00  }
0x25: {  	[tilespmem:s23], [sflag:$0x3] =	stream.linear.gather [hbm4b:s17+s4], $0x400, $0x38;
	[tilespmem:$0x1C400] =	vst v63  }
0x26: {  	_ =	swait.ge [sflag:s22], $0x400  }
0x27: {  	[sflag:s22] =	ssyncset.done $0x0  }
0x28: {  	[sflag:s22] =	ssyncadd.s32 $0xFFFFFC00  }
0x29: {  	[tilespmem:s21], [sflag:$0x1] =	stream.indirect.gather [hbm4b:s1+s24], $0x80, s4, s24, $0xb8;
	[tilespmem:$0x1C400] =	vst v63  }
0x2a: {  	_ = 	snop  }
0x2b: {  	[tilespmem:s25], [sflag:$0x2] =	stream.indirect.gather [hbm4b:s1+s24], $0x80, s24, s24, $0xb8;
	[tilespmem:$0x1C400] =	vst v63  }
0x2c: {  	_ =	swait.ge [sflag:s26], $0x4000  }
0x2d: {  	[sflag:s26] =	ssyncset.done $0x0  }
0x2e: {  	[sflag:s26] =	ssyncadd.s32 $0xFFFFC000  }
0x2f: {  	[spmem:s3] =	stream.indirect.scatter.add.f32 [tilespmem:s21], [sflag:$0x3], $0x80, s23, s24, $0xb8;
	[tilespmem:$0x1C400] =	vst v63  }
0x30: {  	_ =	swait.ge [sflag:s22], $0x4000  }
0x31: {  	[sflag:s22] =	ssyncset.done $0x0  }
0x32: {  	[sflag:s22] =	ssyncadd.s32 $0xFFFFC000  }
0x33: {  	[tilespmem:s21], [sflag:$0x1] =	stream.indirect.gather [hbm4b:s1+s24], $0x80, s28, s24, $0xb8;
	[tilespmem:$0x1C400] =	vst v63  }
0x34: {  	_ =	swait.ge [sflag:s29], $0x4000  }
0x35: {  	[sflag:s29] =	ssyncset.done $0x0  }
0x36: {  	[sflag:s29] =	ssyncadd.s32 $0xFFFFC000  }
0x37: {  	[spmem:s3] =	stream.indirect.scatter.add.f32 [tilespmem:s25], [sflag:$0x3], $0x80, s30, s24, $0xb8;
	[tilespmem:$0x1C400] =	vst v63  }
0x38: {  	_ =	swait.ge [sflag:s22], $0x4000  }
0x39: {  	[sflag:s22] =	ssyncset.done $0x0  }
0x3a: {  	[sflag:s22] =	ssyncadd.s32 $0xFFFFC000  }
0x3b: {  	[tilespmem:s25], [sflag:$0x2] =	stream.indirect.gather [hbm4b:s1+s24], $0x80, s31, s24, $0xb8;
	[tilespmem:$0x1C400] =	vst v63  }
0x3c: {  	_ =	swait.ge [sflag:s26], $0x4000  }
0x3d: {  	[sflag:s26] =	ssyncset.done $0x0  }
0x3e: {  	[sflag:s26] =	ssyncadd.s32 $0xFFFFC000  }
0x3f: {  	[spmem:s3] =	stream.indirect.scatter.add.f32 [tilespmem:s21], [sflag:$0x3], $0x80, s0, s24, $0xb8;
	[tilespmem:$0x1C400] =	vst v63  }
0x40: {  	_ =	swait.ge [sflag:s22], $0x4000  }
0x41: {  	[sflag:s22] =	ssyncset.done $0x0  }
0x42: {  	[sflag:s22] =	ssyncadd.s32 $0xFFFFC000  }
0x43: {  	[tilespmem:s21], [sflag:$0x1] =	stream.indirect.gather [hbm4b:s1+s24], $0x80, s2, s24, $0xb8;
	[tilespmem:$0x1C400] =	vst v63  }
0x44: {  	_ =	swait.ge [sflag:s29], $0x4000  }
0x45: {  	[sflag:s29] =	ssyncset.done $0x0  }
0x46: {  	[sflag:s29] =	ssyncadd.s32 $0xFFFFC000  }
0x47: {  	[spmem:s3] =	stream.indirect.scatter.add.f32 [tilespmem:s25], [sflag:$0x3], $0x80, s5, s24, $0xb8;
	[tilespmem:$0x1C400] =	vst v63  }
0x48: {  	_ =	swait.ge [sflag:s22], $0x4000  }
0x49: {  	[sflag:s22] =	ssyncset.done $0x0  }
0x4a: {  	[sflag:s22] =	ssyncadd.s32 $0xFFFFC000  }
0x4b: {  	[tilespmem:s25], [sflag:$0x2] =	stream.indirect.gather [hbm4b:s1+s24], $0x80, s11, s24, $0xb8;
	[tilespmem:$0x1C400] =	vst v63  }
0x4c: {  	_ =	swait.ge [sflag:s26], $0x4000  }
0x4d: {  	[sflag:s26] =	ssyncset.done $0x0  }
0x4e: {  	[sflag:s26] =	ssyncadd.s32 $0xFFFFC000  }
0x4f: {  	[spmem:s3] =	stream.indirect.scatter.add.f32 [tilespmem:s21], [sflag:$0x3], $0x80, s12, s24, $0xb8;
	[tilespmem:$0x1C400] =	vst v63  }
0x50: {  	_ =	swait.ge [sflag:s22], $0x4000  }
0x51: {  	[sflag:s22] =	ssyncset.done $0x0  }
0x52: {  	[sflag:s22] =	ssyncadd.s32 $0xFFFFC000  }
0x53: {  	[tilespmem:s21], [sflag:$0x1] =	stream.indirect.gather [hbm4b:s1+s24], $0x80, s13, s24, $0xb8;
	[tilespmem:$0x1C400] =	vst v63  }
0x54: {  	_ =	swait.ge [sflag:s29], $0x4000  }
0x55: {  	[sflag:s29] =	ssyncset.done $0x0  }
0x56: {  	[sflag:s29] =	ssyncadd.s32 $0xFFFFC000  }
0x57: {  	[spmem:s3] =	stream.indirect.scatter.add.f32 [tilespmem:s25], [sflag:$0x3], $0x80, s14, s24, $0xb8;
	[tilespmem:$0x1C400] =	vst v63  }
0x58: {  	_ =	swait.ge [sflag:s22], $0x4000  }
0x59: {  	[sflag:s22] =	ssyncset.done $0x0  }
0x5a: {  	[sflag:s22] =	ssyncadd.s32 $0xFFFFC000  }
0x5b: {  	[tilespmem:s25], [sflag:$0x2] =	stream.indirect.gather [hbm4b:s1+s24], $0x80, s15, s24, $0xb8;
	[tilespmem:$0x1C400] =	vst v63  }
0x5c: {  	_ =	swait.ge [sflag:s26], $0x4000  }
0x5d: {  	[sflag:s26] =	ssyncset.done $0x0  }
0x5e: {  	[sflag:s26] =	ssyncadd.s32 $0xFFFFC000  }
0x5f: {  	[spmem:s3] =	stream.indirect.scatter.add.f32 [tilespmem:s21], [sflag:$0x3], $0x80, s16, s24, $0xb8;
	[tilespmem:$0x1C400] =	vst v63  }
0x60: {  	_ =	swait.ge [sflag:s22], $0x4000  }
0x61: {  	[sflag:s22] =	ssyncset.done $0x0  }
0x62: {  	[sflag:s22] =	ssyncadd.s32 $0xFFFFC000  }
0x63: {  	_ =	swait.ge [sflag:s29], $0x4000  }
0x64: {  	[sflag:s29] =	ssyncset.done $0x0  }
0x65: {  	[sflag:s29] =	ssyncadd.s32 $0xFFFFC000  }
0x66: {  	[spmem:s3] =	stream.indirect.scatter.add.f32 [tilespmem:s25], [sflag:$0x3], $0x80, s6, s24, $0xb8;
	[tilespmem:$0x1C400] =	vst v63  }
0x67: {  	_ =	swait.ge [sflag:s22], $0x4000  }
0x68: {  	[sflag:s22] =	ssyncset.done $0x0  }
0x69: {  	s17 =	rddreg [dreg:$0x12];
	[sflag:s22] =	ssyncadd.s32 $0xFFFFC000  }
.LBB2_8:
0x6a: {  	[bflag:$0x0] =	sbarrier.arrive $0xFFFF  }
0x6b: {  	s7 =	rddreg [dreg:$0x5]  }
0x6c: {  	[tilespmem:s21], [sflag:$0x3] =	stream.linear.gather [spmem:s7], $0x4000, $0x38;
	[tilespmem:$0x1C400] =	vst v63  }
0x6d: {  	_ =	swait.ge [sflag:s22], $0x4000  }
0x6e: {  	[sflag:s22] =	ssyncset.done $0x0  }
0x6f: {  	s9 =	rddreg [dreg:$0xa];
	[sflag:s22] =	ssyncadd.s32 $0xFFFFC000  }
0x70: {  	[hbm4b:s9+s4] =	stream.linear.scatter [tilespmem:s21], [sflag:$0x3], $0x4000, $0x38;
	[tilespmem:$0x1C400] =	vst v63  }
0x71: {  	_ =	swait.ge [sflag:s22], $0x4000  }
0x72: {  	[sflag:s22] =	ssyncset.done $0x0  }
0x73: {  	s8 =	rddreg [dreg:$0x6];
	[sflag:s22] =	ssyncadd.s32 $0xFFFFC000  }
0x74: {  	[tilespmem:s21], [sflag:$0x3] =	stream.linear.gather [spmem:s8], $0x4000, $0x38;
	[tilespmem:$0x1C400] =	vst v63  }
0x75: {  	_ =	swait.ge [sflag:s22], $0x4000  }
0x76: {  	[sflag:s22] =	ssyncset.done $0x0  }
0x77: {  	s10 =	rddreg [dreg:$0xb];
	[sflag:s22] =	ssyncadd.s32 $0xFFFFC000  }
0x78: {  	[hbm4b:s10+s4] =	stream.linear.scatter [tilespmem:s21], [sflag:$0x3], $0x4000, $0x38;
	[tilespmem:$0x1C400] =	vst v63  }
0x79: {  	_ =	swait.ge [sflag:s22], $0x4000  }
0x7a: {  	[sflag:s22] =	ssyncset.done $0x0  }
0x7b: {  	s9 =	rddreg [dreg:$0x7];
	[sflag:s22] =	ssyncadd.s32 $0xFFFFC000  }
0x7c: {  	[tilespmem:s21], [sflag:$0x3] =	stream.linear.gather [spmem:s9], $0x4000, $0x38;
	[tilespmem:$0x1C400] =	vst v63  }
0x7d: {  	_ =	swait.ge [sflag:s22], $0x4000  }
0x7e: {  	[sflag:s22] =	ssyncset.done $0x0  }
0x7f: {  	s10 =	rddreg [dreg:$0xc];
	[sflag:s22] =	ssyncadd.s32 $0xFFFFC000  }
0x80: {  	[hbm4b:s10+s4] =	stream.linear.scatter [tilespmem:s21], [sflag:$0x3], $0x4000, $0x38;
	[tilespmem:$0x1C400] =	vst v63  }
0x81: {  	_ =	swait.ge [sflag:s22], $0x4000  }
0x82: {  	[sflag:s22] =	ssyncset.done $0x0  }
0x83: {  	s10 =	rddreg [dreg:$0x8];
	[sflag:s22] =	ssyncadd.s32 $0xFFFFC000  }
0x84: {  	[tilespmem:s21], [sflag:$0x3] =	stream.linear.gather [spmem:s10], $0x4000, $0x38;
	[tilespmem:$0x1C400] =	vst v63  }
0x85: {  	_ =	swait.ge [sflag:s22], $0x4000  }
0x86: {  	[sflag:s22] =	ssyncset.done $0x0  }
0x87: {  	s9 =	rddreg [dreg:$0xd];
	[sflag:s22] =	ssyncadd.s32 $0xFFFFC000  }
0x88: {  	[hbm4b:s9+s4] =	stream.linear.scatter [tilespmem:s21], [sflag:$0x3], $0x4000, $0x38;
	[tilespmem:$0x1C400] =	vst v63  }
0x89: {  	_ =	swait.ge [sflag:s22], $0x4000  }
0x8a: {  	[sflag:s22] =	ssyncset.done $0x0  }
0x8b: {  	s7 =	rddreg [dreg:$0x9];
	[sflag:s22] =	ssyncadd.s32 $0xFFFFC000  }
0x8c: {  	[tilespmem:s21], [sflag:$0x3] =	stream.linear.gather [spmem:s7], $0x3C00, $0x38;
	[tilespmem:$0x1C400] =	vst v63  }
0x8d: {  	_ =	swait.ge [sflag:s22], $0x3C00  }
0x8e: {  	[sflag:s22] =	ssyncset.done $0x0  }
0x8f: {  	s9 =	smov.u32 s7;
	s7 =	rddreg [dreg:$0xe];
	[sflag:s22] =	ssyncadd.s32 $0xFFFFC400  }
0x90: {  	[hbm4b:s7+s4] =	stream.linear.scatter [tilespmem:s21], [sflag:$0x3], $0x3C00, $0x38;
	[tilespmem:$0x1C400] =	vst v63  }
0x91: {  	_ =	swait.ge [sflag:s22], $0x3C00  }
0x92: {  	s17 =	sadd.s32 $0x1, s17;
	s7 =	rddreg [dreg:$0xf]  }
0x93: {  	p1 =	sne.s32 s17, s7  }
.Ltmp1:
0x94: {  	_ = 	snop;
	(pc) =	sbr.rel @!p1 .LBB2_9-.Ltmp1, $3  }
0x95: {  	_ =	sdelay $0x1  }
0x96: {  	[sflag:s22] =	ssyncset.done $0x0  }
0x97: {  	[sflag:s22] =	ssyncadd.s32 $0xFFFFC400  }
.LBB2_1:
0x98: {  	[dreg:$0x12] =	wrdreg s17  }
0x99: {  	s7 =	rddreg [dreg:$0x4]  }
0x9a: {  	[tilespmem:s21], [sflag:$0x3] =	stream.linear.gather [hbm4b:s7+s4], $0x4000, $0x38;
	[tilespmem:$0x1C400] =	vst v63  }
0x9b: {  	_ =	swait.ge [sflag:s22], $0x4000  }
0x9c: {  	[sflag:s22] =	ssyncset.done $0x0  }
0x9d: {  	s17 =	rddreg [dreg:$0x5];
	[sflag:s22] =	ssyncadd.s32 $0xFFFFC000  }
0x9e: {  	[spmem:s17] =	stream.linear.scatter [tilespmem:s21], [sflag:$0x3], $0x4000, $0x38;
	[tilespmem:$0x1C400] =	vst v63  }
0x9f: {  	_ =	swait.ge [sflag:s22], $0x4000  }
0xa0: {  	[sflag:s22] =	ssyncset.done $0x0  }
0xa1: {  	[sflag:s22] =	ssyncadd.s32 $0xFFFFC000  }
0xa2: {  	[spmem:s8] =	stream.linear.scatter [tilespmem:s21], [sflag:$0x3], $0x4000, $0x38;
	[tilespmem:$0x1C400] =	vst v63  }
0xa3: {  	_ =	swait.ge [sflag:s22], $0x4000  }
0xa4: {  	[sflag:s22] =	ssyncset.done $0x0  }
0xa5: {  	s17 =	rddreg [dreg:$0x7];
	[sflag:s22] =	ssyncadd.s32 $0xFFFFC000  }
0xa6: {  	[spmem:s17] =	stream.linear.scatter [tilespmem:s21], [sflag:$0x3], $0x4000, $0x38;
	[tilespmem:$0x1C400] =	vst v63  }
0xa7: {  	_ =	swait.ge [sflag:s22], $0x4000  }
0xa8: {  	[sflag:s22] =	ssyncset.done $0x0  }
0xa9: {  	[sflag:s22] =	ssyncadd.s32 $0xFFFFC000  }
0xaa: {  	[spmem:s10] =	stream.linear.scatter [tilespmem:s21], [sflag:$0x3], $0x4000, $0x38;
	[tilespmem:$0x1C400] =	vst v63  }
0xab: {  	_ =	swait.ge [sflag:s22], $0x4000  }
0xac: {  	[sflag:s22] =	ssyncset.done $0x0  }
0xad: {  	[sflag:s22] =	ssyncadd.s32 $0xFFFFC000  }
0xae: {  	[spmem:s9] =	stream.linear.scatter [tilespmem:s21], [sflag:$0x3], $0x3C00, $0x38;
	[tilespmem:$0x1C400] =	vst v63  }
.Ltmp2:
0xaf: {  	_ =	swait.ge [sflag:s22], $0x3C00;
	(pc) =	sbr.rel @!p0 .LBB2_2-.Ltmp2, $3  }
0xb0: {  	[sflag:s22] =	ssyncset.done $0x0  }
0xb1: {  	[sflag:s22] =	ssyncadd.s32 $0xFFFFC400  }
0xb2: {  	[bflag:$0x0] =	sbarrier.arrive $0xFFFF;
	_ =	sdelay $0x1  }
0xb3: {  	s7 =	sadd.s32 $0x0, s20  }
0xb4: {  	[tilespmem:s4], [sflag:$0x3] =	stream.linear.gather [hbm4b:s7+s4], $0x400, $0x38;
	[tilespmem:$0x1C400] =	vst v63  }
0xb5: {  	_ =	swait.ge [sflag:s22], $0x400  }
0xb6: {  	[sflag:s22] =	ssyncset.done $0x0  }
0xb7: {  	s17 =	sadd.s32 $0x0, s18;
	[sflag:s22] =	ssyncadd.s32 $0xFFFFFC00  }
0xb8: {  	[tilespmem:s23], [sflag:$0x3] =	stream.linear.gather [hbm4b:s17+s4], $0x400, $0x38;
	[tilespmem:$0x1C400] =	vst v63  }
0xb9: {  	_ =	swait.ge [sflag:s22], $0x400  }
0xba: {  	[sflag:s22] =	ssyncset.done $0x0  }
0xbb: {  	[sflag:s22] =	ssyncadd.s32 $0xFFFFFC00  }
0xbc: {  	[tilespmem:s21], [sflag:$0x1] =	stream.indirect.gather [hbm4b:s1+s24], $0x80, s4, s24, $0xb8;
	[tilespmem:$0x1C400] =	vst v63  }
0xbd: {  	_ = 	snop  }
0xbe: {  	[tilespmem:s25], [sflag:$0x2] =	stream.indirect.gather [hbm4b:s1+s24], $0x80, s24, s24, $0xb8;
	[tilespmem:$0x1C400] =	vst v63  }
0xbf: {  	_ =	swait.ge [sflag:s26], $0x4000  }
0xc0: {  	[sflag:s26] =	ssyncset.done $0x0  }
0xc1: {  	[sflag:s26] =	ssyncadd.s32 $0xFFFFC000  }
0xc2: {  	[spmem:s3] =	stream.indirect.scatter.add.f32 [tilespmem:s21], [sflag:$0x3], $0x80, s23, s24, $0xb8;
	[tilespmem:$0x1C400] =	vst v63  }
0xc3: {  	_ =	swait.ge [sflag:s22], $0x4000  }
0xc4: {  	[sflag:s22] =	ssyncset.done $0x0  }
0xc5: {  	[sflag:s22] =	ssyncadd.s32 $0xFFFFC000  }
0xc6: {  	[tilespmem:s21], [sflag:$0x1] =	stream.indirect.gather [hbm4b:s1+s24], $0x80, s28, s24, $0xb8;
	[tilespmem:$0x1C400] =	vst v63  }
0xc7: {  	_ =	swait.ge [sflag:s29], $0x4000  }
0xc8: {  	[sflag:s29] =	ssyncset.done $0x0  }
0xc9: {  	[sflag:s29] =	ssyncadd.s32 $0xFFFFC000  }
0xca: {  	[spmem:s3] =	stream.indirect.scatter.add.f32 [tilespmem:s25], [sflag:$0x3], $0x80, s30, s24, $0xb8;
	[tilespmem:$0x1C400] =	vst v63  }
0xcb: {  	_ =	swait.ge [sflag:s22], $0x4000  }
0xcc: {  	[sflag:s22] =	ssyncset.done $0x0  }
0xcd: {  	[sflag:s22] =	ssyncadd.s32 $0xFFFFC000  }
0xce: {  	[tilespmem:s25], [sflag:$0x2] =	stream.indirect.gather [hbm4b:s1+s24], $0x80, s31, s24, $0xb8;
	[tilespmem:$0x1C400] =	vst v63  }
0xcf: {  	_ =	swait.ge [sflag:s26], $0x4000  }
0xd0: {  	[sflag:s26] =	ssyncset.done $0x0  }
0xd1: {  	[sflag:s26] =	ssyncadd.s32 $0xFFFFC000  }
0xd2: {  	[spmem:s3] =	stream.indirect.scatter.add.f32 [tilespmem:s21], [sflag:$0x3], $0x80, s0, s24, $0xb8;
	[tilespmem:$0x1C400] =	vst v63  }
0xd3: {  	_ =	swait.ge [sflag:s22], $0x4000  }
0xd4: {  	[sflag:s22] =	ssyncset.done $0x0  }
0xd5: {  	[sflag:s22] =	ssyncadd.s32 $0xFFFFC000  }
0xd6: {  	[tilespmem:s21], [sflag:$0x1] =	stream.indirect.gather [hbm4b:s1+s24], $0x80, s2, s24, $0xb8;
	[tilespmem:$0x1C400] =	vst v63  }
0xd7: {  	_ =	swait.ge [sflag:s29], $0x4000  }
0xd8: {  	[sflag:s29] =	ssyncset.done $0x0  }
0xd9: {  	[sflag:s29] =	ssyncadd.s32 $0xFFFFC000  }
0xda: {  	[spmem:s3] =	stream.indirect.scatter.add.f32 [tilespmem:s25], [sflag:$0x3], $0x80, s5, s24, $0xb8;
	[tilespmem:$0x1C400] =	vst v63  }
0xdb: {  	_ =	swait.ge [sflag:s22], $0x4000  }
0xdc: {  	[sflag:s22] =	ssyncset.done $0x0  }
0xdd: {  	[sflag:s22] =	ssyncadd.s32 $0xFFFFC000  }
0xde: {  	[tilespmem:s25], [sflag:$0x2] =	stream.indirect.gather [hbm4b:s1+s24], $0x80, s11, s24, $0xb8;
	[tilespmem:$0x1C400] =	vst v63  }
0xdf: {  	_ =	swait.ge [sflag:s26], $0x4000  }
0xe0: {  	[sflag:s26] =	ssyncset.done $0x0  }
0xe1: {  	[sflag:s26] =	ssyncadd.s32 $0xFFFFC000  }
0xe2: {  	[spmem:s3] =	stream.indirect.scatter.add.f32 [tilespmem:s21], [sflag:$0x3], $0x80, s12, s24, $0xb8;
	[tilespmem:$0x1C400] =	vst v63  }
0xe3: {  	_ =	swait.ge [sflag:s22], $0x4000  }
0xe4: {  	[sflag:s22] =	ssyncset.done $0x0  }
0xe5: {  	[sflag:s22] =	ssyncadd.s32 $0xFFFFC000  }
0xe6: {  	[tilespmem:s21], [sflag:$0x1] =	stream.indirect.gather [hbm4b:s1+s24], $0x80, s13, s24, $0xb8;
	[tilespmem:$0x1C400] =	vst v63  }
0xe7: {  	_ =	swait.ge [sflag:s29], $0x4000  }
0xe8: {  	[sflag:s29] =	ssyncset.done $0x0  }
0xe9: {  	[sflag:s29] =	ssyncadd.s32 $0xFFFFC000  }
0xea: {  	[spmem:s3] =	stream.indirect.scatter.add.f32 [tilespmem:s25], [sflag:$0x3], $0x80, s14, s24, $0xb8;
	[tilespmem:$0x1C400] =	vst v63  }
0xeb: {  	_ =	swait.ge [sflag:s22], $0x4000  }
0xec: {  	[sflag:s22] =	ssyncset.done $0x0  }
0xed: {  	[sflag:s22] =	ssyncadd.s32 $0xFFFFC000  }
0xee: {  	[tilespmem:s25], [sflag:$0x2] =	stream.indirect.gather [hbm4b:s1+s24], $0x80, s15, s24, $0xb8;
	[tilespmem:$0x1C400] =	vst v63  }
0xef: {  	_ =	swait.ge [sflag:s26], $0x4000  }
0xf0: {  	[sflag:s26] =	ssyncset.done $0x0  }
0xf1: {  	[sflag:s26] =	ssyncadd.s32 $0xFFFFC000  }
0xf2: {  	[spmem:s3] =	stream.indirect.scatter.add.f32 [tilespmem:s21], [sflag:$0x3], $0x80, s16, s24, $0xb8;
	[tilespmem:$0x1C400] =	vst v63  }
0xf3: {  	_ =	swait.ge [sflag:s22], $0x4000  }
0xf4: {  	[sflag:s22] =	ssyncset.done $0x0  }
0xf5: {  	[sflag:s22] =	ssyncadd.s32 $0xFFFFC000  }
0xf6: {  	_ =	swait.ge [sflag:s29], $0x4000  }
0xf7: {  	[sflag:s29] =	ssyncset.done $0x0  }
0xf8: {  	[sflag:s29] =	ssyncadd.s32 $0xFFFFC000  }
0xf9: {  	[spmem:s3] =	stream.indirect.scatter.add.f32 [tilespmem:s25], [sflag:$0x3], $0x80, s6, s24, $0xb8;
	[tilespmem:$0x1C400] =	vst v63  }
0xfa: {  	_ =	swait.ge [sflag:s22], $0x4000  }
0xfb: {  	s8 =	simm.s32 $0x80;
	s10 =	simm.s32 $0x100;
	[sflag:s22] =	ssyncset.done $0x0  }
.LBB2_6:
0xfc: {  	s7 =	sadd.s32 s8, s20  }
0xfd: {  	[sflag:s22] =	ssyncadd.s32 $0xFFFFC000;
	s17 =	smov.u32 s10;
	s9 =	sadd.s32 $0x80, s10  }
0xfe: {  	[tilespmem:s4], [sflag:$0x3] =	stream.linear.gather [hbm4b:s7+s4], $0x400, $0x38;
	[tilespmem:$0x1C400] =	vst v63  }
0xff: {  	p1 =	sne.s32 s10, $0x280;
	_ =	swait.ge [sflag:s22], $0x400  }
0x100: {  	[sflag:s22] =	ssyncset.done $0x0  }
0x101: {  	s7 =	sadd.s32 s8, s18;
	s8 =	smov.u32 s17;
	[sflag:s22] =	ssyncadd.s32 $0xFFFFFC00  }
0x102: {  	[tilespmem:s23], [sflag:$0x3] =	stream.linear.gather [hbm4b:s7+s4], $0x400, $0x38;
	[tilespmem:$0x1C400] =	vst v63  }
0x103: {  	_ =	swait.ge [sflag:s22], $0x400  }
0x104: {  	[sflag:s22] =	ssyncset.done $0x0  }
0x105: {  	[sflag:s22] =	ssyncadd.s32 $0xFFFFFC00  }
0x106: {  	[tilespmem:s21], [sflag:$0x1] =	stream.indirect.gather [hbm4b:s1+s24], $0x80, s4, s24, $0xb8;
	[tilespmem:$0x1C400] =	vst v63  }
0x107: {  	_ = 	snop  }
0x108: {  	[tilespmem:s25], [sflag:$0x2] =	stream.indirect.gather [hbm4b:s1+s24], $0x80, s24, s24, $0xb8;
	[tilespmem:$0x1C400] =	vst v63  }
0x109: {  	_ =	swait.ge [sflag:s26], $0x4000  }
0x10a: {  	[sflag:s26] =	ssyncset.done $0x0  }
0x10b: {  	[sflag:s26] =	ssyncadd.s32 $0xFFFFC000  }
0x10c: {  	[spmem:s3] =	stream.indirect.scatter.add.f32 [tilespmem:s21], [sflag:$0x3], $0x80, s23, s24, $0xb8;
	[tilespmem:$0x1C400] =	vst v63  }
0x10d: {  	_ =	swait.ge [sflag:s22], $0x4000  }
0x10e: {  	[sflag:s22] =	ssyncset.done $0x0  }
0x10f: {  	[sflag:s22] =	ssyncadd.s32 $0xFFFFC000  }
0x110: {  	[tilespmem:s21], [sflag:$0x1] =	stream.indirect.gather [hbm4b:s1+s24], $0x80, s28, s24, $0xb8;
	[tilespmem:$0x1C400] =	vst v63  }
0x111: {  	_ =	swait.ge [sflag:s29], $0x4000  }
0x112: {  	[sflag:s29] =	ssyncset.done $0x0  }
0x113: {  	[sflag:s29] =	ssyncadd.s32 $0xFFFFC000  }
0x114: {  	[spmem:s3] =	stream.indirect.scatter.add.f32 [tilespmem:s25], [sflag:$0x3], $0x80, s30, s24, $0xb8;
	[tilespmem:$0x1C400] =	vst v63  }
0x115: {  	_ =	swait.ge [sflag:s22], $0x4000  }
0x116: {  	[sflag:s22] =	ssyncset.done $0x0  }
0x117: {  	[sflag:s22] =	ssyncadd.s32 $0xFFFFC000  }
0x118: {  	[tilespmem:s25], [sflag:$0x2] =	stream.indirect.gather [hbm4b:s1+s24], $0x80, s31, s24, $0xb8;
	[tilespmem:$0x1C400] =	vst v63  }
0x119: {  	_ =	swait.ge [sflag:s26], $0x4000  }
0x11a: {  	[sflag:s26] =	ssyncset.done $0x0  }
0x11b: {  	[sflag:s26] =	ssyncadd.s32 $0xFFFFC000  }
0x11c: {  	[spmem:s3] =	stream.indirect.scatter.add.f32 [tilespmem:s21], [sflag:$0x3], $0x80, s0, s24, $0xb8;
	[tilespmem:$0x1C400] =	vst v63  }
0x11d: {  	_ =	swait.ge [sflag:s22], $0x4000  }
0x11e: {  	[sflag:s22] =	ssyncset.done $0x0  }
0x11f: {  	[sflag:s22] =	ssyncadd.s32 $0xFFFFC000  }
0x120: {  	[tilespmem:s21], [sflag:$0x1] =	stream.indirect.gather [hbm4b:s1+s24], $0x80, s2, s24, $0xb8;
	[tilespmem:$0x1C400] =	vst v63  }
0x121: {  	_ =	swait.ge [sflag:s29], $0x4000  }
0x122: {  	[sflag:s29] =	ssyncset.done $0x0  }
0x123: {  	[sflag:s29] =	ssyncadd.s32 $0xFFFFC000  }
0x124: {  	[spmem:s3] =	stream.indirect.scatter.add.f32 [tilespmem:s25], [sflag:$0x3], $0x80, s5, s24, $0xb8;
	[tilespmem:$0x1C400] =	vst v63  }
0x125: {  	_ =	swait.ge [sflag:s22], $0x4000  }
0x126: {  	[sflag:s22] =	ssyncset.done $0x0  }
0x127: {  	[sflag:s22] =	ssyncadd.s32 $0xFFFFC000  }
0x128: {  	[tilespmem:s25], [sflag:$0x2] =	stream.indirect.gather [hbm4b:s1+s24], $0x80, s11, s24, $0xb8;
	[tilespmem:$0x1C400] =	vst v63  }
0x129: {  	_ =	swait.ge [sflag:s26], $0x4000  }
0x12a: {  	[sflag:s26] =	ssyncset.done $0x0  }
0x12b: {  	[sflag:s26] =	ssyncadd.s32 $0xFFFFC000  }
0x12c: {  	[spmem:s3] =	stream.indirect.scatter.add.f32 [tilespmem:s21], [sflag:$0x3], $0x80, s12, s24, $0xb8;
	[tilespmem:$0x1C400] =	vst v63  }
0x12d: {  	_ =	swait.ge [sflag:s22], $0x4000  }
0x12e: {  	[sflag:s22] =	ssyncset.done $0x0  }
0x12f: {  	[sflag:s22] =	ssyncadd.s32 $0xFFFFC000  }
0x130: {  	[tilespmem:s21], [sflag:$0x1] =	stream.indirect.gather [hbm4b:s1+s24], $0x80, s13, s24, $0xb8;
	[tilespmem:$0x1C400] =	vst v63  }
0x131: {  	_ =	swait.ge [sflag:s29], $0x4000  }
0x132: {  	[sflag:s29] =	ssyncset.done $0x0  }
0x133: {  	[sflag:s29] =	ssyncadd.s32 $0xFFFFC000  }
0x134: {  	[spmem:s3] =	stream.indirect.scatter.add.f32 [tilespmem:s25], [sflag:$0x3], $0x80, s14, s24, $0xb8;
	[tilespmem:$0x1C400] =	vst v63  }
0x135: {  	_ =	swait.ge [sflag:s22], $0x4000  }
0x136: {  	[sflag:s22] =	ssyncset.done $0x0  }
0x137: {  	[sflag:s22] =	ssyncadd.s32 $0xFFFFC000  }
0x138: {  	[tilespmem:s25], [sflag:$0x2] =	stream.indirect.gather [hbm4b:s1+s24], $0x80, s15, s24, $0xb8;
	[tilespmem:$0x1C400] =	vst v63  }
0x139: {  	_ =	swait.ge [sflag:s26], $0x4000  }
0x13a: {  	[sflag:s26] =	ssyncset.done $0x0  }
0x13b: {  	[sflag:s26] =	ssyncadd.s32 $0xFFFFC000  }
0x13c: {  	[spmem:s3] =	stream.indirect.scatter.add.f32 [tilespmem:s21], [sflag:$0x3], $0x80, s16, s24, $0xb8;
	[tilespmem:$0x1C400] =	vst v63  }
0x13d: {  	_ =	swait.ge [sflag:s22], $0x4000  }
0x13e: {  	[sflag:s22] =	ssyncset.done $0x0  }
0x13f: {  	[sflag:s22] =	ssyncadd.s32 $0xFFFFC000  }
0x140: {  	_ =	swait.ge [sflag:s29], $0x4000  }
.Ltmp3:
0x141: {  	[sflag:s29] =	ssyncset.done $0x0;
	(pc) =	sbr.rel @p1 .LBB2_6-.Ltmp3, $4  }
0x142: {  	[sflag:s29] =	ssyncadd.s32 $0xFFFFC000  }
0x143: {  	[spmem:s3] =	stream.indirect.scatter.add.f32 [tilespmem:s25], [sflag:$0x3], $0x80, s6, s24, $0xb8;
	[tilespmem:$0x1C400] =	vst v63  }
0x144: {  	_ =	swait.ge [sflag:s22], $0x4000  }
0x145: {  	s10 =	smov.u32 s9;
	[sflag:s22] =	ssyncset.done $0x0  }
.Ltmp4:
0x146: {  	_ = 	snop;
	(pc) =	sbr.rel .LBB2_7-.Ltmp4, $1  }
0x147: {  	_ =	sdelay $0x3  }
.LBB2_2:
0x148: {  	s8 =	sadd.s32 $0x0, s19  }
0x149: {  	[tilespmem:s4], [sflag:$0x3] =	stream.linear.gather [hbm4b:s8+s4], $0x400, $0x38;
	[tilespmem:$0x1C400] =	vst v63  }
0x14a: {  	_ =	swait.ge [sflag:s22], $0x400  }
0x14b: {  	[sflag:s22] =	ssyncset.done $0x0;
	s18 =	rddreg [dreg:$0x10]  }
0x14c: {  	[sflag:s22] =	ssyncadd.s32 $0xFFFFFC00;
	s17 =	sadd.s32 $0x0, s18  }
0x14d: {  	[tilespmem:s23], [sflag:$0x3] =	stream.linear.gather [hbm4b:s17+s4], $0x400, $0x38;
	[tilespmem:$0x1C400] =	vst v63  }
0x14e: {  	_ =	swait.ge [sflag:s22], $0x400  }
0x14f: {  	[sflag:s22] =	ssyncset.done $0x0  }
0x150: {  	[sflag:s22] =	ssyncadd.s32 $0xFFFFFC00  }
0x151: {  	[tilespmem:s21], [sflag:$0x1] =	stream.indirect.gather [hbm4b:s1+s24], $0x80, s4, s24, $0xb8;
	[tilespmem:$0x1C400] =	vst v63  }
0x152: {  	_ = 	snop  }
0x153: {  	[tilespmem:s25], [sflag:$0x2] =	stream.indirect.gather [hbm4b:s1+s24], $0x80, s24, s24, $0xb8;
	[tilespmem:$0x1C400] =	vst v63  }
0x154: {  	_ =	swait.ge [sflag:s26], $0x4000  }
0x155: {  	[sflag:s26] =	ssyncset.done $0x0  }
0x156: {  	[sflag:s26] =	ssyncadd.s32 $0xFFFFC000  }
0x157: {  	[spmem:s3] =	stream.indirect.scatter.add.f32 [tilespmem:s21], [sflag:$0x3], $0x80, s23, s24, $0xb8;
	[tilespmem:$0x1C400] =	vst v63  }
0x158: {  	_ =	swait.ge [sflag:s22], $0x4000  }
0x159: {  	[sflag:s22] =	ssyncset.done $0x0  }
0x15a: {  	[sflag:s22] =	ssyncadd.s32 $0xFFFFC000  }
0x15b: {  	[tilespmem:s21], [sflag:$0x1] =	stream.indirect.gather [hbm4b:s1+s24], $0x80, s28, s24, $0xb8;
	[tilespmem:$0x1C400] =	vst v63  }
0x15c: {  	_ =	swait.ge [sflag:s29], $0x4000  }
0x15d: {  	[sflag:s29] =	ssyncset.done $0x0  }
0x15e: {  	[sflag:s29] =	ssyncadd.s32 $0xFFFFC000  }
0x15f: {  	[spmem:s3] =	stream.indirect.scatter.add.f32 [tilespmem:s25], [sflag:$0x3], $0x80, s30, s24, $0xb8;
	[tilespmem:$0x1C400] =	vst v63  }
0x160: {  	_ =	swait.ge [sflag:s22], $0x4000  }
0x161: {  	[sflag:s22] =	ssyncset.done $0x0  }
0x162: {  	[sflag:s22] =	ssyncadd.s32 $0xFFFFC000  }
0x163: {  	[tilespmem:s25], [sflag:$0x2] =	stream.indirect.gather [hbm4b:s1+s24], $0x80, s31, s24, $0xb8;
	[tilespmem:$0x1C400] =	vst v63  }
0x164: {  	_ =	swait.ge [sflag:s26], $0x4000  }
0x165: {  	[sflag:s26] =	ssyncset.done $0x0  }
0x166: {  	[sflag:s26] =	ssyncadd.s32 $0xFFFFC000  }
0x167: {  	[spmem:s3] =	stream.indirect.scatter.add.f32 [tilespmem:s21], [sflag:$0x3], $0x80, s0, s24, $0xb8;
	[tilespmem:$0x1C400] =	vst v63  }
0x168: {  	_ =	swait.ge [sflag:s22], $0x4000  }
0x169: {  	[sflag:s22] =	ssyncset.done $0x0  }
0x16a: {  	[sflag:s22] =	ssyncadd.s32 $0xFFFFC000  }
0x16b: {  	[tilespmem:s21], [sflag:$0x1] =	stream.indirect.gather [hbm4b:s1+s24], $0x80, s2, s24, $0xb8;
	[tilespmem:$0x1C400] =	vst v63  }
0x16c: {  	_ =	swait.ge [sflag:s29], $0x4000  }
0x16d: {  	[sflag:s29] =	ssyncset.done $0x0  }
0x16e: {  	[sflag:s29] =	ssyncadd.s32 $0xFFFFC000  }
0x16f: {  	[spmem:s3] =	stream.indirect.scatter.add.f32 [tilespmem:s25], [sflag:$0x3], $0x80, s5, s24, $0xb8;
	[tilespmem:$0x1C400] =	vst v63  }
0x170: {  	_ =	swait.ge [sflag:s22], $0x4000  }
0x171: {  	[sflag:s22] =	ssyncset.done $0x0  }
0x172: {  	[sflag:s22] =	ssyncadd.s32 $0xFFFFC000  }
0x173: {  	[tilespmem:s25], [sflag:$0x2] =	stream.indirect.gather [hbm4b:s1+s24], $0x80, s11, s24, $0xb8;
	[tilespmem:$0x1C400] =	vst v63  }
0x174: {  	_ =	swait.ge [sflag:s26], $0x4000  }
0x175: {  	[sflag:s26] =	ssyncset.done $0x0  }
0x176: {  	[sflag:s26] =	ssyncadd.s32 $0xFFFFC000  }
0x177: {  	[spmem:s3] =	stream.indirect.scatter.add.f32 [tilespmem:s21], [sflag:$0x3], $0x80, s12, s24, $0xb8;
	[tilespmem:$0x1C400] =	vst v63  }
0x178: {  	_ =	swait.ge [sflag:s22], $0x4000  }
0x179: {  	[sflag:s22] =	ssyncset.done $0x0  }
0x17a: {  	[sflag:s22] =	ssyncadd.s32 $0xFFFFC000  }
0x17b: {  	[tilespmem:s21], [sflag:$0x1] =	stream.indirect.gather [hbm4b:s1+s24], $0x80, s13, s24, $0xb8;
	[tilespmem:$0x1C400] =	vst v63  }
0x17c: {  	_ =	swait.ge [sflag:s29], $0x4000  }
0x17d: {  	[sflag:s29] =	ssyncset.done $0x0  }
0x17e: {  	[sflag:s29] =	ssyncadd.s32 $0xFFFFC000  }
0x17f: {  	[spmem:s3] =	stream.indirect.scatter.add.f32 [tilespmem:s25], [sflag:$0x3], $0x80, s14, s24, $0xb8;
	[tilespmem:$0x1C400] =	vst v63  }
0x180: {  	_ =	swait.ge [sflag:s22], $0x4000  }
0x181: {  	[sflag:s22] =	ssyncset.done $0x0  }
0x182: {  	[sflag:s22] =	ssyncadd.s32 $0xFFFFC000  }
0x183: {  	[tilespmem:s25], [sflag:$0x2] =	stream.indirect.gather [hbm4b:s1+s24], $0x80, s15, s24, $0xb8;
	[tilespmem:$0x1C400] =	vst v63  }
0x184: {  	_ =	swait.ge [sflag:s26], $0x4000  }
0x185: {  	[sflag:s26] =	ssyncset.done $0x0  }
0x186: {  	[sflag:s26] =	ssyncadd.s32 $0xFFFFC000  }
0x187: {  	[spmem:s3] =	stream.indirect.scatter.add.f32 [tilespmem:s21], [sflag:$0x3], $0x80, s16, s24, $0xb8;
	[tilespmem:$0x1C400] =	vst v63  }
0x188: {  	_ =	swait.ge [sflag:s22], $0x4000  }
0x189: {  	[sflag:s22] =	ssyncset.done $0x0  }
0x18a: {  	[sflag:s22] =	ssyncadd.s32 $0xFFFFC000  }
0x18b: {  	_ =	swait.ge [sflag:s29], $0x4000  }
0x18c: {  	[sflag:s29] =	ssyncset.done $0x0  }
0x18d: {  	[sflag:s29] =	ssyncadd.s32 $0xFFFFC000  }
0x18e: {  	[spmem:s3] =	stream.indirect.scatter.add.f32 [tilespmem:s25], [sflag:$0x3], $0x80, s6, s24, $0xb8;
	[tilespmem:$0x1C400] =	vst v63  }
0x18f: {  	_ =	swait.ge [sflag:s22], $0x4000  }
0x190: {  	s9 =	simm.s32 $0x100;
	s8 =	simm.s32 $0x80;
	[sflag:s22] =	ssyncset.done $0x0  }
.LBB2_3:
0x191: {  	s7 =	sadd.s32 s8, s19  }
0x192: {  	[sflag:s22] =	ssyncadd.s32 $0xFFFFC000;
	s17 =	smov.u32 s9;
	s10 =	sadd.s32 $0x80, s9  }
0x193: {  	[tilespmem:s4], [sflag:$0x3] =	stream.linear.gather [hbm4b:s7+s4], $0x400, $0x38;
	[tilespmem:$0x1C400] =	vst v63  }
0x194: {  	p1 =	seq.s32 s9, $0x680;
	_ =	swait.ge [sflag:s22], $0x400  }
0x195: {  	[sflag:s22] =	ssyncset.done $0x0  }
0x196: {  	s7 =	sadd.s32 s8, s18;
	s8 =	smov.u32 s17;
	[sflag:s22] =	ssyncadd.s32 $0xFFFFFC00  }
0x197: {  	[tilespmem:s23], [sflag:$0x3] =	stream.linear.gather [hbm4b:s7+s4], $0x400, $0x38;
	[tilespmem:$0x1C400] =	vst v63  }
0x198: {  	_ =	swait.ge [sflag:s22], $0x400  }
0x199: {  	[sflag:s22] =	ssyncset.done $0x0  }
0x19a: {  	[sflag:s22] =	ssyncadd.s32 $0xFFFFFC00  }
0x19b: {  	[tilespmem:s21], [sflag:$0x1] =	stream.indirect.gather [hbm4b:s1+s24], $0x80, s4, s24, $0xb8;
	[tilespmem:$0x1C400] =	vst v63  }
0x19c: {  	_ = 	snop  }
0x19d: {  	[tilespmem:s25], [sflag:$0x2] =	stream.indirect.gather [hbm4b:s1+s24], $0x80, s24, s24, $0xb8;
	[tilespmem:$0x1C400] =	vst v63  }
0x19e: {  	_ =	swait.ge [sflag:s26], $0x4000  }
0x19f: {  	[sflag:s26] =	ssyncset.done $0x0  }
0x1a0: {  	[sflag:s26] =	ssyncadd.s32 $0xFFFFC000  }
0x1a1: {  	[spmem:s3] =	stream.indirect.scatter.add.f32 [tilespmem:s21], [sflag:$0x3], $0x80, s23, s24, $0xb8;
	[tilespmem:$0x1C400] =	vst v63  }
0x1a2: {  	_ =	swait.ge [sflag:s22], $0x4000  }
0x1a3: {  	[sflag:s22] =	ssyncset.done $0x0  }
0x1a4: {  	[sflag:s22] =	ssyncadd.s32 $0xFFFFC000  }
0x1a5: {  	[tilespmem:s21], [sflag:$0x1] =	stream.indirect.gather [hbm4b:s1+s24], $0x80, s28, s24, $0xb8;
	[tilespmem:$0x1C400] =	vst v63  }
0x1a6: {  	_ =	swait.ge [sflag:s29], $0x4000  }
0x1a7: {  	[sflag:s29] =	ssyncset.done $0x0  }
0x1a8: {  	[sflag:s29] =	ssyncadd.s32 $0xFFFFC000  }
0x1a9: {  	[spmem:s3] =	stream.indirect.scatter.add.f32 [tilespmem:s25], [sflag:$0x3], $0x80, s30, s24, $0xb8;
	[tilespmem:$0x1C400] =	vst v63  }
0x1aa: {  	_ =	swait.ge [sflag:s22], $0x4000  }
0x1ab: {  	[sflag:s22] =	ssyncset.done $0x0  }
0x1ac: {  	[sflag:s22] =	ssyncadd.s32 $0xFFFFC000  }
0x1ad: {  	[tilespmem:s25], [sflag:$0x2] =	stream.indirect.gather [hbm4b:s1+s24], $0x80, s31, s24, $0xb8;
	[tilespmem:$0x1C400] =	vst v63  }
0x1ae: {  	_ =	swait.ge [sflag:s26], $0x4000  }
0x1af: {  	[sflag:s26] =	ssyncset.done $0x0  }
0x1b0: {  	[sflag:s26] =	ssyncadd.s32 $0xFFFFC000  }
0x1b1: {  	[spmem:s3] =	stream.indirect.scatter.add.f32 [tilespmem:s21], [sflag:$0x3], $0x80, s0, s24, $0xb8;
	[tilespmem:$0x1C400] =	vst v63  }
0x1b2: {  	_ =	swait.ge [sflag:s22], $0x4000  }
0x1b3: {  	[sflag:s22] =	ssyncset.done $0x0  }
0x1b4: {  	[sflag:s22] =	ssyncadd.s32 $0xFFFFC000  }
0x1b5: {  	[tilespmem:s21], [sflag:$0x1] =	stream.indirect.gather [hbm4b:s1+s24], $0x80, s2, s24, $0xb8;
	[tilespmem:$0x1C400] =	vst v63  }
0x1b6: {  	_ =	swait.ge [sflag:s29], $0x4000  }
0x1b7: {  	[sflag:s29] =	ssyncset.done $0x0  }
0x1b8: {  	[sflag:s29] =	ssyncadd.s32 $0xFFFFC000  }
0x1b9: {  	[spmem:s3] =	stream.indirect.scatter.add.f32 [tilespmem:s25], [sflag:$0x3], $0x80, s5, s24, $0xb8;
	[tilespmem:$0x1C400] =	vst v63  }
0x1ba: {  	_ =	swait.ge [sflag:s22], $0x4000  }
0x1bb: {  	[sflag:s22] =	ssyncset.done $0x0  }
0x1bc: {  	[sflag:s22] =	ssyncadd.s32 $0xFFFFC000  }
0x1bd: {  	[tilespmem:s25], [sflag:$0x2] =	stream.indirect.gather [hbm4b:s1+s24], $0x80, s11, s24, $0xb8;
	[tilespmem:$0x1C400] =	vst v63  }
0x1be: {  	_ =	swait.ge [sflag:s26], $0x4000  }
0x1bf: {  	[sflag:s26] =	ssyncset.done $0x0  }
0x1c0: {  	[sflag:s26] =	ssyncadd.s32 $0xFFFFC000  }
0x1c1: {  	[spmem:s3] =	stream.indirect.scatter.add.f32 [tilespmem:s21], [sflag:$0x3], $0x80, s12, s24, $0xb8;
	[tilespmem:$0x1C400] =	vst v63  }
0x1c2: {  	_ =	swait.ge [sflag:s22], $0x4000  }
0x1c3: {  	[sflag:s22] =	ssyncset.done $0x0  }
0x1c4: {  	[sflag:s22] =	ssyncadd.s32 $0xFFFFC000  }
0x1c5: {  	[tilespmem:s21], [sflag:$0x1] =	stream.indirect.gather [hbm4b:s1+s24], $0x80, s13, s24, $0xb8;
	[tilespmem:$0x1C400] =	vst v63  }
0x1c6: {  	_ =	swait.ge [sflag:s29], $0x4000  }
0x1c7: {  	[sflag:s29] =	ssyncset.done $0x0  }
0x1c8: {  	[sflag:s29] =	ssyncadd.s32 $0xFFFFC000  }
0x1c9: {  	[spmem:s3] =	stream.indirect.scatter.add.f32 [tilespmem:s25], [sflag:$0x3], $0x80, s14, s24, $0xb8;
	[tilespmem:$0x1C400] =	vst v63  }
0x1ca: {  	_ =	swait.ge [sflag:s22], $0x4000  }
0x1cb: {  	[sflag:s22] =	ssyncset.done $0x0  }
0x1cc: {  	[sflag:s22] =	ssyncadd.s32 $0xFFFFC000  }
0x1cd: {  	[tilespmem:s25], [sflag:$0x2] =	stream.indirect.gather [hbm4b:s1+s24], $0x80, s15, s24, $0xb8;
	[tilespmem:$0x1C400] =	vst v63  }
0x1ce: {  	_ =	swait.ge [sflag:s26], $0x4000  }
0x1cf: {  	[sflag:s26] =	ssyncset.done $0x0  }
0x1d0: {  	[sflag:s26] =	ssyncadd.s32 $0xFFFFC000  }
0x1d1: {  	[spmem:s3] =	stream.indirect.scatter.add.f32 [tilespmem:s21], [sflag:$0x3], $0x80, s16, s24, $0xb8;
	[tilespmem:$0x1C400] =	vst v63  }
0x1d2: {  	_ =	swait.ge [sflag:s22], $0x4000  }
0x1d3: {  	[sflag:s22] =	ssyncset.done $0x0  }
0x1d4: {  	[sflag:s22] =	ssyncadd.s32 $0xFFFFC000  }
0x1d5: {  	_ =	swait.ge [sflag:s29], $0x4000  }
.Ltmp5:
0x1d6: {  	[sflag:s29] =	ssyncset.done $0x0;
	(pc) =	sbr.rel @!p1 .LBB2_3-.Ltmp5, $4  }
0x1d7: {  	[sflag:s29] =	ssyncadd.s32 $0xFFFFC000  }
0x1d8: {  	[spmem:s3] =	stream.indirect.scatter.add.f32 [tilespmem:s25], [sflag:$0x3], $0x80, s6, s24, $0xb8;
	[tilespmem:$0x1C400] =	vst v63  }
0x1d9: {  	_ =	swait.ge [sflag:s22], $0x4000  }
0x1da: {  	s9 =	smov.u32 s10;
	[sflag:s22] =	ssyncset.done $0x0  }
0x1db: {  	s7 =	sadd.s32 s8, s19;
	[sflag:s22] =	ssyncadd.s32 $0xFFFFC000  }
0x1dc: {  	[tilespmem:s4], [sflag:$0x3] =	stream.linear.gather [hbm4b:s7+s4], $0x400, $0x38;
	[tilespmem:$0x1C400] =	vst v63  }
0x1dd: {  	_ =	swait.ge [sflag:s22], $0x400  }
0x1de: {  	[sflag:s22] =	ssyncset.done $0x0  }
0x1df: {  	s18 =	sadd.s32 s8, s18;
	[sflag:s22] =	ssyncadd.s32 $0xFFFFFC00  }
0x1e0: {  	[tilespmem:s23], [sflag:$0x3] =	stream.linear.gather [hbm4b:s18+s4], $0x400, $0x38;
	[tilespmem:$0x1C400] =	vst v63  }
0x1e1: {  	_ =	swait.ge [sflag:s22], $0x400  }
0x1e2: {  	[sflag:s22] =	ssyncset.done $0x0  }
0x1e3: {  	[sflag:s22] =	ssyncadd.s32 $0xFFFFFC00  }
0x1e4: {  	[tilespmem:s21], [sflag:$0x1] =	stream.indirect.gather [hbm4b:s1+s24], $0x80, s4, s24, $0xb8;
	[tilespmem:$0x1C400] =	vst v63  }
0x1e5: {  	_ = 	snop  }
0x1e6: {  	[tilespmem:s25], [sflag:$0x2] =	stream.indirect.gather [hbm4b:s1+s24], $0x80, s24, s24, $0xb8;
	[tilespmem:$0x1C400] =	vst v63  }
0x1e7: {  	_ =	swait.ge [sflag:s26], $0x4000  }
0x1e8: {  	[sflag:s26] =	ssyncset.done $0x0  }
0x1e9: {  	[sflag:s26] =	ssyncadd.s32 $0xFFFFC000  }
0x1ea: {  	[spmem:s3] =	stream.indirect.scatter.add.f32 [tilespmem:s21], [sflag:$0x3], $0x80, s23, s24, $0xb8;
	[tilespmem:$0x1C400] =	vst v63  }
0x1eb: {  	_ =	swait.ge [sflag:s22], $0x4000  }
0x1ec: {  	[sflag:s22] =	ssyncset.done $0x0  }
0x1ed: {  	[sflag:s22] =	ssyncadd.s32 $0xFFFFC000  }
0x1ee: {  	[tilespmem:s21], [sflag:$0x1] =	stream.indirect.gather [hbm4b:s1+s24], $0x80, s28, s24, $0xb8;
	[tilespmem:$0x1C400] =	vst v63  }
0x1ef: {  	_ =	swait.ge [sflag:s29], $0x4000  }
0x1f0: {  	[sflag:s29] =	ssyncset.done $0x0  }
0x1f1: {  	[sflag:s29] =	ssyncadd.s32 $0xFFFFC000  }
0x1f2: {  	[spmem:s3] =	stream.indirect.scatter.add.f32 [tilespmem:s25], [sflag:$0x3], $0x80, s30, s24, $0xb8;
	[tilespmem:$0x1C400] =	vst v63  }
0x1f3: {  	_ =	swait.ge [sflag:s22], $0x4000  }
0x1f4: {  	[sflag:s22] =	ssyncset.done $0x0  }
0x1f5: {  	[sflag:s22] =	ssyncadd.s32 $0xFFFFC000  }
0x1f6: {  	[tilespmem:s25], [sflag:$0x2] =	stream.indirect.gather [hbm4b:s1+s24], $0x80, s31, s24, $0xb8;
	[tilespmem:$0x1C400] =	vst v63  }
0x1f7: {  	_ =	swait.ge [sflag:s26], $0x4000  }
0x1f8: {  	[sflag:s26] =	ssyncset.done $0x0  }
0x1f9: {  	[sflag:s26] =	ssyncadd.s32 $0xFFFFC000  }
0x1fa: {  	[spmem:s3] =	stream.indirect.scatter.add.f32 [tilespmem:s21], [sflag:$0x3], $0x80, s0, s24, $0xb8;
	[tilespmem:$0x1C400] =	vst v63  }
0x1fb: {  	_ =	swait.ge [sflag:s22], $0x4000  }
0x1fc: {  	[sflag:s22] =	ssyncset.done $0x0  }
0x1fd: {  	[sflag:s22] =	ssyncadd.s32 $0xFFFFC000  }
0x1fe: {  	[tilespmem:s21], [sflag:$0x1] =	stream.indirect.gather [hbm4b:s1+s24], $0x80, s2, s24, $0xb8;
	[tilespmem:$0x1C400] =	vst v63  }
0x1ff: {  	_ =	swait.ge [sflag:s29], $0x4000  }
0x200: {  	[sflag:s29] =	ssyncset.done $0x0  }
0x201: {  	[sflag:s29] =	ssyncadd.s32 $0xFFFFC000  }
0x202: {  	[spmem:s3] =	stream.indirect.scatter.add.f32 [tilespmem:s25], [sflag:$0x3], $0x80, s5, s24, $0xb8;
	[tilespmem:$0x1C400] =	vst v63  }
0x203: {  	_ =	swait.ge [sflag:s22], $0x4000  }
0x204: {  	[sflag:s22] =	ssyncset.done $0x0  }
0x205: {  	[sflag:s22] =	ssyncadd.s32 $0xFFFFC000  }
0x206: {  	[tilespmem:s25], [sflag:$0x2] =	stream.indirect.gather [hbm4b:s1+s24], $0x80, s11, s24, $0xb8;
	[tilespmem:$0x1C400] =	vst v63  }
0x207: {  	_ =	swait.ge [sflag:s26], $0x4000  }
0x208: {  	[sflag:s26] =	ssyncset.done $0x0  }
0x209: {  	[sflag:s26] =	ssyncadd.s32 $0xFFFFC000  }
0x20a: {  	[spmem:s3] =	stream.indirect.scatter.add.f32 [tilespmem:s21], [sflag:$0x3], $0x80, s12, s24, $0xb8;
	[tilespmem:$0x1C400] =	vst v63  }
0x20b: {  	_ =	swait.ge [sflag:s22], $0x4000  }
0x20c: {  	[sflag:s22] =	ssyncset.done $0x0  }
0x20d: {  	[sflag:s22] =	ssyncadd.s32 $0xFFFFC000  }
0x20e: {  	[tilespmem:s21], [sflag:$0x1] =	stream.indirect.gather [hbm4b:s1+s24], $0x80, s13, s24, $0xb8;
	[tilespmem:$0x1C400] =	vst v63  }
0x20f: {  	_ =	swait.ge [sflag:s29], $0x4000  }
0x210: {  	[sflag:s29] =	ssyncset.done $0x0  }
0x211: {  	[sflag:s29] =	ssyncadd.s32 $0xFFFFC000  }
0x212: {  	[spmem:s3] =	stream.indirect.scatter.add.f32 [tilespmem:s25], [sflag:$0x3], $0x80, s14, s24, $0xb8;
	[tilespmem:$0x1C400] =	vst v63  }
0x213: {  	_ =	swait.ge [sflag:s22], $0x4000  }
0x214: {  	[sflag:s22] =	ssyncset.done $0x0  }
0x215: {  	[sflag:s22] =	ssyncadd.s32 $0xFFFFC000  }
0x216: {  	[tilespmem:s25], [sflag:$0x2] =	stream.indirect.gather [hbm4b:s1+s24], $0x80, s15, s24, $0xb8;
	[tilespmem:$0x1C400] =	vst v63  }
0x217: {  	_ =	swait.ge [sflag:s26], $0x4000  }
0x218: {  	[sflag:s26] =	ssyncset.done $0x0  }
0x219: {  	[sflag:s26] =	ssyncadd.s32 $0xFFFFC000  }
0x21a: {  	[spmem:s3] =	stream.indirect.scatter.add.f32 [tilespmem:s21], [sflag:$0x3], $0x80, s16, s24, $0xb8;
	[tilespmem:$0x1C400] =	vst v63  }
0x21b: {  	_ =	swait.ge [sflag:s22], $0x4000  }
0x21c: {  	[sflag:s22] =	ssyncset.done $0x0  }
0x21d: {  	[sflag:s22] =	ssyncadd.s32 $0xFFFFC000  }
0x21e: {  	_ =	swait.ge [sflag:s29], $0x4000  }
0x21f: {  	[sflag:s29] =	ssyncset.done $0x0  }
.Ltmp6:
0x220: {  	[sflag:s29] =	ssyncadd.s32 $0xFFFFC000;
	(pc) =	sbr.rel .LBB2_8-.Ltmp6, $4  }
0x221: {  	[spmem:s3] =	stream.indirect.scatter.add.f32 [tilespmem:s25], [sflag:$0x3], $0x80, s6, s24, $0xb8;
	[tilespmem:$0x1C400] =	vst v63  }
0x222: {  	_ =	swait.ge [sflag:s22], $0x4000  }
0x223: {  	[sflag:s22] =	ssyncset.done $0x0;
	s18 =	rddreg [dreg:$0x11]  }
0x224: {  	s17 =	rddreg [dreg:$0x12];
	[sflag:s22] =	ssyncadd.s32 $0xFFFFC000  }
.LBB2_9:
0x225: {  	_ =	sfence.sel $0x180000  }
0x226: {  	[bflag:$0x0] =	sbarrier.arrive $0xFFFF  }
0x227: {  	_ =	strace $0x9000004A  }
0x228: {  	s0 =	stileid.u32;
	[bflag:$0x2] =	sbarrier.arrive $0xFFFF  }
0x229: {  	p0 =	sne.s32 s0, $0x0;
	s0 =	rddreg [dreg:$0x3]  }
0x22a: {  	s0 =	sadd.s32 @!p0 $0x100000, s0  }
0x22b: {  	[sflag:s0] =	ssyncadd.tile.s32 @!p0 $0x1;
	_ =	shalt  }
.Lfunc_end2:
_tile_overlayer_lowered:
.L_overlay_start_2:
0x22c: {  	(tag) =	ssettag $0x2  }
0x22d: {  	s0 =	rddreg [dreg:$0x0];
	s2 =	stileid.u32  }
0x22e: {  	s1 =	rddreg [dreg:$0x1];
	p0 =	sne.s32 s2, $0x0  }
0x22f: {  	s3 =	rddreg [dreg:$0x2];
	[bflag:$0x3] =	sbarrier.arrive $0xFFFF;
	s2 =	simm.s32 @!p0 $0x1C03  }
0x230: {  	[timem:s3], [sflag:s2] =	dma.local @!p0 [hbm:s0], s1  }
0x231: {  	s0 =	simm.s32 @!p0 $0x3  }
0x232: {  	_ =	swait.ge @!p0 [sflag:s0], s1  }
0x233: {  	s1 =	ssub.s32 @!p0 $0x0, s1;
	[sflag:s0] =	ssyncset.done @!p0 $0x0  }
0x234: {  	[sflag:s0] =	ssyncadd.s32 @!p0 s1  }
0x235: {  	[bflag:$0x3] =	sbarrier.arrive $0xFFFF  }
0x236: {  	_ =	shalt  }

// kernel: kernel.13.cloned.1.call-start
scs
__scs_entry_jumppad:
0x0: {  	(pc) =	sbr.rel $0x88, $3  }
0x1: {  	(tag) =	ssettag $0x0;
	lr =	simm.s32 $0x1  }
0x2: {  	[smem:$0x3F99] =	sst lr;
	_ =	strace $0xD0000000  }
0x3: {  	_ = 	snop  }
0x4: {  	_ = 	snop  }
0x5: {  	_ = 	snop  }
0x6: {  	_ = 	snop  }
0x7: {  	_ = 	snop  }
__scs_overlays_trampoline_lowered:
0x8: {  	[smem:$0x3FA8] =	sst s0  }
0x9: {  	[smem:$0x3FA9] =	sst s1  }
0xa: {  	[smem:$0x3FAA] =	sst s2  }
0xb: {  	[smem:$0x3FAB] =	sst s3  }
0xc: {  	[smem:$0x3FAC] =	sst s4  }
0xd: {  	[smem:$0x3FAD] =	sst s5  }
0xe: {  	[smem:$0x3FAE] =	sst s6  }
0xf: {  	[smem:$0x3FAF] =	sst s7  }
0x10: {  	[smem:$0x3FB0] =	sst s8  }
0x11: {  	[smem:$0x3FB1] =	sst s9;
	s0 =	simm.s32 @!p0 $0x0  }
0x12: {  	s1 =	sld [smem:$0x3F97];
	s0 =	simm.s32 @p0 $0x1  }
0x13: {  	[smem:$0x3FB2] =	sst s0;
	s0 =	simm.s32 @!p1 $0x0  }
0x14: {  	s2 =	sld [smem:$0x3F96];
	s0 =	simm.s32 @p1 $0x1  }
0x15: {  	[smem:$0x3FB3] =	sst s0;
	s0 =	simm.s32 @!p2 $0x0  }
0x16: {  	s3 =	sld [smem:$0x3FDB];
	s0 =	simm.s32 @p2 $0x1  }
0x17: {  	s4 =	simm.s32 $0x1BF5;
	[smem:$0x3FB5] =	sst s0  }
0x18: {  	s0 =	sld [smem:$0x3F98];
	_ =	swait.ge [sflag:s4], $0x0  }
0x19: {  	s7 =	sld [smem:$0x3F99]  }
0x1a: {  	s8 =	sadd.s32 $0xFFFFE003, lr  }
0x1b: {  	s9 =	sadd.s32 $0xFFFFFEF7, lr;
	s5 =	simm.s32 $0xFFFFFFFF;
	p2 =	slt.u32 s8, $0xFFFFF086  }
0x1c: {  	p1 =	slt.u32 s9, $0xF7A;
	s5 =	simm.s32 @!p2 $0x0  }
0x1d: {  	s5 =	simm.s32 @p1 $0x1;
	p0 =	seq.s32 s7, s2  }
0x1e: {  	s7 =	smul.u32 @!p0 $0xF7A, s2;
	p2 =	seq.s32 @!p0 s5, $0x0  }
0x1f: {  	s9 =	smul.u32 $0xF7A, s1;
	s8 =	simm.s32 @!p0 $0x1BF5;
	p2 =	por !p2, p0  }
0x20: {  	[sflag:s8] =	ssyncset.s32 @!p0 $0xFFFFF086;
	s6 =	sadd.s32 @!p0 s3, s7;
	s7 =	simm.s32 @!p0 $0x108  }
0x21: {  	s3 =	sadd.s32 s3, s9;
	s6 =	sadd.s32 @!p0 $0x88, s6;
	s7 =	simm.s32 @p2 $0x1082  }
0x22: {  	[simem:s7], [sflag:s8] =	dma.local @!p0 [hbm:s6], $0xF7A  }
0x23: {  	s9 =	sor.u32 $0xD0000000, s2;
	s6 =	simm.s32 $0x108;
	_ =	swait.ge @!p0 [sflag:s8], $0x0  }
0x24: {  	s3 =	sadd.s32 $0x88, s3;
	s6 =	simm.s32 @!p1 $0x1082;
	[sflag:s4] =	ssyncset.s32 $0xFFFFF086  }
0x25: {  	[simem:s6], [sflag:s4] =	dma.local [hbm:s3], $0xF7A  }
0x26: {  	[smem:$0x3F99] =	sst s1;
	(tag) =	ssettag s2;
	_ =	strace s9  }
0x27: {  	s1 =	sld [smem:$0x3FA9]  }
0x28: {  	s2 =	sld [smem:$0x3FAA]  }
0x29: {  	s4 =	sld [smem:$0x3FAC]  }
0x2a: {  	p0 =	seq.s32 s5, $0x0;
	s5 =	sld [smem:$0x3FAD]  }
0x2b: {  	s6 =	sld [smem:$0x3FAE]  }
0x2c: {  	s7 =	sld [smem:$0x3FAF]  }
0x2d: {  	s3 =	simm.s32 $0x108;
	s8 =	sld [smem:$0x3FB0]  }
0x2e: {  	s3 =	simm.s32 @!p0 $0x1082;
	s9 =	sld [smem:$0x3FB1]  }
0x2f: {  	lr =	sadd.s32 s0, s3;
	s0 =	sld [smem:$0x3FA8]  }
0x30: {  	s3 =	sld [smem:$0x3FAB]  }
0x31: {  	[smem:$0x3FB4] =	sst s10  }
0x32: {  	s10 =	sld [smem:$0x3FB2];
	_ =	sdelay $0x3  }
0x33: {  	p0 =	seq.s32 s10, $0x1;
	s10 =	sld [smem:$0x3FB4];
	_ =	sdelay $0x3  }
0x34: {  	[smem:$0x3FB4] =	sst s10  }
0x35: {  	s10 =	sld [smem:$0x3FB3];
	_ =	sdelay $0x3  }
0x36: {  	p1 =	seq.s32 s10, $0x1;
	s10 =	sld [smem:$0x3FB4];
	_ =	sdelay $0x3  }
0x37: {  	[smem:$0x3FB4] =	sst s10  }
0x38: {  	s10 =	sld [smem:$0x3FB5]  }
0x39: {  	_ = 	snop;
	(pc) =	sbr.ind lr, $3  }
0x3a: {  	_ = 	snop  }
0x3b: {  	_ = 	snop  }
0x3c: {  	p2 =	seq.s32 s10, $0x1;
	s10 =	sld [smem:$0x3FB4]  }
0x3d: {  	_ =	shalt  }
0x3e: {  	_ =	shalt  }
0x3f: {  	_ =	shalt  }
0x40: {  	_ =	shalt  }
0x41: {  	_ =	shalt  }
0x42: {  	_ =	shalt  }
0x43: {  	_ =	shalt  }
0x44: {  	_ =	shalt  }
0x45: {  	_ =	shalt  }
0x46: {  	_ =	shalt  }
0x47: {  	_ =	shalt  }
0x48: {  	_ =	shalt  }
0x49: {  	_ =	shalt  }
0x4a: {  	_ =	shalt  }
0x4b: {  	_ =	shalt  }
0x4c: {  	_ =	shalt  }
0x4d: {  	_ =	shalt  }
0x4e: {  	_ =	shalt  }
0x4f: {  	_ =	shalt  }
0x50: {  	_ =	shalt  }
0x51: {  	_ =	shalt  }
0x52: {  	_ =	shalt  }
0x53: {  	_ =	shalt  }
0x54: {  	_ =	shalt  }
0x55: {  	_ =	shalt  }
0x56: {  	_ =	shalt  }
0x57: {  	_ =	shalt  }
0x58: {  	_ =	shalt  }
0x59: {  	_ =	shalt  }
0x5a: {  	_ =	shalt  }
0x5b: {  	_ =	shalt  }
0x5c: {  	_ =	shalt  }
0x5d: {  	_ =	shalt  }
0x5e: {  	_ =	shalt  }
0x5f: {  	_ =	shalt  }
0x60: {  	_ =	shalt  }
0x61: {  	_ =	shalt  }
0x62: {  	_ =	shalt  }
0x63: {  	_ =	shalt  }
0x64: {  	_ =	shalt  }
0x65: {  	_ =	shalt  }
0x66: {  	_ =	shalt  }
0x67: {  	_ =	shalt  }
0x68: {  	_ =	shalt  }
0x69: {  	_ =	shalt  }
0x6a: {  	_ =	shalt  }
0x6b: {  	_ =	shalt  }
0x6c: {  	_ =	shalt  }
0x6d: {  	_ =	shalt  }
0x6e: {  	_ =	shalt  }
0x6f: {  	_ =	shalt  }
0x70: {  	_ =	shalt  }
0x71: {  	_ =	shalt  }
0x72: {  	_ =	shalt  }
0x73: {  	_ =	shalt  }
0x74: {  	_ =	shalt  }
0x75: {  	_ =	shalt  }
0x76: {  	_ =	shalt  }
0x77: {  	_ =	shalt  }
0x78: {  	_ =	shalt  }
0x79: {  	_ =	shalt  }
0x7a: {  	_ =	shalt  }
0x7b: {  	_ =	shalt  }
0x7c: {  	_ =	shalt  }
0x7d: {  	_ =	shalt  }
0x7e: {  	_ =	shalt  }
0x7f: {  	_ =	shalt  }
0x80: {  	_ =	shalt  }
0x81: {  	_ =	shalt  }
0x82: {  	_ =	shalt  }
0x83: {  	_ =	shalt  }
0x84: {  	_ =	shalt  }
0x85: {  	_ =	shalt  }
0x86: {  	_ =	shalt  }
0x87: {  	_ =	shalt  }
.Lfunc_end0:
.L_simem_size_0:
called_computation.2_lowered:
.L_overlay_start_0:
0x88: {  	s2 =	sld [smem:$0x3FD9]  }
0x89: {  	s3 =	sld [smem:$0x3FFE];
	_ =	sdelay $0x1  }
0x8a: {  	s1 =	srdreg.scid  }
0x8b: {  	s0 =	sand.u32 $0x1, s1  }
0x8c: {  	s16 =	sshll.u32 s0, $0xA;
	s2 =	sadd.s32 s3, s2  }
0x8d: {  	s2 =	sadd.s32 s2, s16  }
0x8e: {  	[smem:$0x3FC0] =	sst s2  }
0x8f: {  	_ = 	snop  }
0x90: {  	(tm) =	ssettm $0x1  }
0x91: {  	s17 =	sld [smem:$0x3FFB];
	_ =	sdelay $0x3  }
0x92: {  	_ =	strace s17  }
0x93: {  	s2 =	sld [smem:$0x3FFC];
	_ =	sdelay $0x3  }
0x94: {  	_ =	strace s2  }
0x95: {  	s2 =	sld [smem:$0x3FFD];
	_ =	sdelay $0x3  }
0x96: {  	_ =	strace s2  }
0x97: {  	_ =	strace $0x8FFFFFFF  }
0x98: {  	s18 =	sld [smem:$0x3FDB];
	_ =	sdelay $0x1  }
0x99: {  	s19 =	simm.s32 $_scs_section_size  }
0x9a: {  	s4 =	simm.s32 $_size__tile_overlayer_lowered;
	s5 =	simm.s32 $_tile_overlayer_lowered  }
0x9b: {  	s22 =	simm.s32 $0x1BFF;
	s21 =	sshll.u32 s5, $0x1;
	s2 =	sadd.s32 s19, s18  }
0x9c: {  	s6 =	simm.s32 $0x0;
	s20 =	sshll.u32 s4, $0x1;
	s4 =	sadd.s32 s21, s2  }
0x9d: {  	[timem:s6], [sflag:s22] =	dma.local [hbm:s4], s20  }
0x9e: {  	_ =	swait.ge [sflag:s22], s20  }
0x9f: {  	s3 =	ssub.s32 $0x0, s20;
	[sflag:s22] =	ssyncset.done $0x0  }
0xa0: {  	[sflag:s22] =	ssyncadd.s32 s3;
	_ =	sdelay $0x1  }
0xa1: {  	s23 =	simm.s32 $0x1B8B  }
0xa2: {  	_ =	swait.ge [sflag:s23], $0x1  }
0xa3: {  	[sflag:s23] =	ssyncset.done $0x0  }
0xa4: {  	s25 =	simm.s32 $0x1B8E;
	s24 =	sld [smem:$0x3FFE];
	[sflag:s23] =	ssyncadd.s32 $0xFFFFFFFF  }
0xa5: {  	s26 =	simm.s32 $execute0_lowered;
	[smem:$0x3FD2] =	sst s25  }
0xa6: {  	s4 =	sshll.u32 s26, $0x1;
	_ =	strace $0x8000004C;
	[dreg:$0x1] =	wrdreg $0xFFFFFFFF  }
0xa7: {  	s28 =	simm.s32 $_size_execute0_lowered;
	s2 =	sadd.s32 s2, s4;
	[dreg:$0x0] =	wrdreg $0x0  }
0xa8: {  	s4 =	sshll.u32 s28, $0x1;
	[dreg:$0x2] =	wrdreg s2  }
0xa9: {  	[dreg:$0x3] =	wrdreg s4  }
0xaa: {  	[dreg:$0x4] =	wrdreg $0xC0  }
0xab: {  	_ =	task [dreg:s6], $0x5FFFF  }
0xac: {  	[dreg:$0x1] =	wrdreg $0xFFFFFFFF  }
0xad: {  	[dreg:$0x0] =	wrdreg $0x60  }
0xae: {  	[dreg:$0x2] =	wrdreg s24  }
0xaf: {  	[dreg:$0x3] =	wrdreg $0x88000  }
0xb0: {  	[dreg:$0x4] =	wrdreg $0x9  }
0xb1: {  	_ =	task.clear_ibuf [dreg:s6], $0x5FFFF;
	_ =	strace $0x9000004C  }
0xb2: {  	s29 =	simm.s32 $0x9;
	_ =	strace $0x8000004E  }
0xb3: {  	_ =	swait.ge [sflag:s29], $0x1  }
0xb4: {  	[sflag:s29] =	ssyncadd.s32 $0xFFFFFFFF  }
0xb5: {  	_ =	strace $0x9000004E  }
0xb6: {  	_ =	sfence  }
0xb7: {  	s30 =	sld [smem:$0x0];
	_ =	sdelay $0x2  }
0xb8: {  	s31 =	sshll.u32 s1, $0xD;
	s1 =	sshrl.u32 s1, $0x2  }
0xb9: {  	s3 =	sand.u32 $0x4000, s31;
	s1 =	sadd.s32 s1, s30  }
0xba: {  	s0 =	sor.u32 s3, s0;
	s1 =	sshll.u32 s1, $0x11  }
0xbb: {  	s0 =	sor.u32 s1, s0  }
0xbc: {  	s0 =	sadd.s32 $0x8F2B, s0  }
0xbd: {  	[sflag:s0] =	ssyncadd.remote.s32 $0x1  }
0xbe: {  	_ =	sfence.sel $0xFFFF  }
0xbf: {  	[dreg:$0x0] =	wrdreg $0xFFFFFFFF;
	(pc) =	sbr.abs _section_cstart, $3  }
0xc0: {  	[dreg:$0x1] =	wrdreg $0xFFFFFFFF  }
0xc1: {  	_ =	task.clear_ibuf [dreg:s6], $0x2FFFF;
	_ =	strace $0x9FFFFFFF  }
0xc2: {  	(tm) =	ssettm $0x7FFFFFFF  }
0xc3: {  	_ =	shalt  }
tec
execute0_lowered:
.L_overlay_start_1:
0x0: {  	(tag) =	ssettag $0x1  }
0x1: {  	s0 =	rddreg [dreg:$0x0]  }
0x2: {  	s2 =	rddreg [dreg:$0x1]  }
0x3: {  	s3 =	simm.s32 $0x0;
	s9 =	stileid.u32;
	s5 =	srdreg.scid  }
0x4: {  	s28 =	simm.s32 $0x100;
	s29 =	simm.s32 $0x2;
	s30 =	simm.s32 $0x480  }
0x5: {  	s31 =	simm.s32 $0x180;
	[smem:$0x7FF] =	sst s3;
	s1 =	smul.u32 $0xA00, s9  }
0x6: {  	s4 =	sadd.s32 $0x34000, s0;
	s5 =	sand.u32 $0x1, s5;
	s6 =	smul.u32 $0x4F000, s9  }
0x7: {  	s7 =	sadd.s32 $0xC800, s0;
	s9 =	smul.u32 $0x13C00, s9;
	_ =	strace $0x8000004D  }
0x8: {  	[dreg:$0x3] =	wrdreg s7;
	s26 =	ssub.s32 $0x2, s5;
	s10 =	smul.u32 $0x13C000, s5  }
0x9: {  	p0 =	seq.s32 s5, $0x1;
	s1 =	sadd.s32 s1, s0;
	s8 =	sshrl.u32 s26, $0x1  }
0xa: {  	s6 =	sshrl.u32 s6, $0x2;
	s0 =	sadd.s32 $0x8D000, s0;
	s14 =	sadd.s32 $0x8000, s9  }
0xb: {  	s11 =	sadd.s32 $0xC000, s9;
	s12 =	sadd.s32 $0x10000, s9;
	s16 =	ssub.s32 s26, s8  }
0xc: {  	s6 =	sadd.s32 s6, s2;
	s8 =	sadd.s32 $0x4000, s9;
	s17 =	sadd.s32 s14, s2  }
0xd: {  	s15 =	sadd.s32 s11, s2;
	s9 =	sadd.s32 s9, s10;
	s7 =	sadd.s32 s12, s2  }
0xe: {  	s20 =	sadd.s32 s10, s14;
	s21 =	sadd.s32 s10, s11;
	s22 =	sadd.s32 s10, s12  }
0xf: {  	s26 =	sadd.s32 $0x2800, s1;
	s11 =	simm.s32 $0x280;
	s12 =	simm.s32 $0x600  }
0x10: {  	s14 =	simm.s32 $0x680;
	[dreg:$0x4] =	wrdreg s6;
	s13 =	sadd.s32 s8, s2  }
0x11: {  	[dreg:$0x6] =	wrdreg s17;
	s9 =	sshrl.u32 s9, $0x3;
	s6 =	sadd.s32 s10, s8  }
0x12: {  	s10 =	smov.u32 s15;
	s24 =	sshrl.u32 s22, $0x3;
	s25 =	smax.u32 s16, $0x1  }
0x13: {  	[dreg:$0xf] =	wrdreg s26;
	s22 =	simm.s32 $0x3;
	s26 =	simm.s32 $0x1  }
0x14: {  	s15 =	simm.s32 $0x380;
	s16 =	simm.s32 $0x700;
	s17 =	simm.s32 $0x0  }
0x15: {  	[dreg:$0x8] =	wrdreg s7;
	s18 =	sadd.s32 s0, s9;
	s19 =	sshrl.u32 s6, $0x3  }
0x16: {  	s6 =	sshrl.u32 s21, $0x3;
	s8 =	smov.u32 s13;
	[dreg:$0xe] =	wrdreg s25  }
0x17: {  	s21 =	simm.s32 $0x800;
	s25 =	simm.s32 $0x4800;
	[dreg:$0x7] =	wrdreg s10  }
0x18: {  	s13 =	simm.s32 $0x300;
	s9 =	smov.u32 s7;
	[dreg:$0x9] =	wrdreg s18  }
0x19: {  	s5 =	sadd.s32 s0, s19;
	s23 =	sadd.s32 s0, s6;
	s19 =	sadd.s32 $0x83000, s1  }
0x1a: {  	s18 =	sadd.s32 $0x2F00, s1;
	s6 =	simm.s32 $0x780;
	[dreg:$0x5] =	wrdreg s8  }
.Ltmp0:
0x1b: {  	[dreg:$0xa] =	wrdreg s5;
	s5 =	sshrl.u32 s20, $0x3;
	(pc) =	sbr.rel .LBB2_1-.Ltmp0, $4  }
0x1c: {  	[dreg:$0xc] =	wrdreg s23;
	s20 =	sadd.s32 $0x83700, s1;
	s23 =	simm.s32 $0x400  }
0x1d: {  	s1 =	simm.s32 $0x200;
	[dreg:$0x10] =	wrdreg s18;
	s5 =	sadd.s32 s0, s5  }
0x1e: {  	s0 =	sadd.s32 s0, s24;
	s24 =	simm.s32 $0x80;
	[dreg:$0xb] =	wrdreg s5  }
0x1f: {  	[dreg:$0xd] =	wrdreg s0;
	s0 =	simm.s32 $0x500;
	s5 =	simm.s32 $0x580  }
.LBB2_7:
0x20: {  	s7 =	sadd.s32 s8, s20;
	[sflag:s22] =	ssyncadd.s32 $0xFFFFC000  }
0x21: {  	[tilespmem:s3], [sflag:$0x3] =	stream.linear.gather [hbm4b:s7+s3], $0x400, $0x38;
	[tilespmem:$0x1C400] =	vst v63  }
0x22: {  	_ =	swait.ge [sflag:s22], $0x400  }
0x23: {  	[sflag:s22] =	ssyncset.done $0x0  }
0x24: {  	s17 =	sadd.s32 s8, s18;
	[sflag:s22] =	ssyncadd.s32 $0xFFFFFC00  }
0x25: {  	[tilespmem:s23], [sflag:$0x3] =	stream.linear.gather [hbm4b:s17+s3], $0x400, $0x38;
	[tilespmem:$0x1C400] =	vst v63  }
0x26: {  	_ =	swait.ge [sflag:s22], $0x400  }
0x27: {  	[sflag:s22] =	ssyncset.done $0x0  }
0x28: {  	[sflag:s22] =	ssyncadd.s32 $0xFFFFFC00  }
0x29: {  	[tilespmem:s21], [sflag:$0x1] =	stream.indirect.gather [hbm4b:s4+s24], $0x80, s3, s24, $0xb8;
	[tilespmem:$0x1C400] =	vst v63  }
0x2a: {  	_ = 	snop  }
0x2b: {  	[tilespmem:s25], [sflag:$0x2] =	stream.indirect.gather [hbm4b:s4+s24], $0x80, s24, s24, $0xb8;
	[tilespmem:$0x1C400] =	vst v63  }
0x2c: {  	_ =	swait.ge [sflag:s26], $0x4000  }
0x2d: {  	[sflag:s26] =	ssyncset.done $0x0  }
0x2e: {  	[sflag:s26] =	ssyncadd.s32 $0xFFFFC000  }
0x2f: {  	[spmem:s2] =	stream.indirect.scatter.add.f32 [tilespmem:s21], [sflag:$0x3], $0x80, s23, s24, $0xb8;
	[tilespmem:$0x1C400] =	vst v63  }
0x30: {  	_ =	swait.ge [sflag:s22], $0x4000  }
0x31: {  	[sflag:s22] =	ssyncset.done $0x0  }
0x32: {  	[sflag:s22] =	ssyncadd.s32 $0xFFFFC000  }
0x33: {  	[tilespmem:s21], [sflag:$0x1] =	stream.indirect.gather [hbm4b:s4+s24], $0x80, s28, s24, $0xb8;
	[tilespmem:$0x1C400] =	vst v63  }
0x34: {  	_ =	swait.ge [sflag:s29], $0x4000  }
0x35: {  	[sflag:s29] =	ssyncset.done $0x0  }
0x36: {  	[sflag:s29] =	ssyncadd.s32 $0xFFFFC000  }
0x37: {  	[spmem:s2] =	stream.indirect.scatter.add.f32 [tilespmem:s25], [sflag:$0x3], $0x80, s30, s24, $0xb8;
	[tilespmem:$0x1C400] =	vst v63  }
0x38: {  	_ =	swait.ge [sflag:s22], $0x4000  }
0x39: {  	[sflag:s22] =	ssyncset.done $0x0  }
0x3a: {  	[sflag:s22] =	ssyncadd.s32 $0xFFFFC000  }
0x3b: {  	[tilespmem:s25], [sflag:$0x2] =	stream.indirect.gather [hbm4b:s4+s24], $0x80, s31, s24, $0xb8;
	[tilespmem:$0x1C400] =	vst v63  }
0x3c: {  	_ =	swait.ge [sflag:s26], $0x4000  }
0x3d: {  	[sflag:s26] =	ssyncset.done $0x0  }
0x3e: {  	[sflag:s26] =	ssyncadd.s32 $0xFFFFC000  }
0x3f: {  	[spmem:s2] =	stream.indirect.scatter.add.f32 [tilespmem:s21], [sflag:$0x3], $0x80, s0, s24, $0xb8;
	[tilespmem:$0x1C400] =	vst v63  }
0x40: {  	_ =	swait.ge [sflag:s22], $0x4000  }
0x41: {  	[sflag:s22] =	ssyncset.done $0x0  }
0x42: {  	[sflag:s22] =	ssyncadd.s32 $0xFFFFC000  }
0x43: {  	[tilespmem:s21], [sflag:$0x1] =	stream.indirect.gather [hbm4b:s4+s24], $0x80, s1, s24, $0xb8;
	[tilespmem:$0x1C400] =	vst v63  }
0x44: {  	_ =	swait.ge [sflag:s29], $0x4000  }
0x45: {  	[sflag:s29] =	ssyncset.done $0x0  }
0x46: {  	[sflag:s29] =	ssyncadd.s32 $0xFFFFC000  }
0x47: {  	[spmem:s2] =	stream.indirect.scatter.add.f32 [tilespmem:s25], [sflag:$0x3], $0x80, s5, s24, $0xb8;
	[tilespmem:$0x1C400] =	vst v63  }
0x48: {  	_ =	swait.ge [sflag:s22], $0x4000  }
0x49: {  	[sflag:s22] =	ssyncset.done $0x0  }
0x4a: {  	[sflag:s22] =	ssyncadd.s32 $0xFFFFC000  }
0x4b: {  	[tilespmem:s25], [sflag:$0x2] =	stream.indirect.gather [hbm4b:s4+s24], $0x80, s11, s24, $0xb8;
	[tilespmem:$0x1C400] =	vst v63  }
0x4c: {  	_ =	swait.ge [sflag:s26], $0x4000  }
0x4d: {  	[sflag:s26] =	ssyncset.done $0x0  }
0x4e: {  	[sflag:s26] =	ssyncadd.s32 $0xFFFFC000  }
0x4f: {  	[spmem:s2] =	stream.indirect.scatter.add.f32 [tilespmem:s21], [sflag:$0x3], $0x80, s12, s24, $0xb8;
	[tilespmem:$0x1C400] =	vst v63  }
0x50: {  	_ =	swait.ge [sflag:s22], $0x4000  }
0x51: {  	[sflag:s22] =	ssyncset.done $0x0  }
0x52: {  	[sflag:s22] =	ssyncadd.s32 $0xFFFFC000  }
0x53: {  	[tilespmem:s21], [sflag:$0x1] =	stream.indirect.gather [hbm4b:s4+s24], $0x80, s13, s24, $0xb8;
	[tilespmem:$0x1C400] =	vst v63  }
0x54: {  	_ =	swait.ge [sflag:s29], $0x4000  }
0x55: {  	[sflag:s29] =	ssyncset.done $0x0  }
0x56: {  	[sflag:s29] =	ssyncadd.s32 $0xFFFFC000  }
0x57: {  	[spmem:s2] =	stream.indirect.scatter.add.f32 [tilespmem:s25], [sflag:$0x3], $0x80, s14, s24, $0xb8;
	[tilespmem:$0x1C400] =	vst v63  }
0x58: {  	_ =	swait.ge [sflag:s22], $0x4000  }
0x59: {  	[sflag:s22] =	ssyncset.done $0x0  }
0x5a: {  	[sflag:s22] =	ssyncadd.s32 $0xFFFFC000  }
0x5b: {  	[tilespmem:s25], [sflag:$0x2] =	stream.indirect.gather [hbm4b:s4+s24], $0x80, s15, s24, $0xb8;
	[tilespmem:$0x1C400] =	vst v63  }
0x5c: {  	_ =	swait.ge [sflag:s26], $0x4000  }
0x5d: {  	[sflag:s26] =	ssyncset.done $0x0  }
0x5e: {  	[sflag:s26] =	ssyncadd.s32 $0xFFFFC000  }
0x5f: {  	[spmem:s2] =	stream.indirect.scatter.add.f32 [tilespmem:s21], [sflag:$0x3], $0x80, s16, s24, $0xb8;
	[tilespmem:$0x1C400] =	vst v63  }
0x60: {  	_ =	swait.ge [sflag:s22], $0x4000  }
0x61: {  	[sflag:s22] =	ssyncset.done $0x0  }
0x62: {  	[sflag:s22] =	ssyncadd.s32 $0xFFFFC000  }
0x63: {  	_ =	swait.ge [sflag:s29], $0x4000  }
0x64: {  	[sflag:s29] =	ssyncset.done $0x0  }
0x65: {  	[sflag:s29] =	ssyncadd.s32 $0xFFFFC000  }
0x66: {  	[spmem:s2] =	stream.indirect.scatter.add.f32 [tilespmem:s25], [sflag:$0x3], $0x80, s6, s24, $0xb8;
	[tilespmem:$0x1C400] =	vst v63  }
0x67: {  	_ =	swait.ge [sflag:s22], $0x4000  }
0x68: {  	[sflag:s22] =	ssyncset.done $0x0  }
0x69: {  	s17 =	rddreg [dreg:$0x11];
	[sflag:s22] =	ssyncadd.s32 $0xFFFFC000  }
.LBB2_8:
0x6a: {  	[bflag:$0x0] =	sbarrier.arrive $0xFFFF  }
0x6b: {  	s7 =	rddreg [dreg:$0x4]  }
0x6c: {  	[tilespmem:s21], [sflag:$0x3] =	stream.linear.gather [spmem:s7], $0x4000, $0x38;
	[tilespmem:$0x1C400] =	vst v63  }
0x6d: {  	_ =	swait.ge [sflag:s22], $0x4000  }
0x6e: {  	[sflag:s22] =	ssyncset.done $0x0  }
0x6f: {  	s9 =	rddreg [dreg:$0x9];
	[sflag:s22] =	ssyncadd.s32 $0xFFFFC000  }
0x70: {  	[hbm4b:s9+s3] =	stream.linear.scatter [tilespmem:s21], [sflag:$0x3], $0x4000, $0x38;
	[tilespmem:$0x1C400] =	vst v63  }
0x71: {  	_ =	swait.ge [sflag:s22], $0x4000  }
0x72: {  	[sflag:s22] =	ssyncset.done $0x0  }
0x73: {  	s8 =	rddreg [dreg:$0x5];
	[sflag:s22] =	ssyncadd.s32 $0xFFFFC000  }
0x74: {  	[tilespmem:s21], [sflag:$0x3] =	stream.linear.gather [spmem:s8], $0x4000, $0x38;
	[tilespmem:$0x1C400] =	vst v63  }
0x75: {  	_ =	swait.ge [sflag:s22], $0x4000  }
0x76: {  	[sflag:s22] =	ssyncset.done $0x0  }
0x77: {  	s10 =	rddreg [dreg:$0xa];
	[sflag:s22] =	ssyncadd.s32 $0xFFFFC000  }
0x78: {  	[hbm4b:s10+s3] =	stream.linear.scatter [tilespmem:s21], [sflag:$0x3], $0x4000, $0x38;
	[tilespmem:$0x1C400] =	vst v63  }
0x79: {  	_ =	swait.ge [sflag:s22], $0x4000  }
0x7a: {  	[sflag:s22] =	ssyncset.done $0x0  }
0x7b: {  	s9 =	rddreg [dreg:$0x6];
	[sflag:s22] =	ssyncadd.s32 $0xFFFFC000  }
0x7c: {  	[tilespmem:s21], [sflag:$0x3] =	stream.linear.gather [spmem:s9], $0x4000, $0x38;
	[tilespmem:$0x1C400] =	vst v63  }
0x7d: {  	_ =	swait.ge [sflag:s22], $0x4000  }
0x7e: {  	[sflag:s22] =	ssyncset.done $0x0  }
0x7f: {  	s10 =	rddreg [dreg:$0xb];
	[sflag:s22] =	ssyncadd.s32 $0xFFFFC000  }
0x80: {  	[hbm4b:s10+s3] =	stream.linear.scatter [tilespmem:s21], [sflag:$0x3], $0x4000, $0x38;
	[tilespmem:$0x1C400] =	vst v63  }
0x81: {  	_ =	swait.ge [sflag:s22], $0x4000  }
0x82: {  	[sflag:s22] =	ssyncset.done $0x0  }
0x83: {  	s10 =	rddreg [dreg:$0x7];
	[sflag:s22] =	ssyncadd.s32 $0xFFFFC000  }
0x84: {  	[tilespmem:s21], [sflag:$0x3] =	stream.linear.gather [spmem:s10], $0x4000, $0x38;
	[tilespmem:$0x1C400] =	vst v63  }
0x85: {  	_ =	swait.ge [sflag:s22], $0x4000  }
0x86: {  	[sflag:s22] =	ssyncset.done $0x0  }
0x87: {  	s9 =	rddreg [dreg:$0xc];
	[sflag:s22] =	ssyncadd.s32 $0xFFFFC000  }
0x88: {  	[hbm4b:s9+s3] =	stream.linear.scatter [tilespmem:s21], [sflag:$0x3], $0x4000, $0x38;
	[tilespmem:$0x1C400] =	vst v63  }
0x89: {  	_ =	swait.ge [sflag:s22], $0x4000  }
0x8a: {  	[sflag:s22] =	ssyncset.done $0x0  }
0x8b: {  	s7 =	rddreg [dreg:$0x8];
	[sflag:s22] =	ssyncadd.s32 $0xFFFFC000  }
0x8c: {  	[tilespmem:s21], [sflag:$0x3] =	stream.linear.gather [spmem:s7], $0x3C00, $0x38;
	[tilespmem:$0x1C400] =	vst v63  }
0x8d: {  	_ =	swait.ge [sflag:s22], $0x3C00  }
0x8e: {  	[sflag:s22] =	ssyncset.done $0x0  }
0x8f: {  	s9 =	smov.u32 s7;
	s7 =	rddreg [dreg:$0xd];
	[sflag:s22] =	ssyncadd.s32 $0xFFFFC400  }
0x90: {  	[hbm4b:s7+s3] =	stream.linear.scatter [tilespmem:s21], [sflag:$0x3], $0x3C00, $0x38;
	[tilespmem:$0x1C400] =	vst v63  }
0x91: {  	_ =	swait.ge [sflag:s22], $0x3C00  }
0x92: {  	s17 =	sadd.s32 $0x1, s17;
	s7 =	rddreg [dreg:$0xe]  }
0x93: {  	p1 =	sne.s32 s17, s7  }
.Ltmp1:
0x94: {  	_ = 	snop;
	(pc) =	sbr.rel @!p1 .LBB2_9-.Ltmp1, $3  }
0x95: {  	_ =	sdelay $0x1  }
0x96: {  	[sflag:s22] =	ssyncset.done $0x0  }
0x97: {  	[sflag:s22] =	ssyncadd.s32 $0xFFFFC400  }
.LBB2_1:
0x98: {  	[dreg:$0x11] =	wrdreg s17  }
0x99: {  	s7 =	rddreg [dreg:$0x3]  }
0x9a: {  	[tilespmem:s21], [sflag:$0x3] =	stream.linear.gather [hbm4b:s7+s3], $0x4000, $0x38;
	[tilespmem:$0x1C400] =	vst v63  }
0x9b: {  	_ =	swait.ge [sflag:s22], $0x4000  }
0x9c: {  	[sflag:s22] =	ssyncset.done $0x0  }
0x9d: {  	s17 =	rddreg [dreg:$0x4];
	[sflag:s22] =	ssyncadd.s32 $0xFFFFC000  }
0x9e: {  	[spmem:s17] =	stream.linear.scatter [tilespmem:s21], [sflag:$0x3], $0x4000, $0x38;
	[tilespmem:$0x1C400] =	vst v63  }
0x9f: {  	_ =	swait.ge [sflag:s22], $0x4000  }
0xa0: {  	[sflag:s22] =	ssyncset.done $0x0  }
0xa1: {  	[sflag:s22] =	ssyncadd.s32 $0xFFFFC000  }
0xa2: {  	[spmem:s8] =	stream.linear.scatter [tilespmem:s21], [sflag:$0x3], $0x4000, $0x38;
	[tilespmem:$0x1C400] =	vst v63  }
0xa3: {  	_ =	swait.ge [sflag:s22], $0x4000  }
0xa4: {  	[sflag:s22] =	ssyncset.done $0x0  }
0xa5: {  	s17 =	rddreg [dreg:$0x6];
	[sflag:s22] =	ssyncadd.s32 $0xFFFFC000  }
0xa6: {  	[spmem:s17] =	stream.linear.scatter [tilespmem:s21], [sflag:$0x3], $0x4000, $0x38;
	[tilespmem:$0x1C400] =	vst v63  }
0xa7: {  	_ =	swait.ge [sflag:s22], $0x4000  }
0xa8: {  	[sflag:s22] =	ssyncset.done $0x0  }
0xa9: {  	[sflag:s22] =	ssyncadd.s32 $0xFFFFC000  }
0xaa: {  	[spmem:s10] =	stream.linear.scatter [tilespmem:s21], [sflag:$0x3], $0x4000, $0x38;
	[tilespmem:$0x1C400] =	vst v63  }
0xab: {  	_ =	swait.ge [sflag:s22], $0x4000  }
0xac: {  	[sflag:s22] =	ssyncset.done $0x0  }
0xad: {  	[sflag:s22] =	ssyncadd.s32 $0xFFFFC000  }
0xae: {  	[spmem:s9] =	stream.linear.scatter [tilespmem:s21], [sflag:$0x3], $0x3C00, $0x38;
	[tilespmem:$0x1C400] =	vst v63  }
.Ltmp2:
0xaf: {  	_ =	swait.ge [sflag:s22], $0x3C00;
	(pc) =	sbr.rel @!p0 .LBB2_2-.Ltmp2, $3  }
0xb0: {  	[sflag:s22] =	ssyncset.done $0x0  }
0xb1: {  	[sflag:s22] =	ssyncadd.s32 $0xFFFFC400  }
0xb2: {  	[bflag:$0x0] =	sbarrier.arrive $0xFFFF;
	_ =	sdelay $0x1  }
0xb3: {  	s7 =	sadd.s32 $0x0, s20  }
0xb4: {  	[tilespmem:s3], [sflag:$0x3] =	stream.linear.gather [hbm4b:s7+s3], $0x400, $0x38;
	[tilespmem:$0x1C400] =	vst v63  }
0xb5: {  	_ =	swait.ge [sflag:s22], $0x400  }
0xb6: {  	[sflag:s22] =	ssyncset.done $0x0  }
0xb7: {  	s17 =	sadd.s32 $0x0, s18;
	[sflag:s22] =	ssyncadd.s32 $0xFFFFFC00  }
0xb8: {  	[tilespmem:s23], [sflag:$0x3] =	stream.linear.gather [hbm4b:s17+s3], $0x400, $0x38;
	[tilespmem:$0x1C400] =	vst v63  }
0xb9: {  	_ =	swait.ge [sflag:s22], $0x400  }
0xba: {  	[sflag:s22] =	ssyncset.done $0x0  }
0xbb: {  	[sflag:s22] =	ssyncadd.s32 $0xFFFFFC00  }
0xbc: {  	[tilespmem:s21], [sflag:$0x1] =	stream.indirect.gather [hbm4b:s4+s24], $0x80, s3, s24, $0xb8;
	[tilespmem:$0x1C400] =	vst v63  }
0xbd: {  	_ = 	snop  }
0xbe: {  	[tilespmem:s25], [sflag:$0x2] =	stream.indirect.gather [hbm4b:s4+s24], $0x80, s24, s24, $0xb8;
	[tilespmem:$0x1C400] =	vst v63  }
0xbf: {  	_ =	swait.ge [sflag:s26], $0x4000  }
0xc0: {  	[sflag:s26] =	ssyncset.done $0x0  }
0xc1: {  	[sflag:s26] =	ssyncadd.s32 $0xFFFFC000  }
0xc2: {  	[spmem:s2] =	stream.indirect.scatter.add.f32 [tilespmem:s21], [sflag:$0x3], $0x80, s23, s24, $0xb8;
	[tilespmem:$0x1C400] =	vst v63  }
0xc3: {  	_ =	swait.ge [sflag:s22], $0x4000  }
0xc4: {  	[sflag:s22] =	ssyncset.done $0x0  }
0xc5: {  	[sflag:s22] =	ssyncadd.s32 $0xFFFFC000  }
0xc6: {  	[tilespmem:s21], [sflag:$0x1] =	stream.indirect.gather [hbm4b:s4+s24], $0x80, s28, s24, $0xb8;
	[tilespmem:$0x1C400] =	vst v63  }
0xc7: {  	_ =	swait.ge [sflag:s29], $0x4000  }
0xc8: {  	[sflag:s29] =	ssyncset.done $0x0  }
0xc9: {  	[sflag:s29] =	ssyncadd.s32 $0xFFFFC000  }
0xca: {  	[spmem:s2] =	stream.indirect.scatter.add.f32 [tilespmem:s25], [sflag:$0x3], $0x80, s30, s24, $0xb8;
	[tilespmem:$0x1C400] =	vst v63  }
0xcb: {  	_ =	swait.ge [sflag:s22], $0x4000  }
0xcc: {  	[sflag:s22] =	ssyncset.done $0x0  }
0xcd: {  	[sflag:s22] =	ssyncadd.s32 $0xFFFFC000  }
0xce: {  	[tilespmem:s25], [sflag:$0x2] =	stream.indirect.gather [hbm4b:s4+s24], $0x80, s31, s24, $0xb8;
	[tilespmem:$0x1C400] =	vst v63  }
0xcf: {  	_ =	swait.ge [sflag:s26], $0x4000  }
0xd0: {  	[sflag:s26] =	ssyncset.done $0x0  }
0xd1: {  	[sflag:s26] =	ssyncadd.s32 $0xFFFFC000  }
0xd2: {  	[spmem:s2] =	stream.indirect.scatter.add.f32 [tilespmem:s21], [sflag:$0x3], $0x80, s0, s24, $0xb8;
	[tilespmem:$0x1C400] =	vst v63  }
0xd3: {  	_ =	swait.ge [sflag:s22], $0x4000  }
0xd4: {  	[sflag:s22] =	ssyncset.done $0x0  }
0xd5: {  	[sflag:s22] =	ssyncadd.s32 $0xFFFFC000  }
0xd6: {  	[tilespmem:s21], [sflag:$0x1] =	stream.indirect.gather [hbm4b:s4+s24], $0x80, s1, s24, $0xb8;
	[tilespmem:$0x1C400] =	vst v63  }
0xd7: {  	_ =	swait.ge [sflag:s29], $0x4000  }
0xd8: {  	[sflag:s29] =	ssyncset.done $0x0  }
0xd9: {  	[sflag:s29] =	ssyncadd.s32 $0xFFFFC000  }
0xda: {  	[spmem:s2] =	stream.indirect.scatter.add.f32 [tilespmem:s25], [sflag:$0x3], $0x80, s5, s24, $0xb8;
	[tilespmem:$0x1C400] =	vst v63  }
0xdb: {  	_ =	swait.ge [sflag:s22], $0x4000  }
0xdc: {  	[sflag:s22] =	ssyncset.done $0x0  }
0xdd: {  	[sflag:s22] =	ssyncadd.s32 $0xFFFFC000  }
0xde: {  	[tilespmem:s25], [sflag:$0x2] =	stream.indirect.gather [hbm4b:s4+s24], $0x80, s11, s24, $0xb8;
	[tilespmem:$0x1C400] =	vst v63  }
0xdf: {  	_ =	swait.ge [sflag:s26], $0x4000  }
0xe0: {  	[sflag:s26] =	ssyncset.done $0x0  }
0xe1: {  	[sflag:s26] =	ssyncadd.s32 $0xFFFFC000  }
0xe2: {  	[spmem:s2] =	stream.indirect.scatter.add.f32 [tilespmem:s21], [sflag:$0x3], $0x80, s12, s24, $0xb8;
	[tilespmem:$0x1C400] =	vst v63  }
0xe3: {  	_ =	swait.ge [sflag:s22], $0x4000  }
0xe4: {  	[sflag:s22] =	ssyncset.done $0x0  }
0xe5: {  	[sflag:s22] =	ssyncadd.s32 $0xFFFFC000  }
0xe6: {  	[tilespmem:s21], [sflag:$0x1] =	stream.indirect.gather [hbm4b:s4+s24], $0x80, s13, s24, $0xb8;
	[tilespmem:$0x1C400] =	vst v63  }
0xe7: {  	_ =	swait.ge [sflag:s29], $0x4000  }
0xe8: {  	[sflag:s29] =	ssyncset.done $0x0  }
0xe9: {  	[sflag:s29] =	ssyncadd.s32 $0xFFFFC000  }
0xea: {  	[spmem:s2] =	stream.indirect.scatter.add.f32 [tilespmem:s25], [sflag:$0x3], $0x80, s14, s24, $0xb8;
	[tilespmem:$0x1C400] =	vst v63  }
0xeb: {  	_ =	swait.ge [sflag:s22], $0x4000  }
0xec: {  	[sflag:s22] =	ssyncset.done $0x0  }
0xed: {  	[sflag:s22] =	ssyncadd.s32 $0xFFFFC000  }
0xee: {  	[tilespmem:s25], [sflag:$0x2] =	stream.indirect.gather [hbm4b:s4+s24], $0x80, s15, s24, $0xb8;
	[tilespmem:$0x1C400] =	vst v63  }
0xef: {  	_ =	swait.ge [sflag:s26], $0x4000  }
0xf0: {  	[sflag:s26] =	ssyncset.done $0x0  }
0xf1: {  	[sflag:s26] =	ssyncadd.s32 $0xFFFFC000  }
0xf2: {  	[spmem:s2] =	stream.indirect.scatter.add.f32 [tilespmem:s21], [sflag:$0x3], $0x80, s16, s24, $0xb8;
	[tilespmem:$0x1C400] =	vst v63  }
0xf3: {  	_ =	swait.ge [sflag:s22], $0x4000  }
0xf4: {  	[sflag:s22] =	ssyncset.done $0x0  }
0xf5: {  	[sflag:s22] =	ssyncadd.s32 $0xFFFFC000  }
0xf6: {  	_ =	swait.ge [sflag:s29], $0x4000  }
0xf7: {  	[sflag:s29] =	ssyncset.done $0x0  }
0xf8: {  	[sflag:s29] =	ssyncadd.s32 $0xFFFFC000  }
0xf9: {  	[spmem:s2] =	stream.indirect.scatter.add.f32 [tilespmem:s25], [sflag:$0x3], $0x80, s6, s24, $0xb8;
	[tilespmem:$0x1C400] =	vst v63  }
0xfa: {  	_ =	swait.ge [sflag:s22], $0x4000  }
0xfb: {  	s8 =	simm.s32 $0x80;
	s10 =	simm.s32 $0x100;
	[sflag:s22] =	ssyncset.done $0x0  }
.LBB2_6:
0xfc: {  	s7 =	sadd.s32 s8, s20  }
0xfd: {  	[sflag:s22] =	ssyncadd.s32 $0xFFFFC000;
	s17 =	smov.u32 s10;
	s9 =	sadd.s32 $0x80, s10  }
0xfe: {  	[tilespmem:s3], [sflag:$0x3] =	stream.linear.gather [hbm4b:s7+s3], $0x400, $0x38;
	[tilespmem:$0x1C400] =	vst v63  }
0xff: {  	p1 =	sne.s32 s10, $0x280;
	_ =	swait.ge [sflag:s22], $0x400  }
0x100: {  	[sflag:s22] =	ssyncset.done $0x0  }
0x101: {  	s7 =	sadd.s32 s8, s18;
	s8 =	smov.u32 s17;
	[sflag:s22] =	ssyncadd.s32 $0xFFFFFC00  }
0x102: {  	[tilespmem:s23], [sflag:$0x3] =	stream.linear.gather [hbm4b:s7+s3], $0x400, $0x38;
	[tilespmem:$0x1C400] =	vst v63  }
0x103: {  	_ =	swait.ge [sflag:s22], $0x400  }
0x104: {  	[sflag:s22] =	ssyncset.done $0x0  }
0x105: {  	[sflag:s22] =	ssyncadd.s32 $0xFFFFFC00  }
0x106: {  	[tilespmem:s21], [sflag:$0x1] =	stream.indirect.gather [hbm4b:s4+s24], $0x80, s3, s24, $0xb8;
	[tilespmem:$0x1C400] =	vst v63  }
0x107: {  	_ = 	snop  }
0x108: {  	[tilespmem:s25], [sflag:$0x2] =	stream.indirect.gather [hbm4b:s4+s24], $0x80, s24, s24, $0xb8;
	[tilespmem:$0x1C400] =	vst v63  }
0x109: {  	_ =	swait.ge [sflag:s26], $0x4000  }
0x10a: {  	[sflag:s26] =	ssyncset.done $0x0  }
0x10b: {  	[sflag:s26] =	ssyncadd.s32 $0xFFFFC000  }
0x10c: {  	[spmem:s2] =	stream.indirect.scatter.add.f32 [tilespmem:s21], [sflag:$0x3], $0x80, s23, s24, $0xb8;
	[tilespmem:$0x1C400] =	vst v63  }
0x10d: {  	_ =	swait.ge [sflag:s22], $0x4000  }
0x10e: {  	[sflag:s22] =	ssyncset.done $0x0  }
0x10f: {  	[sflag:s22] =	ssyncadd.s32 $0xFFFFC000  }
0x110: {  	[tilespmem:s21], [sflag:$0x1] =	stream.indirect.gather [hbm4b:s4+s24], $0x80, s28, s24, $0xb8;
	[tilespmem:$0x1C400] =	vst v63  }
0x111: {  	_ =	swait.ge [sflag:s29], $0x4000  }
0x112: {  	[sflag:s29] =	ssyncset.done $0x0  }
0x113: {  	[sflag:s29] =	ssyncadd.s32 $0xFFFFC000  }
0x114: {  	[spmem:s2] =	stream.indirect.scatter.add.f32 [tilespmem:s25], [sflag:$0x3], $0x80, s30, s24, $0xb8;
	[tilespmem:$0x1C400] =	vst v63  }
0x115: {  	_ =	swait.ge [sflag:s22], $0x4000  }
0x116: {  	[sflag:s22] =	ssyncset.done $0x0  }
0x117: {  	[sflag:s22] =	ssyncadd.s32 $0xFFFFC000  }
0x118: {  	[tilespmem:s25], [sflag:$0x2] =	stream.indirect.gather [hbm4b:s4+s24], $0x80, s31, s24, $0xb8;
	[tilespmem:$0x1C400] =	vst v63  }
0x119: {  	_ =	swait.ge [sflag:s26], $0x4000  }
0x11a: {  	[sflag:s26] =	ssyncset.done $0x0  }
0x11b: {  	[sflag:s26] =	ssyncadd.s32 $0xFFFFC000  }
0x11c: {  	[spmem:s2] =	stream.indirect.scatter.add.f32 [tilespmem:s21], [sflag:$0x3], $0x80, s0, s24, $0xb8;
	[tilespmem:$0x1C400] =	vst v63  }
0x11d: {  	_ =	swait.ge [sflag:s22], $0x4000  }
0x11e: {  	[sflag:s22] =	ssyncset.done $0x0  }
0x11f: {  	[sflag:s22] =	ssyncadd.s32 $0xFFFFC000  }
0x120: {  	[tilespmem:s21], [sflag:$0x1] =	stream.indirect.gather [hbm4b:s4+s24], $0x80, s1, s24, $0xb8;
	[tilespmem:$0x1C400] =	vst v63  }
0x121: {  	_ =	swait.ge [sflag:s29], $0x4000  }
0x122: {  	[sflag:s29] =	ssyncset.done $0x0  }
0x123: {  	[sflag:s29] =	ssyncadd.s32 $0xFFFFC000  }
0x124: {  	[spmem:s2] =	stream.indirect.scatter.add.f32 [tilespmem:s25], [sflag:$0x3], $0x80, s5, s24, $0xb8;
	[tilespmem:$0x1C400] =	vst v63  }
0x125: {  	_ =	swait.ge [sflag:s22], $0x4000  }
0x126: {  	[sflag:s22] =	ssyncset.done $0x0  }
0x127: {  	[sflag:s22] =	ssyncadd.s32 $0xFFFFC000  }
0x128: {  	[tilespmem:s25], [sflag:$0x2] =	stream.indirect.gather [hbm4b:s4+s24], $0x80, s11, s24, $0xb8;
	[tilespmem:$0x1C400] =	vst v63  }
0x129: {  	_ =	swait.ge [sflag:s26], $0x4000  }
0x12a: {  	[sflag:s26] =	ssyncset.done $0x0  }
0x12b: {  	[sflag:s26] =	ssyncadd.s32 $0xFFFFC000  }
0x12c: {  	[spmem:s2] =	stream.indirect.scatter.add.f32 [tilespmem:s21], [sflag:$0x3], $0x80, s12, s24, $0xb8;
	[tilespmem:$0x1C400] =	vst v63  }
0x12d: {  	_ =	swait.ge [sflag:s22], $0x4000  }
0x12e: {  	[sflag:s22] =	ssyncset.done $0x0  }
0x12f: {  	[sflag:s22] =	ssyncadd.s32 $0xFFFFC000  }
0x130: {  	[tilespmem:s21], [sflag:$0x1] =	stream.indirect.gather [hbm4b:s4+s24], $0x80, s13, s24, $0xb8;
	[tilespmem:$0x1C400] =	vst v63  }
0x131: {  	_ =	swait.ge [sflag:s29], $0x4000  }
0x132: {  	[sflag:s29] =	ssyncset.done $0x0  }
0x133: {  	[sflag:s29] =	ssyncadd.s32 $0xFFFFC000  }
0x134: {  	[spmem:s2] =	stream.indirect.scatter.add.f32 [tilespmem:s25], [sflag:$0x3], $0x80, s14, s24, $0xb8;
	[tilespmem:$0x1C400] =	vst v63  }
0x135: {  	_ =	swait.ge [sflag:s22], $0x4000  }
0x136: {  	[sflag:s22] =	ssyncset.done $0x0  }
0x137: {  	[sflag:s22] =	ssyncadd.s32 $0xFFFFC000  }
0x138: {  	[tilespmem:s25], [sflag:$0x2] =	stream.indirect.gather [hbm4b:s4+s24], $0x80, s15, s24, $0xb8;
	[tilespmem:$0x1C400] =	vst v63  }
0x139: {  	_ =	swait.ge [sflag:s26], $0x4000  }
0x13a: {  	[sflag:s26] =	ssyncset.done $0x0  }
0x13b: {  	[sflag:s26] =	ssyncadd.s32 $0xFFFFC000  }
0x13c: {  	[spmem:s2] =	stream.indirect.scatter.add.f32 [tilespmem:s21], [sflag:$0x3], $0x80, s16, s24, $0xb8;
	[tilespmem:$0x1C400] =	vst v63  }
0x13d: {  	_ =	swait.ge [sflag:s22], $0x4000  }
0x13e: {  	[sflag:s22] =	ssyncset.done $0x0  }
0x13f: {  	[sflag:s22] =	ssyncadd.s32 $0xFFFFC000  }
0x140: {  	_ =	swait.ge [sflag:s29], $0x4000  }
.Ltmp3:
0x141: {  	[sflag:s29] =	ssyncset.done $0x0;
	(pc) =	sbr.rel @p1 .LBB2_6-.Ltmp3, $4  }
0x142: {  	[sflag:s29] =	ssyncadd.s32 $0xFFFFC000  }
0x143: {  	[spmem:s2] =	stream.indirect.scatter.add.f32 [tilespmem:s25], [sflag:$0x3], $0x80, s6, s24, $0xb8;
	[tilespmem:$0x1C400] =	vst v63  }
0x144: {  	_ =	swait.ge [sflag:s22], $0x4000  }
0x145: {  	s10 =	smov.u32 s9;
	[sflag:s22] =	ssyncset.done $0x0  }
.Ltmp4:
0x146: {  	_ = 	snop;
	(pc) =	sbr.rel .LBB2_7-.Ltmp4, $1  }
0x147: {  	_ =	sdelay $0x3  }
.LBB2_2:
0x148: {  	s8 =	sadd.s32 $0x0, s19  }
0x149: {  	[tilespmem:s3], [sflag:$0x3] =	stream.linear.gather [hbm4b:s8+s3], $0x400, $0x38;
	[tilespmem:$0x1C400] =	vst v63  }
0x14a: {  	_ =	swait.ge [sflag:s22], $0x400  }
0x14b: {  	[sflag:s22] =	ssyncset.done $0x0;
	s18 =	rddreg [dreg:$0xf]  }
0x14c: {  	[sflag:s22] =	ssyncadd.s32 $0xFFFFFC00;
	s17 =	sadd.s32 $0x0, s18  }
0x14d: {  	[tilespmem:s23], [sflag:$0x3] =	stream.linear.gather [hbm4b:s17+s3], $0x400, $0x38;
	[tilespmem:$0x1C400] =	vst v63  }
0x14e: {  	_ =	swait.ge [sflag:s22], $0x400  }
0x14f: {  	[sflag:s22] =	ssyncset.done $0x0  }
0x150: {  	[sflag:s22] =	ssyncadd.s32 $0xFFFFFC00  }
0x151: {  	[tilespmem:s21], [sflag:$0x1] =	stream.indirect.gather [hbm4b:s4+s24], $0x80, s3, s24, $0xb8;
	[tilespmem:$0x1C400] =	vst v63  }
0x152: {  	_ = 	snop  }
0x153: {  	[tilespmem:s25], [sflag:$0x2] =	stream.indirect.gather [hbm4b:s4+s24], $0x80, s24, s24, $0xb8;
	[tilespmem:$0x1C400] =	vst v63  }
0x154: {  	_ =	swait.ge [sflag:s26], $0x4000  }
0x155: {  	[sflag:s26] =	ssyncset.done $0x0  }
0x156: {  	[sflag:s26] =	ssyncadd.s32 $0xFFFFC000  }
0x157: {  	[spmem:s2] =	stream.indirect.scatter.add.f32 [tilespmem:s21], [sflag:$0x3], $0x80, s23, s24, $0xb8;
	[tilespmem:$0x1C400] =	vst v63  }
0x158: {  	_ =	swait.ge [sflag:s22], $0x4000  }
0x159: {  	[sflag:s22] =	ssyncset.done $0x0  }
0x15a: {  	[sflag:s22] =	ssyncadd.s32 $0xFFFFC000  }
0x15b: {  	[tilespmem:s21], [sflag:$0x1] =	stream.indirect.gather [hbm4b:s4+s24], $0x80, s28, s24, $0xb8;
	[tilespmem:$0x1C400] =	vst v63  }
0x15c: {  	_ =	swait.ge [sflag:s29], $0x4000  }
0x15d: {  	[sflag:s29] =	ssyncset.done $0x0  }
0x15e: {  	[sflag:s29] =	ssyncadd.s32 $0xFFFFC000  }
0x15f: {  	[spmem:s2] =	stream.indirect.scatter.add.f32 [tilespmem:s25], [sflag:$0x3], $0x80, s30, s24, $0xb8;
	[tilespmem:$0x1C400] =	vst v63  }
0x160: {  	_ =	swait.ge [sflag:s22], $0x4000  }
0x161: {  	[sflag:s22] =	ssyncset.done $0x0  }
0x162: {  	[sflag:s22] =	ssyncadd.s32 $0xFFFFC000  }
0x163: {  	[tilespmem:s25], [sflag:$0x2] =	stream.indirect.gather [hbm4b:s4+s24], $0x80, s31, s24, $0xb8;
	[tilespmem:$0x1C400] =	vst v63  }
0x164: {  	_ =	swait.ge [sflag:s26], $0x4000  }
0x165: {  	[sflag:s26] =	ssyncset.done $0x0  }
0x166: {  	[sflag:s26] =	ssyncadd.s32 $0xFFFFC000  }
0x167: {  	[spmem:s2] =	stream.indirect.scatter.add.f32 [tilespmem:s21], [sflag:$0x3], $0x80, s0, s24, $0xb8;
	[tilespmem:$0x1C400] =	vst v63  }
0x168: {  	_ =	swait.ge [sflag:s22], $0x4000  }
0x169: {  	[sflag:s22] =	ssyncset.done $0x0  }
0x16a: {  	[sflag:s22] =	ssyncadd.s32 $0xFFFFC000  }
0x16b: {  	[tilespmem:s21], [sflag:$0x1] =	stream.indirect.gather [hbm4b:s4+s24], $0x80, s1, s24, $0xb8;
	[tilespmem:$0x1C400] =	vst v63  }
0x16c: {  	_ =	swait.ge [sflag:s29], $0x4000  }
0x16d: {  	[sflag:s29] =	ssyncset.done $0x0  }
0x16e: {  	[sflag:s29] =	ssyncadd.s32 $0xFFFFC000  }
0x16f: {  	[spmem:s2] =	stream.indirect.scatter.add.f32 [tilespmem:s25], [sflag:$0x3], $0x80, s5, s24, $0xb8;
	[tilespmem:$0x1C400] =	vst v63  }
0x170: {  	_ =	swait.ge [sflag:s22], $0x4000  }
0x171: {  	[sflag:s22] =	ssyncset.done $0x0  }
0x172: {  	[sflag:s22] =	ssyncadd.s32 $0xFFFFC000  }
0x173: {  	[tilespmem:s25], [sflag:$0x2] =	stream.indirect.gather [hbm4b:s4+s24], $0x80, s11, s24, $0xb8;
	[tilespmem:$0x1C400] =	vst v63  }
0x174: {  	_ =	swait.ge [sflag:s26], $0x4000  }
0x175: {  	[sflag:s26] =	ssyncset.done $0x0  }
0x176: {  	[sflag:s26] =	ssyncadd.s32 $0xFFFFC000  }
0x177: {  	[spmem:s2] =	stream.indirect.scatter.add.f32 [tilespmem:s21], [sflag:$0x3], $0x80, s12, s24, $0xb8;
	[tilespmem:$0x1C400] =	vst v63  }
0x178: {  	_ =	swait.ge [sflag:s22], $0x4000  }
0x179: {  	[sflag:s22] =	ssyncset.done $0x0  }
0x17a: {  	[sflag:s22] =	ssyncadd.s32 $0xFFFFC000  }
0x17b: {  	[tilespmem:s21], [sflag:$0x1] =	stream.indirect.gather [hbm4b:s4+s24], $0x80, s13, s24, $0xb8;
	[tilespmem:$0x1C400] =	vst v63  }
0x17c: {  	_ =	swait.ge [sflag:s29], $0x4000  }
0x17d: {  	[sflag:s29] =	ssyncset.done $0x0  }
0x17e: {  	[sflag:s29] =	ssyncadd.s32 $0xFFFFC000  }
0x17f: {  	[spmem:s2] =	stream.indirect.scatter.add.f32 [tilespmem:s25], [sflag:$0x3], $0x80, s14, s24, $0xb8;
	[tilespmem:$0x1C400] =	vst v63  }
0x180: {  	_ =	swait.ge [sflag:s22], $0x4000  }
0x181: {  	[sflag:s22] =	ssyncset.done $0x0  }
0x182: {  	[sflag:s22] =	ssyncadd.s32 $0xFFFFC000  }
0x183: {  	[tilespmem:s25], [sflag:$0x2] =	stream.indirect.gather [hbm4b:s4+s24], $0x80, s15, s24, $0xb8;
	[tilespmem:$0x1C400] =	vst v63  }
0x184: {  	_ =	swait.ge [sflag:s26], $0x4000  }
0x185: {  	[sflag:s26] =	ssyncset.done $0x0  }
0x186: {  	[sflag:s26] =	ssyncadd.s32 $0xFFFFC000  }
0x187: {  	[spmem:s2] =	stream.indirect.scatter.add.f32 [tilespmem:s21], [sflag:$0x3], $0x80, s16, s24, $0xb8;
	[tilespmem:$0x1C400] =	vst v63  }
0x188: {  	_ =	swait.ge [sflag:s22], $0x4000  }
0x189: {  	[sflag:s22] =	ssyncset.done $0x0  }
0x18a: {  	[sflag:s22] =	ssyncadd.s32 $0xFFFFC000  }
0x18b: {  	_ =	swait.ge [sflag:s29], $0x4000  }
0x18c: {  	[sflag:s29] =	ssyncset.done $0x0  }
0x18d: {  	[sflag:s29] =	ssyncadd.s32 $0xFFFFC000  }
0x18e: {  	[spmem:s2] =	stream.indirect.scatter.add.f32 [tilespmem:s25], [sflag:$0x3], $0x80, s6, s24, $0xb8;
	[tilespmem:$0x1C400] =	vst v63  }
0x18f: {  	_ =	swait.ge [sflag:s22], $0x4000  }
0x190: {  	s9 =	simm.s32 $0x100;
	s8 =	simm.s32 $0x80;
	[sflag:s22] =	ssyncset.done $0x0  }
.LBB2_3:
0x191: {  	s7 =	sadd.s32 s8, s19  }
0x192: {  	[sflag:s22] =	ssyncadd.s32 $0xFFFFC000;
	s17 =	smov.u32 s9;
	s10 =	sadd.s32 $0x80, s9  }
0x193: {  	[tilespmem:s3], [sflag:$0x3] =	stream.linear.gather [hbm4b:s7+s3], $0x400, $0x38;
	[tilespmem:$0x1C400] =	vst v63  }
0x194: {  	p1 =	seq.s32 s9, $0x680;
	_ =	swait.ge [sflag:s22], $0x400  }
0x195: {  	[sflag:s22] =	ssyncset.done $0x0  }
0x196: {  	s7 =	sadd.s32 s8, s18;
	s8 =	smov.u32 s17;
	[sflag:s22] =	ssyncadd.s32 $0xFFFFFC00  }
0x197: {  	[tilespmem:s23], [sflag:$0x3] =	stream.linear.gather [hbm4b:s7+s3], $0x400, $0x38;
	[tilespmem:$0x1C400] =	vst v63  }
0x198: {  	_ =	swait.ge [sflag:s22], $0x400  }
0x199: {  	[sflag:s22] =	ssyncset.done $0x0  }
0x19a: {  	[sflag:s22] =	ssyncadd.s32 $0xFFFFFC00  }
0x19b: {  	[tilespmem:s21], [sflag:$0x1] =	stream.indirect.gather [hbm4b:s4+s24], $0x80, s3, s24, $0xb8;
	[tilespmem:$0x1C400] =	vst v63  }
0x19c: {  	_ = 	snop  }
0x19d: {  	[tilespmem:s25], [sflag:$0x2] =	stream.indirect.gather [hbm4b:s4+s24], $0x80, s24, s24, $0xb8;
	[tilespmem:$0x1C400] =	vst v63  }
0x19e: {  	_ =	swait.ge [sflag:s26], $0x4000  }
0x19f: {  	[sflag:s26] =	ssyncset.done $0x0  }
0x1a0: {  	[sflag:s26] =	ssyncadd.s32 $0xFFFFC000  }
0x1a1: {  	[spmem:s2] =	stream.indirect.scatter.add.f32 [tilespmem:s21], [sflag:$0x3], $0x80, s23, s24, $0xb8;
	[tilespmem:$0x1C400] =	vst v63  }
0x1a2: {  	_ =	swait.ge [sflag:s22], $0x4000  }
0x1a3: {  	[sflag:s22] =	ssyncset.done $0x0  }
0x1a4: {  	[sflag:s22] =	ssyncadd.s32 $0xFFFFC000  }
0x1a5: {  	[tilespmem:s21], [sflag:$0x1] =	stream.indirect.gather [hbm4b:s4+s24], $0x80, s28, s24, $0xb8;
	[tilespmem:$0x1C400] =	vst v63  }
0x1a6: {  	_ =	swait.ge [sflag:s29], $0x4000  }
0x1a7: {  	[sflag:s29] =	ssyncset.done $0x0  }
0x1a8: {  	[sflag:s29] =	ssyncadd.s32 $0xFFFFC000  }
0x1a9: {  	[spmem:s2] =	stream.indirect.scatter.add.f32 [tilespmem:s25], [sflag:$0x3], $0x80, s30, s24, $0xb8;
	[tilespmem:$0x1C400] =	vst v63  }
0x1aa: {  	_ =	swait.ge [sflag:s22], $0x4000  }
0x1ab: {  	[sflag:s22] =	ssyncset.done $0x0  }
0x1ac: {  	[sflag:s22] =	ssyncadd.s32 $0xFFFFC000  }
0x1ad: {  	[tilespmem:s25], [sflag:$0x2] =	stream.indirect.gather [hbm4b:s4+s24], $0x80, s31, s24, $0xb8;
	[tilespmem:$0x1C400] =	vst v63  }
0x1ae: {  	_ =	swait.ge [sflag:s26], $0x4000  }
0x1af: {  	[sflag:s26] =	ssyncset.done $0x0  }
0x1b0: {  	[sflag:s26] =	ssyncadd.s32 $0xFFFFC000  }
0x1b1: {  	[spmem:s2] =	stream.indirect.scatter.add.f32 [tilespmem:s21], [sflag:$0x3], $0x80, s0, s24, $0xb8;
	[tilespmem:$0x1C400] =	vst v63  }
0x1b2: {  	_ =	swait.ge [sflag:s22], $0x4000  }
0x1b3: {  	[sflag:s22] =	ssyncset.done $0x0  }
0x1b4: {  	[sflag:s22] =	ssyncadd.s32 $0xFFFFC000  }
0x1b5: {  	[tilespmem:s21], [sflag:$0x1] =	stream.indirect.gather [hbm4b:s4+s24], $0x80, s1, s24, $0xb8;
	[tilespmem:$0x1C400] =	vst v63  }
0x1b6: {  	_ =	swait.ge [sflag:s29], $0x4000  }
0x1b7: {  	[sflag:s29] =	ssyncset.done $0x0  }
0x1b8: {  	[sflag:s29] =	ssyncadd.s32 $0xFFFFC000  }
0x1b9: {  	[spmem:s2] =	stream.indirect.scatter.add.f32 [tilespmem:s25], [sflag:$0x3], $0x80, s5, s24, $0xb8;
	[tilespmem:$0x1C400] =	vst v63  }
0x1ba: {  	_ =	swait.ge [sflag:s22], $0x4000  }
0x1bb: {  	[sflag:s22] =	ssyncset.done $0x0  }
0x1bc: {  	[sflag:s22] =	ssyncadd.s32 $0xFFFFC000  }
0x1bd: {  	[tilespmem:s25], [sflag:$0x2] =	stream.indirect.gather [hbm4b:s4+s24], $0x80, s11, s24, $0xb8;
	[tilespmem:$0x1C400] =	vst v63  }
0x1be: {  	_ =	swait.ge [sflag:s26], $0x4000  }
0x1bf: {  	[sflag:s26] =	ssyncset.done $0x0  }
0x1c0: {  	[sflag:s26] =	ssyncadd.s32 $0xFFFFC000  }
0x1c1: {  	[spmem:s2] =	stream.indirect.scatter.add.f32 [tilespmem:s21], [sflag:$0x3], $0x80, s12, s24, $0xb8;
	[tilespmem:$0x1C400] =	vst v63  }
0x1c2: {  	_ =	swait.ge [sflag:s22], $0x4000  }
0x1c3: {  	[sflag:s22] =	ssyncset.done $0x0  }
0x1c4: {  	[sflag:s22] =	ssyncadd.s32 $0xFFFFC000  }
0x1c5: {  	[tilespmem:s21], [sflag:$0x1] =	stream.indirect.gather [hbm4b:s4+s24], $0x80, s13, s24, $0xb8;
	[tilespmem:$0x1C400] =	vst v63  }
0x1c6: {  	_ =	swait.ge [sflag:s29], $0x4000  }
0x1c7: {  	[sflag:s29] =	ssyncset.done $0x0  }
0x1c8: {  	[sflag:s29] =	ssyncadd.s32 $0xFFFFC000  }
0x1c9: {  	[spmem:s2] =	stream.indirect.scatter.add.f32 [tilespmem:s25], [sflag:$0x3], $0x80, s14, s24, $0xb8;
	[tilespmem:$0x1C400] =	vst v63  }
0x1ca: {  	_ =	swait.ge [sflag:s22], $0x4000  }
0x1cb: {  	[sflag:s22] =	ssyncset.done $0x0  }
0x1cc: {  	[sflag:s22] =	ssyncadd.s32 $0xFFFFC000  }
0x1cd: {  	[tilespmem:s25], [sflag:$0x2] =	stream.indirect.gather [hbm4b:s4+s24], $0x80, s15, s24, $0xb8;
	[tilespmem:$0x1C400] =	vst v63  }
0x1ce: {  	_ =	swait.ge [sflag:s26], $0x4000  }
0x1cf: {  	[sflag:s26] =	ssyncset.done $0x0  }
0x1d0: {  	[sflag:s26] =	ssyncadd.s32 $0xFFFFC000  }
0x1d1: {  	[spmem:s2] =	stream.indirect.scatter.add.f32 [tilespmem:s21], [sflag:$0x3], $0x80, s16, s24, $0xb8;
	[tilespmem:$0x1C400] =	vst v63  }
0x1d2: {  	_ =	swait.ge [sflag:s22], $0x4000  }
0x1d3: {  	[sflag:s22] =	ssyncset.done $0x0  }
0x1d4: {  	[sflag:s22] =	ssyncadd.s32 $0xFFFFC000  }
0x1d5: {  	_ =	swait.ge [sflag:s29], $0x4000  }
.Ltmp5:
0x1d6: {  	[sflag:s29] =	ssyncset.done $0x0;
	(pc) =	sbr.rel @!p1 .LBB2_3-.Ltmp5, $4  }
0x1d7: {  	[sflag:s29] =	ssyncadd.s32 $0xFFFFC000  }
0x1d8: {  	[spmem:s2] =	stream.indirect.scatter.add.f32 [tilespmem:s25], [sflag:$0x3], $0x80, s6, s24, $0xb8;
	[tilespmem:$0x1C400] =	vst v63  }
0x1d9: {  	_ =	swait.ge [sflag:s22], $0x4000  }
0x1da: {  	s9 =	smov.u32 s10;
	[sflag:s22] =	ssyncset.done $0x0  }
0x1db: {  	s7 =	sadd.s32 s8, s19;
	[sflag:s22] =	ssyncadd.s32 $0xFFFFC000  }
0x1dc: {  	[tilespmem:s3], [sflag:$0x3] =	stream.linear.gather [hbm4b:s7+s3], $0x400, $0x38;
	[tilespmem:$0x1C400] =	vst v63  }
0x1dd: {  	_ =	swait.ge [sflag:s22], $0x400  }
0x1de: {  	[sflag:s22] =	ssyncset.done $0x0  }
0x1df: {  	s18 =	sadd.s32 s8, s18;
	[sflag:s22] =	ssyncadd.s32 $0xFFFFFC00  }
0x1e0: {  	[tilespmem:s23], [sflag:$0x3] =	stream.linear.gather [hbm4b:s18+s3], $0x400, $0x38;
	[tilespmem:$0x1C400] =	vst v63  }
0x1e1: {  	_ =	swait.ge [sflag:s22], $0x400  }
0x1e2: {  	[sflag:s22] =	ssyncset.done $0x0  }
0x1e3: {  	[sflag:s22] =	ssyncadd.s32 $0xFFFFFC00  }
0x1e4: {  	[tilespmem:s21], [sflag:$0x1] =	stream.indirect.gather [hbm4b:s4+s24], $0x80, s3, s24, $0xb8;
	[tilespmem:$0x1C400] =	vst v63  }
0x1e5: {  	_ = 	snop  }
0x1e6: {  	[tilespmem:s25], [sflag:$0x2] =	stream.indirect.gather [hbm4b:s4+s24], $0x80, s24, s24, $0xb8;
	[tilespmem:$0x1C400] =	vst v63  }
0x1e7: {  	_ =	swait.ge [sflag:s26], $0x4000  }
0x1e8: {  	[sflag:s26] =	ssyncset.done $0x0  }
0x1e9: {  	[sflag:s26] =	ssyncadd.s32 $0xFFFFC000  }
0x1ea: {  	[spmem:s2] =	stream.indirect.scatter.add.f32 [tilespmem:s21], [sflag:$0x3], $0x80, s23, s24, $0xb8;
	[tilespmem:$0x1C400] =	vst v63  }
0x1eb: {  	_ =	swait.ge [sflag:s22], $0x4000  }
0x1ec: {  	[sflag:s22] =	ssyncset.done $0x0  }
0x1ed: {  	[sflag:s22] =	ssyncadd.s32 $0xFFFFC000  }
0x1ee: {  	[tilespmem:s21], [sflag:$0x1] =	stream.indirect.gather [hbm4b:s4+s24], $0x80, s28, s24, $0xb8;
	[tilespmem:$0x1C400] =	vst v63  }
0x1ef: {  	_ =	swait.ge [sflag:s29], $0x4000  }
0x1f0: {  	[sflag:s29] =	ssyncset.done $0x0  }
0x1f1: {  	[sflag:s29] =	ssyncadd.s32 $0xFFFFC000  }
0x1f2: {  	[spmem:s2] =	stream.indirect.scatter.add.f32 [tilespmem:s25], [sflag:$0x3], $0x80, s30, s24, $0xb8;
	[tilespmem:$0x1C400] =	vst v63  }
0x1f3: {  	_ =	swait.ge [sflag:s22], $0x4000  }
0x1f4: {  	[sflag:s22] =	ssyncset.done $0x0  }
0x1f5: {  	[sflag:s22] =	ssyncadd.s32 $0xFFFFC000  }
0x1f6: {  	[tilespmem:s25], [sflag:$0x2] =	stream.indirect.gather [hbm4b:s4+s24], $0x80, s31, s24, $0xb8;
	[tilespmem:$0x1C400] =	vst v63  }
0x1f7: {  	_ =	swait.ge [sflag:s26], $0x4000  }
0x1f8: {  	[sflag:s26] =	ssyncset.done $0x0  }
0x1f9: {  	[sflag:s26] =	ssyncadd.s32 $0xFFFFC000  }
0x1fa: {  	[spmem:s2] =	stream.indirect.scatter.add.f32 [tilespmem:s21], [sflag:$0x3], $0x80, s0, s24, $0xb8;
	[tilespmem:$0x1C400] =	vst v63  }
0x1fb: {  	_ =	swait.ge [sflag:s22], $0x4000  }
0x1fc: {  	[sflag:s22] =	ssyncset.done $0x0  }
0x1fd: {  	[sflag:s22] =	ssyncadd.s32 $0xFFFFC000  }
0x1fe: {  	[tilespmem:s21], [sflag:$0x1] =	stream.indirect.gather [hbm4b:s4+s24], $0x80, s1, s24, $0xb8;
	[tilespmem:$0x1C400] =	vst v63  }
0x1ff: {  	_ =	swait.ge [sflag:s29], $0x4000  }
0x200: {  	[sflag:s29] =	ssyncset.done $0x0  }
0x201: {  	[sflag:s29] =	ssyncadd.s32 $0xFFFFC000  }
0x202: {  	[spmem:s2] =	stream.indirect.scatter.add.f32 [tilespmem:s25], [sflag:$0x3], $0x80, s5, s24, $0xb8;
	[tilespmem:$0x1C400] =	vst v63  }
0x203: {  	_ =	swait.ge [sflag:s22], $0x4000  }
0x204: {  	[sflag:s22] =	ssyncset.done $0x0  }
0x205: {  	[sflag:s22] =	ssyncadd.s32 $0xFFFFC000  }
0x206: {  	[tilespmem:s25], [sflag:$0x2] =	stream.indirect.gather [hbm4b:s4+s24], $0x80, s11, s24, $0xb8;
	[tilespmem:$0x1C400] =	vst v63  }
0x207: {  	_ =	swait.ge [sflag:s26], $0x4000  }
0x208: {  	[sflag:s26] =	ssyncset.done $0x0  }
0x209: {  	[sflag:s26] =	ssyncadd.s32 $0xFFFFC000  }
0x20a: {  	[spmem:s2] =	stream.indirect.scatter.add.f32 [tilespmem:s21], [sflag:$0x3], $0x80, s12, s24, $0xb8;
	[tilespmem:$0x1C400] =	vst v63  }
0x20b: {  	_ =	swait.ge [sflag:s22], $0x4000  }
0x20c: {  	[sflag:s22] =	ssyncset.done $0x0  }
0x20d: {  	[sflag:s22] =	ssyncadd.s32 $0xFFFFC000  }
0x20e: {  	[tilespmem:s21], [sflag:$0x1] =	stream.indirect.gather [hbm4b:s4+s24], $0x80, s13, s24, $0xb8;
	[tilespmem:$0x1C400] =	vst v63  }
0x20f: {  	_ =	swait.ge [sflag:s29], $0x4000  }
0x210: {  	[sflag:s29] =	ssyncset.done $0x0  }
0x211: {  	[sflag:s29] =	ssyncadd.s32 $0xFFFFC000  }
0x212: {  	[spmem:s2] =	stream.indirect.scatter.add.f32 [tilespmem:s25], [sflag:$0x3], $0x80, s14, s24, $0xb8;
	[tilespmem:$0x1C400] =	vst v63  }
0x213: {  	_ =	swait.ge [sflag:s22], $0x4000  }
0x214: {  	[sflag:s22] =	ssyncset.done $0x0  }
0x215: {  	[sflag:s22] =	ssyncadd.s32 $0xFFFFC000  }
0x216: {  	[tilespmem:s25], [sflag:$0x2] =	stream.indirect.gather [hbm4b:s4+s24], $0x80, s15, s24, $0xb8;
	[tilespmem:$0x1C400] =	vst v63  }
0x217: {  	_ =	swait.ge [sflag:s26], $0x4000  }
0x218: {  	[sflag:s26] =	ssyncset.done $0x0  }
0x219: {  	[sflag:s26] =	ssyncadd.s32 $0xFFFFC000  }
0x21a: {  	[spmem:s2] =	stream.indirect.scatter.add.f32 [tilespmem:s21], [sflag:$0x3], $0x80, s16, s24, $0xb8;
	[tilespmem:$0x1C400] =	vst v63  }
0x21b: {  	_ =	swait.ge [sflag:s22], $0x4000  }
0x21c: {  	[sflag:s22] =	ssyncset.done $0x0  }
0x21d: {  	[sflag:s22] =	ssyncadd.s32 $0xFFFFC000  }
0x21e: {  	_ =	swait.ge [sflag:s29], $0x4000  }
0x21f: {  	[sflag:s29] =	ssyncset.done $0x0  }
.Ltmp6:
0x220: {  	[sflag:s29] =	ssyncadd.s32 $0xFFFFC000;
	(pc) =	sbr.rel .LBB2_8-.Ltmp6, $4  }
0x221: {  	[spmem:s2] =	stream.indirect.scatter.add.f32 [tilespmem:s25], [sflag:$0x3], $0x80, s6, s24, $0xb8;
	[tilespmem:$0x1C400] =	vst v63  }
0x222: {  	_ =	swait.ge [sflag:s22], $0x4000  }
0x223: {  	[sflag:s22] =	ssyncset.done $0x0;
	s18 =	rddreg [dreg:$0x10]  }
0x224: {  	s17 =	rddreg [dreg:$0x11];
	[sflag:s22] =	ssyncadd.s32 $0xFFFFC000  }
.LBB2_9:
0x225: {  	_ =	sfence.sel $0x180000  }
0x226: {  	[bflag:$0x0] =	sbarrier.arrive $0xFFFF  }
0x227: {  	_ =	strace $0x9000004D  }
0x228: {  	s0 =	stileid.u32;
	[bflag:$0x2] =	sbarrier.arrive $0xFFFF  }
0x229: {  	p0 =	sne.s32 s0, $0x0;
	s0 =	rddreg [dreg:$0x2]  }
0x22a: {  	s0 =	sadd.s32 @!p0 $0x100000, s0  }
0x22b: {  	[sflag:s0] =	ssyncadd.tile.s32 @!p0 $0x1;
	_ =	shalt  }
.Lfunc_end2:
_tile_overlayer_lowered:
.L_overlay_start_2:
0x22c: {  	(tag) =	ssettag $0x2  }
0x22d: {  	s0 =	rddreg [dreg:$0x0];
	s2 =	stileid.u32  }
0x22e: {  	s1 =	rddreg [dreg:$0x1];
	p0 =	sne.s32 s2, $0x0  }
0x22f: {  	s3 =	rddreg [dreg:$0x2];
	[bflag:$0x3] =	sbarrier.arrive $0xFFFF;
	s2 =	simm.s32 @!p0 $0x1C03  }
0x230: {  	[timem:s3], [sflag:s2] =	dma.local @!p0 [hbm:s0], s1  }
0x231: {  	s0 =	simm.s32 @!p0 $0x3  }
0x232: {  	_ =	swait.ge @!p0 [sflag:s0], s1  }
0x233: {  	s1 =	ssub.s32 @!p0 $0x0, s1;
	[sflag:s0] =	ssyncset.done @!p0 $0x0  }
0x234: {  	[sflag:s0] =	ssyncadd.s32 @!p0 s1  }
0x235: {  	[bflag:$0x3] =	sbarrier.arrive $0xFFFF  }
0x236: {  	_ =	shalt  }

// kernel: kernel.7.cloned.1.call-start
scs
__scs_entry_jumppad:
0x0: {  	(pc) =	sbr.rel $0x88, $3  }
0x1: {  	(tag) =	ssettag $0x0;
	lr =	simm.s32 $0x1  }
0x2: {  	[smem:$0x3F99] =	sst lr;
	_ =	strace $0xD0000000  }
0x3: {  	_ = 	snop  }
0x4: {  	_ = 	snop  }
0x5: {  	_ = 	snop  }
0x6: {  	_ = 	snop  }
0x7: {  	_ = 	snop  }
__scs_overlays_trampoline_lowered:
0x8: {  	[smem:$0x3FA8] =	sst s0  }
0x9: {  	[smem:$0x3FA9] =	sst s1  }
0xa: {  	[smem:$0x3FAA] =	sst s2  }
0xb: {  	[smem:$0x3FAB] =	sst s3  }
0xc: {  	[smem:$0x3FAC] =	sst s4  }
0xd: {  	[smem:$0x3FAD] =	sst s5  }
0xe: {  	[smem:$0x3FAE] =	sst s6  }
0xf: {  	[smem:$0x3FAF] =	sst s7  }
0x10: {  	[smem:$0x3FB0] =	sst s8  }
0x11: {  	[smem:$0x3FB1] =	sst s9;
	s0 =	simm.s32 @!p0 $0x0  }
0x12: {  	s1 =	sld [smem:$0x3F97];
	s0 =	simm.s32 @p0 $0x1  }
0x13: {  	[smem:$0x3FB2] =	sst s0;
	s0 =	simm.s32 @!p1 $0x0  }
0x14: {  	s2 =	sld [smem:$0x3F96];
	s0 =	simm.s32 @p1 $0x1  }
0x15: {  	[smem:$0x3FB3] =	sst s0;
	s0 =	simm.s32 @!p2 $0x0  }
0x16: {  	s3 =	sld [smem:$0x3FDB];
	s0 =	simm.s32 @p2 $0x1  }
0x17: {  	s4 =	simm.s32 $0x1BF5;
	[smem:$0x3FB5] =	sst s0  }
0x18: {  	s0 =	sld [smem:$0x3F98];
	_ =	swait.ge [sflag:s4], $0x0  }
0x19: {  	s7 =	sld [smem:$0x3F99]  }
0x1a: {  	s8 =	sadd.s32 $0xFFFFE003, lr  }
0x1b: {  	s9 =	sadd.s32 $0xFFFFFEF7, lr;
	s5 =	simm.s32 $0xFFFFFFFF;
	p2 =	slt.u32 s8, $0xFFFFF086  }
0x1c: {  	p1 =	slt.u32 s9, $0xF7A;
	s5 =	simm.s32 @!p2 $0x0  }
0x1d: {  	s5 =	simm.s32 @p1 $0x1;
	p0 =	seq.s32 s7, s2  }
0x1e: {  	s7 =	smul.u32 @!p0 $0xF7A, s2;
	p2 =	seq.s32 @!p0 s5, $0x0  }
0x1f: {  	s9 =	smul.u32 $0xF7A, s1;
	s8 =	simm.s32 @!p0 $0x1BF5;
	p2 =	por !p2, p0  }
0x20: {  	[sflag:s8] =	ssyncset.s32 @!p0 $0xFFFFF086;
	s6 =	sadd.s32 @!p0 s3, s7;
	s7 =	simm.s32 @!p0 $0x108  }
0x21: {  	s3 =	sadd.s32 s3, s9;
	s6 =	sadd.s32 @!p0 $0x88, s6;
	s7 =	simm.s32 @p2 $0x1082  }
0x22: {  	[simem:s7], [sflag:s8] =	dma.local @!p0 [hbm:s6], $0xF7A  }
0x23: {  	s9 =	sor.u32 $0xD0000000, s2;
	s6 =	simm.s32 $0x108;
	_ =	swait.ge @!p0 [sflag:s8], $0x0  }
0x24: {  	s3 =	sadd.s32 $0x88, s3;
	s6 =	simm.s32 @!p1 $0x1082;
	[sflag:s4] =	ssyncset.s32 $0xFFFFF086  }
0x25: {  	[simem:s6], [sflag:s4] =	dma.local [hbm:s3], $0xF7A  }
0x26: {  	[smem:$0x3F99] =	sst s1;
	(tag) =	ssettag s2;
	_ =	strace s9  }
0x27: {  	s1 =	sld [smem:$0x3FA9]  }
0x28: {  	s2 =	sld [smem:$0x3FAA]  }
0x29: {  	s4 =	sld [smem:$0x3FAC]  }
0x2a: {  	p0 =	seq.s32 s5, $0x0;
	s5 =	sld [smem:$0x3FAD]  }
0x2b: {  	s6 =	sld [smem:$0x3FAE]  }
0x2c: {  	s7 =	sld [smem:$0x3FAF]  }
0x2d: {  	s3 =	simm.s32 $0x108;
	s8 =	sld [smem:$0x3FB0]  }
0x2e: {  	s3 =	simm.s32 @!p0 $0x1082;
	s9 =	sld [smem:$0x3FB1]  }
0x2f: {  	lr =	sadd.s32 s0, s3;
	s0 =	sld [smem:$0x3FA8]  }
0x30: {  	s3 =	sld [smem:$0x3FAB]  }
0x31: {  	[smem:$0x3FB4] =	sst s10  }
0x32: {  	s10 =	sld [smem:$0x3FB2];
	_ =	sdelay $0x3  }
0x33: {  	p0 =	seq.s32 s10, $0x1;
	s10 =	sld [smem:$0x3FB4];
	_ =	sdelay $0x3  }
0x34: {  	[smem:$0x3FB4] =	sst s10  }
0x35: {  	s10 =	sld [smem:$0x3FB3];
	_ =	sdelay $0x3  }
0x36: {  	p1 =	seq.s32 s10, $0x1;
	s10 =	sld [smem:$0x3FB4];
	_ =	sdelay $0x3  }
0x37: {  	[smem:$0x3FB4] =	sst s10  }
0x38: {  	s10 =	sld [smem:$0x3FB5]  }
0x39: {  	_ = 	snop;
	(pc) =	sbr.ind lr, $3  }
0x3a: {  	_ = 	snop  }
0x3b: {  	_ = 	snop  }
0x3c: {  	p2 =	seq.s32 s10, $0x1;
	s10 =	sld [smem:$0x3FB4]  }
0x3d: {  	_ =	shalt  }
0x3e: {  	_ =	shalt  }
0x3f: {  	_ =	shalt  }
0x40: {  	_ =	shalt  }
0x41: {  	_ =	shalt  }
0x42: {  	_ =	shalt  }
0x43: {  	_ =	shalt  }
0x44: {  	_ =	shalt  }
0x45: {  	_ =	shalt  }
0x46: {  	_ =	shalt  }
0x47: {  	_ =	shalt  }
0x48: {  	_ =	shalt  }
0x49: {  	_ =	shalt  }
0x4a: {  	_ =	shalt  }
0x4b: {  	_ =	shalt  }
0x4c: {  	_ =	shalt  }
0x4d: {  	_ =	shalt  }
0x4e: {  	_ =	shalt  }
0x4f: {  	_ =	shalt  }
0x50: {  	_ =	shalt  }
0x51: {  	_ =	shalt  }
0x52: {  	_ =	shalt  }
0x53: {  	_ =	shalt  }
0x54: {  	_ =	shalt  }
0x55: {  	_ =	shalt  }
0x56: {  	_ =	shalt  }
0x57: {  	_ =	shalt  }
0x58: {  	_ =	shalt  }
0x59: {  	_ =	shalt  }
0x5a: {  	_ =	shalt  }
0x5b: {  	_ =	shalt  }
0x5c: {  	_ =	shalt  }
0x5d: {  	_ =	shalt  }
0x5e: {  	_ =	shalt  }
0x5f: {  	_ =	shalt  }
0x60: {  	_ =	shalt  }
0x61: {  	_ =	shalt  }
0x62: {  	_ =	shalt  }
0x63: {  	_ =	shalt  }
0x64: {  	_ =	shalt  }
0x65: {  	_ =	shalt  }
0x66: {  	_ =	shalt  }
0x67: {  	_ =	shalt  }
0x68: {  	_ =	shalt  }
0x69: {  	_ =	shalt  }
0x6a: {  	_ =	shalt  }
0x6b: {  	_ =	shalt  }
0x6c: {  	_ =	shalt  }
0x6d: {  	_ =	shalt  }
0x6e: {  	_ =	shalt  }
0x6f: {  	_ =	shalt  }
0x70: {  	_ =	shalt  }
0x71: {  	_ =	shalt  }
0x72: {  	_ =	shalt  }
0x73: {  	_ =	shalt  }
0x74: {  	_ =	shalt  }
0x75: {  	_ =	shalt  }
0x76: {  	_ =	shalt  }
0x77: {  	_ =	shalt  }
0x78: {  	_ =	shalt  }
0x79: {  	_ =	shalt  }
0x7a: {  	_ =	shalt  }
0x7b: {  	_ =	shalt  }
0x7c: {  	_ =	shalt  }
0x7d: {  	_ =	shalt  }
0x7e: {  	_ =	shalt  }
0x7f: {  	_ =	shalt  }
0x80: {  	_ =	shalt  }
0x81: {  	_ =	shalt  }
0x82: {  	_ =	shalt  }
0x83: {  	_ =	shalt  }
0x84: {  	_ =	shalt  }
0x85: {  	_ =	shalt  }
0x86: {  	_ =	shalt  }
0x87: {  	_ =	shalt  }
.Lfunc_end0:
.L_simem_size_0:
called_computation_lowered:
.L_overlay_start_0:
0x88: {  	s2 =	sld [smem:$0x3FD9]  }
0x89: {  	s3 =	sld [smem:$0x3FFE];
	_ =	sdelay $0x1  }
0x8a: {  	s1 =	srdreg.scid  }
0x8b: {  	s0 =	sand.u32 $0x1, s1  }
0x8c: {  	s17 =	sshll.u32 s0, $0xA;
	s2 =	sadd.s32 s3, s2  }
0x8d: {  	s2 =	sadd.s32 s2, s17  }
0x8e: {  	[smem:$0x3FC0] =	sst s2  }
0x8f: {  	_ = 	snop  }
0x90: {  	s2 =	sld [smem:$0x3FD0];
	(tm) =	ssettm $0x1  }
0x91: {  	s18 =	sld [smem:$0x3FFB];
	_ =	sdelay $0x3  }
0x92: {  	_ =	strace s18  }
0x93: {  	s3 =	sld [smem:$0x3FFC];
	_ =	sdelay $0x3  }
0x94: {  	_ =	strace s3  }
0x95: {  	s3 =	sld [smem:$0x3FFD];
	_ =	sdelay $0x3  }
0x96: {  	_ =	strace s3  }
0x97: {  	_ =	strace $0x8FFFFFFF  }
0x98: {  	s19 =	sld [smem:$0x3FDB];
	_ =	sdelay $0x1  }
0x99: {  	s4 =	simm.s32 $_scs_section_size  }
0x9a: {  	s5 =	simm.s32 $_size__tile_overlayer_lowered;
	s6 =	simm.s32 $_tile_overlayer_lowered  }
0x9b: {  	s22 =	simm.s32 $0x1BFF;
	s21 =	sshll.u32 s6, $0x1;
	s3 =	sadd.s32 s4, s19  }
0x9c: {  	s7 =	simm.s32 $0x0;
	s20 =	sshll.u32 s5, $0x1;
	s5 =	sadd.s32 s21, s3  }
0x9d: {  	[timem:s7], [sflag:s22] =	dma.local [hbm:s5], s20  }
0x9e: {  	_ =	swait.ge [sflag:s22], s20  }
0x9f: {  	s4 =	ssub.s32 $0x0, s20;
	[sflag:s22] =	ssyncset.done $0x0  }
0xa0: {  	[sflag:s22] =	ssyncadd.s32 s4;
	_ =	sdelay $0x1  }
0xa1: {  	s23 =	simm.s32 $0x1B8B  }
0xa2: {  	_ =	swait.ge [sflag:s23], $0x1  }
0xa3: {  	[sflag:s23] =	ssyncset.done $0x0  }
0xa4: {  	s25 =	simm.s32 $0x1B8E;
	s24 =	sld [smem:$0x3FFE];
	[sflag:s23] =	ssyncadd.s32 $0xFFFFFFFF  }
0xa5: {  	s26 =	simm.s32 $execute0_lowered;
	[smem:$0x3FD2] =	sst s25  }
0xa6: {  	s5 =	sshll.u32 s26, $0x1;
	_ =	strace $0x80000046;
	[dreg:$0x1] =	wrdreg $0xFFFFFFFF  }
0xa7: {  	s28 =	simm.s32 $_size_execute0_lowered;
	s3 =	sadd.s32 s3, s5;
	[dreg:$0x0] =	wrdreg $0x0  }
0xa8: {  	s5 =	sshll.u32 s28, $0x1;
	[dreg:$0x2] =	wrdreg s3  }
0xa9: {  	[dreg:$0x3] =	wrdreg s5  }
0xaa: {  	[dreg:$0x4] =	wrdreg $0xC0  }
0xab: {  	_ =	task [dreg:s7], $0x5FFFF  }
0xac: {  	[dreg:$0x1] =	wrdreg $0xFFFFFFFF  }
0xad: {  	[dreg:$0x0] =	wrdreg $0x60  }
0xae: {  	[dreg:$0x2] =	wrdreg s24  }
0xaf: {  	[dreg:$0x3] =	wrdreg s2  }
0xb0: {  	[dreg:$0x4] =	wrdreg $0x44000  }
0xb1: {  	[dreg:$0x5] =	wrdreg $0x9  }
0xb2: {  	_ =	task.clear_ibuf [dreg:s7], $0x6FFFF;
	_ =	strace $0x90000046  }
0xb3: {  	s29 =	simm.s32 $0x9;
	_ =	strace $0x80000048  }
0xb4: {  	_ =	swait.ge [sflag:s29], $0x1  }
0xb5: {  	[sflag:s29] =	ssyncadd.s32 $0xFFFFFFFF  }
0xb6: {  	_ =	strace $0x90000048  }
0xb7: {  	_ =	sfence  }
0xb8: {  	s30 =	sld [smem:$0x0];
	_ =	sdelay $0x2  }
0xb9: {  	s31 =	sshll.u32 s1, $0xD;
	s1 =	sshrl.u32 s1, $0x2  }
0xba: {  	s3 =	sand.u32 $0x4000, s31;
	s1 =	sadd.s32 s1, s30  }
0xbb: {  	s0 =	sor.u32 s3, s0;
	s1 =	sshll.u32 s1, $0x11  }
0xbc: {  	s0 =	sor.u32 s1, s0  }
0xbd: {  	s0 =	sadd.s32 $0x8F2B, s0  }
0xbe: {  	[sflag:s0] =	ssyncadd.remote.s32 $0x1  }
0xbf: {  	_ =	sfence.sel $0xFFFF  }
0xc0: {  	[dreg:$0x0] =	wrdreg $0xFFFFFFFF;
	(pc) =	sbr.abs _section_cstart, $3  }
0xc1: {  	[dreg:$0x1] =	wrdreg $0xFFFFFFFF  }
0xc2: {  	_ =	task.clear_ibuf [dreg:s7], $0x2FFFF;
	_ =	strace $0x9FFFFFFF  }
0xc3: {  	(tm) =	ssettm $0x7FFFFFFF  }
tec
execute0_lowered:
.L_overlay_start_1:
0x0: {  	(tag) =	ssettag $0x1  }
0x1: {  	s6 =	rddreg [dreg:$0x0]  }
0x2: {  	s1 =	srdreg.scid;
	s2 =	rddreg [dreg:$0x1]  }
0x3: {  	s0 =	stileid.u32;
	s3 =	rddreg [dreg:$0x2]  }
0x4: {  	s4 =	simm.s32 $0x0;
	s20 =	simm.s32 $0x80;
	s21 =	simm.s32 $0x100  }
0x5: {  	s22 =	simm.s32 $0x180;
	s23 =	simm.s32 $0x200;
	s5 =	smul.u32 $0x5000, s0  }
0x6: {  	s24 =	simm.s32 $0x280;
	s25 =	simm.s32 $0x300;
	s26 =	smul.u32 $0x4F000, s0  }
0x7: {  	s28 =	simm.s32 $0x0;
	s7 =	sand.u32 $0x1, s1;
	s11 =	smul.u32 $0x13C00, s0  }
0x8: {  	[smem:$0x7FF] =	sst s4;
	s15 =	sadd.s32 $0x34000, s6;
	s8 =	smul.u32 $0x2800, s7  }
0x9: {  	_ =	strace $0x80000047;
	s9 =	ssub.s32 $0x2, s7;
	s14 =	smul.u32 $0x13C000, s7  }
0xa: {  	s10 =	sshrl.u32 s9, $0x1;
	s29 =	sadd.s32 $0x4000, s11;
	s13 =	sadd.s32 $0x8000, s11  }
0xb: {  	s18 =	sadd.s32 $0xC000, s11;
	s19 =	sadd.s32 $0x10000, s11;
	s5 =	sadd.s32 s8, s5  }
0xc: {  	s8 =	sshrl.u32 s26, $0x2;
	s16 =	ssub.s32 s9, s10;
	s7 =	sadd.s32 s29, s3  }
0xd: {  	s9 =	sadd.s32 s18, s3;
	s12 =	sadd.s32 s11, s14;
	s10 =	sadd.s32 s14, s29  }
0xe: {  	s18 =	sadd.s32 s14, s18;
	s26 =	simm.s32 $0x380;
	s5 =	sshrl.u32 s5, $0x3  }
0xf: {  	s30 =	sshrl.u32 s12, $0x3;
	s31 =	sshrl.u32 s10, $0x3;
	s10 =	sadd.s32 s19, s3  }
0x10: {  	s18 =	sshrl.u32 s18, $0x3;
	s16 =	smax.u32 s16, $0x1;
	s17 =	sadd.s32 s5, s6  }
0x11: {  	s5 =	sadd.s32 $0xC800, s6;
	s6 =	sadd.s32 s8, s3;
	s8 =	sadd.s32 s13, s3  }
0x12: {  	s11 =	sadd.s32 s15, s30;
	s13 =	sadd.s32 s14, s13;
	s14 =	sadd.s32 s14, s19  }
0x13: {  	s12 =	sadd.s32 s15, s31;
	s13 =	sshrl.u32 s13, $0x3;
	s19 =	sshrl.u32 s14, $0x3  }
0x14: {  	s14 =	sadd.s32 s15, s18;
	s17 =	sadd.s32 $0x2800, s17;
	s18 =	simm.s32 $0x400  }
0x15: {  	s13 =	sadd.s32 s15, s13;
	s15 =	sadd.s32 s15, s19;
	s19 =	simm.s32 $0x1  }
.LBB2_1:
0x16: {  	[tilespmem:s18], [sflag:$0x1] =	stream.linear.gather [hbm4b:s5+s4], $0x4000, $0x38;
	[tilespmem:$0x18000] =	vst v63  }
0x17: {  	_ =	swait.ge [sflag:s19], $0x4000  }
0x18: {  	[sflag:s19] =	ssyncset.done $0x0  }
0x19: {  	[sflag:s19] =	ssyncadd.s32 $0xFFFFC000  }
0x1a: {  	[spmem:s6] =	stream.linear.scatter [tilespmem:s18], [sflag:$0x1], $0x4000, $0x38;
	[tilespmem:$0x18000] =	vst v63  }
0x1b: {  	_ =	swait.ge [sflag:s19], $0x4000  }
0x1c: {  	[sflag:s19] =	ssyncset.done $0x0  }
0x1d: {  	[sflag:s19] =	ssyncadd.s32 $0xFFFFC000  }
0x1e: {  	[spmem:s7] =	stream.linear.scatter [tilespmem:s18], [sflag:$0x1], $0x4000, $0x38;
	[tilespmem:$0x18000] =	vst v63  }
0x1f: {  	_ =	swait.ge [sflag:s19], $0x4000  }
0x20: {  	[sflag:s19] =	ssyncset.done $0x0  }
0x21: {  	[sflag:s19] =	ssyncadd.s32 $0xFFFFC000  }
0x22: {  	[spmem:s8] =	stream.linear.scatter [tilespmem:s18], [sflag:$0x1], $0x4000, $0x38;
	[tilespmem:$0x18000] =	vst v63  }
0x23: {  	_ =	swait.ge [sflag:s19], $0x4000  }
0x24: {  	[sflag:s19] =	ssyncset.done $0x0  }
0x25: {  	[sflag:s19] =	ssyncadd.s32 $0xFFFFC000  }
0x26: {  	[spmem:s9] =	stream.linear.scatter [tilespmem:s18], [sflag:$0x1], $0x4000, $0x38;
	[tilespmem:$0x18000] =	vst v63  }
0x27: {  	_ =	swait.ge [sflag:s19], $0x4000  }
0x28: {  	[sflag:s19] =	ssyncset.done $0x0  }
0x29: {  	[sflag:s19] =	ssyncadd.s32 $0xFFFFC000  }
0x2a: {  	[spmem:s10] =	stream.linear.scatter [tilespmem:s18], [sflag:$0x1], $0x3C00, $0x38;
	[tilespmem:$0x18000] =	vst v63  }
0x2b: {  	_ =	swait.ge [sflag:s19], $0x3C00  }
0x2c: {  	[sflag:s19] =	ssyncset.done $0x0  }
0x2d: {  	[sflag:s19] =	ssyncadd.s32 $0xFFFFC400  }
0x2e: {  	[tilespmem:s18], [sflag:$0x1] =	stream.linear.gather [hbm4b:s2+s4], $0x4000, $0x38;
	[tilespmem:$0x18000] =	vst v63  }
0x2f: {  	_ =	swait.ge [sflag:s19], $0x4000  }
0x30: {  	[sflag:s19] =	ssyncset.done $0x0  }
0x31: {  	[sflag:s19] =	ssyncadd.s32 $0xFFFFC000  }
0x32: {  	s29 =	sadd.s32 $0x0, s17;
	[bflag:$0x0] =	sbarrier.arrive $0xFFFF  }
0x33: {  	[tilespmem:s4], [sflag:$0x1] =	stream.linear.gather [hbm4b:s29+s4], $0x400, $0x38;
	[tilespmem:$0x18000] =	vst v63  }
0x34: {  	_ =	swait.ge [sflag:s19], $0x400  }
0x35: {  	[sflag:s19] =	ssyncset.done $0x0  }
0x36: {  	[sflag:s19] =	ssyncadd.s32 $0xFFFFFC00  }
0x37: {  	[spmem:s3] =	stream.indirect.scatter.add.f32 [tilespmem:s18], [sflag:$0x1], $0x80, s4, s20, $0xb8;
	[tilespmem:$0x18000] =	vst v63  }
0x38: {  	_ =	swait.ge [sflag:s19], $0x4000  }
0x39: {  	[sflag:s19] =	ssyncset.done $0x0  }
0x3a: {  	[sflag:s19] =	ssyncadd.s32 $0xFFFFC000  }
0x3b: {  	[spmem:s3] =	stream.indirect.scatter.add.f32 [tilespmem:s18], [sflag:$0x1], $0x80, s20, s20, $0xb8;
	[tilespmem:$0x18000] =	vst v63  }
0x3c: {  	_ =	swait.ge [sflag:s19], $0x4000  }
0x3d: {  	[sflag:s19] =	ssyncset.done $0x0  }
0x3e: {  	[sflag:s19] =	ssyncadd.s32 $0xFFFFC000  }
0x3f: {  	[spmem:s3] =	stream.indirect.scatter.add.f32 [tilespmem:s18], [sflag:$0x1], $0x80, s21, s20, $0xb8;
	[tilespmem:$0x18000] =	vst v63  }
0x40: {  	_ =	swait.ge [sflag:s19], $0x4000  }
0x41: {  	[sflag:s19] =	ssyncset.done $0x0  }
0x42: {  	[sflag:s19] =	ssyncadd.s32 $0xFFFFC000  }
0x43: {  	[spmem:s3] =	stream.indirect.scatter.add.f32 [tilespmem:s18], [sflag:$0x1], $0x80, s22, s20, $0xb8;
	[tilespmem:$0x18000] =	vst v63  }
0x44: {  	_ =	swait.ge [sflag:s19], $0x4000  }
0x45: {  	[sflag:s19] =	ssyncset.done $0x0  }
0x46: {  	[sflag:s19] =	ssyncadd.s32 $0xFFFFC000  }
0x47: {  	[spmem:s3] =	stream.indirect.scatter.add.f32 [tilespmem:s18], [sflag:$0x1], $0x80, s23, s20, $0xb8;
	[tilespmem:$0x18000] =	vst v63  }
0x48: {  	_ =	swait.ge [sflag:s19], $0x4000  }
0x49: {  	[sflag:s19] =	ssyncset.done $0x0  }
0x4a: {  	[sflag:s19] =	ssyncadd.s32 $0xFFFFC000  }
0x4b: {  	[spmem:s3] =	stream.indirect.scatter.add.f32 [tilespmem:s18], [sflag:$0x1], $0x80, s24, s20, $0xb8;
	[tilespmem:$0x18000] =	vst v63  }
0x4c: {  	_ =	swait.ge [sflag:s19], $0x4000  }
0x4d: {  	[sflag:s19] =	ssyncset.done $0x0  }
0x4e: {  	[sflag:s19] =	ssyncadd.s32 $0xFFFFC000  }
0x4f: {  	[spmem:s3] =	stream.indirect.scatter.add.f32 [tilespmem:s18], [sflag:$0x1], $0x80, s25, s20, $0xb8;
	[tilespmem:$0x18000] =	vst v63  }
0x50: {  	_ =	swait.ge [sflag:s19], $0x4000  }
0x51: {  	[sflag:s19] =	ssyncset.done $0x0  }
0x52: {  	[sflag:s19] =	ssyncadd.s32 $0xFFFFC000  }
0x53: {  	[spmem:s3] =	stream.indirect.scatter.add.f32 [tilespmem:s18], [sflag:$0x1], $0x80, s26, s20, $0xb8;
	[tilespmem:$0x18000] =	vst v63  }
0x54: {  	_ =	swait.ge [sflag:s19], $0x4000  }
0x55: {  	s31 =	simm.s32 $0x100;
	s29 =	simm.s32 $0x80;
	[sflag:s19] =	ssyncset.done $0x0  }
.LBB2_2:
0x56: {  	s1 =	sadd.s32 s29, s17  }
0x57: {  	[sflag:s19] =	ssyncadd.s32 $0xFFFFC000;
	s29 =	smov.u32 s31;
	s30 =	sadd.s32 $0x80, s31  }
0x58: {  	[tilespmem:s4], [sflag:$0x1] =	stream.linear.gather [hbm4b:s1+s4], $0x400, $0x38;
	[tilespmem:$0x18000] =	vst v63  }
0x59: {  	p0 =	sne.s32 s31, $0x480;
	_ =	swait.ge [sflag:s19], $0x400  }
0x5a: {  	[sflag:s19] =	ssyncset.done $0x0  }
0x5b: {  	[sflag:s19] =	ssyncadd.s32 $0xFFFFFC00  }
0x5c: {  	[spmem:s3] =	stream.indirect.scatter.add.f32 [tilespmem:s18], [sflag:$0x1], $0x80, s4, s20, $0xb8;
	[tilespmem:$0x18000] =	vst v63  }
0x5d: {  	_ =	swait.ge [sflag:s19], $0x4000  }
0x5e: {  	[sflag:s19] =	ssyncset.done $0x0  }
0x5f: {  	[sflag:s19] =	ssyncadd.s32 $0xFFFFC000  }
0x60: {  	[spmem:s3] =	stream.indirect.scatter.add.f32 [tilespmem:s18], [sflag:$0x1], $0x80, s20, s20, $0xb8;
	[tilespmem:$0x18000] =	vst v63  }
0x61: {  	_ =	swait.ge [sflag:s19], $0x4000  }
0x62: {  	[sflag:s19] =	ssyncset.done $0x0  }
0x63: {  	[sflag:s19] =	ssyncadd.s32 $0xFFFFC000  }
0x64: {  	[spmem:s3] =	stream.indirect.scatter.add.f32 [tilespmem:s18], [sflag:$0x1], $0x80, s21, s20, $0xb8;
	[tilespmem:$0x18000] =	vst v63  }
0x65: {  	_ =	swait.ge [sflag:s19], $0x4000  }
0x66: {  	[sflag:s19] =	ssyncset.done $0x0  }
0x67: {  	[sflag:s19] =	ssyncadd.s32 $0xFFFFC000  }
0x68: {  	[spmem:s3] =	stream.indirect.scatter.add.f32 [tilespmem:s18], [sflag:$0x1], $0x80, s22, s20, $0xb8;
	[tilespmem:$0x18000] =	vst v63  }
0x69: {  	_ =	swait.ge [sflag:s19], $0x4000  }
0x6a: {  	[sflag:s19] =	ssyncset.done $0x0  }
0x6b: {  	[sflag:s19] =	ssyncadd.s32 $0xFFFFC000  }
0x6c: {  	[spmem:s3] =	stream.indirect.scatter.add.f32 [tilespmem:s18], [sflag:$0x1], $0x80, s23, s20, $0xb8;
	[tilespmem:$0x18000] =	vst v63  }
0x6d: {  	_ =	swait.ge [sflag:s19], $0x4000  }
0x6e: {  	[sflag:s19] =	ssyncset.done $0x0  }
0x6f: {  	[sflag:s19] =	ssyncadd.s32 $0xFFFFC000  }
0x70: {  	[spmem:s3] =	stream.indirect.scatter.add.f32 [tilespmem:s18], [sflag:$0x1], $0x80, s24, s20, $0xb8;
	[tilespmem:$0x18000] =	vst v63  }
0x71: {  	_ =	swait.ge [sflag:s19], $0x4000  }
0x72: {  	[sflag:s19] =	ssyncset.done $0x0  }
0x73: {  	[sflag:s19] =	ssyncadd.s32 $0xFFFFC000  }
0x74: {  	[spmem:s3] =	stream.indirect.scatter.add.f32 [tilespmem:s18], [sflag:$0x1], $0x80, s25, s20, $0xb8;
	[tilespmem:$0x18000] =	vst v63  }
0x75: {  	_ =	swait.ge [sflag:s19], $0x4000  }
.Ltmp0:
0x76: {  	[sflag:s19] =	ssyncset.done $0x0;
	(pc) =	sbr.rel @p0 .LBB2_2-.Ltmp0, $4  }
0x77: {  	[sflag:s19] =	ssyncadd.s32 $0xFFFFC000  }
0x78: {  	[spmem:s3] =	stream.indirect.scatter.add.f32 [tilespmem:s18], [sflag:$0x1], $0x80, s26, s20, $0xb8;
	[tilespmem:$0x18000] =	vst v63  }
0x79: {  	_ =	swait.ge [sflag:s19], $0x4000  }
0x7a: {  	s31 =	smov.u32 s30;
	[sflag:s19] =	ssyncset.done $0x0  }
0x7b: {  	s1 =	sadd.s32 s29, s17;
	[sflag:s19] =	ssyncadd.s32 $0xFFFFC000  }
0x7c: {  	[tilespmem:s4], [sflag:$0x1] =	stream.linear.gather [hbm4b:s1+s4], $0x400, $0x38;
	[tilespmem:$0x18000] =	vst v63  }
0x7d: {  	_ =	swait.ge [sflag:s19], $0x400  }
0x7e: {  	[sflag:s19] =	ssyncset.done $0x0  }
0x7f: {  	[sflag:s19] =	ssyncadd.s32 $0xFFFFFC00  }
0x80: {  	[spmem:s3] =	stream.indirect.scatter.add.f32 [tilespmem:s18], [sflag:$0x1], $0x80, s4, s20, $0xb8;
	[tilespmem:$0x18000] =	vst v63  }
0x81: {  	_ =	swait.ge [sflag:s19], $0x4000  }
0x82: {  	[sflag:s19] =	ssyncset.done $0x0  }
0x83: {  	[sflag:s19] =	ssyncadd.s32 $0xFFFFC000  }
0x84: {  	[spmem:s3] =	stream.indirect.scatter.add.f32 [tilespmem:s18], [sflag:$0x1], $0x80, s20, s20, $0xb8;
	[tilespmem:$0x18000] =	vst v63  }
0x85: {  	_ =	swait.ge [sflag:s19], $0x4000  }
0x86: {  	[sflag:s19] =	ssyncset.done $0x0  }
0x87: {  	[sflag:s19] =	ssyncadd.s32 $0xFFFFC000  }
0x88: {  	[spmem:s3] =	stream.indirect.scatter.add.f32 [tilespmem:s18], [sflag:$0x1], $0x80, s21, s20, $0xb8;
	[tilespmem:$0x18000] =	vst v63  }
0x89: {  	_ =	swait.ge [sflag:s19], $0x4000  }
0x8a: {  	[sflag:s19] =	ssyncset.done $0x0  }
0x8b: {  	[sflag:s19] =	ssyncadd.s32 $0xFFFFC000  }
0x8c: {  	[spmem:s3] =	stream.indirect.scatter.add.f32 [tilespmem:s18], [sflag:$0x1], $0x80, s22, s20, $0xb8;
	[tilespmem:$0x18000] =	vst v63  }
0x8d: {  	_ =	swait.ge [sflag:s19], $0x4000  }
0x8e: {  	[sflag:s19] =	ssyncset.done $0x0  }
0x8f: {  	[sflag:s19] =	ssyncadd.s32 $0xFFFFC000  }
0x90: {  	[spmem:s3] =	stream.indirect.scatter.add.f32 [tilespmem:s18], [sflag:$0x1], $0x80, s23, s20, $0xb8;
	[tilespmem:$0x18000] =	vst v63  }
0x91: {  	_ =	swait.ge [sflag:s19], $0x4000  }
0x92: {  	[sflag:s19] =	ssyncset.done $0x0  }
0x93: {  	[sflag:s19] =	ssyncadd.s32 $0xFFFFC000  }
0x94: {  	[spmem:s3] =	stream.indirect.scatter.add.f32 [tilespmem:s18], [sflag:$0x1], $0x80, s24, s20, $0xb8;
	[tilespmem:$0x18000] =	vst v63  }
0x95: {  	_ =	swait.ge [sflag:s19], $0x4000  }
0x96: {  	[sflag:s19] =	ssyncset.done $0x0  }
0x97: {  	[sflag:s19] =	ssyncadd.s32 $0xFFFFC000  }
0x98: {  	[spmem:s3] =	stream.indirect.scatter.add.f32 [tilespmem:s18], [sflag:$0x1], $0x80, s25, s20, $0xb8;
	[tilespmem:$0x18000] =	vst v63  }
0x99: {  	_ =	swait.ge [sflag:s19], $0x4000  }
0x9a: {  	[sflag:s19] =	ssyncset.done $0x0  }
0x9b: {  	[sflag:s19] =	ssyncadd.s32 $0xFFFFC000  }
0x9c: {  	[spmem:s3] =	stream.indirect.scatter.add.f32 [tilespmem:s18], [sflag:$0x1], $0x80, s26, s20, $0xb8;
	[tilespmem:$0x18000] =	vst v63  }
0x9d: {  	_ =	swait.ge [sflag:s19], $0x4000  }
0x9e: {  	[sflag:s19] =	ssyncset.done $0x0  }
0x9f: {  	[sflag:s19] =	ssyncadd.s32 $0xFFFFC000  }
0xa0: {  	[bflag:$0x0] =	sbarrier.arrive $0xFFFF  }
0xa1: {  	[tilespmem:s18], [sflag:$0x1] =	stream.linear.gather [spmem:s6], $0x4000, $0x38;
	[tilespmem:$0x18000] =	vst v63  }
0xa2: {  	_ =	swait.ge [sflag:s19], $0x4000  }
0xa3: {  	[sflag:s19] =	ssyncset.done $0x0  }
0xa4: {  	[sflag:s19] =	ssyncadd.s32 $0xFFFFC000  }
0xa5: {  	[hbm4b:s11+s4] =	stream.linear.scatter [tilespmem:s18], [sflag:$0x1], $0x4000, $0x38;
	[tilespmem:$0x18000] =	vst v63  }
0xa6: {  	_ =	swait.ge [sflag:s19], $0x4000  }
0xa7: {  	[sflag:s19] =	ssyncset.done $0x0  }
0xa8: {  	[sflag:s19] =	ssyncadd.s32 $0xFFFFC000  }
0xa9: {  	[tilespmem:s18], [sflag:$0x1] =	stream.linear.gather [spmem:s7], $0x4000, $0x38;
	[tilespmem:$0x18000] =	vst v63  }
0xaa: {  	_ =	swait.ge [sflag:s19], $0x4000  }
0xab: {  	[sflag:s19] =	ssyncset.done $0x0  }
0xac: {  	[sflag:s19] =	ssyncadd.s32 $0xFFFFC000  }
0xad: {  	[hbm4b:s12+s4] =	stream.linear.scatter [tilespmem:s18], [sflag:$0x1], $0x4000, $0x38;
	[tilespmem:$0x18000] =	vst v63  }
0xae: {  	_ =	swait.ge [sflag:s19], $0x4000  }
0xaf: {  	[sflag:s19] =	ssyncset.done $0x0  }
0xb0: {  	[sflag:s19] =	ssyncadd.s32 $0xFFFFC000  }
0xb1: {  	[tilespmem:s18], [sflag:$0x1] =	stream.linear.gather [spmem:s8], $0x4000, $0x38;
	[tilespmem:$0x18000] =	vst v63  }
0xb2: {  	_ =	swait.ge [sflag:s19], $0x4000  }
0xb3: {  	[sflag:s19] =	ssyncset.done $0x0  }
0xb4: {  	[sflag:s19] =	ssyncadd.s32 $0xFFFFC000  }
0xb5: {  	[hbm4b:s13+s4] =	stream.linear.scatter [tilespmem:s18], [sflag:$0x1], $0x4000, $0x38;
	[tilespmem:$0x18000] =	vst v63  }
0xb6: {  	_ =	swait.ge [sflag:s19], $0x4000  }
0xb7: {  	[sflag:s19] =	ssyncset.done $0x0  }
0xb8: {  	[sflag:s19] =	ssyncadd.s32 $0xFFFFC000  }
0xb9: {  	[tilespmem:s18], [sflag:$0x1] =	stream.linear.gather [spmem:s9], $0x4000, $0x38;
	[tilespmem:$0x18000] =	vst v63  }
0xba: {  	_ =	swait.ge [sflag:s19], $0x4000  }
0xbb: {  	[sflag:s19] =	ssyncset.done $0x0  }
0xbc: {  	[sflag:s19] =	ssyncadd.s32 $0xFFFFC000  }
0xbd: {  	[hbm4b:s14+s4] =	stream.linear.scatter [tilespmem:s18], [sflag:$0x1], $0x4000, $0x38;
	[tilespmem:$0x18000] =	vst v63  }
0xbe: {  	_ =	swait.ge [sflag:s19], $0x4000  }
0xbf: {  	[sflag:s19] =	ssyncset.done $0x0  }
0xc0: {  	[sflag:s19] =	ssyncadd.s32 $0xFFFFC000  }
0xc1: {  	[tilespmem:s18], [sflag:$0x1] =	stream.linear.gather [spmem:s10], $0x3C00, $0x38;
	[tilespmem:$0x18000] =	vst v63  }
0xc2: {  	s28 =	sadd.s32 $0x1, s28;
	_ =	swait.ge [sflag:s19], $0x3C00  }
0xc3: {  	p0 =	sne.s32 s28, s16;
	[sflag:s19] =	ssyncset.done $0x0  }
.Ltmp1:
0xc4: {  	[sflag:s19] =	ssyncadd.s32 $0xFFFFC400;
	(pc) =	sbr.rel @p0 .LBB2_1-.Ltmp1, $4  }
0xc5: {  	[hbm4b:s15+s4] =	stream.linear.scatter [tilespmem:s18], [sflag:$0x1], $0x3C00, $0x38;
	[tilespmem:$0x18000] =	vst v63  }
0xc6: {  	_ =	swait.ge [sflag:s19], $0x3C00  }
0xc7: {  	[sflag:s19] =	ssyncset.done $0x0  }
0xc8: {  	[sflag:s19] =	ssyncadd.s32 $0xFFFFC400  }
0xc9: {  	_ =	sfence.sel $0x180000  }
0xca: {  	[bflag:$0x0] =	sbarrier.arrive $0xFFFF  }
0xcb: {  	_ =	strace $0x90000047  }
0xcc: {  	[bflag:$0x2] =	sbarrier.arrive $0xFFFF  }
0xcd: {  	p0 =	sne.s32 s0, $0x0;
	s0 =	rddreg [dreg:$0x3]  }
0xce: {  	s0 =	sadd.s32 @!p0 $0x100000, s0  }
0xcf: {  	[sflag:s0] =	ssyncadd.tile.s32 @!p0 $0x1;
	_ =	shalt  }
.Lfunc_end2:
_tile_overlayer_lowered:
.L_overlay_start_2:
0xd0: {  	(tag) =	ssettag $0x2  }
0xd1: {  	s0 =	rddreg [dreg:$0x0];
	s2 =	stileid.u32  }
0xd2: {  	s1 =	rddreg [dreg:$0x1];
	p0 =	sne.s32 s2, $0x0  }
0xd3: {  	s3 =	rddreg [dreg:$0x2];
	[bflag:$0x3] =	sbarrier.arrive $0xFFFF;
	s2 =	simm.s32 @!p0 $0x1C01  }
0xd4: {  	[timem:s3], [sflag:s2] =	dma.local @!p0 [hbm:s0], s1  }
0xd5: {  	s0 =	simm.s32 @!p0 $0x1  }
0xd6: {  	_ =	swait.ge @!p0 [sflag:s0], s1  }
0xd7: {  	s1 =	ssub.s32 @!p0 $0x0, s1;
	[sflag:s0] =	ssyncset.done @!p0 $0x0  }
0xd8: {  	[sflag:s0] =	ssyncadd.s32 @!p0 s1  }
0xd9: {  	[bflag:$0x3] =	sbarrier.arrive $0xFFFF  }
0xda: {  	_ =	shalt  }

</sc_bundles>
